<compile_context>
chip_gen: v7x
topology: tpu7x:2x2x1
jax: 0.10.2.dev20260603
libtpu: 0.0.44.dev20260713+nightly
codegen_flags: <defaults>
</compile_context>

<pallas_src>
import jax
import jax.numpy as jnp
from jax import lax
from jax.experimental import pallas as pl
from jax.experimental.pallas import tpu as pltpu
from jax.experimental.pallas import tpu_sc as plsc
import functools

NC = 2
NS = 16
NW = NC * NS
L = 16
D = 128

N_IDX = 16384 * 200
ROWS_PER_W = N_IDX // NW
CB = 256
N_CHUNK = ROWS_PER_W // CB
IB = 4096
CH_PER_IB = IB // CB

_SPLAT_DN = lax.GatherDimensionNumbers(
    offset_dims=(), collapsed_slice_dims=(0,), start_index_map=(0,))


def _splat(vec, j):
    idx = jnp.full((L, 1), j, jnp.int32)
    return lax.gather(vec, idx, _SPLAT_DN, slice_sizes=(1,),
                      mode=lax.GatherScatterMode.PROMISE_IN_BOUNDS)


def _sc_body(w_hbm, idx_hbm, out_hbm, w_v, idx_v, rows_a, rows_b, sems):
    wid = lax.axis_index("s") * NC + lax.axis_index("c")
    base = wid * ROWS_PER_W

    pltpu.sync_copy(w_hbm, w_v)
    w0 = [w_v[pl.ds(k * L, L)] for k in range(8)]
    dw = [w_v[pl.ds(D + k * L, L)] - w0[k] for k in range(8)]

    def compute_chunk(rows_v, idx_off):
        @plsc.parallel_loop(0, CB // L, 1, unroll=2)
        def group(g):
            xvf = idx_v[pl.ds(idx_off + g * L, L)].astype(jnp.float32)
            for j in range(L):
                xs = _splat(xvf, j)
                r = g * L + j
                for k in range(8):
                    rows_v[pl.ds(r * D + k * L, L)] = w0[k] + xs * dw[k]

    def pair(i, _):
        for b, rows_v in ((0, rows_a), (1, rows_b)):
            c = 2 * i + b
            r0 = base + c * CB
            if b == 0:
                @pl.when(lax.rem(i, CH_PER_IB // 2) == 0)
                def _load_idx():
                    slab = i // (CH_PER_IB // 2)
                    pltpu.sync_copy(
                        idx_hbm.at[pl.ds(base + slab * IB, IB)], idx_v)

            @pl.when(i > 0)
            def _drain():
                pltpu.make_async_copy(
                    rows_v,
                    out_hbm.at[pl.ds((r0 - 2 * CB) * D, CB * D)],
                    sems.at[b],
                ).wait()

            compute_chunk(rows_v, lax.rem(c, CH_PER_IB) * CB)
            pltpu.async_copy(
                rows_v, out_hbm.at[pl.ds(r0 * D, CB * D)], sems.at[b])
        return _

    lax.fori_loop(0, N_CHUNK // 2, pair, 0)

    last = base + N_CHUNK * CB
    for b, rows_v in ((0, rows_a), (1, rows_b)):
        pltpu.make_async_copy(
            rows_v,
            out_hbm.at[pl.ds((last - (2 - b) * CB) * D, CB * D)],
            sems.at[b],
        ).wait()


@functools.partial(jax.jit, static_argnames=())
def kernel(x, W):
    x_flat = x.astype(jnp.int32).reshape(N_IDX)
    w_flat = W.reshape(2 * D)
    mesh = plsc.VectorSubcoreMesh(
        core_axis_name="c", subcore_axis_name="s",
        num_cores=NC, num_subcores=NS,
    )
    out_flat = pl.kernel(
        _sc_body,
        out_type=jax.ShapeDtypeStruct((N_IDX * D,), jnp.float32),
        mesh=mesh,
        scratch_types=[
            pltpu.VMEM((2 * D,), jnp.float32),
            pltpu.VMEM((IB,), jnp.int32),
            pltpu.VMEM((CB * D,), jnp.float32),
            pltpu.VMEM((CB * D,), jnp.float32),
            pltpu.SemaphoreType.DMA((2,)),
        ],
    )(w_flat, x_flat)
    return out_flat.reshape(x.shape[0], x.shape[1], D)

# --- scband reference (transcript-rebuilt; emitter-appended) ---
"""Pipeline reference for scband-direction-embedding-8598524526835 (READ-ONLY COPY).

The authoritative reference and input builder live on the scoring server;
editing this copy changes nothing except your own understanding.
"""

import jax, jax.numpy as jnp
import numpy as np
import math

C_IN = 2
D_MODEL = 128

def _fixed_embedding_table(c_in, d_model):
    w = np.zeros((c_in, d_model), dtype=np.float32)
    position = np.arange(0, c_in, dtype=np.float32)[:, None]
    div_term = np.exp(np.arange(0, d_model, 2, dtype=np.float32) * -(math.log(10000.0) / d_model))
    w[:, 0::2] = np.sin(position * div_term)
    w[:, 1::2] = np.cos(position * div_term)
    return jnp.asarray(w)

def setup_inputs(seed: int = 0) -> dict:
    key = jax.random.key(seed)
    x = jax.random.randint(key, (16384, 200), 0, C_IN, dtype=jnp.int64 if jax.config.read('jax_enable_x64') else jnp.int32)
    W = _fixed_embedding_table(C_IN, D_MODEL)
    return {"x": x, "W": W}

def reference(x, W):
    # DirectionEmbedding.forward: x = x.long(); return self.direction_embedding(x)
    # FixedEmbedding.forward: emb(x).detach()
    x = x.astype(jnp.int32)
    out = jnp.take(W, x, axis=0)
    return jax.lax.stop_gradient(out)

if __name__ == "__main__":
    import jax
    _d = setup_inputs()
    print(jax.jit(kernel)(*tuple(_d.values())))

</pallas_src>

<mosaic_0001>
#map = affine_map<(d0, d1) -> (0)>
module attributes {stable_mosaic.version = 14 : i64} {
  func.func @_sc_body(%arg0: i32, %arg1: i32, %arg2: memref<256xf32, #tpu.memory_space<hbm>>, %arg3: memref<3276800xi32, #tpu.memory_space<hbm>>, %arg4: memref<419430400xf32, #tpu.memory_space<hbm>>, %arg5: memref<256xf32, #tpu.memory_space<vmem>>, %arg6: memref<4096xi32, #tpu.memory_space<vmem>>, %arg7: memref<32768xf32, #tpu.memory_space<vmem>>, %arg8: memref<32768xf32, #tpu.memory_space<vmem>>, %arg9: memref<2x!tpu.dma_semaphore, #tpu.memory_space<semaphore_mem>>) attributes {dimension_semantics = [#tpu.dimension_semantics<core_parallel>, #tpu.dimension_semantics<subcore_parallel>], iteration_bounds = array<i64: 2, 16>, scalar_prefetch = 0 : i64, scratch_operands = 5 : i64, tpu.core_type = #tpu.core_type<sc_vector_subcore>, window_params = [{transform_indices = #map}, {transform_indices = #map}, {transform_indices = #map}]} {
    %mul3A = arith.constant 2 : i32
    %mul3A_0 = arith.muli %arg1, %mul3A : i32
    %add3A = arith.addi %mul3A_0, %arg0 : i32
    %mul3A_1 = arith.constant 102400 : i32
    %mul3A_2 = arith.muli %add3A, %mul3A_1 : i32
    "tpu.region"() ({
      %run_scoped3A = tpu.sem_alloc : memref<!tpu.dma_semaphore, #tpu.memory_space<semaphore_mem>>
      tpu.enqueue_dma source(%arg2 : memref<256xf32, #tpu.memory_space<hbm>>) target(%arg5 : memref<256xf32, #tpu.memory_space<vmem>>) target_semaphore(%run_scoped3A : memref<!tpu.dma_semaphore, #tpu.memory_space<semaphore_mem>>)
      tpu.wait_dma2 semaphore(%run_scoped3A : memref<!tpu.dma_semaphore, #tpu.memory_space<semaphore_mem>>) src(%arg2 : memref<256xf32, #tpu.memory_space<hbm>>) dst(%arg5 : memref<256xf32, #tpu.memory_space<vmem>>)
      tpu.yield
    }) : () -> ()
    %get3A = arith.constant 0 : index
    %get3A_3 = tpu.vector_load %arg5[%get3A] {strides = array<i32>} : memref<256xf32, #tpu.memory_space<vmem>>, vector<16xf32>,
    %get3A_4 = vector.shape_cast %get3A_3 : vector<16xf32> to vector<16xf32>
    %get3A_5 = arith.constant 16 : index
    %get3A_6 = tpu.vector_load %arg5[%get3A_5] {strides = array<i32>} : memref<256xf32, #tpu.memory_space<vmem>>, vector<16xf32>,
    %get3A_7 = vector.shape_cast %get3A_6 : vector<16xf32> to vector<16xf32>
    %get3A_8 = arith.constant 32 : index
    %get3A_9 = tpu.vector_load %arg5[%get3A_8] {strides = array<i32>} : memref<256xf32, #tpu.memory_space<vmem>>, vector<16xf32>,
    %get3A_10 = vector.shape_cast %get3A_9 : vector<16xf32> to vector<16xf32>
    %get3A_11 = arith.constant 48 : index
    %get3A_12 = tpu.vector_load %arg5[%get3A_11] {strides = array<i32>} : memref<256xf32, #tpu.memory_space<vmem>>, vector<16xf32>,
    %get3A_13 = vector.shape_cast %get3A_12 : vector<16xf32> to vector<16xf32>
    %get3A_14 = arith.constant 64 : index
    %get3A_15 = tpu.vector_load %arg5[%get3A_14] {strides = array<i32>} : memref<256xf32, #tpu.memory_space<vmem>>, vector<16xf32>,
    %get3A_16 = vector.shape_cast %get3A_15 : vector<16xf32> to vector<16xf32>
    %get3A_17 = arith.constant 80 : index
    %get3A_18 = tpu.vector_load %arg5[%get3A_17] {strides = array<i32>} : memref<256xf32, #tpu.memory_space<vmem>>, vector<16xf32>,
    %get3A_19 = vector.shape_cast %get3A_18 : vector<16xf32> to vector<16xf32>
    %get3A_20 = arith.constant 96 : index
    %get3A_21 = tpu.vector_load %arg5[%get3A_20] {strides = array<i32>} : memref<256xf32, #tpu.memory_space<vmem>>, vector<16xf32>,
    %get3A_22 = vector.shape_cast %get3A_21 : vector<16xf32> to vector<16xf32>
    %get3A_23 = arith.constant 112 : index
    %get3A_24 = tpu.vector_load %arg5[%get3A_23] {strides = array<i32>} : memref<256xf32, #tpu.memory_space<vmem>>, vector<16xf32>,
    %get3A_25 = vector.shape_cast %get3A_24 : vector<16xf32> to vector<16xf32>
    %get3A_26 = arith.constant 128 : index
    %get3A_27 = tpu.vector_load %arg5[%get3A_26] {strides = array<i32>} : memref<256xf32, #tpu.memory_space<vmem>>, vector<16xf32>,
    %get3A_28 = vector.shape_cast %get3A_27 : vector<16xf32> to vector<16xf32>
    %sub3A = arith.subf %get3A_28, %get3A_4 : vector<16xf32>
    %get3A_29 = arith.constant 144 : index
    %get3A_30 = tpu.vector_load %arg5[%get3A_29] {strides = array<i32>} : memref<256xf32, #tpu.memory_space<vmem>>, vector<16xf32>,
    %get3A_31 = vector.shape_cast %get3A_30 : vector<16xf32> to vector<16xf32>
    %sub3A_32 = arith.subf %get3A_31, %get3A_7 : vector<16xf32>
    %get3A_33 = arith.constant 160 : index
    %get3A_34 = tpu.vector_load %arg5[%get3A_33] {strides = array<i32>} : memref<256xf32, #tpu.memory_space<vmem>>, vector<16xf32>,
    %get3A_35 = vector.shape_cast %get3A_34 : vector<16xf32> to vector<16xf32>
    %sub3A_36 = arith.subf %get3A_35, %get3A_10 : vector<16xf32>
    %get3A_37 = arith.constant 176 : index
    %get3A_38 = tpu.vector_load %arg5[%get3A_37] {strides = array<i32>} : memref<256xf32, #tpu.memory_space<vmem>>, vector<16xf32>,
    %get3A_39 = vector.shape_cast %get3A_38 : vector<16xf32> to vector<16xf32>
    %sub3A_40 = arith.subf %get3A_39, %get3A_13 : vector<16xf32>
    %get3A_41 = arith.constant 192 : index
    %get3A_42 = tpu.vector_load %arg5[%get3A_41] {strides = array<i32>} : memref<256xf32, #tpu.memory_space<vmem>>, vector<16xf32>,
    %get3A_43 = vector.shape_cast %get3A_42 : vector<16xf32> to vector<16xf32>
    %sub3A_44 = arith.subf %get3A_43, %get3A_16 : vector<16xf32>
    %get3A_45 = arith.constant 208 : index
    %get3A_46 = tpu.vector_load %arg5[%get3A_45] {strides = array<i32>} : memref<256xf32, #tpu.memory_space<vmem>>, vector<16xf32>,
    %get3A_47 = vector.shape_cast %get3A_46 : vector<16xf32> to vector<16xf32>
    %sub3A_48 = arith.subf %get3A_47, %get3A_19 : vector<16xf32>
    %get3A_49 = arith.constant 224 : index
    %get3A_50 = tpu.vector_load %arg5[%get3A_49] {strides = array<i32>} : memref<256xf32, #tpu.memory_space<vmem>>, vector<16xf32>,
    %get3A_51 = vector.shape_cast %get3A_50 : vector<16xf32> to vector<16xf32>
    %sub3A_52 = arith.subf %get3A_51, %get3A_22 : vector<16xf32>
    %get3A_53 = arith.constant 240 : index
    %get3A_54 = tpu.vector_load %arg5[%get3A_53] {strides = array<i32>} : memref<256xf32, #tpu.memory_space<vmem>>, vector<16xf32>,
    %get3A_55 = vector.shape_cast %get3A_54 : vector<16xf32> to vector<16xf32>
    %sub3A_56 = arith.subf %get3A_55, %get3A_25 : vector<16xf32>
    %scan3A = arith.constant 0 : i32
    %scan3A_57 = arith.constant 0 : i32
    %scan3A_58 = arith.constant 200 : i32
    %scan3A_59 = arith.addi %scan3A_57, %scan3A_58 : i32
    %scan3A_60 = arith.constant 1 : i32
    scf.for %scan3A_81 = %scan3A_57 to %scan3A_59 step %scan3A_60  : i32 {
      %mul3A_82 = arith.constant 2 : i32
      %mul3A_83 = arith.muli %mul3A_82, %scan3A_81 : i32
      %add3A_84 = arith.constant 0 : i32
      %add3A_85 = arith.addi %mul3A_83, %add3A_84 : i32
      %mul3A_86 = arith.constant 256 : i32
      %mul3A_87 = arith.muli %add3A_85, %mul3A_86 : i32
      %add3A_88 = arith.addi %mul3A_2, %mul3A_87 : i32
      %rem3A = arith.constant 8 : i32
      %rem3A_89 = arith.remsi %scan3A_81, %rem3A : i32
      %eq3A = arith.constant 0 : i32
      %eq3A_90 = arith.cmpi eq, %rem3A_89, %eq3A : i32
      %convert_element_type3A = arith.extui %eq3A_90 : i1 to i32
      %cond3A = arith.constant 0 : i32
      %cond3A_91 = arith.cmpi ne, %convert_element_type3A, %cond3A : i32
      scf.if %cond3A_91 {
        %jit3A = arith.constant 8 : i32
        %div3A = arith.divsi %scan3A_81, %jit3A : i32
        %sign3A = arith.constant 0 : i32
        %sign3A_134 = arith.cmpi sgt, %scan3A_81, %sign3A : i32
        %sign3A_135 = arith.extui %sign3A_134 : i1 to i32
        %sign3A_136 = arith.constant 0 : i32
        %sign3A_137 = arith.cmpi slt, %scan3A_81, %sign3A_136 : i32
        %sign3A_138 = arith.extui %sign3A_137 : i1 to i32
        %sign3A_139 = arith.subi %sign3A_135, %sign3A_138 : i32
        %sign3A_140 = arith.constant 0 : i32
        %sign3A_141 = arith.cmpi sgt, %jit3A, %sign3A_140 : i32
        %sign3A_142 = arith.extui %sign3A_141 : i1 to i32
        %sign3A_143 = arith.constant 0 : i32
        %sign3A_144 = arith.cmpi slt, %jit3A, %sign3A_143 : i32
        %sign3A_145 = arith.extui %sign3A_144 : i1 to i32
        %sign3A_146 = arith.subi %sign3A_142, %sign3A_145 : i32
        %ne3A = arith.cmpi ne, %sign3A_139, %sign3A_146 : i32
        %rem3A_147 = arith.remsi %scan3A_81, %jit3A : i32
        %ne3A_148 = arith.constant 0 : i32
        %ne3A_149 = arith.cmpi ne, %rem3A_147, %ne3A_148 : i32
        %and3A = arith.andi %ne3A, %ne3A_149 : i1
        %sub3A_150 = arith.constant 1 : i32
        %sub3A_151 = arith.subi %div3A, %sub3A_150 : i32
        %select_n3A = arith.select %and3A, %sub3A_151, %div3A : i32
        %mul3A_152 = arith.constant 4096 : i32
        %mul3A_153 = arith.muli %select_n3A, %mul3A_152 : i32
        %add3A_154 = arith.addi %mul3A_2, %mul3A_153 : i32
        "tpu.region"() ({
          %run_scoped3A = tpu.sem_alloc : memref<!tpu.dma_semaphore, #tpu.memory_space<semaphore_mem>>
          %dma_start3A_155 = tpu.memref_slice %arg3[%add3A_154] : memref<3276800xi32, #tpu.memory_space<hbm>> -> memref<4096xi32, #tpu.memory_space<hbm>>
          %dma_start3A_156 = tpu.memref_slice %arg3[%add3A_154] : memref<3276800xi32, #tpu.memory_space<hbm>> -> memref<4096xi32, #tpu.memory_space<hbm>>
          tpu.enqueue_dma source(%dma_start3A_156 : memref<4096xi32, #tpu.memory_space<hbm>>) target(%arg6 : memref<4096xi32, #tpu.memory_space<vmem>>) target_semaphore(%run_scoped3A : memref<!tpu.dma_semaphore, #tpu.memory_space<semaphore_mem>>)
          %dma_wait3A_157 = tpu.memref_slice %arg3[%add3A_154] : memref<3276800xi32, #tpu.memory_space<hbm>> -> memref<4096xi32, #tpu.memory_space<hbm>>
          %dma_wait3A_158 = tpu.memref_slice %arg3[%add3A_154] : memref<3276800xi32, #tpu.memory_space<hbm>> -> memref<4096xi32, #tpu.memory_space<hbm>>
          tpu.wait_dma2 semaphore(%run_scoped3A : memref<!tpu.dma_semaphore, #tpu.memory_space<semaphore_mem>>) src(%dma_wait3A_158 : memref<4096xi32, #tpu.memory_space<hbm>>) dst(%arg6 : memref<4096xi32, #tpu.memory_space<vmem>>)
          tpu.yield
        }) : () -> ()
      } else {
      }
      %gt3A = arith.constant 0 : i32
      %gt3A_92 = arith.cmpi sgt, %scan3A_81, %gt3A : i32
      %convert_element_type3A_93 = arith.extui %gt3A_92 : i1 to i32
      %cond3A_94 = arith.constant 0 : i32
      %cond3A_95 = arith.cmpi ne, %convert_element_type3A_93, %cond3A_94 : i32
      scf.if %cond3A_95 {
        %sub3A_134 = arith.constant 512 : i32
        %sub3A_135 = arith.subi %add3A_88, %sub3A_134 : i32
        %mul3A_136 = arith.constant 128 : i32
        %mul3A_137 = arith.muli %sub3A_135, %mul3A_136 : i32
        %dma_wait3A_138 = arith.constant 0 : i32
        %dma_wait3A_139 = tpu.memref_slice %arg4[%mul3A_137] : memref<419430400xf32, #tpu.memory_space<hbm>> -> memref<32768xf32, #tpu.memory_space<hbm>>
        %dma_wait3A_140 = tpu.memref_slice %arg9[%dma_wait3A_138] : memref<2x!tpu.dma_semaphore, #tpu.memory_space<semaphore_mem>> -> memref<1x!tpu.dma_semaphore, #tpu.memory_space<semaphore_mem>>
        %dma_wait3A_141 = tpu.memref_squeeze %dma_wait3A_140 : memref<1x!tpu.dma_semaphore, #tpu.memory_space<semaphore_mem>> -> memref<!tpu.dma_semaphore, #tpu.memory_space<semaphore_mem>>
        %dma_wait3A_142 = tpu.memref_slice %arg4[%mul3A_137] : memref<419430400xf32, #tpu.memory_space<hbm>> -> memref<32768xf32, #tpu.memory_space<hbm>>
        tpu.wait_dma2 semaphore(%dma_wait3A_141 : memref<!tpu.dma_semaphore, #tpu.memory_space<semaphore_mem>>) src(%arg7 : memref<32768xf32, #tpu.memory_space<vmem>>) dst(%dma_wait3A_142 : memref<32768xf32, #tpu.memory_space<hbm>>)
      } else {
      }
      %rem3A_96 = arith.constant 16 : i32
      %rem3A_97 = arith.remsi %add3A_85, %rem3A_96 : i32
      %mul3A_98 = arith.constant 256 : i32
      %mul3A_99 = arith.muli %rem3A_97, %mul3A_98 : i32
      %parallel_loop3A = arith.constant 0 : i32
      %parallel_loop3A_100 = arith.constant 16 : i32
      %parallel_loop3A_101 = arith.constant 1 : i32
      scf.for %parallel_loop3A_134 = %parallel_loop3A to %parallel_loop3A_100 step %parallel_loop3A_101  : i32 {
        %parallel_loop3A_135 = arith.constant 16 : i32
        %parallel_loop3A_136 = arith.muli %parallel_loop3A_134, %parallel_loop3A_135 : i32
        %parallel_loop3A_137 = arith.addi %mul3A_99, %parallel_loop3A_136 : i32
        %parallel_loop3A_138 = arith.index_cast %parallel_loop3A_137 : i32 to index
        %parallel_loop3A_139 = tpu.vector_load %arg6[%parallel_loop3A_138] {strides = array<i32>} : memref<4096xi32, #tpu.memory_space<vmem>>, vector<16xi32>,
        %parallel_loop3A_140 = vector.shape_cast %parallel_loop3A_139 : vector<16xi32> to vector<16xi32>
        %parallel_loop3A_141 = arith.sitofp %parallel_loop3A_140 : vector<16xi32> to vector<16xf32>
        %parallel_loop3A_142 = arith.constant 0 : i32
        %parallel_loop3A_143 = vector.broadcast %parallel_loop3A_142 : i32 to vector<16x1xi32>
        %parallel_loop3A_144 = vector.shape_cast %parallel_loop3A_143 : vector<16x1xi32> to vector<16xi32>
        %parallel_loop3A_145 = tpu.dynamic_gather %parallel_loop3A_141[%parallel_loop3A_144] in [0] : vector<16xf32>, vector<16xi32> -> vector<16xf32>
        %parallel_loop3A_146 = arith.constant 16 : i32
        %parallel_loop3A_147 = arith.muli %parallel_loop3A_134, %parallel_loop3A_146 : i32
        %parallel_loop3A_148 = arith.constant 0 : i32
        %parallel_loop3A_149 = arith.addi %parallel_loop3A_147, %parallel_loop3A_148 : i32
        %parallel_loop3A_150 = arith.mulf %parallel_loop3A_145, %sub3A : vector<16xf32>
        %parallel_loop3A_151 = arith.addf %get3A_4, %parallel_loop3A_150 : vector<16xf32>
        %parallel_loop3A_152 = arith.constant 128 : i32
        %parallel_loop3A_153 = arith.muli %parallel_loop3A_149, %parallel_loop3A_152 : i32
        %parallel_loop3A_154 = arith.constant 0 : i32
        %parallel_loop3A_155 = arith.addi %parallel_loop3A_153, %parallel_loop3A_154 : i32
        %parallel_loop3A_156 = arith.index_cast %parallel_loop3A_155 : i32 to index
        %parallel_loop3A_157 = tpu.vector_load %arg7[%parallel_loop3A_156] {strides = array<i32>} : memref<32768xf32, #tpu.memory_space<vmem>>, vector<16xf32>,
        %parallel_loop3A_158 = vector.shape_cast %parallel_loop3A_157 : vector<16xf32> to vector<16xf32>
        %parallel_loop3A_159 = vector.shape_cast %parallel_loop3A_151 : vector<16xf32> to vector<16xf32>
        tpu.vector_store %arg7[%parallel_loop3A_156], %parallel_loop3A_159 {strides = array<i32>} : memref<32768xf32, #tpu.memory_space<vmem>>, vector<16xf32>,
        %parallel_loop3A_160 = arith.mulf %parallel_loop3A_145, %sub3A_32 : vector<16xf32>
        %parallel_loop3A_161 = arith.addf %get3A_7, %parallel_loop3A_160 : vector<16xf32>
        %parallel_loop3A_162 = arith.constant 128 : i32
        %parallel_loop3A_163 = arith.muli %parallel_loop3A_149, %parallel_loop3A_162 : i32
        %parallel_loop3A_164 = arith.constant 16 : i32
        %parallel_loop3A_165 = arith.addi %parallel_loop3A_163, %parallel_loop3A_164 : i32
        %parallel_loop3A_166 = arith.index_cast %parallel_loop3A_165 : i32 to index
        %parallel_loop3A_167 = tpu.vector_load %arg7[%parallel_loop3A_166] {strides = array<i32>} : memref<32768xf32, #tpu.memory_space<vmem>>, vector<16xf32>,
        %parallel_loop3A_168 = vector.shape_cast %parallel_loop3A_167 : vector<16xf32> to vector<16xf32>
        %parallel_loop3A_169 = vector.shape_cast %parallel_loop3A_161 : vector<16xf32> to vector<16xf32>
        tpu.vector_store %arg7[%parallel_loop3A_166], %parallel_loop3A_169 {strides = array<i32>} : memref<32768xf32, #tpu.memory_space<vmem>>, vector<16xf32>,
        %parallel_loop3A_170 = arith.mulf %parallel_loop3A_145, %sub3A_36 : vector<16xf32>
        %parallel_loop3A_171 = arith.addf %get3A_10, %parallel_loop3A_170 : vector<16xf32>
        %parallel_loop3A_172 = arith.constant 128 : i32
        %parallel_loop3A_173 = arith.muli %parallel_loop3A_149, %parallel_loop3A_172 : i32
        %parallel_loop3A_174 = arith.constant 32 : i32
        %parallel_loop3A_175 = arith.addi %parallel_loop3A_173, %parallel_loop3A_174 : i32
        %parallel_loop3A_176 = arith.index_cast %parallel_loop3A_175 : i32 to index
        %parallel_loop3A_177 = tpu.vector_load %arg7[%parallel_loop3A_176] {strides = array<i32>} : memref<32768xf32, #tpu.memory_space<vmem>>, vector<16xf32>,
        %parallel_loop3A_178 = vector.shape_cast %parallel_loop3A_177 : vector<16xf32> to vector<16xf32>
        %parallel_loop3A_179 = vector.shape_cast %parallel_loop3A_171 : vector<16xf32> to vector<16xf32>
        tpu.vector_store %arg7[%parallel_loop3A_176], %parallel_loop3A_179 {strides = array<i32>} : memref<32768xf32, #tpu.memory_space<vmem>>, vector<16xf32>,
        %parallel_loop3A_180 = arith.mulf %parallel_loop3A_145, %sub3A_40 : vector<16xf32>
        %parallel_loop3A_181 = arith.addf %get3A_13, %parallel_loop3A_180 : vector<16xf32>
        %parallel_loop3A_182 = arith.constant 128 : i32
        %parallel_loop3A_183 = arith.muli %parallel_loop3A_149, %parallel_loop3A_182 : i32
        %parallel_loop3A_184 = arith.constant 48 : i32
        %parallel_loop3A_185 = arith.addi %parallel_loop3A_183, %parallel_loop3A_184 : i32
        %parallel_loop3A_186 = arith.index_cast %parallel_loop3A_185 : i32 to index
        %parallel_loop3A_187 = tpu.vector_load %arg7[%parallel_loop3A_186] {strides = array<i32>} : memref<32768xf32, #tpu.memory_space<vmem>>, vector<16xf32>,
        %parallel_loop3A_188 = vector.shape_cast %parallel_loop3A_187 : vector<16xf32> to vector<16xf32>
        %parallel_loop3A_189 = vector.shape_cast %parallel_loop3A_181 : vector<16xf32> to vector<16xf32>
        tpu.vector_store %arg7[%parallel_loop3A_186], %parallel_loop3A_189 {strides = array<i32>} : memref<32768xf32, #tpu.memory_space<vmem>>, vector<16xf32>,
        %parallel_loop3A_190 = arith.mulf %parallel_loop3A_145, %sub3A_44 : vector<16xf32>
        %parallel_loop3A_191 = arith.addf %get3A_16, %parallel_loop3A_190 : vector<16xf32>
        %parallel_loop3A_192 = arith.constant 128 : i32
        %parallel_loop3A_193 = arith.muli %parallel_loop3A_149, %parallel_loop3A_192 : i32
        %parallel_loop3A_194 = arith.constant 64 : i32
        %parallel_loop3A_195 = arith.addi %parallel_loop3A_193, %parallel_loop3A_194 : i32
        %parallel_loop3A_196 = arith.index_cast %parallel_loop3A_195 : i32 to index
        %parallel_loop3A_197 = tpu.vector_load %arg7[%parallel_loop3A_196] {strides = array<i32>} : memref<32768xf32, #tpu.memory_space<vmem>>, vector<16xf32>,
        %parallel_loop3A_198 = vector.shape_cast %parallel_loop3A_197 : vector<16xf32> to vector<16xf32>
        %parallel_loop3A_199 = vector.shape_cast %parallel_loop3A_191 : vector<16xf32> to vector<16xf32>
        tpu.vector_store %arg7[%parallel_loop3A_196], %parallel_loop3A_199 {strides = array<i32>} : memref<32768xf32, #tpu.memory_space<vmem>>, vector<16xf32>,
        %parallel_loop3A_200 = arith.mulf %parallel_loop3A_145, %sub3A_48 : vector<16xf32>
        %parallel_loop3A_201 = arith.addf %get3A_19, %parallel_loop3A_200 : vector<16xf32>
        %parallel_loop3A_202 = arith.constant 128 : i32
        %parallel_loop3A_203 = arith.muli %parallel_loop3A_149, %parallel_loop3A_202 : i32
        %parallel_loop3A_204 = arith.constant 80 : i32
        %parallel_loop3A_205 = arith.addi %parallel_loop3A_203, %parallel_loop3A_204 : i32
        %parallel_loop3A_206 = arith.index_cast %parallel_loop3A_205 : i32 to index
        %parallel_loop3A_207 = tpu.vector_load %arg7[%parallel_loop3A_206] {strides = array<i32>} : memref<32768xf32, #tpu.memory_space<vmem>>, vector<16xf32>,
        %parallel_loop3A_208 = vector.shape_cast %parallel_loop3A_207 : vector<16xf32> to vector<16xf32>
        %parallel_loop3A_209 = vector.shape_cast %parallel_loop3A_201 : vector<16xf32> to vector<16xf32>
        tpu.vector_store %arg7[%parallel_loop3A_206], %parallel_loop3A_209 {strides = array<i32>} : memref<32768xf32, #tpu.memory_space<vmem>>, vector<16xf32>,
        %parallel_loop3A_210 = arith.mulf %parallel_loop3A_145, %sub3A_52 : vector<16xf32>
        %parallel_loop3A_211 = arith.addf %get3A_22, %parallel_loop3A_210 : vector<16xf32>
        %parallel_loop3A_212 = arith.constant 128 : i32
        %parallel_loop3A_213 = arith.muli %parallel_loop3A_149, %parallel_loop3A_212 : i32
        %parallel_loop3A_214 = arith.constant 96 : i32
        %parallel_loop3A_215 = arith.addi %parallel_loop3A_213, %parallel_loop3A_214 : i32
        %parallel_loop3A_216 = arith.index_cast %parallel_loop3A_215 : i32 to index
        %parallel_loop3A_217 = tpu.vector_load %arg7[%parallel_loop3A_216] {strides = array<i32>} : memref<32768xf32, #tpu.memory_space<vmem>>, vector<16xf32>,
        %parallel_loop3A_218 = vector.shape_cast %parallel_loop3A_217 : vector<16xf32> to vector<16xf32>
        %parallel_loop3A_219 = vector.shape_cast %parallel_loop3A_211 : vector<16xf32> to vector<16xf32>
        tpu.vector_store %arg7[%parallel_loop3A_216], %parallel_loop3A_219 {strides = array<i32>} : memref<32768xf32, #tpu.memory_space<vmem>>, vector<16xf32>,
        %parallel_loop3A_220 = arith.mulf %parallel_loop3A_145, %sub3A_56 : vector<16xf32>
        %parallel_loop3A_221 = arith.addf %get3A_25, %parallel_loop3A_220 : vector<16xf32>
        %parallel_loop3A_222 = arith.constant 128 : i32
        %parallel_loop3A_223 = arith.muli %parallel_loop3A_149, %parallel_loop3A_222 : i32
        %parallel_loop3A_224 = arith.constant 112 : i32
        %parallel_loop3A_225 = arith.addi %parallel_loop3A_223, %parallel_loop3A_224 : i32
        %parallel_loop3A_226 = arith.index_cast %parallel_loop3A_225 : i32 to index
        %parallel_loop3A_227 = tpu.vector_load %arg7[%parallel_loop3A_226] {strides = array<i32>} : memref<32768xf32, #tpu.memory_space<vmem>>, vector<16xf32>,
        %parallel_loop3A_228 = vector.shape_cast %parallel_loop3A_227 : vector<16xf32> to vector<16xf32>
        %parallel_loop3A_229 = vector.shape_cast %parallel_loop3A_221 : vector<16xf32> to vector<16xf32>
        tpu.vector_store %arg7[%parallel_loop3A_226], %parallel_loop3A_229 {strides = array<i32>} : memref<32768xf32, #tpu.memory_space<vmem>>, vector<16xf32>,
        %parallel_loop3A_230 = arith.constant 1 : i32
        %parallel_loop3A_231 = vector.broadcast %parallel_loop3A_230 : i32 to vector<16x1xi32>
        %parallel_loop3A_232 = vector.shape_cast %parallel_loop3A_231 : vector<16x1xi32> to vector<16xi32>
        %parallel_loop3A_233 = tpu.dynamic_gather %parallel_loop3A_141[%parallel_loop3A_232] in [0] : vector<16xf32>, vector<16xi32> -> vector<16xf32>
        %parallel_loop3A_234 = arith.constant 16 : i32
        %parallel_loop3A_235 = arith.muli %parallel_loop3A_134, %parallel_loop3A_234 : i32
        %parallel_loop3A_236 = arith.constant 1 : i32
        %parallel_loop3A_237 = arith.addi %parallel_loop3A_235, %parallel_loop3A_236 : i32
        %parallel_loop3A_238 = arith.mulf %parallel_loop3A_233, %sub3A : vector<16xf32>
        %parallel_loop3A_239 = arith.addf %get3A_4, %parallel_loop3A_238 : vector<16xf32>
        %parallel_loop3A_240 = arith.constant 128 : i32
        %parallel_loop3A_241 = arith.muli %parallel_loop3A_237, %parallel_loop3A_240 : i32
        %parallel_loop3A_242 = arith.constant 0 : i32
        %parallel_loop3A_243 = arith.addi %parallel_loop3A_241, %parallel_loop3A_242 : i32
        %parallel_loop3A_244 = arith.index_cast %parallel_loop3A_243 : i32 to index
        %parallel_loop3A_245 = tpu.vector_load %arg7[%parallel_loop3A_244] {strides = array<i32>} : memref<32768xf32, #tpu.memory_space<vmem>>, vector<16xf32>,
        %parallel_loop3A_246 = vector.shape_cast %parallel_loop3A_245 : vector<16xf32> to vector<16xf32>
        %parallel_loop3A_247 = vector.shape_cast %parallel_loop3A_239 : vector<16xf32> to vector<16xf32>
        tpu.vector_store %arg7[%parallel_loop3A_244], %parallel_loop3A_247 {strides = array<i32>} : memref<32768xf32, #tpu.memory_space<vmem>>, vector<16xf32>,
        %parallel_loop3A_248 = arith.mulf %parallel_loop3A_233, %sub3A_32 : vector<16xf32>
        %parallel_loop3A_249 = arith.addf %get3A_7, %parallel_loop3A_248 : vector<16xf32>
        %parallel_loop3A_250 = arith.constant 128 : i32
        %parallel_loop3A_251 = arith.muli %parallel_loop3A_237, %parallel_loop3A_250 : i32
        %parallel_loop3A_252 = arith.constant 16 : i32
        %parallel_loop3A_253 = arith.addi %parallel_loop3A_251, %parallel_loop3A_252 : i32
        %parallel_loop3A_254 = arith.index_cast %parallel_loop3A_253 : i32 to index
        %parallel_loop3A_255 = tpu.vector_load %arg7[%parallel_loop3A_254] {strides = array<i32>} : memref<32768xf32, #tpu.memory_space<vmem>>, vector<16xf32>,
        %parallel_loop3A_256 = vector.shape_cast %parallel_loop3A_255 : vector<16xf32> to vector<16xf32>
        %parallel_loop3A_257 = vector.shape_cast %parallel_loop3A_249 : vector<16xf32> to vector<16xf32>
        tpu.vector_store %arg7[%parallel_loop3A_254], %parallel_loop3A_257 {strides = array<i32>} : memref<32768xf32, #tpu.memory_space<vmem>>, vector<16xf32>,
        %parallel_loop3A_258 = arith.mulf %parallel_loop3A_233, %sub3A_36 : vector<16xf32>
        %parallel_loop3A_259 = arith.addf %get3A_10, %parallel_loop3A_258 : vector<16xf32>
        %parallel_loop3A_260 = arith.constant 128 : i32
        %parallel_loop3A_261 = arith.muli %parallel_loop3A_237, %parallel_loop3A_260 : i32
        %parallel_loop3A_262 = arith.constant 32 : i32
        %parallel_loop3A_263 = arith.addi %parallel_loop3A_261, %parallel_loop3A_262 : i32
        %parallel_loop3A_264 = arith.index_cast %parallel_loop3A_263 : i32 to index
        %parallel_loop3A_265 = tpu.vector_load %arg7[%parallel_loop3A_264] {strides = array<i32>} : memref<32768xf32, #tpu.memory_space<vmem>>, vector<16xf32>,
        %parallel_loop3A_266 = vector.shape_cast %parallel_loop3A_265 : vector<16xf32> to vector<16xf32>
        %parallel_loop3A_267 = vector.shape_cast %parallel_loop3A_259 : vector<16xf32> to vector<16xf32>
        tpu.vector_store %arg7[%parallel_loop3A_264], %parallel_loop3A_267 {strides = array<i32>} : memref<32768xf32, #tpu.memory_space<vmem>>, vector<16xf32>,
        %parallel_loop3A_268 = arith.mulf %parallel_loop3A_233, %sub3A_40 : vector<16xf32>
        %parallel_loop3A_269 = arith.addf %get3A_13, %parallel_loop3A_268 : vector<16xf32>
        %parallel_loop3A_270 = arith.constant 128 : i32
        %parallel_loop3A_271 = arith.muli %parallel_loop3A_237, %parallel_loop3A_270 : i32
        %parallel_loop3A_272 = arith.constant 48 : i32
        %parallel_loop3A_273 = arith.addi %parallel_loop3A_271, %parallel_loop3A_272 : i32
        %parallel_loop3A_274 = arith.index_cast %parallel_loop3A_273 : i32 to index
        %parallel_loop3A_275 = tpu.vector_load %arg7[%parallel_loop3A_274] {strides = array<i32>} : memref<32768xf32, #tpu.memory_space<vmem>>, vector<16xf32>,
        %parallel_loop3A_276 = vector.shape_cast %parallel_loop3A_275 : vector<16xf32> to vector<16xf32>
        %parallel_loop3A_277 = vector.shape_cast %parallel_loop3A_269 : vector<16xf32> to vector<16xf32>
        tpu.vector_store %arg7[%parallel_loop3A_274], %parallel_loop3A_277 {strides = array<i32>} : memref<32768xf32, #tpu.memory_space<vmem>>, vector<16xf32>,
        %parallel_loop3A_278 = arith.mulf %parallel_loop3A_233, %sub3A_44 : vector<16xf32>
        %parallel_loop3A_279 = arith.addf %get3A_16, %parallel_loop3A_278 : vector<16xf32>
        %parallel_loop3A_280 = arith.constant 128 : i32
        %parallel_loop3A_281 = arith.muli %parallel_loop3A_237, %parallel_loop3A_280 : i32
        %parallel_loop3A_282 = arith.constant 64 : i32
        %parallel_loop3A_283 = arith.addi %parallel_loop3A_281, %parallel_loop3A_282 : i32
        %parallel_loop3A_284 = arith.index_cast %parallel_loop3A_283 : i32 to index
        %parallel_loop3A_285 = tpu.vector_load %arg7[%parallel_loop3A_284] {strides = array<i32>} : memref<32768xf32, #tpu.memory_space<vmem>>, vector<16xf32>,
        %parallel_loop3A_286 = vector.shape_cast %parallel_loop3A_285 : vector<16xf32> to vector<16xf32>
        %parallel_loop3A_287 = vector.shape_cast %parallel_loop3A_279 : vector<16xf32> to vector<16xf32>
        tpu.vector_store %arg7[%parallel_loop3A_284], %parallel_loop3A_287 {strides = array<i32>} : memref<32768xf32, #tpu.memory_space<vmem>>, vector<16xf32>,
        %parallel_loop3A_288 = arith.mulf %parallel_loop3A_233, %sub3A_48 : vector<16xf32>
        %parallel_loop3A_289 = arith.addf %get3A_19, %parallel_loop3A_288 : vector<16xf32>
        %parallel_loop3A_290 = arith.constant 128 : i32
        %parallel_loop3A_291 = arith.muli %parallel_loop3A_237, %parallel_loop3A_290 : i32
        %parallel_loop3A_292 = arith.constant 80 : i32
        %parallel_loop3A_293 = arith.addi %parallel_loop3A_291, %parallel_loop3A_292 : i32
        %parallel_loop3A_294 = arith.index_cast %parallel_loop3A_293 : i32 to index
        %parallel_loop3A_295 = tpu.vector_load %arg7[%parallel_loop3A_294] {strides = array<i32>} : memref<32768xf32, #tpu.memory_space<vmem>>, vector<16xf32>,
        %parallel_loop3A_296 = vector.shape_cast %parallel_loop3A_295 : vector<16xf32> to vector<16xf32>
        %parallel_loop3A_297 = vector.shape_cast %parallel_loop3A_289 : vector<16xf32> to vector<16xf32>
        tpu.vector_store %arg7[%parallel_loop3A_294], %parallel_loop3A_297 {strides = array<i32>} : memref<32768xf32, #tpu.memory_space<vmem>>, vector<16xf32>,
        %parallel_loop3A_298 = arith.mulf %parallel_loop3A_233, %sub3A_52 : vector<16xf32>
        %parallel_loop3A_299 = arith.addf %get3A_22, %parallel_loop3A_298 : vector<16xf32>
        %parallel_loop3A_300 = arith.constant 128 : i32
        %parallel_loop3A_301 = arith.muli %parallel_loop3A_237, %parallel_loop3A_300 : i32
        %parallel_loop3A_302 = arith.constant 96 : i32
        %parallel_loop3A_303 = arith.addi %parallel_loop3A_301, %parallel_loop3A_302 : i32
        %parallel_loop3A_304 = arith.index_cast %parallel_loop3A_303 : i32 to index
        %parallel_loop3A_305 = tpu.vector_load %arg7[%parallel_loop3A_304] {strides = array<i32>} : memref<32768xf32, #tpu.memory_space<vmem>>, vector<16xf32>,
        %parallel_loop3A_306 = vector.shape_cast %parallel_loop3A_305 : vector<16xf32> to vector<16xf32>
        %parallel_loop3A_307 = vector.shape_cast %parallel_loop3A_299 : vector<16xf32> to vector<16xf32>
        tpu.vector_store %arg7[%parallel_loop3A_304], %parallel_loop3A_307 {strides = array<i32>} : memref<32768xf32, #tpu.memory_space<vmem>>, vector<16xf32>,
        %parallel_loop3A_308 = arith.mulf %parallel_loop3A_233, %sub3A_56 : vector<16xf32>
        %parallel_loop3A_309 = arith.addf %get3A_25, %parallel_loop3A_308 : vector<16xf32>
        %parallel_loop3A_310 = arith.constant 128 : i32
        %parallel_loop3A_311 = arith.muli %parallel_loop3A_237, %parallel_loop3A_310 : i32
        %parallel_loop3A_312 = arith.constant 112 : i32
        %parallel_loop3A_313 = arith.addi %parallel_loop3A_311, %parallel_loop3A_312 : i32
        %parallel_loop3A_314 = arith.index_cast %parallel_loop3A_313 : i32 to index
        %parallel_loop3A_315 = tpu.vector_load %arg7[%parallel_loop3A_314] {strides = array<i32>} : memref<32768xf32, #tpu.memory_space<vmem>>, vector<16xf32>,
        %parallel_loop3A_316 = vector.shape_cast %parallel_loop3A_315 : vector<16xf32> to vector<16xf32>
        %parallel_loop3A_317 = vector.shape_cast %parallel_loop3A_309 : vector<16xf32> to vector<16xf32>
        tpu.vector_store %arg7[%parallel_loop3A_314], %parallel_loop3A_317 {strides = array<i32>} : memref<32768xf32, #tpu.memory_space<vmem>>, vector<16xf32>,
        %parallel_loop3A_318 = arith.constant 2 : i32
        %parallel_loop3A_319 = vector.broadcast %parallel_loop3A_318 : i32 to vector<16x1xi32>
        %parallel_loop3A_320 = vector.shape_cast %parallel_loop3A_319 : vector<16x1xi32> to vector<16xi32>
        %parallel_loop3A_321 = tpu.dynamic_gather %parallel_loop3A_141[%parallel_loop3A_320] in [0] : vector<16xf32>, vector<16xi32> -> vector<16xf32>
        %parallel_loop3A_322 = arith.constant 16 : i32
        %parallel_loop3A_323 = arith.muli %parallel_loop3A_134, %parallel_loop3A_322 : i32
        %parallel_loop3A_324 = arith.constant 2 : i32
        %parallel_loop3A_325 = arith.addi %parallel_loop3A_323, %parallel_loop3A_324 : i32
        %parallel_loop3A_326 = arith.mulf %parallel_loop3A_321, %sub3A : vector<16xf32>
        %parallel_loop3A_327 = arith.addf %get3A_4, %parallel_loop3A_326 : vector<16xf32>
        %parallel_loop3A_328 = arith.constant 128 : i32
        %parallel_loop3A_329 = arith.muli %parallel_loop3A_325, %parallel_loop3A_328 : i32
        %parallel_loop3A_330 = arith.constant 0 : i32
        %parallel_loop3A_331 = arith.addi %parallel_loop3A_329, %parallel_loop3A_330 : i32
        %parallel_loop3A_332 = arith.index_cast %parallel_loop3A_331 : i32 to index
        %parallel_loop3A_333 = tpu.vector_load %arg7[%parallel_loop3A_332] {strides = array<i32>} : memref<32768xf32, #tpu.memory_space<vmem>>, vector<16xf32>,
        %parallel_loop3A_334 = vector.shape_cast %parallel_loop3A_333 : vector<16xf32> to vector<16xf32>
        %parallel_loop3A_335 = vector.shape_cast %parallel_loop3A_327 : vector<16xf32> to vector<16xf32>
        tpu.vector_store %arg7[%parallel_loop3A_332], %parallel_loop3A_335 {strides = array<i32>} : memref<32768xf32, #tpu.memory_space<vmem>>, vector<16xf32>,
        %parallel_loop3A_336 = arith.mulf %parallel_loop3A_321, %sub3A_32 : vector<16xf32>
        %parallel_loop3A_337 = arith.addf %get3A_7, %parallel_loop3A_336 : vector<16xf32>
        %parallel_loop3A_338 = arith.constant 128 : i32
        %parallel_loop3A_339 = arith.muli %parallel_loop3A_325, %parallel_loop3A_338 : i32
        %parallel_loop3A_340 = arith.constant 16 : i32
        %parallel_loop3A_341 = arith.addi %parallel_loop3A_339, %parallel_loop3A_340 : i32
        %parallel_loop3A_342 = arith.index_cast %parallel_loop3A_341 : i32 to index
        %parallel_loop3A_343 = tpu.vector_load %arg7[%parallel_loop3A_342] {strides = array<i32>} : memref<32768xf32, #tpu.memory_space<vmem>>, vector<16xf32>,
        %parallel_loop3A_344 = vector.shape_cast %parallel_loop3A_343 : vector<16xf32> to vector<16xf32>
        %parallel_loop3A_345 = vector.shape_cast %parallel_loop3A_337 : vector<16xf32> to vector<16xf32>
        tpu.vector_store %arg7[%parallel_loop3A_342], %parallel_loop3A_345 {strides = array<i32>} : memref<32768xf32, #tpu.memory_space<vmem>>, vector<16xf32>,
        %parallel_loop3A_346 = arith.mulf %parallel_loop3A_321, %sub3A_36 : vector<16xf32>
        %parallel_loop3A_347 = arith.addf %get3A_10, %parallel_loop3A_346 : vector<16xf32>
        %parallel_loop3A_348 = arith.constant 128 : i32
        %parallel_loop3A_349 = arith.muli %parallel_loop3A_325, %parallel_loop3A_348 : i32
        %parallel_loop3A_350 = arith.constant 32 : i32
        %parallel_loop3A_351 = arith.addi %parallel_loop3A_349, %parallel_loop3A_350 : i32
        %parallel_loop3A_352 = arith.index_cast %parallel_loop3A_351 : i32 to index
        %parallel_loop3A_353 = tpu.vector_load %arg7[%parallel_loop3A_352] {strides = array<i32>} : memref<32768xf32, #tpu.memory_space<vmem>>, vector<16xf32>,
        %parallel_loop3A_354 = vector.shape_cast %parallel_loop3A_353 : vector<16xf32> to vector<16xf32>
        %parallel_loop3A_355 = vector.shape_cast %parallel_loop3A_347 : vector<16xf32> to vector<16xf32>
        tpu.vector_store %arg7[%parallel_loop3A_352], %parallel_loop3A_355 {strides = array<i32>} : memref<32768xf32, #tpu.memory_space<vmem>>, vector<16xf32>,
        %parallel_loop3A_356 = arith.mulf %parallel_loop3A_321, %sub3A_40 : vector<16xf32>
        %parallel_loop3A_357 = arith.addf %get3A_13, %parallel_loop3A_356 : vector<16xf32>
        %parallel_loop3A_358 = arith.constant 128 : i32
        %parallel_loop3A_359 = arith.muli %parallel_loop3A_325, %parallel_loop3A_358 : i32
        %parallel_loop3A_360 = arith.constant 48 : i32
        %parallel_loop3A_361 = arith.addi %parallel_loop3A_359, %parallel_loop3A_360 : i32
        %parallel_loop3A_362 = arith.index_cast %parallel_loop3A_361 : i32 to index
        %parallel_loop3A_363 = tpu.vector_load %arg7[%parallel_loop3A_362] {strides = array<i32>} : memref<32768xf32, #tpu.memory_space<vmem>>, vector<16xf32>,
        %parallel_loop3A_364 = vector.shape_cast %parallel_loop3A_363 : vector<16xf32> to vector<16xf32>
        %parallel_loop3A_365 = vector.shape_cast %parallel_loop3A_357 : vector<16xf32> to vector<16xf32>
        tpu.vector_store %arg7[%parallel_loop3A_362], %parallel_loop3A_365 {strides = array<i32>} : memref<32768xf32, #tpu.memory_space<vmem>>, vector<16xf32>,
        %parallel_loop3A_366 = arith.mulf %parallel_loop3A_321, %sub3A_44 : vector<16xf32>
        %parallel_loop3A_367 = arith.addf %get3A_16, %parallel_loop3A_366 : vector<16xf32>
        %parallel_loop3A_368 = arith.constant 128 : i32
        %parallel_loop3A_369 = arith.muli %parallel_loop3A_325, %parallel_loop3A_368 : i32
        %parallel_loop3A_370 = arith.constant 64 : i32
        %parallel_loop3A_371 = arith.addi %parallel_loop3A_369, %parallel_loop3A_370 : i32
        %parallel_loop3A_372 = arith.index_cast %parallel_loop3A_371 : i32 to index
        %parallel_loop3A_373 = tpu.vector_load %arg7[%parallel_loop3A_372] {strides = array<i32>} : memref<32768xf32, #tpu.memory_space<vmem>>, vector<16xf32>,
        %parallel_loop3A_374 = vector.shape_cast %parallel_loop3A_373 : vector<16xf32> to vector<16xf32>
        %parallel_loop3A_375 = vector.shape_cast %parallel_loop3A_367 : vector<16xf32> to vector<16xf32>
        tpu.vector_store %arg7[%parallel_loop3A_372], %parallel_loop3A_375 {strides = array<i32>} : memref<32768xf32, #tpu.memory_space<vmem>>, vector<16xf32>,
        %parallel_loop3A_376 = arith.mulf %parallel_loop3A_321, %sub3A_48 : vector<16xf32>
        %parallel_loop3A_377 = arith.addf %get3A_19, %parallel_loop3A_376 : vector<16xf32>
        %parallel_loop3A_378 = arith.constant 128 : i32
        %parallel_loop3A_379 = arith.muli %parallel_loop3A_325, %parallel_loop3A_378 : i32
        %parallel_loop3A_380 = arith.constant 80 : i32
        %parallel_loop3A_381 = arith.addi %parallel_loop3A_379, %parallel_loop3A_380 : i32
        %parallel_loop3A_382 = arith.index_cast %parallel_loop3A_381 : i32 to index
        %parallel_loop3A_383 = tpu.vector_load %arg7[%parallel_loop3A_382] {strides = array<i32>} : memref<32768xf32, #tpu.memory_space<vmem>>, vector<16xf32>,
        %parallel_loop3A_384 = vector.shape_cast %parallel_loop3A_383 : vector<16xf32> to vector<16xf32>
        %parallel_loop3A_385 = vector.shape_cast %parallel_loop3A_377 : vector<16xf32> to vector<16xf32>
        tpu.vector_store %arg7[%parallel_loop3A_382], %parallel_loop3A_385 {strides = array<i32>} : memref<32768xf32, #tpu.memory_space<vmem>>, vector<16xf32>,
        %parallel_loop3A_386 = arith.mulf %parallel_loop3A_321, %sub3A_52 : vector<16xf32>
        %parallel_loop3A_387 = arith.addf %get3A_22, %parallel_loop3A_386 : vector<16xf32>
        %parallel_loop3A_388 = arith.constant 128 : i32
        %parallel_loop3A_389 = arith.muli %parallel_loop3A_325, %parallel_loop3A_388 : i32
        %parallel_loop3A_390 = arith.constant 96 : i32
        %parallel_loop3A_391 = arith.addi %parallel_loop3A_389, %parallel_loop3A_390 : i32
        %parallel_loop3A_392 = arith.index_cast %parallel_loop3A_391 : i32 to index
        %parallel_loop3A_393 = tpu.vector_load %arg7[%parallel_loop3A_392] {strides = array<i32>} : memref<32768xf32, #tpu.memory_space<vmem>>, vector<16xf32>,
        %parallel_loop3A_394 = vector.shape_cast %parallel_loop3A_393 : vector<16xf32> to vector<16xf32>
        %parallel_loop3A_395 = vector.shape_cast %parallel_loop3A_387 : vector<16xf32> to vector<16xf32>
        tpu.vector_store %arg7[%parallel_loop3A_392], %parallel_loop3A_395 {strides = array<i32>} : memref<32768xf32, #tpu.memory_space<vmem>>, vector<16xf32>,
        %parallel_loop3A_396 = arith.mulf %parallel_loop3A_321, %sub3A_56 : vector<16xf32>
        %parallel_loop3A_397 = arith.addf %get3A_25, %parallel_loop3A_396 : vector<16xf32>
        %parallel_loop3A_398 = arith.constant 128 : i32
        %parallel_loop3A_399 = arith.muli %parallel_loop3A_325, %parallel_loop3A_398 : i32
        %parallel_loop3A_400 = arith.constant 112 : i32
        %parallel_loop3A_401 = arith.addi %parallel_loop3A_399, %parallel_loop3A_400 : i32
        %parallel_loop3A_402 = arith.index_cast %parallel_loop3A_401 : i32 to index
        %parallel_loop3A_403 = tpu.vector_load %arg7[%parallel_loop3A_402] {strides = array<i32>} : memref<32768xf32, #tpu.memory_space<vmem>>, vector<16xf32>,
        %parallel_loop3A_404 = vector.shape_cast %parallel_loop3A_403 : vector<16xf32> to vector<16xf32>
        %parallel_loop3A_405 = vector.shape_cast %parallel_loop3A_397 : vector<16xf32> to vector<16xf32>
        tpu.vector_store %arg7[%parallel_loop3A_402], %parallel_loop3A_405 {strides = array<i32>} : memref<32768xf32, #tpu.memory_space<vmem>>, vector<16xf32>,
        %parallel_loop3A_406 = arith.constant 3 : i32
        %parallel_loop3A_407 = vector.broadcast %parallel_loop3A_406 : i32 to vector<16x1xi32>
        %parallel_loop3A_408 = vector.shape_cast %parallel_loop3A_407 : vector<16x1xi32> to vector<16xi32>
        %parallel_loop3A_409 = tpu.dynamic_gather %parallel_loop3A_141[%parallel_loop3A_408] in [0] : vector<16xf32>, vector<16xi32> -> vector<16xf32>
        %parallel_loop3A_410 = arith.constant 16 : i32
        %parallel_loop3A_411 = arith.muli %parallel_loop3A_134, %parallel_loop3A_410 : i32
        %parallel_loop3A_412 = arith.constant 3 : i32
        %parallel_loop3A_413 = arith.addi %parallel_loop3A_411, %parallel_loop3A_412 : i32
        %parallel_loop3A_414 = arith.mulf %parallel_loop3A_409, %sub3A : vector<16xf32>
        %parallel_loop3A_415 = arith.addf %get3A_4, %parallel_loop3A_414 : vector<16xf32>
        %parallel_loop3A_416 = arith.constant 128 : i32
        %parallel_loop3A_417 = arith.muli %parallel_loop3A_413, %parallel_loop3A_416 : i32
        %parallel_loop3A_418 = arith.constant 0 : i32
        %parallel_loop3A_419 = arith.addi %parallel_loop3A_417, %parallel_loop3A_418 : i32
        %parallel_loop3A_420 = arith.index_cast %parallel_loop3A_419 : i32 to index
        %parallel_loop3A_421 = tpu.vector_load %arg7[%parallel_loop3A_420] {strides = array<i32>} : memref<32768xf32, #tpu.memory_space<vmem>>, vector<16xf32>,
        %parallel_loop3A_422 = vector.shape_cast %parallel_loop3A_421 : vector<16xf32> to vector<16xf32>
        %parallel_loop3A_423 = vector.shape_cast %parallel_loop3A_415 : vector<16xf32> to vector<16xf32>
        tpu.vector_store %arg7[%parallel_loop3A_420], %parallel_loop3A_423 {strides = array<i32>} : memref<32768xf32, #tpu.memory_space<vmem>>, vector<16xf32>,
        %parallel_loop3A_424 = arith.mulf %parallel_loop3A_409, %sub3A_32 : vector<16xf32>
        %parallel_loop3A_425 = arith.addf %get3A_7, %parallel_loop3A_424 : vector<16xf32>
        %parallel_loop3A_426 = arith.constant 128 : i32
        %parallel_loop3A_427 = arith.muli %parallel_loop3A_413, %parallel_loop3A_426 : i32
        %parallel_loop3A_428 = arith.constant 16 : i32
        %parallel_loop3A_429 = arith.addi %parallel_loop3A_427, %parallel_loop3A_428 : i32
        %parallel_loop3A_430 = arith.index_cast %parallel_loop3A_429 : i32 to index
        %parallel_loop3A_431 = tpu.vector_load %arg7[%parallel_loop3A_430] {strides = array<i32>} : memref<32768xf32, #tpu.memory_space<vmem>>, vector<16xf32>,
        %parallel_loop3A_432 = vector.shape_cast %parallel_loop3A_431 : vector<16xf32> to vector<16xf32>
        %parallel_loop3A_433 = vector.shape_cast %parallel_loop3A_425 : vector<16xf32> to vector<16xf32>
        tpu.vector_store %arg7[%parallel_loop3A_430], %parallel_loop3A_433 {strides = array<i32>} : memref<32768xf32, #tpu.memory_space<vmem>>, vector<16xf32>,
        %parallel_loop3A_434 = arith.mulf %parallel_loop3A_409, %sub3A_36 : vector<16xf32>
        %parallel_loop3A_435 = arith.addf %get3A_10, %parallel_loop3A_434 : vector<16xf32>
        %parallel_loop3A_436 = arith.constant 128 : i32
        %parallel_loop3A_437 = arith.muli %parallel_loop3A_413, %parallel_loop3A_436 : i32
        %parallel_loop3A_438 = arith.constant 32 : i32
        %parallel_loop3A_439 = arith.addi %parallel_loop3A_437, %parallel_loop3A_438 : i32
        %parallel_loop3A_440 = arith.index_cast %parallel_loop3A_439 : i32 to index
        %parallel_loop3A_441 = tpu.vector_load %arg7[%parallel_loop3A_440] {strides = array<i32>} : memref<32768xf32, #tpu.memory_space<vmem>>, vector<16xf32>,
        %parallel_loop3A_442 = vector.shape_cast %parallel_loop3A_441 : vector<16xf32> to vector<16xf32>
        %parallel_loop3A_443 = vector.shape_cast %parallel_loop3A_435 : vector<16xf32> to vector<16xf32>
        tpu.vector_store %arg7[%parallel_loop3A_440], %parallel_loop3A_443 {strides = array<i32>} : memref<32768xf32, #tpu.memory_space<vmem>>, vector<16xf32>,
        %parallel_loop3A_444 = arith.mulf %parallel_loop3A_409, %sub3A_40 : vector<16xf32>
        %parallel_loop3A_445 = arith.addf %get3A_13, %parallel_loop3A_444 : vector<16xf32>
        %parallel_loop3A_446 = arith.constant 128 : i32
        %parallel_loop3A_447 = arith.muli %parallel_loop3A_413, %parallel_loop3A_446 : i32
        %parallel_loop3A_448 = arith.constant 48 : i32
        %parallel_loop3A_449 = arith.addi %parallel_loop3A_447, %parallel_loop3A_448 : i32
        %parallel_loop3A_450 = arith.index_cast %parallel_loop3A_449 : i32 to index
        %parallel_loop3A_451 = tpu.vector_load %arg7[%parallel_loop3A_450] {strides = array<i32>} : memref<32768xf32, #tpu.memory_space<vmem>>, vector<16xf32>,
        %parallel_loop3A_452 = vector.shape_cast %parallel_loop3A_451 : vector<16xf32> to vector<16xf32>
        %parallel_loop3A_453 = vector.shape_cast %parallel_loop3A_445 : vector<16xf32> to vector<16xf32>
        tpu.vector_store %arg7[%parallel_loop3A_450], %parallel_loop3A_453 {strides = array<i32>} : memref<32768xf32, #tpu.memory_space<vmem>>, vector<16xf32>,
        %parallel_loop3A_454 = arith.mulf %parallel_loop3A_409, %sub3A_44 : vector<16xf32>
        %parallel_loop3A_455 = arith.addf %get3A_16, %parallel_loop3A_454 : vector<16xf32>
        %parallel_loop3A_456 = arith.constant 128 : i32
        %parallel_loop3A_457 = arith.muli %parallel_loop3A_413, %parallel_loop3A_456 : i32
        %parallel_loop3A_458 = arith.constant 64 : i32
        %parallel_loop3A_459 = arith.addi %parallel_loop3A_457, %parallel_loop3A_458 : i32
        %parallel_loop3A_460 = arith.index_cast %parallel_loop3A_459 : i32 to index
        %parallel_loop3A_461 = tpu.vector_load %arg7[%parallel_loop3A_460] {strides = array<i32>} : memref<32768xf32, #tpu.memory_space<vmem>>, vector<16xf32>,
        %parallel_loop3A_462 = vector.shape_cast %parallel_loop3A_461 : vector<16xf32> to vector<16xf32>
        %parallel_loop3A_463 = vector.shape_cast %parallel_loop3A_455 : vector<16xf32> to vector<16xf32>
        tpu.vector_store %arg7[%parallel_loop3A_460], %parallel_loop3A_463 {strides = array<i32>} : memref<32768xf32, #tpu.memory_space<vmem>>, vector<16xf32>,
        %parallel_loop3A_464 = arith.mulf %parallel_loop3A_409, %sub3A_48 : vector<16xf32>
        %parallel_loop3A_465 = arith.addf %get3A_19, %parallel_loop3A_464 : vector<16xf32>
        %parallel_loop3A_466 = arith.constant 128 : i32
        %parallel_loop3A_467 = arith.muli %parallel_loop3A_413, %parallel_loop3A_466 : i32
        %parallel_loop3A_468 = arith.constant 80 : i32
        %parallel_loop3A_469 = arith.addi %parallel_loop3A_467, %parallel_loop3A_468 : i32
        %parallel_loop3A_470 = arith.index_cast %parallel_loop3A_469 : i32 to index
        %parallel_loop3A_471 = tpu.vector_load %arg7[%parallel_loop3A_470] {strides = array<i32>} : memref<32768xf32, #tpu.memory_space<vmem>>, vector<16xf32>,
        %parallel_loop3A_472 = vector.shape_cast %parallel_loop3A_471 : vector<16xf32> to vector<16xf32>
        %parallel_loop3A_473 = vector.shape_cast %parallel_loop3A_465 : vector<16xf32> to vector<16xf32>
        tpu.vector_store %arg7[%parallel_loop3A_470], %parallel_loop3A_473 {strides = array<i32>} : memref<32768xf32, #tpu.memory_space<vmem>>, vector<16xf32>,
        %parallel_loop3A_474 = arith.mulf %parallel_loop3A_409, %sub3A_52 : vector<16xf32>
        %parallel_loop3A_475 = arith.addf %get3A_22, %parallel_loop3A_474 : vector<16xf32>
        %parallel_loop3A_476 = arith.constant 128 : i32
        %parallel_loop3A_477 = arith.muli %parallel_loop3A_413, %parallel_loop3A_476 : i32
        %parallel_loop3A_478 = arith.constant 96 : i32
        %parallel_loop3A_479 = arith.addi %parallel_loop3A_477, %parallel_loop3A_478 : i32
        %parallel_loop3A_480 = arith.index_cast %parallel_loop3A_479 : i32 to index
        %parallel_loop3A_481 = tpu.vector_load %arg7[%parallel_loop3A_480] {strides = array<i32>} : memref<32768xf32, #tpu.memory_space<vmem>>, vector<16xf32>,
        %parallel_loop3A_482 = vector.shape_cast %parallel_loop3A_481 : vector<16xf32> to vector<16xf32>
        %parallel_loop3A_483 = vector.shape_cast %parallel_loop3A_475 : vector<16xf32> to vector<16xf32>
        tpu.vector_store %arg7[%parallel_loop3A_480], %parallel_loop3A_483 {strides = array<i32>} : memref<32768xf32, #tpu.memory_space<vmem>>, vector<16xf32>,
        %parallel_loop3A_484 = arith.mulf %parallel_loop3A_409, %sub3A_56 : vector<16xf32>
        %parallel_loop3A_485 = arith.addf %get3A_25, %parallel_loop3A_484 : vector<16xf32>
        %parallel_loop3A_486 = arith.constant 128 : i32
        %parallel_loop3A_487 = arith.muli %parallel_loop3A_413, %parallel_loop3A_486 : i32
        %parallel_loop3A_488 = arith.constant 112 : i32
        %parallel_loop3A_489 = arith.addi %parallel_loop3A_487, %parallel_loop3A_488 : i32
        %parallel_loop3A_490 = arith.index_cast %parallel_loop3A_489 : i32 to index
        %parallel_loop3A_491 = tpu.vector_load %arg7[%parallel_loop3A_490] {strides = array<i32>} : memref<32768xf32, #tpu.memory_space<vmem>>, vector<16xf32>,
        %parallel_loop3A_492 = vector.shape_cast %parallel_loop3A_491 : vector<16xf32> to vector<16xf32>
        %parallel_loop3A_493 = vector.shape_cast %parallel_loop3A_485 : vector<16xf32> to vector<16xf32>
        tpu.vector_store %arg7[%parallel_loop3A_490], %parallel_loop3A_493 {strides = array<i32>} : memref<32768xf32, #tpu.memory_space<vmem>>, vector<16xf32>,
        %parallel_loop3A_494 = arith.constant 4 : i32
        %parallel_loop3A_495 = vector.broadcast %parallel_loop3A_494 : i32 to vector<16x1xi32>
        %parallel_loop3A_496 = vector.shape_cast %parallel_loop3A_495 : vector<16x1xi32> to vector<16xi32>
        %parallel_loop3A_497 = tpu.dynamic_gather %parallel_loop3A_141[%parallel_loop3A_496] in [0] : vector<16xf32>, vector<16xi32> -> vector<16xf32>
        %parallel_loop3A_498 = arith.constant 16 : i32
        %parallel_loop3A_499 = arith.muli %parallel_loop3A_134, %parallel_loop3A_498 : i32
        %parallel_loop3A_500 = arith.constant 4 : i32
        %parallel_loop3A_501 = arith.addi %parallel_loop3A_499, %parallel_loop3A_500 : i32
        %parallel_loop3A_502 = arith.mulf %parallel_loop3A_497, %sub3A : vector<16xf32>
        %parallel_loop3A_503 = arith.addf %get3A_4, %parallel_loop3A_502 : vector<16xf32>
        %parallel_loop3A_504 = arith.constant 128 : i32
        %parallel_loop3A_505 = arith.muli %parallel_loop3A_501, %parallel_loop3A_504 : i32
        %parallel_loop3A_506 = arith.constant 0 : i32
        %parallel_loop3A_507 = arith.addi %parallel_loop3A_505, %parallel_loop3A_506 : i32
        %parallel_loop3A_508 = arith.index_cast %parallel_loop3A_507 : i32 to index
        %parallel_loop3A_509 = tpu.vector_load %arg7[%parallel_loop3A_508] {strides = array<i32>} : memref<32768xf32, #tpu.memory_space<vmem>>, vector<16xf32>,
        %parallel_loop3A_510 = vector.shape_cast %parallel_loop3A_509 : vector<16xf32> to vector<16xf32>
        %parallel_loop3A_511 = vector.shape_cast %parallel_loop3A_503 : vector<16xf32> to vector<16xf32>
        tpu.vector_store %arg7[%parallel_loop3A_508], %parallel_loop3A_511 {strides = array<i32>} : memref<32768xf32, #tpu.memory_space<vmem>>, vector<16xf32>,
        %parallel_loop3A_512 = arith.mulf %parallel_loop3A_497, %sub3A_32 : vector<16xf32>
        %parallel_loop3A_513 = arith.addf %get3A_7, %parallel_loop3A_512 : vector<16xf32>
        %parallel_loop3A_514 = arith.constant 128 : i32
        %parallel_loop3A_515 = arith.muli %parallel_loop3A_501, %parallel_loop3A_514 : i32
        %parallel_loop3A_516 = arith.constant 16 : i32
        %parallel_loop3A_517 = arith.addi %parallel_loop3A_515, %parallel_loop3A_516 : i32
        %parallel_loop3A_518 = arith.index_cast %parallel_loop3A_517 : i32 to index
        %parallel_loop3A_519 = tpu.vector_load %arg7[%parallel_loop3A_518] {strides = array<i32>} : memref<32768xf32, #tpu.memory_space<vmem>>, vector<16xf32>,
        %parallel_loop3A_520 = vector.shape_cast %parallel_loop3A_519 : vector<16xf32> to vector<16xf32>
        %parallel_loop3A_521 = vector.shape_cast %parallel_loop3A_513 : vector<16xf32> to vector<16xf32>
        tpu.vector_store %arg7[%parallel_loop3A_518], %parallel_loop3A_521 {strides = array<i32>} : memref<32768xf32, #tpu.memory_space<vmem>>, vector<16xf32>,
        %parallel_loop3A_522 = arith.mulf %parallel_loop3A_497, %sub3A_36 : vector<16xf32>
        %parallel_loop3A_523 = arith.addf %get3A_10, %parallel_loop3A_522 : vector<16xf32>
        %parallel_loop3A_524 = arith.constant 128 : i32
        %parallel_loop3A_525 = arith.muli %parallel_loop3A_501, %parallel_loop3A_524 : i32
        %parallel_loop3A_526 = arith.constant 32 : i32
        %parallel_loop3A_527 = arith.addi %parallel_loop3A_525, %parallel_loop3A_526 : i32
        %parallel_loop3A_528 = arith.index_cast %parallel_loop3A_527 : i32 to index
        %parallel_loop3A_529 = tpu.vector_load %arg7[%parallel_loop3A_528] {strides = array<i32>} : memref<32768xf32, #tpu.memory_space<vmem>>, vector<16xf32>,
        %parallel_loop3A_530 = vector.shape_cast %parallel_loop3A_529 : vector<16xf32> to vector<16xf32>
        %parallel_loop3A_531 = vector.shape_cast %parallel_loop3A_523 : vector<16xf32> to vector<16xf32>
        tpu.vector_store %arg7[%parallel_loop3A_528], %parallel_loop3A_531 {strides = array<i32>} : memref<32768xf32, #tpu.memory_space<vmem>>, vector<16xf32>,
        %parallel_loop3A_532 = arith.mulf %parallel_loop3A_497, %sub3A_40 : vector<16xf32>
        %parallel_loop3A_533 = arith.addf %get3A_13, %parallel_loop3A_532 : vector<16xf32>
        %parallel_loop3A_534 = arith.constant 128 : i32
        %parallel_loop3A_535 = arith.muli %parallel_loop3A_501, %parallel_loop3A_534 : i32
        %parallel_loop3A_536 = arith.constant 48 : i32
        %parallel_loop3A_537 = arith.addi %parallel_loop3A_535, %parallel_loop3A_536 : i32
        %parallel_loop3A_538 = arith.index_cast %parallel_loop3A_537 : i32 to index
        %parallel_loop3A_539 = tpu.vector_load %arg7[%parallel_loop3A_538] {strides = array<i32>} : memref<32768xf32, #tpu.memory_space<vmem>>, vector<16xf32>,
        %parallel_loop3A_540 = vector.shape_cast %parallel_loop3A_539 : vector<16xf32> to vector<16xf32>
        %parallel_loop3A_541 = vector.shape_cast %parallel_loop3A_533 : vector<16xf32> to vector<16xf32>
        tpu.vector_store %arg7[%parallel_loop3A_538], %parallel_loop3A_541 {strides = array<i32>} : memref<32768xf32, #tpu.memory_space<vmem>>, vector<16xf32>,
        %parallel_loop3A_542 = arith.mulf %parallel_loop3A_497, %sub3A_44 : vector<16xf32>
        %parallel_loop3A_543 = arith.addf %get3A_16, %parallel_loop3A_542 : vector<16xf32>
        %parallel_loop3A_544 = arith.constant 128 : i32
        %parallel_loop3A_545 = arith.muli %parallel_loop3A_501, %parallel_loop3A_544 : i32
        %parallel_loop3A_546 = arith.constant 64 : i32
        %parallel_loop3A_547 = arith.addi %parallel_loop3A_545, %parallel_loop3A_546 : i32
        %parallel_loop3A_548 = arith.index_cast %parallel_loop3A_547 : i32 to index
        %parallel_loop3A_549 = tpu.vector_load %arg7[%parallel_loop3A_548] {strides = array<i32>} : memref<32768xf32, #tpu.memory_space<vmem>>, vector<16xf32>,
        %parallel_loop3A_550 = vector.shape_cast %parallel_loop3A_549 : vector<16xf32> to vector<16xf32>
        %parallel_loop3A_551 = vector.shape_cast %parallel_loop3A_543 : vector<16xf32> to vector<16xf32>
        tpu.vector_store %arg7[%parallel_loop3A_548], %parallel_loop3A_551 {strides = array<i32>} : memref<32768xf32, #tpu.memory_space<vmem>>, vector<16xf32>,
        %parallel_loop3A_552 = arith.mulf %parallel_loop3A_497, %sub3A_48 : vector<16xf32>
        %parallel_loop3A_553 = arith.addf %get3A_19, %parallel_loop3A_552 : vector<16xf32>
        %parallel_loop3A_554 = arith.constant 128 : i32
        %parallel_loop3A_555 = arith.muli %parallel_loop3A_501, %parallel_loop3A_554 : i32
        %parallel_loop3A_556 = arith.constant 80 : i32
        %parallel_loop3A_557 = arith.addi %parallel_loop3A_555, %parallel_loop3A_556 : i32
        %parallel_loop3A_558 = arith.index_cast %parallel_loop3A_557 : i32 to index
        %parallel_loop3A_559 = tpu.vector_load %arg7[%parallel_loop3A_558] {strides = array<i32>} : memref<32768xf32, #tpu.memory_space<vmem>>, vector<16xf32>,
        %parallel_loop3A_560 = vector.shape_cast %parallel_loop3A_559 : vector<16xf32> to vector<16xf32>
        %parallel_loop3A_561 = vector.shape_cast %parallel_loop3A_553 : vector<16xf32> to vector<16xf32>
        tpu.vector_store %arg7[%parallel_loop3A_558], %parallel_loop3A_561 {strides = array<i32>} : memref<32768xf32, #tpu.memory_space<vmem>>, vector<16xf32>,
        %parallel_loop3A_562 = arith.mulf %parallel_loop3A_497, %sub3A_52 : vector<16xf32>
        %parallel_loop3A_563 = arith.addf %get3A_22, %parallel_loop3A_562 : vector<16xf32>
        %parallel_loop3A_564 = arith.constant 128 : i32
        %parallel_loop3A_565 = arith.muli %parallel_loop3A_501, %parallel_loop3A_564 : i32
        %parallel_loop3A_566 = arith.constant 96 : i32
        %parallel_loop3A_567 = arith.addi %parallel_loop3A_565, %parallel_loop3A_566 : i32
        %parallel_loop3A_568 = arith.index_cast %parallel_loop3A_567 : i32 to index
        %parallel_loop3A_569 = tpu.vector_load %arg7[%parallel_loop3A_568] {strides = array<i32>} : memref<32768xf32, #tpu.memory_space<vmem>>, vector<16xf32>,
        %parallel_loop3A_570 = vector.shape_cast %parallel_loop3A_569 : vector<16xf32> to vector<16xf32>
        %parallel_loop3A_571 = vector.shape_cast %parallel_loop3A_563 : vector<16xf32> to vector<16xf32>
        tpu.vector_store %arg7[%parallel_loop3A_568], %parallel_loop3A_571 {strides = array<i32>} : memref<32768xf32, #tpu.memory_space<vmem>>, vector<16xf32>,
        %parallel_loop3A_572 = arith.mulf %parallel_loop3A_497, %sub3A_56 : vector<16xf32>
        %parallel_loop3A_573 = arith.addf %get3A_25, %parallel_loop3A_572 : vector<16xf32>
        %parallel_loop3A_574 = arith.constant 128 : i32
        %parallel_loop3A_575 = arith.muli %parallel_loop3A_501, %parallel_loop3A_574 : i32
        %parallel_loop3A_576 = arith.constant 112 : i32
        %parallel_loop3A_577 = arith.addi %parallel_loop3A_575, %parallel_loop3A_576 : i32
        %parallel_loop3A_578 = arith.index_cast %parallel_loop3A_577 : i32 to index
        %parallel_loop3A_579 = tpu.vector_load %arg7[%parallel_loop3A_578] {strides = array<i32>} : memref<32768xf32, #tpu.memory_space<vmem>>, vector<16xf32>,
        %parallel_loop3A_580 = vector.shape_cast %parallel_loop3A_579 : vector<16xf32> to vector<16xf32>
        %parallel_loop3A_581 = vector.shape_cast %parallel_loop3A_573 : vector<16xf32> to vector<16xf32>
        tpu.vector_store %arg7[%parallel_loop3A_578], %parallel_loop3A_581 {strides = array<i32>} : memref<32768xf32, #tpu.memory_space<vmem>>, vector<16xf32>,
        %parallel_loop3A_582 = arith.constant 5 : i32
        %parallel_loop3A_583 = vector.broadcast %parallel_loop3A_582 : i32 to vector<16x1xi32>
        %parallel_loop3A_584 = vector.shape_cast %parallel_loop3A_583 : vector<16x1xi32> to vector<16xi32>
        %parallel_loop3A_585 = tpu.dynamic_gather %parallel_loop3A_141[%parallel_loop3A_584] in [0] : vector<16xf32>, vector<16xi32> -> vector<16xf32>
        %parallel_loop3A_586 = arith.constant 16 : i32
        %parallel_loop3A_587 = arith.muli %parallel_loop3A_134, %parallel_loop3A_586 : i32
        %parallel_loop3A_588 = arith.constant 5 : i32
        %parallel_loop3A_589 = arith.addi %parallel_loop3A_587, %parallel_loop3A_588 : i32
        %parallel_loop3A_590 = arith.mulf %parallel_loop3A_585, %sub3A : vector<16xf32>
        %parallel_loop3A_591 = arith.addf %get3A_4, %parallel_loop3A_590 : vector<16xf32>
        %parallel_loop3A_592 = arith.constant 128 : i32
        %parallel_loop3A_593 = arith.muli %parallel_loop3A_589, %parallel_loop3A_592 : i32
        %parallel_loop3A_594 = arith.constant 0 : i32
        %parallel_loop3A_595 = arith.addi %parallel_loop3A_593, %parallel_loop3A_594 : i32
        %parallel_loop3A_596 = arith.index_cast %parallel_loop3A_595 : i32 to index
        %parallel_loop3A_597 = tpu.vector_load %arg7[%parallel_loop3A_596] {strides = array<i32>} : memref<32768xf32, #tpu.memory_space<vmem>>, vector<16xf32>,
        %parallel_loop3A_598 = vector.shape_cast %parallel_loop3A_597 : vector<16xf32> to vector<16xf32>
        %parallel_loop3A_599 = vector.shape_cast %parallel_loop3A_591 : vector<16xf32> to vector<16xf32>
        tpu.vector_store %arg7[%parallel_loop3A_596], %parallel_loop3A_599 {strides = array<i32>} : memref<32768xf32, #tpu.memory_space<vmem>>, vector<16xf32>,
        %parallel_loop3A_600 = arith.mulf %parallel_loop3A_585, %sub3A_32 : vector<16xf32>
        %parallel_loop3A_601 = arith.addf %get3A_7, %parallel_loop3A_600 : vector<16xf32>
        %parallel_loop3A_602 = arith.constant 128 : i32
        %parallel_loop3A_603 = arith.muli %parallel_loop3A_589, %parallel_loop3A_602 : i32
        %parallel_loop3A_604 = arith.constant 16 : i32
        %parallel_loop3A_605 = arith.addi %parallel_loop3A_603, %parallel_loop3A_604 : i32
        %parallel_loop3A_606 = arith.index_cast %parallel_loop3A_605 : i32 to index
        %parallel_loop3A_607 = tpu.vector_load %arg7[%parallel_loop3A_606] {strides = array<i32>} : memref<32768xf32, #tpu.memory_space<vmem>>, vector<16xf32>,
        %parallel_loop3A_608 = vector.shape_cast %parallel_loop3A_607 : vector<16xf32> to vector<16xf32>
        %parallel_loop3A_609 = vector.shape_cast %parallel_loop3A_601 : vector<16xf32> to vector<16xf32>
        tpu.vector_store %arg7[%parallel_loop3A_606], %parallel_loop3A_609 {strides = array<i32>} : memref<32768xf32, #tpu.memory_space<vmem>>, vector<16xf32>,
        %parallel_loop3A_610 = arith.mulf %parallel_loop3A_585, %sub3A_36 : vector<16xf32>
        %parallel_loop3A_611 = arith.addf %get3A_10, %parallel_loop3A_610 : vector<16xf32>
        %parallel_loop3A_612 = arith.constant 128 : i32
        %parallel_loop3A_613 = arith.muli %parallel_loop3A_589, %parallel_loop3A_612 : i32
        %parallel_loop3A_614 = arith.constant 32 : i32
        %parallel_loop3A_615 = arith.addi %parallel_loop3A_613, %parallel_loop3A_614 : i32
        %parallel_loop3A_616 = arith.index_cast %parallel_loop3A_615 : i32 to index
        %parallel_loop3A_617 = tpu.vector_load %arg7[%parallel_loop3A_616] {strides = array<i32>} : memref<32768xf32, #tpu.memory_space<vmem>>, vector<16xf32>,
        %parallel_loop3A_618 = vector.shape_cast %parallel_loop3A_617 : vector<16xf32> to vector<16xf32>
        %parallel_loop3A_619 = vector.shape_cast %parallel_loop3A_611 : vector<16xf32> to vector<16xf32>
        tpu.vector_store %arg7[%parallel_loop3A_616], %parallel_loop3A_619 {strides = array<i32>} : memref<32768xf32, #tpu.memory_space<vmem>>, vector<16xf32>,
        %parallel_loop3A_620 = arith.mulf %parallel_loop3A_585, %sub3A_40 : vector<16xf32>
        %parallel_loop3A_621 = arith.addf %get3A_13, %parallel_loop3A_620 : vector<16xf32>
        %parallel_loop3A_622 = arith.constant 128 : i32
        %parallel_loop3A_623 = arith.muli %parallel_loop3A_589, %parallel_loop3A_622 : i32
        %parallel_loop3A_624 = arith.constant 48 : i32
        %parallel_loop3A_625 = arith.addi %parallel_loop3A_623, %parallel_loop3A_624 : i32
        %parallel_loop3A_626 = arith.index_cast %parallel_loop3A_625 : i32 to index
        %parallel_loop3A_627 = tpu.vector_load %arg7[%parallel_loop3A_626] {strides = array<i32>} : memref<32768xf32, #tpu.memory_space<vmem>>, vector<16xf32>,
        %parallel_loop3A_628 = vector.shape_cast %parallel_loop3A_627 : vector<16xf32> to vector<16xf32>
        %parallel_loop3A_629 = vector.shape_cast %parallel_loop3A_621 : vector<16xf32> to vector<16xf32>
        tpu.vector_store %arg7[%parallel_loop3A_626], %parallel_loop3A_629 {strides = array<i32>} : memref<32768xf32, #tpu.memory_space<vmem>>, vector<16xf32>,
        %parallel_loop3A_630 = arith.mulf %parallel_loop3A_585, %sub3A_44 : vector<16xf32>
        %parallel_loop3A_631 = arith.addf %get3A_16, %parallel_loop3A_630 : vector<16xf32>
        %parallel_loop3A_632 = arith.constant 128 : i32
        %parallel_loop3A_633 = arith.muli %parallel_loop3A_589, %parallel_loop3A_632 : i32
        %parallel_loop3A_634 = arith.constant 64 : i32
        %parallel_loop3A_635 = arith.addi %parallel_loop3A_633, %parallel_loop3A_634 : i32
        %parallel_loop3A_636 = arith.index_cast %parallel_loop3A_635 : i32 to index
        %parallel_loop3A_637 = tpu.vector_load %arg7[%parallel_loop3A_636] {strides = array<i32>} : memref<32768xf32, #tpu.memory_space<vmem>>, vector<16xf32>,
        %parallel_loop3A_638 = vector.shape_cast %parallel_loop3A_637 : vector<16xf32> to vector<16xf32>
        %parallel_loop3A_639 = vector.shape_cast %parallel_loop3A_631 : vector<16xf32> to vector<16xf32>
        tpu.vector_store %arg7[%parallel_loop3A_636], %parallel_loop3A_639 {strides = array<i32>} : memref<32768xf32, #tpu.memory_space<vmem>>, vector<16xf32>,
        %parallel_loop3A_640 = arith.mulf %parallel_loop3A_585, %sub3A_48 : vector<16xf32>
        %parallel_loop3A_641 = arith.addf %get3A_19, %parallel_loop3A_640 : vector<16xf32>
        %parallel_loop3A_642 = arith.constant 128 : i32
        %parallel_loop3A_643 = arith.muli %parallel_loop3A_589, %parallel_loop3A_642 : i32
        %parallel_loop3A_644 = arith.constant 80 : i32
        %parallel_loop3A_645 = arith.addi %parallel_loop3A_643, %parallel_loop3A_644 : i32
        %parallel_loop3A_646 = arith.index_cast %parallel_loop3A_645 : i32 to index
        %parallel_loop3A_647 = tpu.vector_load %arg7[%parallel_loop3A_646] {strides = array<i32>} : memref<32768xf32, #tpu.memory_space<vmem>>, vector<16xf32>,
        %parallel_loop3A_648 = vector.shape_cast %parallel_loop3A_647 : vector<16xf32> to vector<16xf32>
        %parallel_loop3A_649 = vector.shape_cast %parallel_loop3A_641 : vector<16xf32> to vector<16xf32>
        tpu.vector_store %arg7[%parallel_loop3A_646], %parallel_loop3A_649 {strides = array<i32>} : memref<32768xf32, #tpu.memory_space<vmem>>, vector<16xf32>,
        %parallel_loop3A_650 = arith.mulf %parallel_loop3A_585, %sub3A_52 : vector<16xf32>
        %parallel_loop3A_651 = arith.addf %get3A_22, %parallel_loop3A_650 : vector<16xf32>
        %parallel_loop3A_652 = arith.constant 128 : i32
        %parallel_loop3A_653 = arith.muli %parallel_loop3A_589, %parallel_loop3A_652 : i32
        %parallel_loop3A_654 = arith.constant 96 : i32
        %parallel_loop3A_655 = arith.addi %parallel_loop3A_653, %parallel_loop3A_654 : i32
        %parallel_loop3A_656 = arith.index_cast %parallel_loop3A_655 : i32 to index
        %parallel_loop3A_657 = tpu.vector_load %arg7[%parallel_loop3A_656] {strides = array<i32>} : memref<32768xf32, #tpu.memory_space<vmem>>, vector<16xf32>,
        %parallel_loop3A_658 = vector.shape_cast %parallel_loop3A_657 : vector<16xf32> to vector<16xf32>
        %parallel_loop3A_659 = vector.shape_cast %parallel_loop3A_651 : vector<16xf32> to vector<16xf32>
        tpu.vector_store %arg7[%parallel_loop3A_656], %parallel_loop3A_659 {strides = array<i32>} : memref<32768xf32, #tpu.memory_space<vmem>>, vector<16xf32>,
        %parallel_loop3A_660 = arith.mulf %parallel_loop3A_585, %sub3A_56 : vector<16xf32>
        %parallel_loop3A_661 = arith.addf %get3A_25, %parallel_loop3A_660 : vector<16xf32>
        %parallel_loop3A_662 = arith.constant 128 : i32
        %parallel_loop3A_663 = arith.muli %parallel_loop3A_589, %parallel_loop3A_662 : i32
        %parallel_loop3A_664 = arith.constant 112 : i32
        %parallel_loop3A_665 = arith.addi %parallel_loop3A_663, %parallel_loop3A_664 : i32
        %parallel_loop3A_666 = arith.index_cast %parallel_loop3A_665 : i32 to index
        %parallel_loop3A_667 = tpu.vector_load %arg7[%parallel_loop3A_666] {strides = array<i32>} : memref<32768xf32, #tpu.memory_space<vmem>>, vector<16xf32>,
        %parallel_loop3A_668 = vector.shape_cast %parallel_loop3A_667 : vector<16xf32> to vector<16xf32>
        %parallel_loop3A_669 = vector.shape_cast %parallel_loop3A_661 : vector<16xf32> to vector<16xf32>
        tpu.vector_store %arg7[%parallel_loop3A_666], %parallel_loop3A_669 {strides = array<i32>} : memref<32768xf32, #tpu.memory_space<vmem>>, vector<16xf32>,
        %parallel_loop3A_670 = arith.constant 6 : i32
        %parallel_loop3A_671 = vector.broadcast %parallel_loop3A_670 : i32 to vector<16x1xi32>
        %parallel_loop3A_672 = vector.shape_cast %parallel_loop3A_671 : vector<16x1xi32> to vector<16xi32>
        %parallel_loop3A_673 = tpu.dynamic_gather %parallel_loop3A_141[%parallel_loop3A_672] in [0] : vector<16xf32>, vector<16xi32> -> vector<16xf32>
        %parallel_loop3A_674 = arith.constant 16 : i32
        %parallel_loop3A_675 = arith.muli %parallel_loop3A_134, %parallel_loop3A_674 : i32
        %parallel_loop3A_676 = arith.constant 6 : i32
        %parallel_loop3A_677 = arith.addi %parallel_loop3A_675, %parallel_loop3A_676 : i32
        %parallel_loop3A_678 = arith.mulf %parallel_loop3A_673, %sub3A : vector<16xf32>
        %parallel_loop3A_679 = arith.addf %get3A_4, %parallel_loop3A_678 : vector<16xf32>
        %parallel_loop3A_680 = arith.constant 128 : i32
        %parallel_loop3A_681 = arith.muli %parallel_loop3A_677, %parallel_loop3A_680 : i32
        %parallel_loop3A_682 = arith.constant 0 : i32
        %parallel_loop3A_683 = arith.addi %parallel_loop3A_681, %parallel_loop3A_682 : i32
        %parallel_loop3A_684 = arith.index_cast %parallel_loop3A_683 : i32 to index
        %parallel_loop3A_685 = tpu.vector_load %arg7[%parallel_loop3A_684] {strides = array<i32>} : memref<32768xf32, #tpu.memory_space<vmem>>, vector<16xf32>,
        %parallel_loop3A_686 = vector.shape_cast %parallel_loop3A_685 : vector<16xf32> to vector<16xf32>
        %parallel_loop3A_687 = vector.shape_cast %parallel_loop3A_679 : vector<16xf32> to vector<16xf32>
        tpu.vector_store %arg7[%parallel_loop3A_684], %parallel_loop3A_687 {strides = array<i32>} : memref<32768xf32, #tpu.memory_space<vmem>>, vector<16xf32>,
        %parallel_loop3A_688 = arith.mulf %parallel_loop3A_673, %sub3A_32 : vector<16xf32>
        %parallel_loop3A_689 = arith.addf %get3A_7, %parallel_loop3A_688 : vector<16xf32>
        %parallel_loop3A_690 = arith.constant 128 : i32
        %parallel_loop3A_691 = arith.muli %parallel_loop3A_677, %parallel_loop3A_690 : i32
        %parallel_loop3A_692 = arith.constant 16 : i32
        %parallel_loop3A_693 = arith.addi %parallel_loop3A_691, %parallel_loop3A_692 : i32
        %parallel_loop3A_694 = arith.index_cast %parallel_loop3A_693 : i32 to index
        %parallel_loop3A_695 = tpu.vector_load %arg7[%parallel_loop3A_694] {strides = array<i32>} : memref<32768xf32, #tpu.memory_space<vmem>>, vector<16xf32>,
        %parallel_loop3A_696 = vector.shape_cast %parallel_loop3A_695 : vector<16xf32> to vector<16xf32>
        %parallel_loop3A_697 = vector.shape_cast %parallel_loop3A_689 : vector<16xf32> to vector<16xf32>
        tpu.vector_store %arg7[%parallel_loop3A_694], %parallel_loop3A_697 {strides = array<i32>} : memref<32768xf32, #tpu.memory_space<vmem>>, vector<16xf32>,
        %parallel_loop3A_698 = arith.mulf %parallel_loop3A_673, %sub3A_36 : vector<16xf32>
        %parallel_loop3A_699 = arith.addf %get3A_10, %parallel_loop3A_698 : vector<16xf32>
        %parallel_loop3A_700 = arith.constant 128 : i32
        %parallel_loop3A_701 = arith.muli %parallel_loop3A_677, %parallel_loop3A_700 : i32
        %parallel_loop3A_702 = arith.constant 32 : i32
        %parallel_loop3A_703 = arith.addi %parallel_loop3A_701, %parallel_loop3A_702 : i32
        %parallel_loop3A_704 = arith.index_cast %parallel_loop3A_703 : i32 to index
        %parallel_loop3A_705 = tpu.vector_load %arg7[%parallel_loop3A_704] {strides = array<i32>} : memref<32768xf32, #tpu.memory_space<vmem>>, vector<16xf32>,
        %parallel_loop3A_706 = vector.shape_cast %parallel_loop3A_705 : vector<16xf32> to vector<16xf32>
        %parallel_loop3A_707 = vector.shape_cast %parallel_loop3A_699 : vector<16xf32> to vector<16xf32>
        tpu.vector_store %arg7[%parallel_loop3A_704], %parallel_loop3A_707 {strides = array<i32>} : memref<32768xf32, #tpu.memory_space<vmem>>, vector<16xf32>,
        %parallel_loop3A_708 = arith.mulf %parallel_loop3A_673, %sub3A_40 : vector<16xf32>
        %parallel_loop3A_709 = arith.addf %get3A_13, %parallel_loop3A_708 : vector<16xf32>
        %parallel_loop3A_710 = arith.constant 128 : i32
        %parallel_loop3A_711 = arith.muli %parallel_loop3A_677, %parallel_loop3A_710 : i32
        %parallel_loop3A_712 = arith.constant 48 : i32
        %parallel_loop3A_713 = arith.addi %parallel_loop3A_711, %parallel_loop3A_712 : i32
        %parallel_loop3A_714 = arith.index_cast %parallel_loop3A_713 : i32 to index
        %parallel_loop3A_715 = tpu.vector_load %arg7[%parallel_loop3A_714] {strides = array<i32>} : memref<32768xf32, #tpu.memory_space<vmem>>, vector<16xf32>,
        %parallel_loop3A_716 = vector.shape_cast %parallel_loop3A_715 : vector<16xf32> to vector<16xf32>
        %parallel_loop3A_717 = vector.shape_cast %parallel_loop3A_709 : vector<16xf32> to vector<16xf32>
        tpu.vector_store %arg7[%parallel_loop3A_714], %parallel_loop3A_717 {strides = array<i32>} : memref<32768xf32, #tpu.memory_space<vmem>>, vector<16xf32>,
        %parallel_loop3A_718 = arith.mulf %parallel_loop3A_673, %sub3A_44 : vector<16xf32>
        %parallel_loop3A_719 = arith.addf %get3A_16, %parallel_loop3A_718 : vector<16xf32>
        %parallel_loop3A_720 = arith.constant 128 : i32
        %parallel_loop3A_721 = arith.muli %parallel_loop3A_677, %parallel_loop3A_720 : i32
        %parallel_loop3A_722 = arith.constant 64 : i32
        %parallel_loop3A_723 = arith.addi %parallel_loop3A_721, %parallel_loop3A_722 : i32
        %parallel_loop3A_724 = arith.index_cast %parallel_loop3A_723 : i32 to index
        %parallel_loop3A_725 = tpu.vector_load %arg7[%parallel_loop3A_724] {strides = array<i32>} : memref<32768xf32, #tpu.memory_space<vmem>>, vector<16xf32>,
        %parallel_loop3A_726 = vector.shape_cast %parallel_loop3A_725 : vector<16xf32> to vector<16xf32>
        %parallel_loop3A_727 = vector.shape_cast %parallel_loop3A_719 : vector<16xf32> to vector<16xf32>
        tpu.vector_store %arg7[%parallel_loop3A_724], %parallel_loop3A_727 {strides = array<i32>} : memref<32768xf32, #tpu.memory_space<vmem>>, vector<16xf32>,
        %parallel_loop3A_728 = arith.mulf %parallel_loop3A_673, %sub3A_48 : vector<16xf32>
        %parallel_loop3A_729 = arith.addf %get3A_19, %parallel_loop3A_728 : vector<16xf32>
        %parallel_loop3A_730 = arith.constant 128 : i32
        %parallel_loop3A_731 = arith.muli %parallel_loop3A_677, %parallel_loop3A_730 : i32
        %parallel_loop3A_732 = arith.constant 80 : i32
        %parallel_loop3A_733 = arith.addi %parallel_loop3A_731, %parallel_loop3A_732 : i32
        %parallel_loop3A_734 = arith.index_cast %parallel_loop3A_733 : i32 to index
        %parallel_loop3A_735 = tpu.vector_load %arg7[%parallel_loop3A_734] {strides = array<i32>} : memref<32768xf32, #tpu.memory_space<vmem>>, vector<16xf32>,
        %parallel_loop3A_736 = vector.shape_cast %parallel_loop3A_735 : vector<16xf32> to vector<16xf32>
        %parallel_loop3A_737 = vector.shape_cast %parallel_loop3A_729 : vector<16xf32> to vector<16xf32>
        tpu.vector_store %arg7[%parallel_loop3A_734], %parallel_loop3A_737 {strides = array<i32>} : memref<32768xf32, #tpu.memory_space<vmem>>, vector<16xf32>,
        %parallel_loop3A_738 = arith.mulf %parallel_loop3A_673, %sub3A_52 : vector<16xf32>
        %parallel_loop3A_739 = arith.addf %get3A_22, %parallel_loop3A_738 : vector<16xf32>
        %parallel_loop3A_740 = arith.constant 128 : i32
        %parallel_loop3A_741 = arith.muli %parallel_loop3A_677, %parallel_loop3A_740 : i32
        %parallel_loop3A_742 = arith.constant 96 : i32
        %parallel_loop3A_743 = arith.addi %parallel_loop3A_741, %parallel_loop3A_742 : i32
        %parallel_loop3A_744 = arith.index_cast %parallel_loop3A_743 : i32 to index
        %parallel_loop3A_745 = tpu.vector_load %arg7[%parallel_loop3A_744] {strides = array<i32>} : memref<32768xf32, #tpu.memory_space<vmem>>, vector<16xf32>,
        %parallel_loop3A_746 = vector.shape_cast %parallel_loop3A_745 : vector<16xf32> to vector<16xf32>
        %parallel_loop3A_747 = vector.shape_cast %parallel_loop3A_739 : vector<16xf32> to vector<16xf32>
        tpu.vector_store %arg7[%parallel_loop3A_744], %parallel_loop3A_747 {strides = array<i32>} : memref<32768xf32, #tpu.memory_space<vmem>>, vector<16xf32>,
        %parallel_loop3A_748 = arith.mulf %parallel_loop3A_673, %sub3A_56 : vector<16xf32>
        %parallel_loop3A_749 = arith.addf %get3A_25, %parallel_loop3A_748 : vector<16xf32>
        %parallel_loop3A_750 = arith.constant 128 : i32
        %parallel_loop3A_751 = arith.muli %parallel_loop3A_677, %parallel_loop3A_750 : i32
        %parallel_loop3A_752 = arith.constant 112 : i32
        %parallel_loop3A_753 = arith.addi %parallel_loop3A_751, %parallel_loop3A_752 : i32
        %parallel_loop3A_754 = arith.index_cast %parallel_loop3A_753 : i32 to index
        %parallel_loop3A_755 = tpu.vector_load %arg7[%parallel_loop3A_754] {strides = array<i32>} : memref<32768xf32, #tpu.memory_space<vmem>>, vector<16xf32>,
        %parallel_loop3A_756 = vector.shape_cast %parallel_loop3A_755 : vector<16xf32> to vector<16xf32>
        %parallel_loop3A_757 = vector.shape_cast %parallel_loop3A_749 : vector<16xf32> to vector<16xf32>
        tpu.vector_store %arg7[%parallel_loop3A_754], %parallel_loop3A_757 {strides = array<i32>} : memref<32768xf32, #tpu.memory_space<vmem>>, vector<16xf32>,
        %parallel_loop3A_758 = arith.constant 7 : i32
        %parallel_loop3A_759 = vector.broadcast %parallel_loop3A_758 : i32 to vector<16x1xi32>
        %parallel_loop3A_760 = vector.shape_cast %parallel_loop3A_759 : vector<16x1xi32> to vector<16xi32>
        %parallel_loop3A_761 = tpu.dynamic_gather %parallel_loop3A_141[%parallel_loop3A_760] in [0] : vector<16xf32>, vector<16xi32> -> vector<16xf32>
        %parallel_loop3A_762 = arith.constant 16 : i32
        %parallel_loop3A_763 = arith.muli %parallel_loop3A_134, %parallel_loop3A_762 : i32
        %parallel_loop3A_764 = arith.constant 7 : i32
        %parallel_loop3A_765 = arith.addi %parallel_loop3A_763, %parallel_loop3A_764 : i32
        %parallel_loop3A_766 = arith.mulf %parallel_loop3A_761, %sub3A : vector<16xf32>
        %parallel_loop3A_767 = arith.addf %get3A_4, %parallel_loop3A_766 : vector<16xf32>
        %parallel_loop3A_768 = arith.constant 128 : i32
        %parallel_loop3A_769 = arith.muli %parallel_loop3A_765, %parallel_loop3A_768 : i32
        %parallel_loop3A_770 = arith.constant 0 : i32
        %parallel_loop3A_771 = arith.addi %parallel_loop3A_769, %parallel_loop3A_770 : i32
        %parallel_loop3A_772 = arith.index_cast %parallel_loop3A_771 : i32 to index
        %parallel_loop3A_773 = tpu.vector_load %arg7[%parallel_loop3A_772] {strides = array<i32>} : memref<32768xf32, #tpu.memory_space<vmem>>, vector<16xf32>,
        %parallel_loop3A_774 = vector.shape_cast %parallel_loop3A_773 : vector<16xf32> to vector<16xf32>
        %parallel_loop3A_775 = vector.shape_cast %parallel_loop3A_767 : vector<16xf32> to vector<16xf32>
        tpu.vector_store %arg7[%parallel_loop3A_772], %parallel_loop3A_775 {strides = array<i32>} : memref<32768xf32, #tpu.memory_space<vmem>>, vector<16xf32>,
        %parallel_loop3A_776 = arith.mulf %parallel_loop3A_761, %sub3A_32 : vector<16xf32>
        %parallel_loop3A_777 = arith.addf %get3A_7, %parallel_loop3A_776 : vector<16xf32>
        %parallel_loop3A_778 = arith.constant 128 : i32
        %parallel_loop3A_779 = arith.muli %parallel_loop3A_765, %parallel_loop3A_778 : i32
        %parallel_loop3A_780 = arith.constant 16 : i32
        %parallel_loop3A_781 = arith.addi %parallel_loop3A_779, %parallel_loop3A_780 : i32
        %parallel_loop3A_782 = arith.index_cast %parallel_loop3A_781 : i32 to index
        %parallel_loop3A_783 = tpu.vector_load %arg7[%parallel_loop3A_782] {strides = array<i32>} : memref<32768xf32, #tpu.memory_space<vmem>>, vector<16xf32>,
        %parallel_loop3A_784 = vector.shape_cast %parallel_loop3A_783 : vector<16xf32> to vector<16xf32>
        %parallel_loop3A_785 = vector.shape_cast %parallel_loop3A_777 : vector<16xf32> to vector<16xf32>
        tpu.vector_store %arg7[%parallel_loop3A_782], %parallel_loop3A_785 {strides = array<i32>} : memref<32768xf32, #tpu.memory_space<vmem>>, vector<16xf32>,
        %parallel_loop3A_786 = arith.mulf %parallel_loop3A_761, %sub3A_36 : vector<16xf32>
        %parallel_loop3A_787 = arith.addf %get3A_10, %parallel_loop3A_786 : vector<16xf32>
        %parallel_loop3A_788 = arith.constant 128 : i32
        %parallel_loop3A_789 = arith.muli %parallel_loop3A_765, %parallel_loop3A_788 : i32
        %parallel_loop3A_790 = arith.constant 32 : i32
        %parallel_loop3A_791 = arith.addi %parallel_loop3A_789, %parallel_loop3A_790 : i32
        %parallel_loop3A_792 = arith.index_cast %parallel_loop3A_791 : i32 to index
        %parallel_loop3A_793 = tpu.vector_load %arg7[%parallel_loop3A_792] {strides = array<i32>} : memref<32768xf32, #tpu.memory_space<vmem>>, vector<16xf32>,
        %parallel_loop3A_794 = vector.shape_cast %parallel_loop3A_793 : vector<16xf32> to vector<16xf32>
        %parallel_loop3A_795 = vector.shape_cast %parallel_loop3A_787 : vector<16xf32> to vector<16xf32>
        tpu.vector_store %arg7[%parallel_loop3A_792], %parallel_loop3A_795 {strides = array<i32>} : memref<32768xf32, #tpu.memory_space<vmem>>, vector<16xf32>,
        %parallel_loop3A_796 = arith.mulf %parallel_loop3A_761, %sub3A_40 : vector<16xf32>
        %parallel_loop3A_797 = arith.addf %get3A_13, %parallel_loop3A_796 : vector<16xf32>
        %parallel_loop3A_798 = arith.constant 128 : i32
        %parallel_loop3A_799 = arith.muli %parallel_loop3A_765, %parallel_loop3A_798 : i32
        %parallel_loop3A_800 = arith.constant 48 : i32
        %parallel_loop3A_801 = arith.addi %parallel_loop3A_799, %parallel_loop3A_800 : i32
        %parallel_loop3A_802 = arith.index_cast %parallel_loop3A_801 : i32 to index
        %parallel_loop3A_803 = tpu.vector_load %arg7[%parallel_loop3A_802] {strides = array<i32>} : memref<32768xf32, #tpu.memory_space<vmem>>, vector<16xf32>,
        %parallel_loop3A_804 = vector.shape_cast %parallel_loop3A_803 : vector<16xf32> to vector<16xf32>
        %parallel_loop3A_805 = vector.shape_cast %parallel_loop3A_797 : vector<16xf32> to vector<16xf32>
        tpu.vector_store %arg7[%parallel_loop3A_802], %parallel_loop3A_805 {strides = array<i32>} : memref<32768xf32, #tpu.memory_space<vmem>>, vector<16xf32>,
        %parallel_loop3A_806 = arith.mulf %parallel_loop3A_761, %sub3A_44 : vector<16xf32>
        %parallel_loop3A_807 = arith.addf %get3A_16, %parallel_loop3A_806 : vector<16xf32>
        %parallel_loop3A_808 = arith.constant 128 : i32
        %parallel_loop3A_809 = arith.muli %parallel_loop3A_765, %parallel_loop3A_808 : i32
        %parallel_loop3A_810 = arith.constant 64 : i32
        %parallel_loop3A_811 = arith.addi %parallel_loop3A_809, %parallel_loop3A_810 : i32
        %parallel_loop3A_812 = arith.index_cast %parallel_loop3A_811 : i32 to index
        %parallel_loop3A_813 = tpu.vector_load %arg7[%parallel_loop3A_812] {strides = array<i32>} : memref<32768xf32, #tpu.memory_space<vmem>>, vector<16xf32>,
        %parallel_loop3A_814 = vector.shape_cast %parallel_loop3A_813 : vector<16xf32> to vector<16xf32>
        %parallel_loop3A_815 = vector.shape_cast %parallel_loop3A_807 : vector<16xf32> to vector<16xf32>
        tpu.vector_store %arg7[%parallel_loop3A_812], %parallel_loop3A_815 {strides = array<i32>} : memref<32768xf32, #tpu.memory_space<vmem>>, vector<16xf32>,
        %parallel_loop3A_816 = arith.mulf %parallel_loop3A_761, %sub3A_48 : vector<16xf32>
        %parallel_loop3A_817 = arith.addf %get3A_19, %parallel_loop3A_816 : vector<16xf32>
        %parallel_loop3A_818 = arith.constant 128 : i32
        %parallel_loop3A_819 = arith.muli %parallel_loop3A_765, %parallel_loop3A_818 : i32
        %parallel_loop3A_820 = arith.constant 80 : i32
        %parallel_loop3A_821 = arith.addi %parallel_loop3A_819, %parallel_loop3A_820 : i32
        %parallel_loop3A_822 = arith.index_cast %parallel_loop3A_821 : i32 to index
        %parallel_loop3A_823 = tpu.vector_load %arg7[%parallel_loop3A_822] {strides = array<i32>} : memref<32768xf32, #tpu.memory_space<vmem>>, vector<16xf32>,
        %parallel_loop3A_824 = vector.shape_cast %parallel_loop3A_823 : vector<16xf32> to vector<16xf32>
        %parallel_loop3A_825 = vector.shape_cast %parallel_loop3A_817 : vector<16xf32> to vector<16xf32>
        tpu.vector_store %arg7[%parallel_loop3A_822], %parallel_loop3A_825 {strides = array<i32>} : memref<32768xf32, #tpu.memory_space<vmem>>, vector<16xf32>,
        %parallel_loop3A_826 = arith.mulf %parallel_loop3A_761, %sub3A_52 : vector<16xf32>
        %parallel_loop3A_827 = arith.addf %get3A_22, %parallel_loop3A_826 : vector<16xf32>
        %parallel_loop3A_828 = arith.constant 128 : i32
        %parallel_loop3A_829 = arith.muli %parallel_loop3A_765, %parallel_loop3A_828 : i32
        %parallel_loop3A_830 = arith.constant 96 : i32
        %parallel_loop3A_831 = arith.addi %parallel_loop3A_829, %parallel_loop3A_830 : i32
        %parallel_loop3A_832 = arith.index_cast %parallel_loop3A_831 : i32 to index
        %parallel_loop3A_833 = tpu.vector_load %arg7[%parallel_loop3A_832] {strides = array<i32>} : memref<32768xf32, #tpu.memory_space<vmem>>, vector<16xf32>,
        %parallel_loop3A_834 = vector.shape_cast %parallel_loop3A_833 : vector<16xf32> to vector<16xf32>
        %parallel_loop3A_835 = vector.shape_cast %parallel_loop3A_827 : vector<16xf32> to vector<16xf32>
        tpu.vector_store %arg7[%parallel_loop3A_832], %parallel_loop3A_835 {strides = array<i32>} : memref<32768xf32, #tpu.memory_space<vmem>>, vector<16xf32>,
        %parallel_loop3A_836 = arith.mulf %parallel_loop3A_761, %sub3A_56 : vector<16xf32>
        %parallel_loop3A_837 = arith.addf %get3A_25, %parallel_loop3A_836 : vector<16xf32>
        %parallel_loop3A_838 = arith.constant 128 : i32
        %parallel_loop3A_839 = arith.muli %parallel_loop3A_765, %parallel_loop3A_838 : i32
        %parallel_loop3A_840 = arith.constant 112 : i32
        %parallel_loop3A_841 = arith.addi %parallel_loop3A_839, %parallel_loop3A_840 : i32
        %parallel_loop3A_842 = arith.index_cast %parallel_loop3A_841 : i32 to index
        %parallel_loop3A_843 = tpu.vector_load %arg7[%parallel_loop3A_842] {strides = array<i32>} : memref<32768xf32, #tpu.memory_space<vmem>>, vector<16xf32>,
        %parallel_loop3A_844 = vector.shape_cast %parallel_loop3A_843 : vector<16xf32> to vector<16xf32>
        %parallel_loop3A_845 = vector.shape_cast %parallel_loop3A_837 : vector<16xf32> to vector<16xf32>
        tpu.vector_store %arg7[%parallel_loop3A_842], %parallel_loop3A_845 {strides = array<i32>} : memref<32768xf32, #tpu.memory_space<vmem>>, vector<16xf32>,
        %parallel_loop3A_846 = arith.constant 8 : i32
        %parallel_loop3A_847 = vector.broadcast %parallel_loop3A_846 : i32 to vector<16x1xi32>
        %parallel_loop3A_848 = vector.shape_cast %parallel_loop3A_847 : vector<16x1xi32> to vector<16xi32>
        %parallel_loop3A_849 = tpu.dynamic_gather %parallel_loop3A_141[%parallel_loop3A_848] in [0] : vector<16xf32>, vector<16xi32> -> vector<16xf32>
        %parallel_loop3A_850 = arith.constant 16 : i32
        %parallel_loop3A_851 = arith.muli %parallel_loop3A_134, %parallel_loop3A_850 : i32
        %parallel_loop3A_852 = arith.constant 8 : i32
        %parallel_loop3A_853 = arith.addi %parallel_loop3A_851, %parallel_loop3A_852 : i32
        %parallel_loop3A_854 = arith.mulf %parallel_loop3A_849, %sub3A : vector<16xf32>
        %parallel_loop3A_855 = arith.addf %get3A_4, %parallel_loop3A_854 : vector<16xf32>
        %parallel_loop3A_856 = arith.constant 128 : i32
        %parallel_loop3A_857 = arith.muli %parallel_loop3A_853, %parallel_loop3A_856 : i32
        %parallel_loop3A_858 = arith.constant 0 : i32
        %parallel_loop3A_859 = arith.addi %parallel_loop3A_857, %parallel_loop3A_858 : i32
        %parallel_loop3A_860 = arith.index_cast %parallel_loop3A_859 : i32 to index
        %parallel_loop3A_861 = tpu.vector_load %arg7[%parallel_loop3A_860] {strides = array<i32>} : memref<32768xf32, #tpu.memory_space<vmem>>, vector<16xf32>,
        %parallel_loop3A_862 = vector.shape_cast %parallel_loop3A_861 : vector<16xf32> to vector<16xf32>
        %parallel_loop3A_863 = vector.shape_cast %parallel_loop3A_855 : vector<16xf32> to vector<16xf32>
        tpu.vector_store %arg7[%parallel_loop3A_860], %parallel_loop3A_863 {strides = array<i32>} : memref<32768xf32, #tpu.memory_space<vmem>>, vector<16xf32>,
        %parallel_loop3A_864 = arith.mulf %parallel_loop3A_849, %sub3A_32 : vector<16xf32>
        %parallel_loop3A_865 = arith.addf %get3A_7, %parallel_loop3A_864 : vector<16xf32>
        %parallel_loop3A_866 = arith.constant 128 : i32
        %parallel_loop3A_867 = arith.muli %parallel_loop3A_853, %parallel_loop3A_866 : i32
        %parallel_loop3A_868 = arith.constant 16 : i32
        %parallel_loop3A_869 = arith.addi %parallel_loop3A_867, %parallel_loop3A_868 : i32
        %parallel_loop3A_870 = arith.index_cast %parallel_loop3A_869 : i32 to index
        %parallel_loop3A_871 = tpu.vector_load %arg7[%parallel_loop3A_870] {strides = array<i32>} : memref<32768xf32, #tpu.memory_space<vmem>>, vector<16xf32>,
        %parallel_loop3A_872 = vector.shape_cast %parallel_loop3A_871 : vector<16xf32> to vector<16xf32>
        %parallel_loop3A_873 = vector.shape_cast %parallel_loop3A_865 : vector<16xf32> to vector<16xf32>
        tpu.vector_store %arg7[%parallel_loop3A_870], %parallel_loop3A_873 {strides = array<i32>} : memref<32768xf32, #tpu.memory_space<vmem>>, vector<16xf32>,
        %parallel_loop3A_874 = arith.mulf %parallel_loop3A_849, %sub3A_36 : vector<16xf32>
        %parallel_loop3A_875 = arith.addf %get3A_10, %parallel_loop3A_874 : vector<16xf32>
        %parallel_loop3A_876 = arith.constant 128 : i32
        %parallel_loop3A_877 = arith.muli %parallel_loop3A_853, %parallel_loop3A_876 : i32
        %parallel_loop3A_878 = arith.constant 32 : i32
        %parallel_loop3A_879 = arith.addi %parallel_loop3A_877, %parallel_loop3A_878 : i32
        %parallel_loop3A_880 = arith.index_cast %parallel_loop3A_879 : i32 to index
        %parallel_loop3A_881 = tpu.vector_load %arg7[%parallel_loop3A_880] {strides = array<i32>} : memref<32768xf32, #tpu.memory_space<vmem>>, vector<16xf32>,
        %parallel_loop3A_882 = vector.shape_cast %parallel_loop3A_881 : vector<16xf32> to vector<16xf32>
        %parallel_loop3A_883 = vector.shape_cast %parallel_loop3A_875 : vector<16xf32> to vector<16xf32>
        tpu.vector_store %arg7[%parallel_loop3A_880], %parallel_loop3A_883 {strides = array<i32>} : memref<32768xf32, #tpu.memory_space<vmem>>, vector<16xf32>,
        %parallel_loop3A_884 = arith.mulf %parallel_loop3A_849, %sub3A_40 : vector<16xf32>
        %parallel_loop3A_885 = arith.addf %get3A_13, %parallel_loop3A_884 : vector<16xf32>
        %parallel_loop3A_886 = arith.constant 128 : i32
        %parallel_loop3A_887 = arith.muli %parallel_loop3A_853, %parallel_loop3A_886 : i32
        %parallel_loop3A_888 = arith.constant 48 : i32
        %parallel_loop3A_889 = arith.addi %parallel_loop3A_887, %parallel_loop3A_888 : i32
        %parallel_loop3A_890 = arith.index_cast %parallel_loop3A_889 : i32 to index
        %parallel_loop3A_891 = tpu.vector_load %arg7[%parallel_loop3A_890] {strides = array<i32>} : memref<32768xf32, #tpu.memory_space<vmem>>, vector<16xf32>,
        %parallel_loop3A_892 = vector.shape_cast %parallel_loop3A_891 : vector<16xf32> to vector<16xf32>
        %parallel_loop3A_893 = vector.shape_cast %parallel_loop3A_885 : vector<16xf32> to vector<16xf32>
        tpu.vector_store %arg7[%parallel_loop3A_890], %parallel_loop3A_893 {strides = array<i32>} : memref<32768xf32, #tpu.memory_space<vmem>>, vector<16xf32>,
        %parallel_loop3A_894 = arith.mulf %parallel_loop3A_849, %sub3A_44 : vector<16xf32>
        %parallel_loop3A_895 = arith.addf %get3A_16, %parallel_loop3A_894 : vector<16xf32>
        %parallel_loop3A_896 = arith.constant 128 : i32
        %parallel_loop3A_897 = arith.muli %parallel_loop3A_853, %parallel_loop3A_896 : i32
        %parallel_loop3A_898 = arith.constant 64 : i32
        %parallel_loop3A_899 = arith.addi %parallel_loop3A_897, %parallel_loop3A_898 : i32
        %parallel_loop3A_900 = arith.index_cast %parallel_loop3A_899 : i32 to index
        %parallel_loop3A_901 = tpu.vector_load %arg7[%parallel_loop3A_900] {strides = array<i32>} : memref<32768xf32, #tpu.memory_space<vmem>>, vector<16xf32>,
        %parallel_loop3A_902 = vector.shape_cast %parallel_loop3A_901 : vector<16xf32> to vector<16xf32>
        %parallel_loop3A_903 = vector.shape_cast %parallel_loop3A_895 : vector<16xf32> to vector<16xf32>
        tpu.vector_store %arg7[%parallel_loop3A_900], %parallel_loop3A_903 {strides = array<i32>} : memref<32768xf32, #tpu.memory_space<vmem>>, vector<16xf32>,
        %parallel_loop3A_904 = arith.mulf %parallel_loop3A_849, %sub3A_48 : vector<16xf32>
        %parallel_loop3A_905 = arith.addf %get3A_19, %parallel_loop3A_904 : vector<16xf32>
        %parallel_loop3A_906 = arith.constant 128 : i32
        %parallel_loop3A_907 = arith.muli %parallel_loop3A_853, %parallel_loop3A_906 : i32
        %parallel_loop3A_908 = arith.constant 80 : i32
        %parallel_loop3A_909 = arith.addi %parallel_loop3A_907, %parallel_loop3A_908 : i32
        %parallel_loop3A_910 = arith.index_cast %parallel_loop3A_909 : i32 to index
        %parallel_loop3A_911 = tpu.vector_load %arg7[%parallel_loop3A_910] {strides = array<i32>} : memref<32768xf32, #tpu.memory_space<vmem>>, vector<16xf32>,
        %parallel_loop3A_912 = vector.shape_cast %parallel_loop3A_911 : vector<16xf32> to vector<16xf32>
        %parallel_loop3A_913 = vector.shape_cast %parallel_loop3A_905 : vector<16xf32> to vector<16xf32>
        tpu.vector_store %arg7[%parallel_loop3A_910], %parallel_loop3A_913 {strides = array<i32>} : memref<32768xf32, #tpu.memory_space<vmem>>, vector<16xf32>,
        %parallel_loop3A_914 = arith.mulf %parallel_loop3A_849, %sub3A_52 : vector<16xf32>
        %parallel_loop3A_915 = arith.addf %get3A_22, %parallel_loop3A_914 : vector<16xf32>
        %parallel_loop3A_916 = arith.constant 128 : i32
        %parallel_loop3A_917 = arith.muli %parallel_loop3A_853, %parallel_loop3A_916 : i32
        %parallel_loop3A_918 = arith.constant 96 : i32
        %parallel_loop3A_919 = arith.addi %parallel_loop3A_917, %parallel_loop3A_918 : i32
        %parallel_loop3A_920 = arith.index_cast %parallel_loop3A_919 : i32 to index
        %parallel_loop3A_921 = tpu.vector_load %arg7[%parallel_loop3A_920] {strides = array<i32>} : memref<32768xf32, #tpu.memory_space<vmem>>, vector<16xf32>,
        %parallel_loop3A_922 = vector.shape_cast %parallel_loop3A_921 : vector<16xf32> to vector<16xf32>
        %parallel_loop3A_923 = vector.shape_cast %parallel_loop3A_915 : vector<16xf32> to vector<16xf32>
        tpu.vector_store %arg7[%parallel_loop3A_920], %parallel_loop3A_923 {strides = array<i32>} : memref<32768xf32, #tpu.memory_space<vmem>>, vector<16xf32>,
        %parallel_loop3A_924 = arith.mulf %parallel_loop3A_849, %sub3A_56 : vector<16xf32>
        %parallel_loop3A_925 = arith.addf %get3A_25, %parallel_loop3A_924 : vector<16xf32>
        %parallel_loop3A_926 = arith.constant 128 : i32
        %parallel_loop3A_927 = arith.muli %parallel_loop3A_853, %parallel_loop3A_926 : i32
        %parallel_loop3A_928 = arith.constant 112 : i32
        %parallel_loop3A_929 = arith.addi %parallel_loop3A_927, %parallel_loop3A_928 : i32
        %parallel_loop3A_930 = arith.index_cast %parallel_loop3A_929 : i32 to index
        %parallel_loop3A_931 = tpu.vector_load %arg7[%parallel_loop3A_930] {strides = array<i32>} : memref<32768xf32, #tpu.memory_space<vmem>>, vector<16xf32>,
        %parallel_loop3A_932 = vector.shape_cast %parallel_loop3A_931 : vector<16xf32> to vector<16xf32>
        %parallel_loop3A_933 = vector.shape_cast %parallel_loop3A_925 : vector<16xf32> to vector<16xf32>
        tpu.vector_store %arg7[%parallel_loop3A_930], %parallel_loop3A_933 {strides = array<i32>} : memref<32768xf32, #tpu.memory_space<vmem>>, vector<16xf32>,
        %parallel_loop3A_934 = arith.constant 9 : i32
        %parallel_loop3A_935 = vector.broadcast %parallel_loop3A_934 : i32 to vector<16x1xi32>
        %parallel_loop3A_936 = vector.shape_cast %parallel_loop3A_935 : vector<16x1xi32> to vector<16xi32>
        %parallel_loop3A_937 = tpu.dynamic_gather %parallel_loop3A_141[%parallel_loop3A_936] in [0] : vector<16xf32>, vector<16xi32> -> vector<16xf32>
        %parallel_loop3A_938 = arith.constant 16 : i32
        %parallel_loop3A_939 = arith.muli %parallel_loop3A_134, %parallel_loop3A_938 : i32
        %parallel_loop3A_940 = arith.constant 9 : i32
        %parallel_loop3A_941 = arith.addi %parallel_loop3A_939, %parallel_loop3A_940 : i32
        %parallel_loop3A_942 = arith.mulf %parallel_loop3A_937, %sub3A : vector<16xf32>
        %parallel_loop3A_943 = arith.addf %get3A_4, %parallel_loop3A_942 : vector<16xf32>
        %parallel_loop3A_944 = arith.constant 128 : i32
        %parallel_loop3A_945 = arith.muli %parallel_loop3A_941, %parallel_loop3A_944 : i32
        %parallel_loop3A_946 = arith.constant 0 : i32
        %parallel_loop3A_947 = arith.addi %parallel_loop3A_945, %parallel_loop3A_946 : i32
        %parallel_loop3A_948 = arith.index_cast %parallel_loop3A_947 : i32 to index
        %parallel_loop3A_949 = tpu.vector_load %arg7[%parallel_loop3A_948] {strides = array<i32>} : memref<32768xf32, #tpu.memory_space<vmem>>, vector<16xf32>,
        %parallel_loop3A_950 = vector.shape_cast %parallel_loop3A_949 : vector<16xf32> to vector<16xf32>
        %parallel_loop3A_951 = vector.shape_cast %parallel_loop3A_943 : vector<16xf32> to vector<16xf32>
        tpu.vector_store %arg7[%parallel_loop3A_948], %parallel_loop3A_951 {strides = array<i32>} : memref<32768xf32, #tpu.memory_space<vmem>>, vector<16xf32>,
        %parallel_loop3A_952 = arith.mulf %parallel_loop3A_937, %sub3A_32 : vector<16xf32>
        %parallel_loop3A_953 = arith.addf %get3A_7, %parallel_loop3A_952 : vector<16xf32>
        %parallel_loop3A_954 = arith.constant 128 : i32
        %parallel_loop3A_955 = arith.muli %parallel_loop3A_941, %parallel_loop3A_954 : i32
        %parallel_loop3A_956 = arith.constant 16 : i32
        %parallel_loop3A_957 = arith.addi %parallel_loop3A_955, %parallel_loop3A_956 : i32
        %parallel_loop3A_958 = arith.index_cast %parallel_loop3A_957 : i32 to index
        %parallel_loop3A_959 = tpu.vector_load %arg7[%parallel_loop3A_958] {strides = array<i32>} : memref<32768xf32, #tpu.memory_space<vmem>>, vector<16xf32>,
        %parallel_loop3A_960 = vector.shape_cast %parallel_loop3A_959 : vector<16xf32> to vector<16xf32>
        %parallel_loop3A_961 = vector.shape_cast %parallel_loop3A_953 : vector<16xf32> to vector<16xf32>
        tpu.vector_store %arg7[%parallel_loop3A_958], %parallel_loop3A_961 {strides = array<i32>} : memref<32768xf32, #tpu.memory_space<vmem>>, vector<16xf32>,
        %parallel_loop3A_962 = arith.mulf %parallel_loop3A_937, %sub3A_36 : vector<16xf32>
        %parallel_loop3A_963 = arith.addf %get3A_10, %parallel_loop3A_962 : vector<16xf32>
        %parallel_loop3A_964 = arith.constant 128 : i32
        %parallel_loop3A_965 = arith.muli %parallel_loop3A_941, %parallel_loop3A_964 : i32
        %parallel_loop3A_966 = arith.constant 32 : i32
        %parallel_loop3A_967 = arith.addi %parallel_loop3A_965, %parallel_loop3A_966 : i32
        %parallel_loop3A_968 = arith.index_cast %parallel_loop3A_967 : i32 to index
        %parallel_loop3A_969 = tpu.vector_load %arg7[%parallel_loop3A_968] {strides = array<i32>} : memref<32768xf32, #tpu.memory_space<vmem>>, vector<16xf32>,
        %parallel_loop3A_970 = vector.shape_cast %parallel_loop3A_969 : vector<16xf32> to vector<16xf32>
        %parallel_loop3A_971 = vector.shape_cast %parallel_loop3A_963 : vector<16xf32> to vector<16xf32>
        tpu.vector_store %arg7[%parallel_loop3A_968], %parallel_loop3A_971 {strides = array<i32>} : memref<32768xf32, #tpu.memory_space<vmem>>, vector<16xf32>,
        %parallel_loop3A_972 = arith.mulf %parallel_loop3A_937, %sub3A_40 : vector<16xf32>
        %parallel_loop3A_973 = arith.addf %get3A_13, %parallel_loop3A_972 : vector<16xf32>
        %parallel_loop3A_974 = arith.constant 128 : i32
        %parallel_loop3A_975 = arith.muli %parallel_loop3A_941, %parallel_loop3A_974 : i32
        %parallel_loop3A_976 = arith.constant 48 : i32
        %parallel_loop3A_977 = arith.addi %parallel_loop3A_975, %parallel_loop3A_976 : i32
        %parallel_loop3A_978 = arith.index_cast %parallel_loop3A_977 : i32 to index
        %parallel_loop3A_979 = tpu.vector_load %arg7[%parallel_loop3A_978] {strides = array<i32>} : memref<32768xf32, #tpu.memory_space<vmem>>, vector<16xf32>,
        %parallel_loop3A_980 = vector.shape_cast %parallel_loop3A_979 : vector<16xf32> to vector<16xf32>
        %parallel_loop3A_981 = vector.shape_cast %parallel_loop3A_973 : vector<16xf32> to vector<16xf32>
        tpu.vector_store %arg7[%parallel_loop3A_978], %parallel_loop3A_981 {strides = array<i32>} : memref<32768xf32, #tpu.memory_space<vmem>>, vector<16xf32>,
        %parallel_loop3A_982 = arith.mulf %parallel_loop3A_937, %sub3A_44 : vector<16xf32>
        %parallel_loop3A_983 = arith.addf %get3A_16, %parallel_loop3A_982 : vector<16xf32>
        %parallel_loop3A_984 = arith.constant 128 : i32
        %parallel_loop3A_985 = arith.muli %parallel_loop3A_941, %parallel_loop3A_984 : i32
        %parallel_loop3A_986 = arith.constant 64 : i32
        %parallel_loop3A_987 = arith.addi %parallel_loop3A_985, %parallel_loop3A_986 : i32
        %parallel_loop3A_988 = arith.index_cast %parallel_loop3A_987 : i32 to index
        %parallel_loop3A_989 = tpu.vector_load %arg7[%parallel_loop3A_988] {strides = array<i32>} : memref<32768xf32, #tpu.memory_space<vmem>>, vector<16xf32>,
        %parallel_loop3A_990 = vector.shape_cast %parallel_loop3A_989 : vector<16xf32> to vector<16xf32>
        %parallel_loop3A_991 = vector.shape_cast %parallel_loop3A_983 : vector<16xf32> to vector<16xf32>
        tpu.vector_store %arg7[%parallel_loop3A_988], %parallel_loop3A_991 {strides = array<i32>} : memref<32768xf32, #tpu.memory_space<vmem>>, vector<16xf32>,
        %parallel_loop3A_992 = arith.mulf %parallel_loop3A_937, %sub3A_48 : vector<16xf32>
        %parallel_loop3A_993 = arith.addf %get3A_19, %parallel_loop3A_992 : vector<16xf32>
        %parallel_loop3A_994 = arith.constant 128 : i32
        %parallel_loop3A_995 = arith.muli %parallel_loop3A_941, %parallel_loop3A_994 : i32
        %parallel_loop3A_996 = arith.constant 80 : i32
        %parallel_loop3A_997 = arith.addi %parallel_loop3A_995, %parallel_loop3A_996 : i32
        %parallel_loop3A_998 = arith.index_cast %parallel_loop3A_997 : i32 to index
        %parallel_loop3A_999 = tpu.vector_load %arg7[%parallel_loop3A_998] {strides = array<i32>} : memref<32768xf32, #tpu.memory_space<vmem>>, vector<16xf32>,
        %parallel_loop3A_1000 = vector.shape_cast %parallel_loop3A_999 : vector<16xf32> to vector<16xf32>
        %parallel_loop3A_1001 = vector.shape_cast %parallel_loop3A_993 : vector<16xf32> to vector<16xf32>
        tpu.vector_store %arg7[%parallel_loop3A_998], %parallel_loop3A_1001 {strides = array<i32>} : memref<32768xf32, #tpu.memory_space<vmem>>, vector<16xf32>,
        %parallel_loop3A_1002 = arith.mulf %parallel_loop3A_937, %sub3A_52 : vector<16xf32>
        %parallel_loop3A_1003 = arith.addf %get3A_22, %parallel_loop3A_1002 : vector<16xf32>
        %parallel_loop3A_1004 = arith.constant 128 : i32
        %parallel_loop3A_1005 = arith.muli %parallel_loop3A_941, %parallel_loop3A_1004 : i32
        %parallel_loop3A_1006 = arith.constant 96 : i32
        %parallel_loop3A_1007 = arith.addi %parallel_loop3A_1005, %parallel_loop3A_1006 : i32
        %parallel_loop3A_1008 = arith.index_cast %parallel_loop3A_1007 : i32 to index
        %parallel_loop3A_1009 = tpu.vector_load %arg7[%parallel_loop3A_1008] {strides = array<i32>} : memref<32768xf32, #tpu.memory_space<vmem>>, vector<16xf32>,
        %parallel_loop3A_1010 = vector.shape_cast %parallel_loop3A_1009 : vector<16xf32> to vector<16xf32>
        %parallel_loop3A_1011 = vector.shape_cast %parallel_loop3A_1003 : vector<16xf32> to vector<16xf32>
        tpu.vector_store %arg7[%parallel_loop3A_1008], %parallel_loop3A_1011 {strides = array<i32>} : memref<32768xf32, #tpu.memory_space<vmem>>, vector<16xf32>,
        %parallel_loop3A_1012 = arith.mulf %parallel_loop3A_937, %sub3A_56 : vector<16xf32>
        %parallel_loop3A_1013 = arith.addf %get3A_25, %parallel_loop3A_1012 : vector<16xf32>
        %parallel_loop3A_1014 = arith.constant 128 : i32
        %parallel_loop3A_1015 = arith.muli %parallel_loop3A_941, %parallel_loop3A_1014 : i32
        %parallel_loop3A_1016 = arith.constant 112 : i32
        %parallel_loop3A_1017 = arith.addi %parallel_loop3A_1015, %parallel_loop3A_1016 : i32
        %parallel_loop3A_1018 = arith.index_cast %parallel_loop3A_1017 : i32 to index
        %parallel_loop3A_1019 = tpu.vector_load %arg7[%parallel_loop3A_1018] {strides = array<i32>} : memref<32768xf32, #tpu.memory_space<vmem>>, vector<16xf32>,
        %parallel_loop3A_1020 = vector.shape_cast %parallel_loop3A_1019 : vector<16xf32> to vector<16xf32>
        %parallel_loop3A_1021 = vector.shape_cast %parallel_loop3A_1013 : vector<16xf32> to vector<16xf32>
        tpu.vector_store %arg7[%parallel_loop3A_1018], %parallel_loop3A_1021 {strides = array<i32>} : memref<32768xf32, #tpu.memory_space<vmem>>, vector<16xf32>,
        %parallel_loop3A_1022 = arith.constant 10 : i32
        %parallel_loop3A_1023 = vector.broadcast %parallel_loop3A_1022 : i32 to vector<16x1xi32>
        %parallel_loop3A_1024 = vector.shape_cast %parallel_loop3A_1023 : vector<16x1xi32> to vector<16xi32>
        %parallel_loop3A_1025 = tpu.dynamic_gather %parallel_loop3A_141[%parallel_loop3A_1024] in [0] : vector<16xf32>, vector<16xi32> -> vector<16xf32>
        %parallel_loop3A_1026 = arith.constant 16 : i32
        %parallel_loop3A_1027 = arith.muli %parallel_loop3A_134, %parallel_loop3A_1026 : i32
        %parallel_loop3A_1028 = arith.constant 10 : i32
        %parallel_loop3A_1029 = arith.addi %parallel_loop3A_1027, %parallel_loop3A_1028 : i32
        %parallel_loop3A_1030 = arith.mulf %parallel_loop3A_1025, %sub3A : vector<16xf32>
        %parallel_loop3A_1031 = arith.addf %get3A_4, %parallel_loop3A_1030 : vector<16xf32>
        %parallel_loop3A_1032 = arith.constant 128 : i32
        %parallel_loop3A_1033 = arith.muli %parallel_loop3A_1029, %parallel_loop3A_1032 : i32
        %parallel_loop3A_1034 = arith.constant 0 : i32
        %parallel_loop3A_1035 = arith.addi %parallel_loop3A_1033, %parallel_loop3A_1034 : i32
        %parallel_loop3A_1036 = arith.index_cast %parallel_loop3A_1035 : i32 to index
        %parallel_loop3A_1037 = tpu.vector_load %arg7[%parallel_loop3A_1036] {strides = array<i32>} : memref<32768xf32, #tpu.memory_space<vmem>>, vector<16xf32>,
        %parallel_loop3A_1038 = vector.shape_cast %parallel_loop3A_1037 : vector<16xf32> to vector<16xf32>
        %parallel_loop3A_1039 = vector.shape_cast %parallel_loop3A_1031 : vector<16xf32> to vector<16xf32>
        tpu.vector_store %arg7[%parallel_loop3A_1036], %parallel_loop3A_1039 {strides = array<i32>} : memref<32768xf32, #tpu.memory_space<vmem>>, vector<16xf32>,
        %parallel_loop3A_1040 = arith.mulf %parallel_loop3A_1025, %sub3A_32 : vector<16xf32>
        %parallel_loop3A_1041 = arith.addf %get3A_7, %parallel_loop3A_1040 : vector<16xf32>
        %parallel_loop3A_1042 = arith.constant 128 : i32
        %parallel_loop3A_1043 = arith.muli %parallel_loop3A_1029, %parallel_loop3A_1042 : i32
        %parallel_loop3A_1044 = arith.constant 16 : i32
        %parallel_loop3A_1045 = arith.addi %parallel_loop3A_1043, %parallel_loop3A_1044 : i32
        %parallel_loop3A_1046 = arith.index_cast %parallel_loop3A_1045 : i32 to index
        %parallel_loop3A_1047 = tpu.vector_load %arg7[%parallel_loop3A_1046] {strides = array<i32>} : memref<32768xf32, #tpu.memory_space<vmem>>, vector<16xf32>,
        %parallel_loop3A_1048 = vector.shape_cast %parallel_loop3A_1047 : vector<16xf32> to vector<16xf32>
        %parallel_loop3A_1049 = vector.shape_cast %parallel_loop3A_1041 : vector<16xf32> to vector<16xf32>
        tpu.vector_store %arg7[%parallel_loop3A_1046], %parallel_loop3A_1049 {strides = array<i32>} : memref<32768xf32, #tpu.memory_space<vmem>>, vector<16xf32>,
        %parallel_loop3A_1050 = arith.mulf %parallel_loop3A_1025, %sub3A_36 : vector<16xf32>
        %parallel_loop3A_1051 = arith.addf %get3A_10, %parallel_loop3A_1050 : vector<16xf32>
        %parallel_loop3A_1052 = arith.constant 128 : i32
        %parallel_loop3A_1053 = arith.muli %parallel_loop3A_1029, %parallel_loop3A_1052 : i32
        %parallel_loop3A_1054 = arith.constant 32 : i32
        %parallel_loop3A_1055 = arith.addi %parallel_loop3A_1053, %parallel_loop3A_1054 : i32
        %parallel_loop3A_1056 = arith.index_cast %parallel_loop3A_1055 : i32 to index
        %parallel_loop3A_1057 = tpu.vector_load %arg7[%parallel_loop3A_1056] {strides = array<i32>} : memref<32768xf32, #tpu.memory_space<vmem>>, vector<16xf32>,
        %parallel_loop3A_1058 = vector.shape_cast %parallel_loop3A_1057 : vector<16xf32> to vector<16xf32>
        %parallel_loop3A_1059 = vector.shape_cast %parallel_loop3A_1051 : vector<16xf32> to vector<16xf32>
        tpu.vector_store %arg7[%parallel_loop3A_1056], %parallel_loop3A_1059 {strides = array<i32>} : memref<32768xf32, #tpu.memory_space<vmem>>, vector<16xf32>,
        %parallel_loop3A_1060 = arith.mulf %parallel_loop3A_1025, %sub3A_40 : vector<16xf32>
        %parallel_loop3A_1061 = arith.addf %get3A_13, %parallel_loop3A_1060 : vector<16xf32>
        %parallel_loop3A_1062 = arith.constant 128 : i32
        %parallel_loop3A_1063 = arith.muli %parallel_loop3A_1029, %parallel_loop3A_1062 : i32
        %parallel_loop3A_1064 = arith.constant 48 : i32
        %parallel_loop3A_1065 = arith.addi %parallel_loop3A_1063, %parallel_loop3A_1064 : i32
        %parallel_loop3A_1066 = arith.index_cast %parallel_loop3A_1065 : i32 to index
        %parallel_loop3A_1067 = tpu.vector_load %arg7[%parallel_loop3A_1066] {strides = array<i32>} : memref<32768xf32, #tpu.memory_space<vmem>>, vector<16xf32>,
        %parallel_loop3A_1068 = vector.shape_cast %parallel_loop3A_1067 : vector<16xf32> to vector<16xf32>
        %parallel_loop3A_1069 = vector.shape_cast %parallel_loop3A_1061 : vector<16xf32> to vector<16xf32>
        tpu.vector_store %arg7[%parallel_loop3A_1066], %parallel_loop3A_1069 {strides = array<i32>} : memref<32768xf32, #tpu.memory_space<vmem>>, vector<16xf32>,
        %parallel_loop3A_1070 = arith.mulf %parallel_loop3A_1025, %sub3A_44 : vector<16xf32>
        %parallel_loop3A_1071 = arith.addf %get3A_16, %parallel_loop3A_1070 : vector<16xf32>
        %parallel_loop3A_1072 = arith.constant 128 : i32
        %parallel_loop3A_1073 = arith.muli %parallel_loop3A_1029, %parallel_loop3A_1072 : i32
        %parallel_loop3A_1074 = arith.constant 64 : i32
        %parallel_loop3A_1075 = arith.addi %parallel_loop3A_1073, %parallel_loop3A_1074 : i32
        %parallel_loop3A_1076 = arith.index_cast %parallel_loop3A_1075 : i32 to index
        %parallel_loop3A_1077 = tpu.vector_load %arg7[%parallel_loop3A_1076] {strides = array<i32>} : memref<32768xf32, #tpu.memory_space<vmem>>, vector<16xf32>,
        %parallel_loop3A_1078 = vector.shape_cast %parallel_loop3A_1077 : vector<16xf32> to vector<16xf32>
        %parallel_loop3A_1079 = vector.shape_cast %parallel_loop3A_1071 : vector<16xf32> to vector<16xf32>
        tpu.vector_store %arg7[%parallel_loop3A_1076], %parallel_loop3A_1079 {strides = array<i32>} : memref<32768xf32, #tpu.memory_space<vmem>>, vector<16xf32>,
        %parallel_loop3A_1080 = arith.mulf %parallel_loop3A_1025, %sub3A_48 : vector<16xf32>
        %parallel_loop3A_1081 = arith.addf %get3A_19, %parallel_loop3A_1080 : vector<16xf32>
        %parallel_loop3A_1082 = arith.constant 128 : i32
        %parallel_loop3A_1083 = arith.muli %parallel_loop3A_1029, %parallel_loop3A_1082 : i32
        %parallel_loop3A_1084 = arith.constant 80 : i32
        %parallel_loop3A_1085 = arith.addi %parallel_loop3A_1083, %parallel_loop3A_1084 : i32
        %parallel_loop3A_1086 = arith.index_cast %parallel_loop3A_1085 : i32 to index
        %parallel_loop3A_1087 = tpu.vector_load %arg7[%parallel_loop3A_1086] {strides = array<i32>} : memref<32768xf32, #tpu.memory_space<vmem>>, vector<16xf32>,
        %parallel_loop3A_1088 = vector.shape_cast %parallel_loop3A_1087 : vector<16xf32> to vector<16xf32>
        %parallel_loop3A_1089 = vector.shape_cast %parallel_loop3A_1081 : vector<16xf32> to vector<16xf32>
        tpu.vector_store %arg7[%parallel_loop3A_1086], %parallel_loop3A_1089 {strides = array<i32>} : memref<32768xf32, #tpu.memory_space<vmem>>, vector<16xf32>,
        %parallel_loop3A_1090 = arith.mulf %parallel_loop3A_1025, %sub3A_52 : vector<16xf32>
        %parallel_loop3A_1091 = arith.addf %get3A_22, %parallel_loop3A_1090 : vector<16xf32>
        %parallel_loop3A_1092 = arith.constant 128 : i32
        %parallel_loop3A_1093 = arith.muli %parallel_loop3A_1029, %parallel_loop3A_1092 : i32
        %parallel_loop3A_1094 = arith.constant 96 : i32
        %parallel_loop3A_1095 = arith.addi %parallel_loop3A_1093, %parallel_loop3A_1094 : i32
        %parallel_loop3A_1096 = arith.index_cast %parallel_loop3A_1095 : i32 to index
        %parallel_loop3A_1097 = tpu.vector_load %arg7[%parallel_loop3A_1096] {strides = array<i32>} : memref<32768xf32, #tpu.memory_space<vmem>>, vector<16xf32>,
        %parallel_loop3A_1098 = vector.shape_cast %parallel_loop3A_1097 : vector<16xf32> to vector<16xf32>
        %parallel_loop3A_1099 = vector.shape_cast %parallel_loop3A_1091 : vector<16xf32> to vector<16xf32>
        tpu.vector_store %arg7[%parallel_loop3A_1096], %parallel_loop3A_1099 {strides = array<i32>} : memref<32768xf32, #tpu.memory_space<vmem>>, vector<16xf32>,
        %parallel_loop3A_1100 = arith.mulf %parallel_loop3A_1025, %sub3A_56 : vector<16xf32>
        %parallel_loop3A_1101 = arith.addf %get3A_25, %parallel_loop3A_1100 : vector<16xf32>
        %parallel_loop3A_1102 = arith.constant 128 : i32
        %parallel_loop3A_1103 = arith.muli %parallel_loop3A_1029, %parallel_loop3A_1102 : i32
        %parallel_loop3A_1104 = arith.constant 112 : i32
        %parallel_loop3A_1105 = arith.addi %parallel_loop3A_1103, %parallel_loop3A_1104 : i32
        %parallel_loop3A_1106 = arith.index_cast %parallel_loop3A_1105 : i32 to index
        %parallel_loop3A_1107 = tpu.vector_load %arg7[%parallel_loop3A_1106] {strides = array<i32>} : memref<32768xf32, #tpu.memory_space<vmem>>, vector<16xf32>,
        %parallel_loop3A_1108 = vector.shape_cast %parallel_loop3A_1107 : vector<16xf32> to vector<16xf32>
        %parallel_loop3A_1109 = vector.shape_cast %parallel_loop3A_1101 : vector<16xf32> to vector<16xf32>
        tpu.vector_store %arg7[%parallel_loop3A_1106], %parallel_loop3A_1109 {strides = array<i32>} : memref<32768xf32, #tpu.memory_space<vmem>>, vector<16xf32>,
        %parallel_loop3A_1110 = arith.constant 11 : i32
        %parallel_loop3A_1111 = vector.broadcast %parallel_loop3A_1110 : i32 to vector<16x1xi32>
        %parallel_loop3A_1112 = vector.shape_cast %parallel_loop3A_1111 : vector<16x1xi32> to vector<16xi32>
        %parallel_loop3A_1113 = tpu.dynamic_gather %parallel_loop3A_141[%parallel_loop3A_1112] in [0] : vector<16xf32>, vector<16xi32> -> vector<16xf32>
        %parallel_loop3A_1114 = arith.constant 16 : i32
        %parallel_loop3A_1115 = arith.muli %parallel_loop3A_134, %parallel_loop3A_1114 : i32
        %parallel_loop3A_1116 = arith.constant 11 : i32
        %parallel_loop3A_1117 = arith.addi %parallel_loop3A_1115, %parallel_loop3A_1116 : i32
        %parallel_loop3A_1118 = arith.mulf %parallel_loop3A_1113, %sub3A : vector<16xf32>
        %parallel_loop3A_1119 = arith.addf %get3A_4, %parallel_loop3A_1118 : vector<16xf32>
        %parallel_loop3A_1120 = arith.constant 128 : i32
        %parallel_loop3A_1121 = arith.muli %parallel_loop3A_1117, %parallel_loop3A_1120 : i32
        %parallel_loop3A_1122 = arith.constant 0 : i32
        %parallel_loop3A_1123 = arith.addi %parallel_loop3A_1121, %parallel_loop3A_1122 : i32
        %parallel_loop3A_1124 = arith.index_cast %parallel_loop3A_1123 : i32 to index
        %parallel_loop3A_1125 = tpu.vector_load %arg7[%parallel_loop3A_1124] {strides = array<i32>} : memref<32768xf32, #tpu.memory_space<vmem>>, vector<16xf32>,
        %parallel_loop3A_1126 = vector.shape_cast %parallel_loop3A_1125 : vector<16xf32> to vector<16xf32>
        %parallel_loop3A_1127 = vector.shape_cast %parallel_loop3A_1119 : vector<16xf32> to vector<16xf32>
        tpu.vector_store %arg7[%parallel_loop3A_1124], %parallel_loop3A_1127 {strides = array<i32>} : memref<32768xf32, #tpu.memory_space<vmem>>, vector<16xf32>,
        %parallel_loop3A_1128 = arith.mulf %parallel_loop3A_1113, %sub3A_32 : vector<16xf32>
        %parallel_loop3A_1129 = arith.addf %get3A_7, %parallel_loop3A_1128 : vector<16xf32>
        %parallel_loop3A_1130 = arith.constant 128 : i32
        %parallel_loop3A_1131 = arith.muli %parallel_loop3A_1117, %parallel_loop3A_1130 : i32
        %parallel_loop3A_1132 = arith.constant 16 : i32
        %parallel_loop3A_1133 = arith.addi %parallel_loop3A_1131, %parallel_loop3A_1132 : i32
        %parallel_loop3A_1134 = arith.index_cast %parallel_loop3A_1133 : i32 to index
        %parallel_loop3A_1135 = tpu.vector_load %arg7[%parallel_loop3A_1134] {strides = array<i32>} : memref<32768xf32, #tpu.memory_space<vmem>>, vector<16xf32>,
        %parallel_loop3A_1136 = vector.shape_cast %parallel_loop3A_1135 : vector<16xf32> to vector<16xf32>
        %parallel_loop3A_1137 = vector.shape_cast %parallel_loop3A_1129 : vector<16xf32> to vector<16xf32>
        tpu.vector_store %arg7[%parallel_loop3A_1134], %parallel_loop3A_1137 {strides = array<i32>} : memref<32768xf32, #tpu.memory_space<vmem>>, vector<16xf32>,
        %parallel_loop3A_1138 = arith.mulf %parallel_loop3A_1113, %sub3A_36 : vector<16xf32>
        %parallel_loop3A_1139 = arith.addf %get3A_10, %parallel_loop3A_1138 : vector<16xf32>
        %parallel_loop3A_1140 = arith.constant 128 : i32
        %parallel_loop3A_1141 = arith.muli %parallel_loop3A_1117, %parallel_loop3A_1140 : i32
        %parallel_loop3A_1142 = arith.constant 32 : i32
        %parallel_loop3A_1143 = arith.addi %parallel_loop3A_1141, %parallel_loop3A_1142 : i32
        %parallel_loop3A_1144 = arith.index_cast %parallel_loop3A_1143 : i32 to index
        %parallel_loop3A_1145 = tpu.vector_load %arg7[%parallel_loop3A_1144] {strides = array<i32>} : memref<32768xf32, #tpu.memory_space<vmem>>, vector<16xf32>,
        %parallel_loop3A_1146 = vector.shape_cast %parallel_loop3A_1145 : vector<16xf32> to vector<16xf32>
        %parallel_loop3A_1147 = vector.shape_cast %parallel_loop3A_1139 : vector<16xf32> to vector<16xf32>
        tpu.vector_store %arg7[%parallel_loop3A_1144], %parallel_loop3A_1147 {strides = array<i32>} : memref<32768xf32, #tpu.memory_space<vmem>>, vector<16xf32>,
        %parallel_loop3A_1148 = arith.mulf %parallel_loop3A_1113, %sub3A_40 : vector<16xf32>
        %parallel_loop3A_1149 = arith.addf %get3A_13, %parallel_loop3A_1148 : vector<16xf32>
        %parallel_loop3A_1150 = arith.constant 128 : i32
        %parallel_loop3A_1151 = arith.muli %parallel_loop3A_1117, %parallel_loop3A_1150 : i32
        %parallel_loop3A_1152 = arith.constant 48 : i32
        %parallel_loop3A_1153 = arith.addi %parallel_loop3A_1151, %parallel_loop3A_1152 : i32
        %parallel_loop3A_1154 = arith.index_cast %parallel_loop3A_1153 : i32 to index
        %parallel_loop3A_1155 = tpu.vector_load %arg7[%parallel_loop3A_1154] {strides = array<i32>} : memref<32768xf32, #tpu.memory_space<vmem>>, vector<16xf32>,
        %parallel_loop3A_1156 = vector.shape_cast %parallel_loop3A_1155 : vector<16xf32> to vector<16xf32>
        %parallel_loop3A_1157 = vector.shape_cast %parallel_loop3A_1149 : vector<16xf32> to vector<16xf32>
        tpu.vector_store %arg7[%parallel_loop3A_1154], %parallel_loop3A_1157 {strides = array<i32>} : memref<32768xf32, #tpu.memory_space<vmem>>, vector<16xf32>,
        %parallel_loop3A_1158 = arith.mulf %parallel_loop3A_1113, %sub3A_44 : vector<16xf32>
        %parallel_loop3A_1159 = arith.addf %get3A_16, %parallel_loop3A_1158 : vector<16xf32>
        %parallel_loop3A_1160 = arith.constant 128 : i32
        %parallel_loop3A_1161 = arith.muli %parallel_loop3A_1117, %parallel_loop3A_1160 : i32
        %parallel_loop3A_1162 = arith.constant 64 : i32
        %parallel_loop3A_1163 = arith.addi %parallel_loop3A_1161, %parallel_loop3A_1162 : i32
        %parallel_loop3A_1164 = arith.index_cast %parallel_loop3A_1163 : i32 to index
        %parallel_loop3A_1165 = tpu.vector_load %arg7[%parallel_loop3A_1164] {strides = array<i32>} : memref<32768xf32, #tpu.memory_space<vmem>>, vector<16xf32>,
        %parallel_loop3A_1166 = vector.shape_cast %parallel_loop3A_1165 : vector<16xf32> to vector<16xf32>
        %parallel_loop3A_1167 = vector.shape_cast %parallel_loop3A_1159 : vector<16xf32> to vector<16xf32>
        tpu.vector_store %arg7[%parallel_loop3A_1164], %parallel_loop3A_1167 {strides = array<i32>} : memref<32768xf32, #tpu.memory_space<vmem>>, vector<16xf32>,
        %parallel_loop3A_1168 = arith.mulf %parallel_loop3A_1113, %sub3A_48 : vector<16xf32>
        %parallel_loop3A_1169 = arith.addf %get3A_19, %parallel_loop3A_1168 : vector<16xf32>
        %parallel_loop3A_1170 = arith.constant 128 : i32
        %parallel_loop3A_1171 = arith.muli %parallel_loop3A_1117, %parallel_loop3A_1170 : i32
        %parallel_loop3A_1172 = arith.constant 80 : i32
        %parallel_loop3A_1173 = arith.addi %parallel_loop3A_1171, %parallel_loop3A_1172 : i32
        %parallel_loop3A_1174 = arith.index_cast %parallel_loop3A_1173 : i32 to index
        %parallel_loop3A_1175 = tpu.vector_load %arg7[%parallel_loop3A_1174] {strides = array<i32>} : memref<32768xf32, #tpu.memory_space<vmem>>, vector<16xf32>,
        %parallel_loop3A_1176 = vector.shape_cast %parallel_loop3A_1175 : vector<16xf32> to vector<16xf32>
        %parallel_loop3A_1177 = vector.shape_cast %parallel_loop3A_1169 : vector<16xf32> to vector<16xf32>
        tpu.vector_store %arg7[%parallel_loop3A_1174], %parallel_loop3A_1177 {strides = array<i32>} : memref<32768xf32, #tpu.memory_space<vmem>>, vector<16xf32>,
        %parallel_loop3A_1178 = arith.mulf %parallel_loop3A_1113, %sub3A_52 : vector<16xf32>
        %parallel_loop3A_1179 = arith.addf %get3A_22, %parallel_loop3A_1178 : vector<16xf32>
        %parallel_loop3A_1180 = arith.constant 128 : i32
        %parallel_loop3A_1181 = arith.muli %parallel_loop3A_1117, %parallel_loop3A_1180 : i32
        %parallel_loop3A_1182 = arith.constant 96 : i32
        %parallel_loop3A_1183 = arith.addi %parallel_loop3A_1181, %parallel_loop3A_1182 : i32
        %parallel_loop3A_1184 = arith.index_cast %parallel_loop3A_1183 : i32 to index
        %parallel_loop3A_1185 = tpu.vector_load %arg7[%parallel_loop3A_1184] {strides = array<i32>} : memref<32768xf32, #tpu.memory_space<vmem>>, vector<16xf32>,
        %parallel_loop3A_1186 = vector.shape_cast %parallel_loop3A_1185 : vector<16xf32> to vector<16xf32>
        %parallel_loop3A_1187 = vector.shape_cast %parallel_loop3A_1179 : vector<16xf32> to vector<16xf32>
        tpu.vector_store %arg7[%parallel_loop3A_1184], %parallel_loop3A_1187 {strides = array<i32>} : memref<32768xf32, #tpu.memory_space<vmem>>, vector<16xf32>,
        %parallel_loop3A_1188 = arith.mulf %parallel_loop3A_1113, %sub3A_56 : vector<16xf32>
        %parallel_loop3A_1189 = arith.addf %get3A_25, %parallel_loop3A_1188 : vector<16xf32>
        %parallel_loop3A_1190 = arith.constant 128 : i32
        %parallel_loop3A_1191 = arith.muli %parallel_loop3A_1117, %parallel_loop3A_1190 : i32
        %parallel_loop3A_1192 = arith.constant 112 : i32
        %parallel_loop3A_1193 = arith.addi %parallel_loop3A_1191, %parallel_loop3A_1192 : i32
        %parallel_loop3A_1194 = arith.index_cast %parallel_loop3A_1193 : i32 to index
        %parallel_loop3A_1195 = tpu.vector_load %arg7[%parallel_loop3A_1194] {strides = array<i32>} : memref<32768xf32, #tpu.memory_space<vmem>>, vector<16xf32>,
        %parallel_loop3A_1196 = vector.shape_cast %parallel_loop3A_1195 : vector<16xf32> to vector<16xf32>
        %parallel_loop3A_1197 = vector.shape_cast %parallel_loop3A_1189 : vector<16xf32> to vector<16xf32>
        tpu.vector_store %arg7[%parallel_loop3A_1194], %parallel_loop3A_1197 {strides = array<i32>} : memref<32768xf32, #tpu.memory_space<vmem>>, vector<16xf32>,
        %parallel_loop3A_1198 = arith.constant 12 : i32
        %parallel_loop3A_1199 = vector.broadcast %parallel_loop3A_1198 : i32 to vector<16x1xi32>
        %parallel_loop3A_1200 = vector.shape_cast %parallel_loop3A_1199 : vector<16x1xi32> to vector<16xi32>
        %parallel_loop3A_1201 = tpu.dynamic_gather %parallel_loop3A_141[%parallel_loop3A_1200] in [0] : vector<16xf32>, vector<16xi32> -> vector<16xf32>
        %parallel_loop3A_1202 = arith.constant 16 : i32
        %parallel_loop3A_1203 = arith.muli %parallel_loop3A_134, %parallel_loop3A_1202 : i32
        %parallel_loop3A_1204 = arith.constant 12 : i32
        %parallel_loop3A_1205 = arith.addi %parallel_loop3A_1203, %parallel_loop3A_1204 : i32
        %parallel_loop3A_1206 = arith.mulf %parallel_loop3A_1201, %sub3A : vector<16xf32>
        %parallel_loop3A_1207 = arith.addf %get3A_4, %parallel_loop3A_1206 : vector<16xf32>
        %parallel_loop3A_1208 = arith.constant 128 : i32
        %parallel_loop3A_1209 = arith.muli %parallel_loop3A_1205, %parallel_loop3A_1208 : i32
        %parallel_loop3A_1210 = arith.constant 0 : i32
        %parallel_loop3A_1211 = arith.addi %parallel_loop3A_1209, %parallel_loop3A_1210 : i32
        %parallel_loop3A_1212 = arith.index_cast %parallel_loop3A_1211 : i32 to index
        %parallel_loop3A_1213 = tpu.vector_load %arg7[%parallel_loop3A_1212] {strides = array<i32>} : memref<32768xf32, #tpu.memory_space<vmem>>, vector<16xf32>,
        %parallel_loop3A_1214 = vector.shape_cast %parallel_loop3A_1213 : vector<16xf32> to vector<16xf32>
        %parallel_loop3A_1215 = vector.shape_cast %parallel_loop3A_1207 : vector<16xf32> to vector<16xf32>
        tpu.vector_store %arg7[%parallel_loop3A_1212], %parallel_loop3A_1215 {strides = array<i32>} : memref<32768xf32, #tpu.memory_space<vmem>>, vector<16xf32>,
        %parallel_loop3A_1216 = arith.mulf %parallel_loop3A_1201, %sub3A_32 : vector<16xf32>
        %parallel_loop3A_1217 = arith.addf %get3A_7, %parallel_loop3A_1216 : vector<16xf32>
        %parallel_loop3A_1218 = arith.constant 128 : i32
        %parallel_loop3A_1219 = arith.muli %parallel_loop3A_1205, %parallel_loop3A_1218 : i32
        %parallel_loop3A_1220 = arith.constant 16 : i32
        %parallel_loop3A_1221 = arith.addi %parallel_loop3A_1219, %parallel_loop3A_1220 : i32
        %parallel_loop3A_1222 = arith.index_cast %parallel_loop3A_1221 : i32 to index
        %parallel_loop3A_1223 = tpu.vector_load %arg7[%parallel_loop3A_1222] {strides = array<i32>} : memref<32768xf32, #tpu.memory_space<vmem>>, vector<16xf32>,
        %parallel_loop3A_1224 = vector.shape_cast %parallel_loop3A_1223 : vector<16xf32> to vector<16xf32>
        %parallel_loop3A_1225 = vector.shape_cast %parallel_loop3A_1217 : vector<16xf32> to vector<16xf32>
        tpu.vector_store %arg7[%parallel_loop3A_1222], %parallel_loop3A_1225 {strides = array<i32>} : memref<32768xf32, #tpu.memory_space<vmem>>, vector<16xf32>,
        %parallel_loop3A_1226 = arith.mulf %parallel_loop3A_1201, %sub3A_36 : vector<16xf32>
        %parallel_loop3A_1227 = arith.addf %get3A_10, %parallel_loop3A_1226 : vector<16xf32>
        %parallel_loop3A_1228 = arith.constant 128 : i32
        %parallel_loop3A_1229 = arith.muli %parallel_loop3A_1205, %parallel_loop3A_1228 : i32
        %parallel_loop3A_1230 = arith.constant 32 : i32
        %parallel_loop3A_1231 = arith.addi %parallel_loop3A_1229, %parallel_loop3A_1230 : i32
        %parallel_loop3A_1232 = arith.index_cast %parallel_loop3A_1231 : i32 to index
        %parallel_loop3A_1233 = tpu.vector_load %arg7[%parallel_loop3A_1232] {strides = array<i32>} : memref<32768xf32, #tpu.memory_space<vmem>>, vector<16xf32>,
        %parallel_loop3A_1234 = vector.shape_cast %parallel_loop3A_1233 : vector<16xf32> to vector<16xf32>
        %parallel_loop3A_1235 = vector.shape_cast %parallel_loop3A_1227 : vector<16xf32> to vector<16xf32>
        tpu.vector_store %arg7[%parallel_loop3A_1232], %parallel_loop3A_1235 {strides = array<i32>} : memref<32768xf32, #tpu.memory_space<vmem>>, vector<16xf32>,
        %parallel_loop3A_1236 = arith.mulf %parallel_loop3A_1201, %sub3A_40 : vector<16xf32>
        %parallel_loop3A_1237 = arith.addf %get3A_13, %parallel_loop3A_1236 : vector<16xf32>
        %parallel_loop3A_1238 = arith.constant 128 : i32
        %parallel_loop3A_1239 = arith.muli %parallel_loop3A_1205, %parallel_loop3A_1238 : i32
        %parallel_loop3A_1240 = arith.constant 48 : i32
        %parallel_loop3A_1241 = arith.addi %parallel_loop3A_1239, %parallel_loop3A_1240 : i32
        %parallel_loop3A_1242 = arith.index_cast %parallel_loop3A_1241 : i32 to index
        %parallel_loop3A_1243 = tpu.vector_load %arg7[%parallel_loop3A_1242] {strides = array<i32>} : memref<32768xf32, #tpu.memory_space<vmem>>, vector<16xf32>,
        %parallel_loop3A_1244 = vector.shape_cast %parallel_loop3A_1243 : vector<16xf32> to vector<16xf32>
        %parallel_loop3A_1245 = vector.shape_cast %parallel_loop3A_1237 : vector<16xf32> to vector<16xf32>
        tpu.vector_store %arg7[%parallel_loop3A_1242], %parallel_loop3A_1245 {strides = array<i32>} : memref<32768xf32, #tpu.memory_space<vmem>>, vector<16xf32>,
        %parallel_loop3A_1246 = arith.mulf %parallel_loop3A_1201, %sub3A_44 : vector<16xf32>
        %parallel_loop3A_1247 = arith.addf %get3A_16, %parallel_loop3A_1246 : vector<16xf32>
        %parallel_loop3A_1248 = arith.constant 128 : i32
        %parallel_loop3A_1249 = arith.muli %parallel_loop3A_1205, %parallel_loop3A_1248 : i32
        %parallel_loop3A_1250 = arith.constant 64 : i32
        %parallel_loop3A_1251 = arith.addi %parallel_loop3A_1249, %parallel_loop3A_1250 : i32
        %parallel_loop3A_1252 = arith.index_cast %parallel_loop3A_1251 : i32 to index
        %parallel_loop3A_1253 = tpu.vector_load %arg7[%parallel_loop3A_1252] {strides = array<i32>} : memref<32768xf32, #tpu.memory_space<vmem>>, vector<16xf32>,
        %parallel_loop3A_1254 = vector.shape_cast %parallel_loop3A_1253 : vector<16xf32> to vector<16xf32>
        %parallel_loop3A_1255 = vector.shape_cast %parallel_loop3A_1247 : vector<16xf32> to vector<16xf32>
        tpu.vector_store %arg7[%parallel_loop3A_1252], %parallel_loop3A_1255 {strides = array<i32>} : memref<32768xf32, #tpu.memory_space<vmem>>, vector<16xf32>,
        %parallel_loop3A_1256 = arith.mulf %parallel_loop3A_1201, %sub3A_48 : vector<16xf32>
        %parallel_loop3A_1257 = arith.addf %get3A_19, %parallel_loop3A_1256 : vector<16xf32>
        %parallel_loop3A_1258 = arith.constant 128 : i32
        %parallel_loop3A_1259 = arith.muli %parallel_loop3A_1205, %parallel_loop3A_1258 : i32
        %parallel_loop3A_1260 = arith.constant 80 : i32
        %parallel_loop3A_1261 = arith.addi %parallel_loop3A_1259, %parallel_loop3A_1260 : i32
        %parallel_loop3A_1262 = arith.index_cast %parallel_loop3A_1261 : i32 to index
        %parallel_loop3A_1263 = tpu.vector_load %arg7[%parallel_loop3A_1262] {strides = array<i32>} : memref<32768xf32, #tpu.memory_space<vmem>>, vector<16xf32>,
        %parallel_loop3A_1264 = vector.shape_cast %parallel_loop3A_1263 : vector<16xf32> to vector<16xf32>
        %parallel_loop3A_1265 = vector.shape_cast %parallel_loop3A_1257 : vector<16xf32> to vector<16xf32>
        tpu.vector_store %arg7[%parallel_loop3A_1262], %parallel_loop3A_1265 {strides = array<i32>} : memref<32768xf32, #tpu.memory_space<vmem>>, vector<16xf32>,
        %parallel_loop3A_1266 = arith.mulf %parallel_loop3A_1201, %sub3A_52 : vector<16xf32>
        %parallel_loop3A_1267 = arith.addf %get3A_22, %parallel_loop3A_1266 : vector<16xf32>
        %parallel_loop3A_1268 = arith.constant 128 : i32
        %parallel_loop3A_1269 = arith.muli %parallel_loop3A_1205, %parallel_loop3A_1268 : i32
        %parallel_loop3A_1270 = arith.constant 96 : i32
        %parallel_loop3A_1271 = arith.addi %parallel_loop3A_1269, %parallel_loop3A_1270 : i32
        %parallel_loop3A_1272 = arith.index_cast %parallel_loop3A_1271 : i32 to index
        %parallel_loop3A_1273 = tpu.vector_load %arg7[%parallel_loop3A_1272] {strides = array<i32>} : memref<32768xf32, #tpu.memory_space<vmem>>, vector<16xf32>,
        %parallel_loop3A_1274 = vector.shape_cast %parallel_loop3A_1273 : vector<16xf32> to vector<16xf32>
        %parallel_loop3A_1275 = vector.shape_cast %parallel_loop3A_1267 : vector<16xf32> to vector<16xf32>
        tpu.vector_store %arg7[%parallel_loop3A_1272], %parallel_loop3A_1275 {strides = array<i32>} : memref<32768xf32, #tpu.memory_space<vmem>>, vector<16xf32>,
        %parallel_loop3A_1276 = arith.mulf %parallel_loop3A_1201, %sub3A_56 : vector<16xf32>
        %parallel_loop3A_1277 = arith.addf %get3A_25, %parallel_loop3A_1276 : vector<16xf32>
        %parallel_loop3A_1278 = arith.constant 128 : i32
        %parallel_loop3A_1279 = arith.muli %parallel_loop3A_1205, %parallel_loop3A_1278 : i32
        %parallel_loop3A_1280 = arith.constant 112 : i32
        %parallel_loop3A_1281 = arith.addi %parallel_loop3A_1279, %parallel_loop3A_1280 : i32
        %parallel_loop3A_1282 = arith.index_cast %parallel_loop3A_1281 : i32 to index
        %parallel_loop3A_1283 = tpu.vector_load %arg7[%parallel_loop3A_1282] {strides = array<i32>} : memref<32768xf32, #tpu.memory_space<vmem>>, vector<16xf32>,
        %parallel_loop3A_1284 = vector.shape_cast %parallel_loop3A_1283 : vector<16xf32> to vector<16xf32>
        %parallel_loop3A_1285 = vector.shape_cast %parallel_loop3A_1277 : vector<16xf32> to vector<16xf32>
        tpu.vector_store %arg7[%parallel_loop3A_1282], %parallel_loop3A_1285 {strides = array<i32>} : memref<32768xf32, #tpu.memory_space<vmem>>, vector<16xf32>,
        %parallel_loop3A_1286 = arith.constant 13 : i32
        %parallel_loop3A_1287 = vector.broadcast %parallel_loop3A_1286 : i32 to vector<16x1xi32>
        %parallel_loop3A_1288 = vector.shape_cast %parallel_loop3A_1287 : vector<16x1xi32> to vector<16xi32>
        %parallel_loop3A_1289 = tpu.dynamic_gather %parallel_loop3A_141[%parallel_loop3A_1288] in [0] : vector<16xf32>, vector<16xi32> -> vector<16xf32>
        %parallel_loop3A_1290 = arith.constant 16 : i32
        %parallel_loop3A_1291 = arith.muli %parallel_loop3A_134, %parallel_loop3A_1290 : i32
        %parallel_loop3A_1292 = arith.constant 13 : i32
        %parallel_loop3A_1293 = arith.addi %parallel_loop3A_1291, %parallel_loop3A_1292 : i32
        %parallel_loop3A_1294 = arith.mulf %parallel_loop3A_1289, %sub3A : vector<16xf32>
        %parallel_loop3A_1295 = arith.addf %get3A_4, %parallel_loop3A_1294 : vector<16xf32>
        %parallel_loop3A_1296 = arith.constant 128 : i32
        %parallel_loop3A_1297 = arith.muli %parallel_loop3A_1293, %parallel_loop3A_1296 : i32
        %parallel_loop3A_1298 = arith.constant 0 : i32
        %parallel_loop3A_1299 = arith.addi %parallel_loop3A_1297, %parallel_loop3A_1298 : i32
        %parallel_loop3A_1300 = arith.index_cast %parallel_loop3A_1299 : i32 to index
        %parallel_loop3A_1301 = tpu.vector_load %arg7[%parallel_loop3A_1300] {strides = array<i32>} : memref<32768xf32, #tpu.memory_space<vmem>>, vector<16xf32>,
        %parallel_loop3A_1302 = vector.shape_cast %parallel_loop3A_1301 : vector<16xf32> to vector<16xf32>
        %parallel_loop3A_1303 = vector.shape_cast %parallel_loop3A_1295 : vector<16xf32> to vector<16xf32>
        tpu.vector_store %arg7[%parallel_loop3A_1300], %parallel_loop3A_1303 {strides = array<i32>} : memref<32768xf32, #tpu.memory_space<vmem>>, vector<16xf32>,
        %parallel_loop3A_1304 = arith.mulf %parallel_loop3A_1289, %sub3A_32 : vector<16xf32>
        %parallel_loop3A_1305 = arith.addf %get3A_7, %parallel_loop3A_1304 : vector<16xf32>
        %parallel_loop3A_1306 = arith.constant 128 : i32
        %parallel_loop3A_1307 = arith.muli %parallel_loop3A_1293, %parallel_loop3A_1306 : i32
        %parallel_loop3A_1308 = arith.constant 16 : i32
        %parallel_loop3A_1309 = arith.addi %parallel_loop3A_1307, %parallel_loop3A_1308 : i32
        %parallel_loop3A_1310 = arith.index_cast %parallel_loop3A_1309 : i32 to index
        %parallel_loop3A_1311 = tpu.vector_load %arg7[%parallel_loop3A_1310] {strides = array<i32>} : memref<32768xf32, #tpu.memory_space<vmem>>, vector<16xf32>,
        %parallel_loop3A_1312 = vector.shape_cast %parallel_loop3A_1311 : vector<16xf32> to vector<16xf32>
        %parallel_loop3A_1313 = vector.shape_cast %parallel_loop3A_1305 : vector<16xf32> to vector<16xf32>
        tpu.vector_store %arg7[%parallel_loop3A_1310], %parallel_loop3A_1313 {strides = array<i32>} : memref<32768xf32, #tpu.memory_space<vmem>>, vector<16xf32>,
        %parallel_loop3A_1314 = arith.mulf %parallel_loop3A_1289, %sub3A_36 : vector<16xf32>
        %parallel_loop3A_1315 = arith.addf %get3A_10, %parallel_loop3A_1314 : vector<16xf32>
        %parallel_loop3A_1316 = arith.constant 128 : i32
        %parallel_loop3A_1317 = arith.muli %parallel_loop3A_1293, %parallel_loop3A_1316 : i32
        %parallel_loop3A_1318 = arith.constant 32 : i32
        %parallel_loop3A_1319 = arith.addi %parallel_loop3A_1317, %parallel_loop3A_1318 : i32
        %parallel_loop3A_1320 = arith.index_cast %parallel_loop3A_1319 : i32 to index
        %parallel_loop3A_1321 = tpu.vector_load %arg7[%parallel_loop3A_1320] {strides = array<i32>} : memref<32768xf32, #tpu.memory_space<vmem>>, vector<16xf32>,
        %parallel_loop3A_1322 = vector.shape_cast %parallel_loop3A_1321 : vector<16xf32> to vector<16xf32>
        %parallel_loop3A_1323 = vector.shape_cast %parallel_loop3A_1315 : vector<16xf32> to vector<16xf32>
        tpu.vector_store %arg7[%parallel_loop3A_1320], %parallel_loop3A_1323 {strides = array<i32>} : memref<32768xf32, #tpu.memory_space<vmem>>, vector<16xf32>,
        %parallel_loop3A_1324 = arith.mulf %parallel_loop3A_1289, %sub3A_40 : vector<16xf32>
        %parallel_loop3A_1325 = arith.addf %get3A_13, %parallel_loop3A_1324 : vector<16xf32>
        %parallel_loop3A_1326 = arith.constant 128 : i32
        %parallel_loop3A_1327 = arith.muli %parallel_loop3A_1293, %parallel_loop3A_1326 : i32
        %parallel_loop3A_1328 = arith.constant 48 : i32
        %parallel_loop3A_1329 = arith.addi %parallel_loop3A_1327, %parallel_loop3A_1328 : i32
        %parallel_loop3A_1330 = arith.index_cast %parallel_loop3A_1329 : i32 to index
        %parallel_loop3A_1331 = tpu.vector_load %arg7[%parallel_loop3A_1330] {strides = array<i32>} : memref<32768xf32, #tpu.memory_space<vmem>>, vector<16xf32>,
        %parallel_loop3A_1332 = vector.shape_cast %parallel_loop3A_1331 : vector<16xf32> to vector<16xf32>
        %parallel_loop3A_1333 = vector.shape_cast %parallel_loop3A_1325 : vector<16xf32> to vector<16xf32>
        tpu.vector_store %arg7[%parallel_loop3A_1330], %parallel_loop3A_1333 {strides = array<i32>} : memref<32768xf32, #tpu.memory_space<vmem>>, vector<16xf32>,
        %parallel_loop3A_1334 = arith.mulf %parallel_loop3A_1289, %sub3A_44 : vector<16xf32>
        %parallel_loop3A_1335 = arith.addf %get3A_16, %parallel_loop3A_1334 : vector<16xf32>
        %parallel_loop3A_1336 = arith.constant 128 : i32
        %parallel_loop3A_1337 = arith.muli %parallel_loop3A_1293, %parallel_loop3A_1336 : i32
        %parallel_loop3A_1338 = arith.constant 64 : i32
        %parallel_loop3A_1339 = arith.addi %parallel_loop3A_1337, %parallel_loop3A_1338 : i32
        %parallel_loop3A_1340 = arith.index_cast %parallel_loop3A_1339 : i32 to index
        %parallel_loop3A_1341 = tpu.vector_load %arg7[%parallel_loop3A_1340] {strides = array<i32>} : memref<32768xf32, #tpu.memory_space<vmem>>, vector<16xf32>,
        %parallel_loop3A_1342 = vector.shape_cast %parallel_loop3A_1341 : vector<16xf32> to vector<16xf32>
        %parallel_loop3A_1343 = vector.shape_cast %parallel_loop3A_1335 : vector<16xf32> to vector<16xf32>
        tpu.vector_store %arg7[%parallel_loop3A_1340], %parallel_loop3A_1343 {strides = array<i32>} : memref<32768xf32, #tpu.memory_space<vmem>>, vector<16xf32>,
        %parallel_loop3A_1344 = arith.mulf %parallel_loop3A_1289, %sub3A_48 : vector<16xf32>
        %parallel_loop3A_1345 = arith.addf %get3A_19, %parallel_loop3A_1344 : vector<16xf32>
        %parallel_loop3A_1346 = arith.constant 128 : i32
        %parallel_loop3A_1347 = arith.muli %parallel_loop3A_1293, %parallel_loop3A_1346 : i32
        %parallel_loop3A_1348 = arith.constant 80 : i32
        %parallel_loop3A_1349 = arith.addi %parallel_loop3A_1347, %parallel_loop3A_1348 : i32
        %parallel_loop3A_1350 = arith.index_cast %parallel_loop3A_1349 : i32 to index
        %parallel_loop3A_1351 = tpu.vector_load %arg7[%parallel_loop3A_1350] {strides = array<i32>} : memref<32768xf32, #tpu.memory_space<vmem>>, vector<16xf32>,
        %parallel_loop3A_1352 = vector.shape_cast %parallel_loop3A_1351 : vector<16xf32> to vector<16xf32>
        %parallel_loop3A_1353 = vector.shape_cast %parallel_loop3A_1345 : vector<16xf32> to vector<16xf32>
        tpu.vector_store %arg7[%parallel_loop3A_1350], %parallel_loop3A_1353 {strides = array<i32>} : memref<32768xf32, #tpu.memory_space<vmem>>, vector<16xf32>,
        %parallel_loop3A_1354 = arith.mulf %parallel_loop3A_1289, %sub3A_52 : vector<16xf32>
        %parallel_loop3A_1355 = arith.addf %get3A_22, %parallel_loop3A_1354 : vector<16xf32>
        %parallel_loop3A_1356 = arith.constant 128 : i32
        %parallel_loop3A_1357 = arith.muli %parallel_loop3A_1293, %parallel_loop3A_1356 : i32
        %parallel_loop3A_1358 = arith.constant 96 : i32
        %parallel_loop3A_1359 = arith.addi %parallel_loop3A_1357, %parallel_loop3A_1358 : i32
        %parallel_loop3A_1360 = arith.index_cast %parallel_loop3A_1359 : i32 to index
        %parallel_loop3A_1361 = tpu.vector_load %arg7[%parallel_loop3A_1360] {strides = array<i32>} : memref<32768xf32, #tpu.memory_space<vmem>>, vector<16xf32>,
        %parallel_loop3A_1362 = vector.shape_cast %parallel_loop3A_1361 : vector<16xf32> to vector<16xf32>
        %parallel_loop3A_1363 = vector.shape_cast %parallel_loop3A_1355 : vector<16xf32> to vector<16xf32>
        tpu.vector_store %arg7[%parallel_loop3A_1360], %parallel_loop3A_1363 {strides = array<i32>} : memref<32768xf32, #tpu.memory_space<vmem>>, vector<16xf32>,
        %parallel_loop3A_1364 = arith.mulf %parallel_loop3A_1289, %sub3A_56 : vector<16xf32>
        %parallel_loop3A_1365 = arith.addf %get3A_25, %parallel_loop3A_1364 : vector<16xf32>
        %parallel_loop3A_1366 = arith.constant 128 : i32
        %parallel_loop3A_1367 = arith.muli %parallel_loop3A_1293, %parallel_loop3A_1366 : i32
        %parallel_loop3A_1368 = arith.constant 112 : i32
        %parallel_loop3A_1369 = arith.addi %parallel_loop3A_1367, %parallel_loop3A_1368 : i32
        %parallel_loop3A_1370 = arith.index_cast %parallel_loop3A_1369 : i32 to index
        %parallel_loop3A_1371 = tpu.vector_load %arg7[%parallel_loop3A_1370] {strides = array<i32>} : memref<32768xf32, #tpu.memory_space<vmem>>, vector<16xf32>,
        %parallel_loop3A_1372 = vector.shape_cast %parallel_loop3A_1371 : vector<16xf32> to vector<16xf32>
        %parallel_loop3A_1373 = vector.shape_cast %parallel_loop3A_1365 : vector<16xf32> to vector<16xf32>
        tpu.vector_store %arg7[%parallel_loop3A_1370], %parallel_loop3A_1373 {strides = array<i32>} : memref<32768xf32, #tpu.memory_space<vmem>>, vector<16xf32>,
        %parallel_loop3A_1374 = arith.constant 14 : i32
        %parallel_loop3A_1375 = vector.broadcast %parallel_loop3A_1374 : i32 to vector<16x1xi32>
        %parallel_loop3A_1376 = vector.shape_cast %parallel_loop3A_1375 : vector<16x1xi32> to vector<16xi32>
        %parallel_loop3A_1377 = tpu.dynamic_gather %parallel_loop3A_141[%parallel_loop3A_1376] in [0] : vector<16xf32>, vector<16xi32> -> vector<16xf32>
        %parallel_loop3A_1378 = arith.constant 16 : i32
        %parallel_loop3A_1379 = arith.muli %parallel_loop3A_134, %parallel_loop3A_1378 : i32
        %parallel_loop3A_1380 = arith.constant 14 : i32
        %parallel_loop3A_1381 = arith.addi %parallel_loop3A_1379, %parallel_loop3A_1380 : i32
        %parallel_loop3A_1382 = arith.mulf %parallel_loop3A_1377, %sub3A : vector<16xf32>
        %parallel_loop3A_1383 = arith.addf %get3A_4, %parallel_loop3A_1382 : vector<16xf32>
        %parallel_loop3A_1384 = arith.constant 128 : i32
        %parallel_loop3A_1385 = arith.muli %parallel_loop3A_1381, %parallel_loop3A_1384 : i32
        %parallel_loop3A_1386 = arith.constant 0 : i32
        %parallel_loop3A_1387 = arith.addi %parallel_loop3A_1385, %parallel_loop3A_1386 : i32
        %parallel_loop3A_1388 = arith.index_cast %parallel_loop3A_1387 : i32 to index
        %parallel_loop3A_1389 = tpu.vector_load %arg7[%parallel_loop3A_1388] {strides = array<i32>} : memref<32768xf32, #tpu.memory_space<vmem>>, vector<16xf32>,
        %parallel_loop3A_1390 = vector.shape_cast %parallel_loop3A_1389 : vector<16xf32> to vector<16xf32>
        %parallel_loop3A_1391 = vector.shape_cast %parallel_loop3A_1383 : vector<16xf32> to vector<16xf32>
        tpu.vector_store %arg7[%parallel_loop3A_1388], %parallel_loop3A_1391 {strides = array<i32>} : memref<32768xf32, #tpu.memory_space<vmem>>, vector<16xf32>,
        %parallel_loop3A_1392 = arith.mulf %parallel_loop3A_1377, %sub3A_32 : vector<16xf32>
        %parallel_loop3A_1393 = arith.addf %get3A_7, %parallel_loop3A_1392 : vector<16xf32>
        %parallel_loop3A_1394 = arith.constant 128 : i32
        %parallel_loop3A_1395 = arith.muli %parallel_loop3A_1381, %parallel_loop3A_1394 : i32
        %parallel_loop3A_1396 = arith.constant 16 : i32
        %parallel_loop3A_1397 = arith.addi %parallel_loop3A_1395, %parallel_loop3A_1396 : i32
        %parallel_loop3A_1398 = arith.index_cast %parallel_loop3A_1397 : i32 to index
        %parallel_loop3A_1399 = tpu.vector_load %arg7[%parallel_loop3A_1398] {strides = array<i32>} : memref<32768xf32, #tpu.memory_space<vmem>>, vector<16xf32>,
        %parallel_loop3A_1400 = vector.shape_cast %parallel_loop3A_1399 : vector<16xf32> to vector<16xf32>
        %parallel_loop3A_1401 = vector.shape_cast %parallel_loop3A_1393 : vector<16xf32> to vector<16xf32>
        tpu.vector_store %arg7[%parallel_loop3A_1398], %parallel_loop3A_1401 {strides = array<i32>} : memref<32768xf32, #tpu.memory_space<vmem>>, vector<16xf32>,
        %parallel_loop3A_1402 = arith.mulf %parallel_loop3A_1377, %sub3A_36 : vector<16xf32>
        %parallel_loop3A_1403 = arith.addf %get3A_10, %parallel_loop3A_1402 : vector<16xf32>
        %parallel_loop3A_1404 = arith.constant 128 : i32
        %parallel_loop3A_1405 = arith.muli %parallel_loop3A_1381, %parallel_loop3A_1404 : i32
        %parallel_loop3A_1406 = arith.constant 32 : i32
        %parallel_loop3A_1407 = arith.addi %parallel_loop3A_1405, %parallel_loop3A_1406 : i32
        %parallel_loop3A_1408 = arith.index_cast %parallel_loop3A_1407 : i32 to index
        %parallel_loop3A_1409 = tpu.vector_load %arg7[%parallel_loop3A_1408] {strides = array<i32>} : memref<32768xf32, #tpu.memory_space<vmem>>, vector<16xf32>,
        %parallel_loop3A_1410 = vector.shape_cast %parallel_loop3A_1409 : vector<16xf32> to vector<16xf32>
        %parallel_loop3A_1411 = vector.shape_cast %parallel_loop3A_1403 : vector<16xf32> to vector<16xf32>
        tpu.vector_store %arg7[%parallel_loop3A_1408], %parallel_loop3A_1411 {strides = array<i32>} : memref<32768xf32, #tpu.memory_space<vmem>>, vector<16xf32>,
        %parallel_loop3A_1412 = arith.mulf %parallel_loop3A_1377, %sub3A_40 : vector<16xf32>
        %parallel_loop3A_1413 = arith.addf %get3A_13, %parallel_loop3A_1412 : vector<16xf32>
        %parallel_loop3A_1414 = arith.constant 128 : i32
        %parallel_loop3A_1415 = arith.muli %parallel_loop3A_1381, %parallel_loop3A_1414 : i32
        %parallel_loop3A_1416 = arith.constant 48 : i32
        %parallel_loop3A_1417 = arith.addi %parallel_loop3A_1415, %parallel_loop3A_1416 : i32
        %parallel_loop3A_1418 = arith.index_cast %parallel_loop3A_1417 : i32 to index
        %parallel_loop3A_1419 = tpu.vector_load %arg7[%parallel_loop3A_1418] {strides = array<i32>} : memref<32768xf32, #tpu.memory_space<vmem>>, vector<16xf32>,
        %parallel_loop3A_1420 = vector.shape_cast %parallel_loop3A_1419 : vector<16xf32> to vector<16xf32>
        %parallel_loop3A_1421 = vector.shape_cast %parallel_loop3A_1413 : vector<16xf32> to vector<16xf32>
        tpu.vector_store %arg7[%parallel_loop3A_1418], %parallel_loop3A_1421 {strides = array<i32>} : memref<32768xf32, #tpu.memory_space<vmem>>, vector<16xf32>,
        %parallel_loop3A_1422 = arith.mulf %parallel_loop3A_1377, %sub3A_44 : vector<16xf32>
        %parallel_loop3A_1423 = arith.addf %get3A_16, %parallel_loop3A_1422 : vector<16xf32>
        %parallel_loop3A_1424 = arith.constant 128 : i32
        %parallel_loop3A_1425 = arith.muli %parallel_loop3A_1381, %parallel_loop3A_1424 : i32
        %parallel_loop3A_1426 = arith.constant 64 : i32
        %parallel_loop3A_1427 = arith.addi %parallel_loop3A_1425, %parallel_loop3A_1426 : i32
        %parallel_loop3A_1428 = arith.index_cast %parallel_loop3A_1427 : i32 to index
        %parallel_loop3A_1429 = tpu.vector_load %arg7[%parallel_loop3A_1428] {strides = array<i32>} : memref<32768xf32, #tpu.memory_space<vmem>>, vector<16xf32>,
        %parallel_loop3A_1430 = vector.shape_cast %parallel_loop3A_1429 : vector<16xf32> to vector<16xf32>
        %parallel_loop3A_1431 = vector.shape_cast %parallel_loop3A_1423 : vector<16xf32> to vector<16xf32>
        tpu.vector_store %arg7[%parallel_loop3A_1428], %parallel_loop3A_1431 {strides = array<i32>} : memref<32768xf32, #tpu.memory_space<vmem>>, vector<16xf32>,
        %parallel_loop3A_1432 = arith.mulf %parallel_loop3A_1377, %sub3A_48 : vector<16xf32>
        %parallel_loop3A_1433 = arith.addf %get3A_19, %parallel_loop3A_1432 : vector<16xf32>
        %parallel_loop3A_1434 = arith.constant 128 : i32
        %parallel_loop3A_1435 = arith.muli %parallel_loop3A_1381, %parallel_loop3A_1434 : i32
        %parallel_loop3A_1436 = arith.constant 80 : i32
        %parallel_loop3A_1437 = arith.addi %parallel_loop3A_1435, %parallel_loop3A_1436 : i32
        %parallel_loop3A_1438 = arith.index_cast %parallel_loop3A_1437 : i32 to index
        %parallel_loop3A_1439 = tpu.vector_load %arg7[%parallel_loop3A_1438] {strides = array<i32>} : memref<32768xf32, #tpu.memory_space<vmem>>, vector<16xf32>,
        %parallel_loop3A_1440 = vector.shape_cast %parallel_loop3A_1439 : vector<16xf32> to vector<16xf32>
        %parallel_loop3A_1441 = vector.shape_cast %parallel_loop3A_1433 : vector<16xf32> to vector<16xf32>
        tpu.vector_store %arg7[%parallel_loop3A_1438], %parallel_loop3A_1441 {strides = array<i32>} : memref<32768xf32, #tpu.memory_space<vmem>>, vector<16xf32>,
        %parallel_loop3A_1442 = arith.mulf %parallel_loop3A_1377, %sub3A_52 : vector<16xf32>
        %parallel_loop3A_1443 = arith.addf %get3A_22, %parallel_loop3A_1442 : vector<16xf32>
        %parallel_loop3A_1444 = arith.constant 128 : i32
        %parallel_loop3A_1445 = arith.muli %parallel_loop3A_1381, %parallel_loop3A_1444 : i32
        %parallel_loop3A_1446 = arith.constant 96 : i32
        %parallel_loop3A_1447 = arith.addi %parallel_loop3A_1445, %parallel_loop3A_1446 : i32
        %parallel_loop3A_1448 = arith.index_cast %parallel_loop3A_1447 : i32 to index
        %parallel_loop3A_1449 = tpu.vector_load %arg7[%parallel_loop3A_1448] {strides = array<i32>} : memref<32768xf32, #tpu.memory_space<vmem>>, vector<16xf32>,
        %parallel_loop3A_1450 = vector.shape_cast %parallel_loop3A_1449 : vector<16xf32> to vector<16xf32>
        %parallel_loop3A_1451 = vector.shape_cast %parallel_loop3A_1443 : vector<16xf32> to vector<16xf32>
        tpu.vector_store %arg7[%parallel_loop3A_1448], %parallel_loop3A_1451 {strides = array<i32>} : memref<32768xf32, #tpu.memory_space<vmem>>, vector<16xf32>,
        %parallel_loop3A_1452 = arith.mulf %parallel_loop3A_1377, %sub3A_56 : vector<16xf32>
        %parallel_loop3A_1453 = arith.addf %get3A_25, %parallel_loop3A_1452 : vector<16xf32>
        %parallel_loop3A_1454 = arith.constant 128 : i32
        %parallel_loop3A_1455 = arith.muli %parallel_loop3A_1381, %parallel_loop3A_1454 : i32
        %parallel_loop3A_1456 = arith.constant 112 : i32
        %parallel_loop3A_1457 = arith.addi %parallel_loop3A_1455, %parallel_loop3A_1456 : i32
        %parallel_loop3A_1458 = arith.index_cast %parallel_loop3A_1457 : i32 to index
        %parallel_loop3A_1459 = tpu.vector_load %arg7[%parallel_loop3A_1458] {strides = array<i32>} : memref<32768xf32, #tpu.memory_space<vmem>>, vector<16xf32>,
        %parallel_loop3A_1460 = vector.shape_cast %parallel_loop3A_1459 : vector<16xf32> to vector<16xf32>
        %parallel_loop3A_1461 = vector.shape_cast %parallel_loop3A_1453 : vector<16xf32> to vector<16xf32>
        tpu.vector_store %arg7[%parallel_loop3A_1458], %parallel_loop3A_1461 {strides = array<i32>} : memref<32768xf32, #tpu.memory_space<vmem>>, vector<16xf32>,
        %parallel_loop3A_1462 = arith.constant 15 : i32
        %parallel_loop3A_1463 = vector.broadcast %parallel_loop3A_1462 : i32 to vector<16x1xi32>
        %parallel_loop3A_1464 = vector.shape_cast %parallel_loop3A_1463 : vector<16x1xi32> to vector<16xi32>
        %parallel_loop3A_1465 = tpu.dynamic_gather %parallel_loop3A_141[%parallel_loop3A_1464] in [0] : vector<16xf32>, vector<16xi32> -> vector<16xf32>
        %parallel_loop3A_1466 = arith.constant 16 : i32
        %parallel_loop3A_1467 = arith.muli %parallel_loop3A_134, %parallel_loop3A_1466 : i32
        %parallel_loop3A_1468 = arith.constant 15 : i32
        %parallel_loop3A_1469 = arith.addi %parallel_loop3A_1467, %parallel_loop3A_1468 : i32
        %parallel_loop3A_1470 = arith.mulf %parallel_loop3A_1465, %sub3A : vector<16xf32>
        %parallel_loop3A_1471 = arith.addf %get3A_4, %parallel_loop3A_1470 : vector<16xf32>
        %parallel_loop3A_1472 = arith.constant 128 : i32
        %parallel_loop3A_1473 = arith.muli %parallel_loop3A_1469, %parallel_loop3A_1472 : i32
        %parallel_loop3A_1474 = arith.constant 0 : i32
        %parallel_loop3A_1475 = arith.addi %parallel_loop3A_1473, %parallel_loop3A_1474 : i32
        %parallel_loop3A_1476 = arith.index_cast %parallel_loop3A_1475 : i32 to index
        %parallel_loop3A_1477 = tpu.vector_load %arg7[%parallel_loop3A_1476] {strides = array<i32>} : memref<32768xf32, #tpu.memory_space<vmem>>, vector<16xf32>,
        %parallel_loop3A_1478 = vector.shape_cast %parallel_loop3A_1477 : vector<16xf32> to vector<16xf32>
        %parallel_loop3A_1479 = vector.shape_cast %parallel_loop3A_1471 : vector<16xf32> to vector<16xf32>
        tpu.vector_store %arg7[%parallel_loop3A_1476], %parallel_loop3A_1479 {strides = array<i32>} : memref<32768xf32, #tpu.memory_space<vmem>>, vector<16xf32>,
        %parallel_loop3A_1480 = arith.mulf %parallel_loop3A_1465, %sub3A_32 : vector<16xf32>
        %parallel_loop3A_1481 = arith.addf %get3A_7, %parallel_loop3A_1480 : vector<16xf32>
        %parallel_loop3A_1482 = arith.constant 128 : i32
        %parallel_loop3A_1483 = arith.muli %parallel_loop3A_1469, %parallel_loop3A_1482 : i32
        %parallel_loop3A_1484 = arith.constant 16 : i32
        %parallel_loop3A_1485 = arith.addi %parallel_loop3A_1483, %parallel_loop3A_1484 : i32
        %parallel_loop3A_1486 = arith.index_cast %parallel_loop3A_1485 : i32 to index
        %parallel_loop3A_1487 = tpu.vector_load %arg7[%parallel_loop3A_1486] {strides = array<i32>} : memref<32768xf32, #tpu.memory_space<vmem>>, vector<16xf32>,
        %parallel_loop3A_1488 = vector.shape_cast %parallel_loop3A_1487 : vector<16xf32> to vector<16xf32>
        %parallel_loop3A_1489 = vector.shape_cast %parallel_loop3A_1481 : vector<16xf32> to vector<16xf32>
        tpu.vector_store %arg7[%parallel_loop3A_1486], %parallel_loop3A_1489 {strides = array<i32>} : memref<32768xf32, #tpu.memory_space<vmem>>, vector<16xf32>,
        %parallel_loop3A_1490 = arith.mulf %parallel_loop3A_1465, %sub3A_36 : vector<16xf32>
        %parallel_loop3A_1491 = arith.addf %get3A_10, %parallel_loop3A_1490 : vector<16xf32>
        %parallel_loop3A_1492 = arith.constant 128 : i32
        %parallel_loop3A_1493 = arith.muli %parallel_loop3A_1469, %parallel_loop3A_1492 : i32
        %parallel_loop3A_1494 = arith.constant 32 : i32
        %parallel_loop3A_1495 = arith.addi %parallel_loop3A_1493, %parallel_loop3A_1494 : i32
        %parallel_loop3A_1496 = arith.index_cast %parallel_loop3A_1495 : i32 to index
        %parallel_loop3A_1497 = tpu.vector_load %arg7[%parallel_loop3A_1496] {strides = array<i32>} : memref<32768xf32, #tpu.memory_space<vmem>>, vector<16xf32>,
        %parallel_loop3A_1498 = vector.shape_cast %parallel_loop3A_1497 : vector<16xf32> to vector<16xf32>
        %parallel_loop3A_1499 = vector.shape_cast %parallel_loop3A_1491 : vector<16xf32> to vector<16xf32>
        tpu.vector_store %arg7[%parallel_loop3A_1496], %parallel_loop3A_1499 {strides = array<i32>} : memref<32768xf32, #tpu.memory_space<vmem>>, vector<16xf32>,
        %parallel_loop3A_1500 = arith.mulf %parallel_loop3A_1465, %sub3A_40 : vector<16xf32>
        %parallel_loop3A_1501 = arith.addf %get3A_13, %parallel_loop3A_1500 : vector<16xf32>
        %parallel_loop3A_1502 = arith.constant 128 : i32
        %parallel_loop3A_1503 = arith.muli %parallel_loop3A_1469, %parallel_loop3A_1502 : i32
        %parallel_loop3A_1504 = arith.constant 48 : i32
        %parallel_loop3A_1505 = arith.addi %parallel_loop3A_1503, %parallel_loop3A_1504 : i32
        %parallel_loop3A_1506 = arith.index_cast %parallel_loop3A_1505 : i32 to index
        %parallel_loop3A_1507 = tpu.vector_load %arg7[%parallel_loop3A_1506] {strides = array<i32>} : memref<32768xf32, #tpu.memory_space<vmem>>, vector<16xf32>,
        %parallel_loop3A_1508 = vector.shape_cast %parallel_loop3A_1507 : vector<16xf32> to vector<16xf32>
        %parallel_loop3A_1509 = vector.shape_cast %parallel_loop3A_1501 : vector<16xf32> to vector<16xf32>
        tpu.vector_store %arg7[%parallel_loop3A_1506], %parallel_loop3A_1509 {strides = array<i32>} : memref<32768xf32, #tpu.memory_space<vmem>>, vector<16xf32>,
        %parallel_loop3A_1510 = arith.mulf %parallel_loop3A_1465, %sub3A_44 : vector<16xf32>
        %parallel_loop3A_1511 = arith.addf %get3A_16, %parallel_loop3A_1510 : vector<16xf32>
        %parallel_loop3A_1512 = arith.constant 128 : i32
        %parallel_loop3A_1513 = arith.muli %parallel_loop3A_1469, %parallel_loop3A_1512 : i32
        %parallel_loop3A_1514 = arith.constant 64 : i32
        %parallel_loop3A_1515 = arith.addi %parallel_loop3A_1513, %parallel_loop3A_1514 : i32
        %parallel_loop3A_1516 = arith.index_cast %parallel_loop3A_1515 : i32 to index
        %parallel_loop3A_1517 = tpu.vector_load %arg7[%parallel_loop3A_1516] {strides = array<i32>} : memref<32768xf32, #tpu.memory_space<vmem>>, vector<16xf32>,
        %parallel_loop3A_1518 = vector.shape_cast %parallel_loop3A_1517 : vector<16xf32> to vector<16xf32>
        %parallel_loop3A_1519 = vector.shape_cast %parallel_loop3A_1511 : vector<16xf32> to vector<16xf32>
        tpu.vector_store %arg7[%parallel_loop3A_1516], %parallel_loop3A_1519 {strides = array<i32>} : memref<32768xf32, #tpu.memory_space<vmem>>, vector<16xf32>,
        %parallel_loop3A_1520 = arith.mulf %parallel_loop3A_1465, %sub3A_48 : vector<16xf32>
        %parallel_loop3A_1521 = arith.addf %get3A_19, %parallel_loop3A_1520 : vector<16xf32>
        %parallel_loop3A_1522 = arith.constant 128 : i32
        %parallel_loop3A_1523 = arith.muli %parallel_loop3A_1469, %parallel_loop3A_1522 : i32
        %parallel_loop3A_1524 = arith.constant 80 : i32
        %parallel_loop3A_1525 = arith.addi %parallel_loop3A_1523, %parallel_loop3A_1524 : i32
        %parallel_loop3A_1526 = arith.index_cast %parallel_loop3A_1525 : i32 to index
        %parallel_loop3A_1527 = tpu.vector_load %arg7[%parallel_loop3A_1526] {strides = array<i32>} : memref<32768xf32, #tpu.memory_space<vmem>>, vector<16xf32>,
        %parallel_loop3A_1528 = vector.shape_cast %parallel_loop3A_1527 : vector<16xf32> to vector<16xf32>
        %parallel_loop3A_1529 = vector.shape_cast %parallel_loop3A_1521 : vector<16xf32> to vector<16xf32>
        tpu.vector_store %arg7[%parallel_loop3A_1526], %parallel_loop3A_1529 {strides = array<i32>} : memref<32768xf32, #tpu.memory_space<vmem>>, vector<16xf32>,
        %parallel_loop3A_1530 = arith.mulf %parallel_loop3A_1465, %sub3A_52 : vector<16xf32>
        %parallel_loop3A_1531 = arith.addf %get3A_22, %parallel_loop3A_1530 : vector<16xf32>
        %parallel_loop3A_1532 = arith.constant 128 : i32
        %parallel_loop3A_1533 = arith.muli %parallel_loop3A_1469, %parallel_loop3A_1532 : i32
        %parallel_loop3A_1534 = arith.constant 96 : i32
        %parallel_loop3A_1535 = arith.addi %parallel_loop3A_1533, %parallel_loop3A_1534 : i32
        %parallel_loop3A_1536 = arith.index_cast %parallel_loop3A_1535 : i32 to index
        %parallel_loop3A_1537 = tpu.vector_load %arg7[%parallel_loop3A_1536] {strides = array<i32>} : memref<32768xf32, #tpu.memory_space<vmem>>, vector<16xf32>,
        %parallel_loop3A_1538 = vector.shape_cast %parallel_loop3A_1537 : vector<16xf32> to vector<16xf32>
        %parallel_loop3A_1539 = vector.shape_cast %parallel_loop3A_1531 : vector<16xf32> to vector<16xf32>
        tpu.vector_store %arg7[%parallel_loop3A_1536], %parallel_loop3A_1539 {strides = array<i32>} : memref<32768xf32, #tpu.memory_space<vmem>>, vector<16xf32>,
        %parallel_loop3A_1540 = arith.mulf %parallel_loop3A_1465, %sub3A_56 : vector<16xf32>
        %parallel_loop3A_1541 = arith.addf %get3A_25, %parallel_loop3A_1540 : vector<16xf32>
        %parallel_loop3A_1542 = arith.constant 128 : i32
        %parallel_loop3A_1543 = arith.muli %parallel_loop3A_1469, %parallel_loop3A_1542 : i32
        %parallel_loop3A_1544 = arith.constant 112 : i32
        %parallel_loop3A_1545 = arith.addi %parallel_loop3A_1543, %parallel_loop3A_1544 : i32
        %parallel_loop3A_1546 = arith.index_cast %parallel_loop3A_1545 : i32 to index
        %parallel_loop3A_1547 = tpu.vector_load %arg7[%parallel_loop3A_1546] {strides = array<i32>} : memref<32768xf32, #tpu.memory_space<vmem>>, vector<16xf32>,
        %parallel_loop3A_1548 = vector.shape_cast %parallel_loop3A_1547 : vector<16xf32> to vector<16xf32>
        %parallel_loop3A_1549 = vector.shape_cast %parallel_loop3A_1541 : vector<16xf32> to vector<16xf32>
        tpu.vector_store %arg7[%parallel_loop3A_1546], %parallel_loop3A_1549 {strides = array<i32>} : memref<32768xf32, #tpu.memory_space<vmem>>, vector<16xf32>,
      } {sc.loop_unroll_factor = 2 : i64, sc.parallel_access}
      %mul3A_102 = arith.constant 128 : i32
      %mul3A_103 = arith.muli %add3A_88, %mul3A_102 : i32
      %dma_start3A = arith.constant 0 : i32
      %dma_start3A_104 = tpu.memref_slice %arg4[%mul3A_103] : memref<419430400xf32, #tpu.memory_space<hbm>> -> memref<32768xf32, #tpu.memory_space<hbm>>
      %dma_start3A_105 = tpu.memref_slice %arg9[%dma_start3A] : memref<2x!tpu.dma_semaphore, #tpu.memory_space<semaphore_mem>> -> memref<1x!tpu.dma_semaphore, #tpu.memory_space<semaphore_mem>>
      %dma_start3A_106 = tpu.memref_squeeze %dma_start3A_105 : memref<1x!tpu.dma_semaphore, #tpu.memory_space<semaphore_mem>> -> memref<!tpu.dma_semaphore, #tpu.memory_space<semaphore_mem>>
      %dma_start3A_107 = tpu.memref_slice %arg4[%mul3A_103] : memref<419430400xf32, #tpu.memory_space<hbm>> -> memref<32768xf32, #tpu.memory_space<hbm>>
      tpu.enqueue_dma source(%arg7 : memref<32768xf32, #tpu.memory_space<vmem>>) target(%dma_start3A_107 : memref<32768xf32, #tpu.memory_space<hbm>>) target_semaphore(%dma_start3A_106 : memref<!tpu.dma_semaphore, #tpu.memory_space<semaphore_mem>>)
      %mul3A_108 = arith.constant 2 : i32
      %mul3A_109 = arith.muli %mul3A_108, %scan3A_81 : i32
      %add3A_110 = arith.constant 1 : i32
      %add3A_111 = arith.addi %mul3A_109, %add3A_110 : i32
      %mul3A_112 = arith.constant 256 : i32
      %mul3A_113 = arith.muli %add3A_111, %mul3A_112 : i32
      %add3A_114 = arith.addi %mul3A_2, %mul3A_113 : i32
      %gt3A_115 = arith.constant 0 : i32
      %gt3A_116 = arith.cmpi sgt, %scan3A_81, %gt3A_115 : i32
      %convert_element_type3A_117 = arith.extui %gt3A_116 : i1 to i32
      %cond3A_118 = arith.constant 0 : i32
      %cond3A_119 = arith.cmpi ne, %convert_element_type3A_117, %cond3A_118 : i32
      scf.if %cond3A_119 {
        %sub3A_134 = arith.constant 512 : i32
        %sub3A_135 = arith.subi %add3A_114, %sub3A_134 : i32
        %mul3A_136 = arith.constant 128 : i32
        %mul3A_137 = arith.muli %sub3A_135, %mul3A_136 : i32
        %dma_wait3A_138 = arith.constant 1 : i32
        %dma_wait3A_139 = tpu.memref_slice %arg4[%mul3A_137] : memref<419430400xf32, #tpu.memory_space<hbm>> -> memref<32768xf32, #tpu.memory_space<hbm>>
        %dma_wait3A_140 = tpu.memref_slice %arg9[%dma_wait3A_138] : memref<2x!tpu.dma_semaphore, #tpu.memory_space<semaphore_mem>> -> memref<1x!tpu.dma_semaphore, #tpu.memory_space<semaphore_mem>>
        %dma_wait3A_141 = tpu.memref_squeeze %dma_wait3A_140 : memref<1x!tpu.dma_semaphore, #tpu.memory_space<semaphore_mem>> -> memref<!tpu.dma_semaphore, #tpu.memory_space<semaphore_mem>>
        %dma_wait3A_142 = tpu.memref_slice %arg4[%mul3A_137] : memref<419430400xf32, #tpu.memory_space<hbm>> -> memref<32768xf32, #tpu.memory_space<hbm>>
        tpu.wait_dma2 semaphore(%dma_wait3A_141 : memref<!tpu.dma_semaphore, #tpu.memory_space<semaphore_mem>>) src(%arg8 : memref<32768xf32, #tpu.memory_space<vmem>>) dst(%dma_wait3A_142 : memref<32768xf32, #tpu.memory_space<hbm>>)
      } else {
      }
      %rem3A_120 = arith.constant 16 : i32
      %rem3A_121 = arith.remsi %add3A_111, %rem3A_120 : i32
      %mul3A_122 = arith.constant 256 : i32
      %mul3A_123 = arith.muli %rem3A_121, %mul3A_122 : i32
      %parallel_loop3A_124 = arith.constant 0 : i32
      %parallel_loop3A_125 = arith.constant 16 : i32
      %parallel_loop3A_126 = arith.constant 1 : i32
      scf.for %parallel_loop3A_134 = %parallel_loop3A_124 to %parallel_loop3A_125 step %parallel_loop3A_126  : i32 {
        %parallel_loop3A_135 = arith.constant 16 : i32
        %parallel_loop3A_136 = arith.muli %parallel_loop3A_134, %parallel_loop3A_135 : i32
        %parallel_loop3A_137 = arith.addi %mul3A_123, %parallel_loop3A_136 : i32
        %parallel_loop3A_138 = arith.index_cast %parallel_loop3A_137 : i32 to index
        %parallel_loop3A_139 = tpu.vector_load %arg6[%parallel_loop3A_138] {strides = array<i32>} : memref<4096xi32, #tpu.memory_space<vmem>>, vector<16xi32>,
        %parallel_loop3A_140 = vector.shape_cast %parallel_loop3A_139 : vector<16xi32> to vector<16xi32>
        %parallel_loop3A_141 = arith.sitofp %parallel_loop3A_140 : vector<16xi32> to vector<16xf32>
        %parallel_loop3A_142 = arith.constant 0 : i32
        %parallel_loop3A_143 = vector.broadcast %parallel_loop3A_142 : i32 to vector<16x1xi32>
        %parallel_loop3A_144 = vector.shape_cast %parallel_loop3A_143 : vector<16x1xi32> to vector<16xi32>
        %parallel_loop3A_145 = tpu.dynamic_gather %parallel_loop3A_141[%parallel_loop3A_144] in [0] : vector<16xf32>, vector<16xi32> -> vector<16xf32>
        %parallel_loop3A_146 = arith.constant 16 : i32
        %parallel_loop3A_147 = arith.muli %parallel_loop3A_134, %parallel_loop3A_146 : i32
        %parallel_loop3A_148 = arith.constant 0 : i32
        %parallel_loop3A_149 = arith.addi %parallel_loop3A_147, %parallel_loop3A_148 : i32
        %parallel_loop3A_150 = arith.mulf %parallel_loop3A_145, %sub3A : vector<16xf32>
        %parallel_loop3A_151 = arith.addf %get3A_4, %parallel_loop3A_150 : vector<16xf32>
        %parallel_loop3A_152 = arith.constant 128 : i32
        %parallel_loop3A_153 = arith.muli %parallel_loop3A_149, %parallel_loop3A_152 : i32
        %parallel_loop3A_154 = arith.constant 0 : i32
        %parallel_loop3A_155 = arith.addi %parallel_loop3A_153, %parallel_loop3A_154 : i32
        %parallel_loop3A_156 = arith.index_cast %parallel_loop3A_155 : i32 to index
        %parallel_loop3A_157 = tpu.vector_load %arg8[%parallel_loop3A_156] {strides = array<i32>} : memref<32768xf32, #tpu.memory_space<vmem>>, vector<16xf32>,
        %parallel_loop3A_158 = vector.shape_cast %parallel_loop3A_157 : vector<16xf32> to vector<16xf32>
        %parallel_loop3A_159 = vector.shape_cast %parallel_loop3A_151 : vector<16xf32> to vector<16xf32>
        tpu.vector_store %arg8[%parallel_loop3A_156], %parallel_loop3A_159 {strides = array<i32>} : memref<32768xf32, #tpu.memory_space<vmem>>, vector<16xf32>,
        %parallel_loop3A_160 = arith.mulf %parallel_loop3A_145, %sub3A_32 : vector<16xf32>
        %parallel_loop3A_161 = arith.addf %get3A_7, %parallel_loop3A_160 : vector<16xf32>
        %parallel_loop3A_162 = arith.constant 128 : i32
        %parallel_loop3A_163 = arith.muli %parallel_loop3A_149, %parallel_loop3A_162 : i32
        %parallel_loop3A_164 = arith.constant 16 : i32
        %parallel_loop3A_165 = arith.addi %parallel_loop3A_163, %parallel_loop3A_164 : i32
        %parallel_loop3A_166 = arith.index_cast %parallel_loop3A_165 : i32 to index
        %parallel_loop3A_167 = tpu.vector_load %arg8[%parallel_loop3A_166] {strides = array<i32>} : memref<32768xf32, #tpu.memory_space<vmem>>, vector<16xf32>,
        %parallel_loop3A_168 = vector.shape_cast %parallel_loop3A_167 : vector<16xf32> to vector<16xf32>
        %parallel_loop3A_169 = vector.shape_cast %parallel_loop3A_161 : vector<16xf32> to vector<16xf32>
        tpu.vector_store %arg8[%parallel_loop3A_166], %parallel_loop3A_169 {strides = array<i32>} : memref<32768xf32, #tpu.memory_space<vmem>>, vector<16xf32>,
        %parallel_loop3A_170 = arith.mulf %parallel_loop3A_145, %sub3A_36 : vector<16xf32>
        %parallel_loop3A_171 = arith.addf %get3A_10, %parallel_loop3A_170 : vector<16xf32>
        %parallel_loop3A_172 = arith.constant 128 : i32
        %parallel_loop3A_173 = arith.muli %parallel_loop3A_149, %parallel_loop3A_172 : i32
        %parallel_loop3A_174 = arith.constant 32 : i32
        %parallel_loop3A_175 = arith.addi %parallel_loop3A_173, %parallel_loop3A_174 : i32
        %parallel_loop3A_176 = arith.index_cast %parallel_loop3A_175 : i32 to index
        %parallel_loop3A_177 = tpu.vector_load %arg8[%parallel_loop3A_176] {strides = array<i32>} : memref<32768xf32, #tpu.memory_space<vmem>>, vector<16xf32>,
        %parallel_loop3A_178 = vector.shape_cast %parallel_loop3A_177 : vector<16xf32> to vector<16xf32>
        %parallel_loop3A_179 = vector.shape_cast %parallel_loop3A_171 : vector<16xf32> to vector<16xf32>
        tpu.vector_store %arg8[%parallel_loop3A_176], %parallel_loop3A_179 {strides = array<i32>} : memref<32768xf32, #tpu.memory_space<vmem>>, vector<16xf32>,
        %parallel_loop3A_180 = arith.mulf %parallel_loop3A_145, %sub3A_40 : vector<16xf32>
        %parallel_loop3A_181 = arith.addf %get3A_13, %parallel_loop3A_180 : vector<16xf32>
        %parallel_loop3A_182 = arith.constant 128 : i32
        %parallel_loop3A_183 = arith.muli %parallel_loop3A_149, %parallel_loop3A_182 : i32
        %parallel_loop3A_184 = arith.constant 48 : i32
        %parallel_loop3A_185 = arith.addi %parallel_loop3A_183, %parallel_loop3A_184 : i32
        %parallel_loop3A_186 = arith.index_cast %parallel_loop3A_185 : i32 to index
        %parallel_loop3A_187 = tpu.vector_load %arg8[%parallel_loop3A_186] {strides = array<i32>} : memref<32768xf32, #tpu.memory_space<vmem>>, vector<16xf32>,
        %parallel_loop3A_188 = vector.shape_cast %parallel_loop3A_187 : vector<16xf32> to vector<16xf32>
        %parallel_loop3A_189 = vector.shape_cast %parallel_loop3A_181 : vector<16xf32> to vector<16xf32>
        tpu.vector_store %arg8[%parallel_loop3A_186], %parallel_loop3A_189 {strides = array<i32>} : memref<32768xf32, #tpu.memory_space<vmem>>, vector<16xf32>,
        %parallel_loop3A_190 = arith.mulf %parallel_loop3A_145, %sub3A_44 : vector<16xf32>
        %parallel_loop3A_191 = arith.addf %get3A_16, %parallel_loop3A_190 : vector<16xf32>
        %parallel_loop3A_192 = arith.constant 128 : i32
        %parallel_loop3A_193 = arith.muli %parallel_loop3A_149, %parallel_loop3A_192 : i32
        %parallel_loop3A_194 = arith.constant 64 : i32
        %parallel_loop3A_195 = arith.addi %parallel_loop3A_193, %parallel_loop3A_194 : i32
        %parallel_loop3A_196 = arith.index_cast %parallel_loop3A_195 : i32 to index
        %parallel_loop3A_197 = tpu.vector_load %arg8[%parallel_loop3A_196] {strides = array<i32>} : memref<32768xf32, #tpu.memory_space<vmem>>, vector<16xf32>,
        %parallel_loop3A_198 = vector.shape_cast %parallel_loop3A_197 : vector<16xf32> to vector<16xf32>
        %parallel_loop3A_199 = vector.shape_cast %parallel_loop3A_191 : vector<16xf32> to vector<16xf32>
        tpu.vector_store %arg8[%parallel_loop3A_196], %parallel_loop3A_199 {strides = array<i32>} : memref<32768xf32, #tpu.memory_space<vmem>>, vector<16xf32>,
        %parallel_loop3A_200 = arith.mulf %parallel_loop3A_145, %sub3A_48 : vector<16xf32>
        %parallel_loop3A_201 = arith.addf %get3A_19, %parallel_loop3A_200 : vector<16xf32>
        %parallel_loop3A_202 = arith.constant 128 : i32
        %parallel_loop3A_203 = arith.muli %parallel_loop3A_149, %parallel_loop3A_202 : i32
        %parallel_loop3A_204 = arith.constant 80 : i32
        %parallel_loop3A_205 = arith.addi %parallel_loop3A_203, %parallel_loop3A_204 : i32
        %parallel_loop3A_206 = arith.index_cast %parallel_loop3A_205 : i32 to index
        %parallel_loop3A_207 = tpu.vector_load %arg8[%parallel_loop3A_206] {strides = array<i32>} : memref<32768xf32, #tpu.memory_space<vmem>>, vector<16xf32>,
        %parallel_loop3A_208 = vector.shape_cast %parallel_loop3A_207 : vector<16xf32> to vector<16xf32>
        %parallel_loop3A_209 = vector.shape_cast %parallel_loop3A_201 : vector<16xf32> to vector<16xf32>
        tpu.vector_store %arg8[%parallel_loop3A_206], %parallel_loop3A_209 {strides = array<i32>} : memref<32768xf32, #tpu.memory_space<vmem>>, vector<16xf32>,
        %parallel_loop3A_210 = arith.mulf %parallel_loop3A_145, %sub3A_52 : vector<16xf32>
        %parallel_loop3A_211 = arith.addf %get3A_22, %parallel_loop3A_210 : vector<16xf32>
        %parallel_loop3A_212 = arith.constant 128 : i32
        %parallel_loop3A_213 = arith.muli %parallel_loop3A_149, %parallel_loop3A_212 : i32
        %parallel_loop3A_214 = arith.constant 96 : i32
        %parallel_loop3A_215 = arith.addi %parallel_loop3A_213, %parallel_loop3A_214 : i32
        %parallel_loop3A_216 = arith.index_cast %parallel_loop3A_215 : i32 to index
        %parallel_loop3A_217 = tpu.vector_load %arg8[%parallel_loop3A_216] {strides = array<i32>} : memref<32768xf32, #tpu.memory_space<vmem>>, vector<16xf32>,
        %parallel_loop3A_218 = vector.shape_cast %parallel_loop3A_217 : vector<16xf32> to vector<16xf32>
        %parallel_loop3A_219 = vector.shape_cast %parallel_loop3A_211 : vector<16xf32> to vector<16xf32>
        tpu.vector_store %arg8[%parallel_loop3A_216], %parallel_loop3A_219 {strides = array<i32>} : memref<32768xf32, #tpu.memory_space<vmem>>, vector<16xf32>,
        %parallel_loop3A_220 = arith.mulf %parallel_loop3A_145, %sub3A_56 : vector<16xf32>
        %parallel_loop3A_221 = arith.addf %get3A_25, %parallel_loop3A_220 : vector<16xf32>
        %parallel_loop3A_222 = arith.constant 128 : i32
        %parallel_loop3A_223 = arith.muli %parallel_loop3A_149, %parallel_loop3A_222 : i32
        %parallel_loop3A_224 = arith.constant 112 : i32
        %parallel_loop3A_225 = arith.addi %parallel_loop3A_223, %parallel_loop3A_224 : i32
        %parallel_loop3A_226 = arith.index_cast %parallel_loop3A_225 : i32 to index
        %parallel_loop3A_227 = tpu.vector_load %arg8[%parallel_loop3A_226] {strides = array<i32>} : memref<32768xf32, #tpu.memory_space<vmem>>, vector<16xf32>,
        %parallel_loop3A_228 = vector.shape_cast %parallel_loop3A_227 : vector<16xf32> to vector<16xf32>
        %parallel_loop3A_229 = vector.shape_cast %parallel_loop3A_221 : vector<16xf32> to vector<16xf32>
        tpu.vector_store %arg8[%parallel_loop3A_226], %parallel_loop3A_229 {strides = array<i32>} : memref<32768xf32, #tpu.memory_space<vmem>>, vector<16xf32>,
        %parallel_loop3A_230 = arith.constant 1 : i32
        %parallel_loop3A_231 = vector.broadcast %parallel_loop3A_230 : i32 to vector<16x1xi32>
        %parallel_loop3A_232 = vector.shape_cast %parallel_loop3A_231 : vector<16x1xi32> to vector<16xi32>
        %parallel_loop3A_233 = tpu.dynamic_gather %parallel_loop3A_141[%parallel_loop3A_232] in [0] : vector<16xf32>, vector<16xi32> -> vector<16xf32>
        %parallel_loop3A_234 = arith.constant 16 : i32
        %parallel_loop3A_235 = arith.muli %parallel_loop3A_134, %parallel_loop3A_234 : i32
        %parallel_loop3A_236 = arith.constant 1 : i32
        %parallel_loop3A_237 = arith.addi %parallel_loop3A_235, %parallel_loop3A_236 : i32
        %parallel_loop3A_238 = arith.mulf %parallel_loop3A_233, %sub3A : vector<16xf32>
        %parallel_loop3A_239 = arith.addf %get3A_4, %parallel_loop3A_238 : vector<16xf32>
        %parallel_loop3A_240 = arith.constant 128 : i32
        %parallel_loop3A_241 = arith.muli %parallel_loop3A_237, %parallel_loop3A_240 : i32
        %parallel_loop3A_242 = arith.constant 0 : i32
        %parallel_loop3A_243 = arith.addi %parallel_loop3A_241, %parallel_loop3A_242 : i32
        %parallel_loop3A_244 = arith.index_cast %parallel_loop3A_243 : i32 to index
        %parallel_loop3A_245 = tpu.vector_load %arg8[%parallel_loop3A_244] {strides = array<i32>} : memref<32768xf32, #tpu.memory_space<vmem>>, vector<16xf32>,
        %parallel_loop3A_246 = vector.shape_cast %parallel_loop3A_245 : vector<16xf32> to vector<16xf32>
        %parallel_loop3A_247 = vector.shape_cast %parallel_loop3A_239 : vector<16xf32> to vector<16xf32>
        tpu.vector_store %arg8[%parallel_loop3A_244], %parallel_loop3A_247 {strides = array<i32>} : memref<32768xf32, #tpu.memory_space<vmem>>, vector<16xf32>,
        %parallel_loop3A_248 = arith.mulf %parallel_loop3A_233, %sub3A_32 : vector<16xf32>
        %parallel_loop3A_249 = arith.addf %get3A_7, %parallel_loop3A_248 : vector<16xf32>
        %parallel_loop3A_250 = arith.constant 128 : i32
        %parallel_loop3A_251 = arith.muli %parallel_loop3A_237, %parallel_loop3A_250 : i32
        %parallel_loop3A_252 = arith.constant 16 : i32
        %parallel_loop3A_253 = arith.addi %parallel_loop3A_251, %parallel_loop3A_252 : i32
        %parallel_loop3A_254 = arith.index_cast %parallel_loop3A_253 : i32 to index
        %parallel_loop3A_255 = tpu.vector_load %arg8[%parallel_loop3A_254] {strides = array<i32>} : memref<32768xf32, #tpu.memory_space<vmem>>, vector<16xf32>,
        %parallel_loop3A_256 = vector.shape_cast %parallel_loop3A_255 : vector<16xf32> to vector<16xf32>
        %parallel_loop3A_257 = vector.shape_cast %parallel_loop3A_249 : vector<16xf32> to vector<16xf32>
        tpu.vector_store %arg8[%parallel_loop3A_254], %parallel_loop3A_257 {strides = array<i32>} : memref<32768xf32, #tpu.memory_space<vmem>>, vector<16xf32>,
        %parallel_loop3A_258 = arith.mulf %parallel_loop3A_233, %sub3A_36 : vector<16xf32>
        %parallel_loop3A_259 = arith.addf %get3A_10, %parallel_loop3A_258 : vector<16xf32>
        %parallel_loop3A_260 = arith.constant 128 : i32
        %parallel_loop3A_261 = arith.muli %parallel_loop3A_237, %parallel_loop3A_260 : i32
        %parallel_loop3A_262 = arith.constant 32 : i32
        %parallel_loop3A_263 = arith.addi %parallel_loop3A_261, %parallel_loop3A_262 : i32
        %parallel_loop3A_264 = arith.index_cast %parallel_loop3A_263 : i32 to index
        %parallel_loop3A_265 = tpu.vector_load %arg8[%parallel_loop3A_264] {strides = array<i32>} : memref<32768xf32, #tpu.memory_space<vmem>>, vector<16xf32>,
        %parallel_loop3A_266 = vector.shape_cast %parallel_loop3A_265 : vector<16xf32> to vector<16xf32>
        %parallel_loop3A_267 = vector.shape_cast %parallel_loop3A_259 : vector<16xf32> to vector<16xf32>
        tpu.vector_store %arg8[%parallel_loop3A_264], %parallel_loop3A_267 {strides = array<i32>} : memref<32768xf32, #tpu.memory_space<vmem>>, vector<16xf32>,
        %parallel_loop3A_268 = arith.mulf %parallel_loop3A_233, %sub3A_40 : vector<16xf32>
        %parallel_loop3A_269 = arith.addf %get3A_13, %parallel_loop3A_268 : vector<16xf32>
        %parallel_loop3A_270 = arith.constant 128 : i32
        %parallel_loop3A_271 = arith.muli %parallel_loop3A_237, %parallel_loop3A_270 : i32
        %parallel_loop3A_272 = arith.constant 48 : i32
        %parallel_loop3A_273 = arith.addi %parallel_loop3A_271, %parallel_loop3A_272 : i32
        %parallel_loop3A_274 = arith.index_cast %parallel_loop3A_273 : i32 to index
        %parallel_loop3A_275 = tpu.vector_load %arg8[%parallel_loop3A_274] {strides = array<i32>} : memref<32768xf32, #tpu.memory_space<vmem>>, vector<16xf32>,
        %parallel_loop3A_276 = vector.shape_cast %parallel_loop3A_275 : vector<16xf32> to vector<16xf32>
        %parallel_loop3A_277 = vector.shape_cast %parallel_loop3A_269 : vector<16xf32> to vector<16xf32>
        tpu.vector_store %arg8[%parallel_loop3A_274], %parallel_loop3A_277 {strides = array<i32>} : memref<32768xf32, #tpu.memory_space<vmem>>, vector<16xf32>,
        %parallel_loop3A_278 = arith.mulf %parallel_loop3A_233, %sub3A_44 : vector<16xf32>
        %parallel_loop3A_279 = arith.addf %get3A_16, %parallel_loop3A_278 : vector<16xf32>
        %parallel_loop3A_280 = arith.constant 128 : i32
        %parallel_loop3A_281 = arith.muli %parallel_loop3A_237, %parallel_loop3A_280 : i32
        %parallel_loop3A_282 = arith.constant 64 : i32
        %parallel_loop3A_283 = arith.addi %parallel_loop3A_281, %parallel_loop3A_282 : i32
        %parallel_loop3A_284 = arith.index_cast %parallel_loop3A_283 : i32 to index
        %parallel_loop3A_285 = tpu.vector_load %arg8[%parallel_loop3A_284] {strides = array<i32>} : memref<32768xf32, #tpu.memory_space<vmem>>, vector<16xf32>,
        %parallel_loop3A_286 = vector.shape_cast %parallel_loop3A_285 : vector<16xf32> to vector<16xf32>
        %parallel_loop3A_287 = vector.shape_cast %parallel_loop3A_279 : vector<16xf32> to vector<16xf32>
        tpu.vector_store %arg8[%parallel_loop3A_284], %parallel_loop3A_287 {strides = array<i32>} : memref<32768xf32, #tpu.memory_space<vmem>>, vector<16xf32>,
        %parallel_loop3A_288 = arith.mulf %parallel_loop3A_233, %sub3A_48 : vector<16xf32>
        %parallel_loop3A_289 = arith.addf %get3A_19, %parallel_loop3A_288 : vector<16xf32>
        %parallel_loop3A_290 = arith.constant 128 : i32
        %parallel_loop3A_291 = arith.muli %parallel_loop3A_237, %parallel_loop3A_290 : i32
        %parallel_loop3A_292 = arith.constant 80 : i32
        %parallel_loop3A_293 = arith.addi %parallel_loop3A_291, %parallel_loop3A_292 : i32
        %parallel_loop3A_294 = arith.index_cast %parallel_loop3A_293 : i32 to index
        %parallel_loop3A_295 = tpu.vector_load %arg8[%parallel_loop3A_294] {strides = array<i32>} : memref<32768xf32, #tpu.memory_space<vmem>>, vector<16xf32>,
        %parallel_loop3A_296 = vector.shape_cast %parallel_loop3A_295 : vector<16xf32> to vector<16xf32>
        %parallel_loop3A_297 = vector.shape_cast %parallel_loop3A_289 : vector<16xf32> to vector<16xf32>
        tpu.vector_store %arg8[%parallel_loop3A_294], %parallel_loop3A_297 {strides = array<i32>} : memref<32768xf32, #tpu.memory_space<vmem>>, vector<16xf32>,
        %parallel_loop3A_298 = arith.mulf %parallel_loop3A_233, %sub3A_52 : vector<16xf32>
        %parallel_loop3A_299 = arith.addf %get3A_22, %parallel_loop3A_298 : vector<16xf32>
        %parallel_loop3A_300 = arith.constant 128 : i32
        %parallel_loop3A_301 = arith.muli %parallel_loop3A_237, %parallel_loop3A_300 : i32
        %parallel_loop3A_302 = arith.constant 96 : i32
        %parallel_loop3A_303 = arith.addi %parallel_loop3A_301, %parallel_loop3A_302 : i32
        %parallel_loop3A_304 = arith.index_cast %parallel_loop3A_303 : i32 to index
        %parallel_loop3A_305 = tpu.vector_load %arg8[%parallel_loop3A_304] {strides = array<i32>} : memref<32768xf32, #tpu.memory_space<vmem>>, vector<16xf32>,
        %parallel_loop3A_306 = vector.shape_cast %parallel_loop3A_305 : vector<16xf32> to vector<16xf32>
        %parallel_loop3A_307 = vector.shape_cast %parallel_loop3A_299 : vector<16xf32> to vector<16xf32>
        tpu.vector_store %arg8[%parallel_loop3A_304], %parallel_loop3A_307 {strides = array<i32>} : memref<32768xf32, #tpu.memory_space<vmem>>, vector<16xf32>,
        %parallel_loop3A_308 = arith.mulf %parallel_loop3A_233, %sub3A_56 : vector<16xf32>
        %parallel_loop3A_309 = arith.addf %get3A_25, %parallel_loop3A_308 : vector<16xf32>
        %parallel_loop3A_310 = arith.constant 128 : i32
        %parallel_loop3A_311 = arith.muli %parallel_loop3A_237, %parallel_loop3A_310 : i32
        %parallel_loop3A_312 = arith.constant 112 : i32
        %parallel_loop3A_313 = arith.addi %parallel_loop3A_311, %parallel_loop3A_312 : i32
        %parallel_loop3A_314 = arith.index_cast %parallel_loop3A_313 : i32 to index
        %parallel_loop3A_315 = tpu.vector_load %arg8[%parallel_loop3A_314] {strides = array<i32>} : memref<32768xf32, #tpu.memory_space<vmem>>, vector<16xf32>,
        %parallel_loop3A_316 = vector.shape_cast %parallel_loop3A_315 : vector<16xf32> to vector<16xf32>
        %parallel_loop3A_317 = vector.shape_cast %parallel_loop3A_309 : vector<16xf32> to vector<16xf32>
        tpu.vector_store %arg8[%parallel_loop3A_314], %parallel_loop3A_317 {strides = array<i32>} : memref<32768xf32, #tpu.memory_space<vmem>>, vector<16xf32>,
        %parallel_loop3A_318 = arith.constant 2 : i32
        %parallel_loop3A_319 = vector.broadcast %parallel_loop3A_318 : i32 to vector<16x1xi32>
        %parallel_loop3A_320 = vector.shape_cast %parallel_loop3A_319 : vector<16x1xi32> to vector<16xi32>
        %parallel_loop3A_321 = tpu.dynamic_gather %parallel_loop3A_141[%parallel_loop3A_320] in [0] : vector<16xf32>, vector<16xi32> -> vector<16xf32>
        %parallel_loop3A_322 = arith.constant 16 : i32
        %parallel_loop3A_323 = arith.muli %parallel_loop3A_134, %parallel_loop3A_322 : i32
        %parallel_loop3A_324 = arith.constant 2 : i32
        %parallel_loop3A_325 = arith.addi %parallel_loop3A_323, %parallel_loop3A_324 : i32
        %parallel_loop3A_326 = arith.mulf %parallel_loop3A_321, %sub3A : vector<16xf32>
        %parallel_loop3A_327 = arith.addf %get3A_4, %parallel_loop3A_326 : vector<16xf32>
        %parallel_loop3A_328 = arith.constant 128 : i32
        %parallel_loop3A_329 = arith.muli %parallel_loop3A_325, %parallel_loop3A_328 : i32
        %parallel_loop3A_330 = arith.constant 0 : i32
        %parallel_loop3A_331 = arith.addi %parallel_loop3A_329, %parallel_loop3A_330 : i32
        %parallel_loop3A_332 = arith.index_cast %parallel_loop3A_331 : i32 to index
        %parallel_loop3A_333 = tpu.vector_load %arg8[%parallel_loop3A_332] {strides = array<i32>} : memref<32768xf32, #tpu.memory_space<vmem>>, vector<16xf32>,
        %parallel_loop3A_334 = vector.shape_cast %parallel_loop3A_333 : vector<16xf32> to vector<16xf32>
        %parallel_loop3A_335 = vector.shape_cast %parallel_loop3A_327 : vector<16xf32> to vector<16xf32>
        tpu.vector_store %arg8[%parallel_loop3A_332], %parallel_loop3A_335 {strides = array<i32>} : memref<32768xf32, #tpu.memory_space<vmem>>, vector<16xf32>,
        %parallel_loop3A_336 = arith.mulf %parallel_loop3A_321, %sub3A_32 : vector<16xf32>
        %parallel_loop3A_337 = arith.addf %get3A_7, %parallel_loop3A_336 : vector<16xf32>
        %parallel_loop3A_338 = arith.constant 128 : i32
        %parallel_loop3A_339 = arith.muli %parallel_loop3A_325, %parallel_loop3A_338 : i32
        %parallel_loop3A_340 = arith.constant 16 : i32
        %parallel_loop3A_341 = arith.addi %parallel_loop3A_339, %parallel_loop3A_340 : i32
        %parallel_loop3A_342 = arith.index_cast %parallel_loop3A_341 : i32 to index
        %parallel_loop3A_343 = tpu.vector_load %arg8[%parallel_loop3A_342] {strides = array<i32>} : memref<32768xf32, #tpu.memory_space<vmem>>, vector<16xf32>,
        %parallel_loop3A_344 = vector.shape_cast %parallel_loop3A_343 : vector<16xf32> to vector<16xf32>
        %parallel_loop3A_345 = vector.shape_cast %parallel_loop3A_337 : vector<16xf32> to vector<16xf32>
        tpu.vector_store %arg8[%parallel_loop3A_342], %parallel_loop3A_345 {strides = array<i32>} : memref<32768xf32, #tpu.memory_space<vmem>>, vector<16xf32>,
        %parallel_loop3A_346 = arith.mulf %parallel_loop3A_321, %sub3A_36 : vector<16xf32>
        %parallel_loop3A_347 = arith.addf %get3A_10, %parallel_loop3A_346 : vector<16xf32>
        %parallel_loop3A_348 = arith.constant 128 : i32
        %parallel_loop3A_349 = arith.muli %parallel_loop3A_325, %parallel_loop3A_348 : i32
        %parallel_loop3A_350 = arith.constant 32 : i32
        %parallel_loop3A_351 = arith.addi %parallel_loop3A_349, %parallel_loop3A_350 : i32
        %parallel_loop3A_352 = arith.index_cast %parallel_loop3A_351 : i32 to index
        %parallel_loop3A_353 = tpu.vector_load %arg8[%parallel_loop3A_352] {strides = array<i32>} : memref<32768xf32, #tpu.memory_space<vmem>>, vector<16xf32>,
        %parallel_loop3A_354 = vector.shape_cast %parallel_loop3A_353 : vector<16xf32> to vector<16xf32>
        %parallel_loop3A_355 = vector.shape_cast %parallel_loop3A_347 : vector<16xf32> to vector<16xf32>
        tpu.vector_store %arg8[%parallel_loop3A_352], %parallel_loop3A_355 {strides = array<i32>} : memref<32768xf32, #tpu.memory_space<vmem>>, vector<16xf32>,
        %parallel_loop3A_356 = arith.mulf %parallel_loop3A_321, %sub3A_40 : vector<16xf32>
        %parallel_loop3A_357 = arith.addf %get3A_13, %parallel_loop3A_356 : vector<16xf32>
        %parallel_loop3A_358 = arith.constant 128 : i32
        %parallel_loop3A_359 = arith.muli %parallel_loop3A_325, %parallel_loop3A_358 : i32
        %parallel_loop3A_360 = arith.constant 48 : i32
        %parallel_loop3A_361 = arith.addi %parallel_loop3A_359, %parallel_loop3A_360 : i32
        %parallel_loop3A_362 = arith.index_cast %parallel_loop3A_361 : i32 to index
        %parallel_loop3A_363 = tpu.vector_load %arg8[%parallel_loop3A_362] {strides = array<i32>} : memref<32768xf32, #tpu.memory_space<vmem>>, vector<16xf32>,
        %parallel_loop3A_364 = vector.shape_cast %parallel_loop3A_363 : vector<16xf32> to vector<16xf32>
        %parallel_loop3A_365 = vector.shape_cast %parallel_loop3A_357 : vector<16xf32> to vector<16xf32>
        tpu.vector_store %arg8[%parallel_loop3A_362], %parallel_loop3A_365 {strides = array<i32>} : memref<32768xf32, #tpu.memory_space<vmem>>, vector<16xf32>,
        %parallel_loop3A_366 = arith.mulf %parallel_loop3A_321, %sub3A_44 : vector<16xf32>
        %parallel_loop3A_367 = arith.addf %get3A_16, %parallel_loop3A_366 : vector<16xf32>
        %parallel_loop3A_368 = arith.constant 128 : i32
        %parallel_loop3A_369 = arith.muli %parallel_loop3A_325, %parallel_loop3A_368 : i32
        %parallel_loop3A_370 = arith.constant 64 : i32
        %parallel_loop3A_371 = arith.addi %parallel_loop3A_369, %parallel_loop3A_370 : i32
        %parallel_loop3A_372 = arith.index_cast %parallel_loop3A_371 : i32 to index
        %parallel_loop3A_373 = tpu.vector_load %arg8[%parallel_loop3A_372] {strides = array<i32>} : memref<32768xf32, #tpu.memory_space<vmem>>, vector<16xf32>,
        %parallel_loop3A_374 = vector.shape_cast %parallel_loop3A_373 : vector<16xf32> to vector<16xf32>
        %parallel_loop3A_375 = vector.shape_cast %parallel_loop3A_367 : vector<16xf32> to vector<16xf32>
        tpu.vector_store %arg8[%parallel_loop3A_372], %parallel_loop3A_375 {strides = array<i32>} : memref<32768xf32, #tpu.memory_space<vmem>>, vector<16xf32>,
        %parallel_loop3A_376 = arith.mulf %parallel_loop3A_321, %sub3A_48 : vector<16xf32>
        %parallel_loop3A_377 = arith.addf %get3A_19, %parallel_loop3A_376 : vector<16xf32>
        %parallel_loop3A_378 = arith.constant 128 : i32
        %parallel_loop3A_379 = arith.muli %parallel_loop3A_325, %parallel_loop3A_378 : i32
        %parallel_loop3A_380 = arith.constant 80 : i32
        %parallel_loop3A_381 = arith.addi %parallel_loop3A_379, %parallel_loop3A_380 : i32
        %parallel_loop3A_382 = arith.index_cast %parallel_loop3A_381 : i32 to index
        %parallel_loop3A_383 = tpu.vector_load %arg8[%parallel_loop3A_382] {strides = array<i32>} : memref<32768xf32, #tpu.memory_space<vmem>>, vector<16xf32>,
        %parallel_loop3A_384 = vector.shape_cast %parallel_loop3A_383 : vector<16xf32> to vector<16xf32>
        %parallel_loop3A_385 = vector.shape_cast %parallel_loop3A_377 : vector<16xf32> to vector<16xf32>
        tpu.vector_store %arg8[%parallel_loop3A_382], %parallel_loop3A_385 {strides = array<i32>} : memref<32768xf32, #tpu.memory_space<vmem>>, vector<16xf32>,
        %parallel_loop3A_386 = arith.mulf %parallel_loop3A_321, %sub3A_52 : vector<16xf32>
        %parallel_loop3A_387 = arith.addf %get3A_22, %parallel_loop3A_386 : vector<16xf32>
        %parallel_loop3A_388 = arith.constant 128 : i32
        %parallel_loop3A_389 = arith.muli %parallel_loop3A_325, %parallel_loop3A_388 : i32
        %parallel_loop3A_390 = arith.constant 96 : i32
        %parallel_loop3A_391 = arith.addi %parallel_loop3A_389, %parallel_loop3A_390 : i32
        %parallel_loop3A_392 = arith.index_cast %parallel_loop3A_391 : i32 to index
        %parallel_loop3A_393 = tpu.vector_load %arg8[%parallel_loop3A_392] {strides = array<i32>} : memref<32768xf32, #tpu.memory_space<vmem>>, vector<16xf32>,
        %parallel_loop3A_394 = vector.shape_cast %parallel_loop3A_393 : vector<16xf32> to vector<16xf32>
        %parallel_loop3A_395 = vector.shape_cast %parallel_loop3A_387 : vector<16xf32> to vector<16xf32>
        tpu.vector_store %arg8[%parallel_loop3A_392], %parallel_loop3A_395 {strides = array<i32>} : memref<32768xf32, #tpu.memory_space<vmem>>, vector<16xf32>,
        %parallel_loop3A_396 = arith.mulf %parallel_loop3A_321, %sub3A_56 : vector<16xf32>
        %parallel_loop3A_397 = arith.addf %get3A_25, %parallel_loop3A_396 : vector<16xf32>
        %parallel_loop3A_398 = arith.constant 128 : i32
        %parallel_loop3A_399 = arith.muli %parallel_loop3A_325, %parallel_loop3A_398 : i32
        %parallel_loop3A_400 = arith.constant 112 : i32
        %parallel_loop3A_401 = arith.addi %parallel_loop3A_399, %parallel_loop3A_400 : i32
        %parallel_loop3A_402 = arith.index_cast %parallel_loop3A_401 : i32 to index
        %parallel_loop3A_403 = tpu.vector_load %arg8[%parallel_loop3A_402] {strides = array<i32>} : memref<32768xf32, #tpu.memory_space<vmem>>, vector<16xf32>,
        %parallel_loop3A_404 = vector.shape_cast %parallel_loop3A_403 : vector<16xf32> to vector<16xf32>
        %parallel_loop3A_405 = vector.shape_cast %parallel_loop3A_397 : vector<16xf32> to vector<16xf32>
        tpu.vector_store %arg8[%parallel_loop3A_402], %parallel_loop3A_405 {strides = array<i32>} : memref<32768xf32, #tpu.memory_space<vmem>>, vector<16xf32>,
        %parallel_loop3A_406 = arith.constant 3 : i32
        %parallel_loop3A_407 = vector.broadcast %parallel_loop3A_406 : i32 to vector<16x1xi32>
        %parallel_loop3A_408 = vector.shape_cast %parallel_loop3A_407 : vector<16x1xi32> to vector<16xi32>
        %parallel_loop3A_409 = tpu.dynamic_gather %parallel_loop3A_141[%parallel_loop3A_408] in [0] : vector<16xf32>, vector<16xi32> -> vector<16xf32>
        %parallel_loop3A_410 = arith.constant 16 : i32
        %parallel_loop3A_411 = arith.muli %parallel_loop3A_134, %parallel_loop3A_410 : i32
        %parallel_loop3A_412 = arith.constant 3 : i32
        %parallel_loop3A_413 = arith.addi %parallel_loop3A_411, %parallel_loop3A_412 : i32
        %parallel_loop3A_414 = arith.mulf %parallel_loop3A_409, %sub3A : vector<16xf32>
        %parallel_loop3A_415 = arith.addf %get3A_4, %parallel_loop3A_414 : vector<16xf32>
        %parallel_loop3A_416 = arith.constant 128 : i32
        %parallel_loop3A_417 = arith.muli %parallel_loop3A_413, %parallel_loop3A_416 : i32
        %parallel_loop3A_418 = arith.constant 0 : i32
        %parallel_loop3A_419 = arith.addi %parallel_loop3A_417, %parallel_loop3A_418 : i32
        %parallel_loop3A_420 = arith.index_cast %parallel_loop3A_419 : i32 to index
        %parallel_loop3A_421 = tpu.vector_load %arg8[%parallel_loop3A_420] {strides = array<i32>} : memref<32768xf32, #tpu.memory_space<vmem>>, vector<16xf32>,
        %parallel_loop3A_422 = vector.shape_cast %parallel_loop3A_421 : vector<16xf32> to vector<16xf32>
        %parallel_loop3A_423 = vector.shape_cast %parallel_loop3A_415 : vector<16xf32> to vector<16xf32>
        tpu.vector_store %arg8[%parallel_loop3A_420], %parallel_loop3A_423 {strides = array<i32>} : memref<32768xf32, #tpu.memory_space<vmem>>, vector<16xf32>,
        %parallel_loop3A_424 = arith.mulf %parallel_loop3A_409, %sub3A_32 : vector<16xf32>
        %parallel_loop3A_425 = arith.addf %get3A_7, %parallel_loop3A_424 : vector<16xf32>
        %parallel_loop3A_426 = arith.constant 128 : i32
        %parallel_loop3A_427 = arith.muli %parallel_loop3A_413, %parallel_loop3A_426 : i32
        %parallel_loop3A_428 = arith.constant 16 : i32
        %parallel_loop3A_429 = arith.addi %parallel_loop3A_427, %parallel_loop3A_428 : i32
        %parallel_loop3A_430 = arith.index_cast %parallel_loop3A_429 : i32 to index
        %parallel_loop3A_431 = tpu.vector_load %arg8[%parallel_loop3A_430] {strides = array<i32>} : memref<32768xf32, #tpu.memory_space<vmem>>, vector<16xf32>,
        %parallel_loop3A_432 = vector.shape_cast %parallel_loop3A_431 : vector<16xf32> to vector<16xf32>
        %parallel_loop3A_433 = vector.shape_cast %parallel_loop3A_425 : vector<16xf32> to vector<16xf32>
        tpu.vector_store %arg8[%parallel_loop3A_430], %parallel_loop3A_433 {strides = array<i32>} : memref<32768xf32, #tpu.memory_space<vmem>>, vector<16xf32>,
        %parallel_loop3A_434 = arith.mulf %parallel_loop3A_409, %sub3A_36 : vector<16xf32>
        %parallel_loop3A_435 = arith.addf %get3A_10, %parallel_loop3A_434 : vector<16xf32>
        %parallel_loop3A_436 = arith.constant 128 : i32
        %parallel_loop3A_437 = arith.muli %parallel_loop3A_413, %parallel_loop3A_436 : i32
        %parallel_loop3A_438 = arith.constant 32 : i32
        %parallel_loop3A_439 = arith.addi %parallel_loop3A_437, %parallel_loop3A_438 : i32
        %parallel_loop3A_440 = arith.index_cast %parallel_loop3A_439 : i32 to index
        %parallel_loop3A_441 = tpu.vector_load %arg8[%parallel_loop3A_440] {strides = array<i32>} : memref<32768xf32, #tpu.memory_space<vmem>>, vector<16xf32>,
        %parallel_loop3A_442 = vector.shape_cast %parallel_loop3A_441 : vector<16xf32> to vector<16xf32>
        %parallel_loop3A_443 = vector.shape_cast %parallel_loop3A_435 : vector<16xf32> to vector<16xf32>
        tpu.vector_store %arg8[%parallel_loop3A_440], %parallel_loop3A_443 {strides = array<i32>} : memref<32768xf32, #tpu.memory_space<vmem>>, vector<16xf32>,
        %parallel_loop3A_444 = arith.mulf %parallel_loop3A_409, %sub3A_40 : vector<16xf32>
        %parallel_loop3A_445 = arith.addf %get3A_13, %parallel_loop3A_444 : vector<16xf32>
        %parallel_loop3A_446 = arith.constant 128 : i32
        %parallel_loop3A_447 = arith.muli %parallel_loop3A_413, %parallel_loop3A_446 : i32
        %parallel_loop3A_448 = arith.constant 48 : i32
        %parallel_loop3A_449 = arith.addi %parallel_loop3A_447, %parallel_loop3A_448 : i32
        %parallel_loop3A_450 = arith.index_cast %parallel_loop3A_449 : i32 to index
        %parallel_loop3A_451 = tpu.vector_load %arg8[%parallel_loop3A_450] {strides = array<i32>} : memref<32768xf32, #tpu.memory_space<vmem>>, vector<16xf32>,
        %parallel_loop3A_452 = vector.shape_cast %parallel_loop3A_451 : vector<16xf32> to vector<16xf32>
        %parallel_loop3A_453 = vector.shape_cast %parallel_loop3A_445 : vector<16xf32> to vector<16xf32>
        tpu.vector_store %arg8[%parallel_loop3A_450], %parallel_loop3A_453 {strides = array<i32>} : memref<32768xf32, #tpu.memory_space<vmem>>, vector<16xf32>,
        %parallel_loop3A_454 = arith.mulf %parallel_loop3A_409, %sub3A_44 : vector<16xf32>
        %parallel_loop3A_455 = arith.addf %get3A_16, %parallel_loop3A_454 : vector<16xf32>
        %parallel_loop3A_456 = arith.constant 128 : i32
        %parallel_loop3A_457 = arith.muli %parallel_loop3A_413, %parallel_loop3A_456 : i32
        %parallel_loop3A_458 = arith.constant 64 : i32
        %parallel_loop3A_459 = arith.addi %parallel_loop3A_457, %parallel_loop3A_458 : i32
        %parallel_loop3A_460 = arith.index_cast %parallel_loop3A_459 : i32 to index
        %parallel_loop3A_461 = tpu.vector_load %arg8[%parallel_loop3A_460] {strides = array<i32>} : memref<32768xf32, #tpu.memory_space<vmem>>, vector<16xf32>,
        %parallel_loop3A_462 = vector.shape_cast %parallel_loop3A_461 : vector<16xf32> to vector<16xf32>
        %parallel_loop3A_463 = vector.shape_cast %parallel_loop3A_455 : vector<16xf32> to vector<16xf32>
        tpu.vector_store %arg8[%parallel_loop3A_460], %parallel_loop3A_463 {strides = array<i32>} : memref<32768xf32, #tpu.memory_space<vmem>>, vector<16xf32>,
        %parallel_loop3A_464 = arith.mulf %parallel_loop3A_409, %sub3A_48 : vector<16xf32>
        %parallel_loop3A_465 = arith.addf %get3A_19, %parallel_loop3A_464 : vector<16xf32>
        %parallel_loop3A_466 = arith.constant 128 : i32
        %parallel_loop3A_467 = arith.muli %parallel_loop3A_413, %parallel_loop3A_466 : i32
        %parallel_loop3A_468 = arith.constant 80 : i32
        %parallel_loop3A_469 = arith.addi %parallel_loop3A_467, %parallel_loop3A_468 : i32
        %parallel_loop3A_470 = arith.index_cast %parallel_loop3A_469 : i32 to index
        %parallel_loop3A_471 = tpu.vector_load %arg8[%parallel_loop3A_470] {strides = array<i32>} : memref<32768xf32, #tpu.memory_space<vmem>>, vector<16xf32>,
        %parallel_loop3A_472 = vector.shape_cast %parallel_loop3A_471 : vector<16xf32> to vector<16xf32>
        %parallel_loop3A_473 = vector.shape_cast %parallel_loop3A_465 : vector<16xf32> to vector<16xf32>
        tpu.vector_store %arg8[%parallel_loop3A_470], %parallel_loop3A_473 {strides = array<i32>} : memref<32768xf32, #tpu.memory_space<vmem>>, vector<16xf32>,
        %parallel_loop3A_474 = arith.mulf %parallel_loop3A_409, %sub3A_52 : vector<16xf32>
        %parallel_loop3A_475 = arith.addf %get3A_22, %parallel_loop3A_474 : vector<16xf32>
        %parallel_loop3A_476 = arith.constant 128 : i32
        %parallel_loop3A_477 = arith.muli %parallel_loop3A_413, %parallel_loop3A_476 : i32
        %parallel_loop3A_478 = arith.constant 96 : i32
        %parallel_loop3A_479 = arith.addi %parallel_loop3A_477, %parallel_loop3A_478 : i32
        %parallel_loop3A_480 = arith.index_cast %parallel_loop3A_479 : i32 to index
        %parallel_loop3A_481 = tpu.vector_load %arg8[%parallel_loop3A_480] {strides = array<i32>} : memref<32768xf32, #tpu.memory_space<vmem>>, vector<16xf32>,
        %parallel_loop3A_482 = vector.shape_cast %parallel_loop3A_481 : vector<16xf32> to vector<16xf32>
        %parallel_loop3A_483 = vector.shape_cast %parallel_loop3A_475 : vector<16xf32> to vector<16xf32>
        tpu.vector_store %arg8[%parallel_loop3A_480], %parallel_loop3A_483 {strides = array<i32>} : memref<32768xf32, #tpu.memory_space<vmem>>, vector<16xf32>,
        %parallel_loop3A_484 = arith.mulf %parallel_loop3A_409, %sub3A_56 : vector<16xf32>
        %parallel_loop3A_485 = arith.addf %get3A_25, %parallel_loop3A_484 : vector<16xf32>
        %parallel_loop3A_486 = arith.constant 128 : i32
        %parallel_loop3A_487 = arith.muli %parallel_loop3A_413, %parallel_loop3A_486 : i32
        %parallel_loop3A_488 = arith.constant 112 : i32
        %parallel_loop3A_489 = arith.addi %parallel_loop3A_487, %parallel_loop3A_488 : i32
        %parallel_loop3A_490 = arith.index_cast %parallel_loop3A_489 : i32 to index
        %parallel_loop3A_491 = tpu.vector_load %arg8[%parallel_loop3A_490] {strides = array<i32>} : memref<32768xf32, #tpu.memory_space<vmem>>, vector<16xf32>,
        %parallel_loop3A_492 = vector.shape_cast %parallel_loop3A_491 : vector<16xf32> to vector<16xf32>
        %parallel_loop3A_493 = vector.shape_cast %parallel_loop3A_485 : vector<16xf32> to vector<16xf32>
        tpu.vector_store %arg8[%parallel_loop3A_490], %parallel_loop3A_493 {strides = array<i32>} : memref<32768xf32, #tpu.memory_space<vmem>>, vector<16xf32>,
        %parallel_loop3A_494 = arith.constant 4 : i32
        %parallel_loop3A_495 = vector.broadcast %parallel_loop3A_494 : i32 to vector<16x1xi32>
        %parallel_loop3A_496 = vector.shape_cast %parallel_loop3A_495 : vector<16x1xi32> to vector<16xi32>
        %parallel_loop3A_497 = tpu.dynamic_gather %parallel_loop3A_141[%parallel_loop3A_496] in [0] : vector<16xf32>, vector<16xi32> -> vector<16xf32>
        %parallel_loop3A_498 = arith.constant 16 : i32
        %parallel_loop3A_499 = arith.muli %parallel_loop3A_134, %parallel_loop3A_498 : i32
        %parallel_loop3A_500 = arith.constant 4 : i32
        %parallel_loop3A_501 = arith.addi %parallel_loop3A_499, %parallel_loop3A_500 : i32
        %parallel_loop3A_502 = arith.mulf %parallel_loop3A_497, %sub3A : vector<16xf32>
        %parallel_loop3A_503 = arith.addf %get3A_4, %parallel_loop3A_502 : vector<16xf32>
        %parallel_loop3A_504 = arith.constant 128 : i32
        %parallel_loop3A_505 = arith.muli %parallel_loop3A_501, %parallel_loop3A_504 : i32
        %parallel_loop3A_506 = arith.constant 0 : i32
        %parallel_loop3A_507 = arith.addi %parallel_loop3A_505, %parallel_loop3A_506 : i32
        %parallel_loop3A_508 = arith.index_cast %parallel_loop3A_507 : i32 to index
        %parallel_loop3A_509 = tpu.vector_load %arg8[%parallel_loop3A_508] {strides = array<i32>} : memref<32768xf32, #tpu.memory_space<vmem>>, vector<16xf32>,
        %parallel_loop3A_510 = vector.shape_cast %parallel_loop3A_509 : vector<16xf32> to vector<16xf32>
        %parallel_loop3A_511 = vector.shape_cast %parallel_loop3A_503 : vector<16xf32> to vector<16xf32>
        tpu.vector_store %arg8[%parallel_loop3A_508], %parallel_loop3A_511 {strides = array<i32>} : memref<32768xf32, #tpu.memory_space<vmem>>, vector<16xf32>,
        %parallel_loop3A_512 = arith.mulf %parallel_loop3A_497, %sub3A_32 : vector<16xf32>
        %parallel_loop3A_513 = arith.addf %get3A_7, %parallel_loop3A_512 : vector<16xf32>
        %parallel_loop3A_514 = arith.constant 128 : i32
        %parallel_loop3A_515 = arith.muli %parallel_loop3A_501, %parallel_loop3A_514 : i32
        %parallel_loop3A_516 = arith.constant 16 : i32
        %parallel_loop3A_517 = arith.addi %parallel_loop3A_515, %parallel_loop3A_516 : i32
        %parallel_loop3A_518 = arith.index_cast %parallel_loop3A_517 : i32 to index
        %parallel_loop3A_519 = tpu.vector_load %arg8[%parallel_loop3A_518] {strides = array<i32>} : memref<32768xf32, #tpu.memory_space<vmem>>, vector<16xf32>,
        %parallel_loop3A_520 = vector.shape_cast %parallel_loop3A_519 : vector<16xf32> to vector<16xf32>
        %parallel_loop3A_521 = vector.shape_cast %parallel_loop3A_513 : vector<16xf32> to vector<16xf32>
        tpu.vector_store %arg8[%parallel_loop3A_518], %parallel_loop3A_521 {strides = array<i32>} : memref<32768xf32, #tpu.memory_space<vmem>>, vector<16xf32>,
        %parallel_loop3A_522 = arith.mulf %parallel_loop3A_497, %sub3A_36 : vector<16xf32>
        %parallel_loop3A_523 = arith.addf %get3A_10, %parallel_loop3A_522 : vector<16xf32>
        %parallel_loop3A_524 = arith.constant 128 : i32
        %parallel_loop3A_525 = arith.muli %parallel_loop3A_501, %parallel_loop3A_524 : i32
        %parallel_loop3A_526 = arith.constant 32 : i32
        %parallel_loop3A_527 = arith.addi %parallel_loop3A_525, %parallel_loop3A_526 : i32
        %parallel_loop3A_528 = arith.index_cast %parallel_loop3A_527 : i32 to index
        %parallel_loop3A_529 = tpu.vector_load %arg8[%parallel_loop3A_528] {strides = array<i32>} : memref<32768xf32, #tpu.memory_space<vmem>>, vector<16xf32>,
        %parallel_loop3A_530 = vector.shape_cast %parallel_loop3A_529 : vector<16xf32> to vector<16xf32>
        %parallel_loop3A_531 = vector.shape_cast %parallel_loop3A_523 : vector<16xf32> to vector<16xf32>
        tpu.vector_store %arg8[%parallel_loop3A_528], %parallel_loop3A_531 {strides = array<i32>} : memref<32768xf32, #tpu.memory_space<vmem>>, vector<16xf32>,
        %parallel_loop3A_532 = arith.mulf %parallel_loop3A_497, %sub3A_40 : vector<16xf32>
        %parallel_loop3A_533 = arith.addf %get3A_13, %parallel_loop3A_532 : vector<16xf32>
        %parallel_loop3A_534 = arith.constant 128 : i32
        %parallel_loop3A_535 = arith.muli %parallel_loop3A_501, %parallel_loop3A_534 : i32
        %parallel_loop3A_536 = arith.constant 48 : i32
        %parallel_loop3A_537 = arith.addi %parallel_loop3A_535, %parallel_loop3A_536 : i32
        %parallel_loop3A_538 = arith.index_cast %parallel_loop3A_537 : i32 to index
        %parallel_loop3A_539 = tpu.vector_load %arg8[%parallel_loop3A_538] {strides = array<i32>} : memref<32768xf32, #tpu.memory_space<vmem>>, vector<16xf32>,
        %parallel_loop3A_540 = vector.shape_cast %parallel_loop3A_539 : vector<16xf32> to vector<16xf32>
        %parallel_loop3A_541 = vector.shape_cast %parallel_loop3A_533 : vector<16xf32> to vector<16xf32>
        tpu.vector_store %arg8[%parallel_loop3A_538], %parallel_loop3A_541 {strides = array<i32>} : memref<32768xf32, #tpu.memory_space<vmem>>, vector<16xf32>,
        %parallel_loop3A_542 = arith.mulf %parallel_loop3A_497, %sub3A_44 : vector<16xf32>
        %parallel_loop3A_543 = arith.addf %get3A_16, %parallel_loop3A_542 : vector<16xf32>
        %parallel_loop3A_544 = arith.constant 128 : i32
        %parallel_loop3A_545 = arith.muli %parallel_loop3A_501, %parallel_loop3A_544 : i32
        %parallel_loop3A_546 = arith.constant 64 : i32
        %parallel_loop3A_547 = arith.addi %parallel_loop3A_545, %parallel_loop3A_546 : i32
        %parallel_loop3A_548 = arith.index_cast %parallel_loop3A_547 : i32 to index
        %parallel_loop3A_549 = tpu.vector_load %arg8[%parallel_loop3A_548] {strides = array<i32>} : memref<32768xf32, #tpu.memory_space<vmem>>, vector<16xf32>,
        %parallel_loop3A_550 = vector.shape_cast %parallel_loop3A_549 : vector<16xf32> to vector<16xf32>
        %parallel_loop3A_551 = vector.shape_cast %parallel_loop3A_543 : vector<16xf32> to vector<16xf32>
        tpu.vector_store %arg8[%parallel_loop3A_548], %parallel_loop3A_551 {strides = array<i32>} : memref<32768xf32, #tpu.memory_space<vmem>>, vector<16xf32>,
        %parallel_loop3A_552 = arith.mulf %parallel_loop3A_497, %sub3A_48 : vector<16xf32>
        %parallel_loop3A_553 = arith.addf %get3A_19, %parallel_loop3A_552 : vector<16xf32>
        %parallel_loop3A_554 = arith.constant 128 : i32
        %parallel_loop3A_555 = arith.muli %parallel_loop3A_501, %parallel_loop3A_554 : i32
        %parallel_loop3A_556 = arith.constant 80 : i32
        %parallel_loop3A_557 = arith.addi %parallel_loop3A_555, %parallel_loop3A_556 : i32
        %parallel_loop3A_558 = arith.index_cast %parallel_loop3A_557 : i32 to index
        %parallel_loop3A_559 = tpu.vector_load %arg8[%parallel_loop3A_558] {strides = array<i32>} : memref<32768xf32, #tpu.memory_space<vmem>>, vector<16xf32>,
        %parallel_loop3A_560 = vector.shape_cast %parallel_loop3A_559 : vector<16xf32> to vector<16xf32>
        %parallel_loop3A_561 = vector.shape_cast %parallel_loop3A_553 : vector<16xf32> to vector<16xf32>
        tpu.vector_store %arg8[%parallel_loop3A_558], %parallel_loop3A_561 {strides = array<i32>} : memref<32768xf32, #tpu.memory_space<vmem>>, vector<16xf32>,
        %parallel_loop3A_562 = arith.mulf %parallel_loop3A_497, %sub3A_52 : vector<16xf32>
        %parallel_loop3A_563 = arith.addf %get3A_22, %parallel_loop3A_562 : vector<16xf32>
        %parallel_loop3A_564 = arith.constant 128 : i32
        %parallel_loop3A_565 = arith.muli %parallel_loop3A_501, %parallel_loop3A_564 : i32
        %parallel_loop3A_566 = arith.constant 96 : i32
        %parallel_loop3A_567 = arith.addi %parallel_loop3A_565, %parallel_loop3A_566 : i32
        %parallel_loop3A_568 = arith.index_cast %parallel_loop3A_567 : i32 to index
        %parallel_loop3A_569 = tpu.vector_load %arg8[%parallel_loop3A_568] {strides = array<i32>} : memref<32768xf32, #tpu.memory_space<vmem>>, vector<16xf32>,
        %parallel_loop3A_570 = vector.shape_cast %parallel_loop3A_569 : vector<16xf32> to vector<16xf32>
        %parallel_loop3A_571 = vector.shape_cast %parallel_loop3A_563 : vector<16xf32> to vector<16xf32>
        tpu.vector_store %arg8[%parallel_loop3A_568], %parallel_loop3A_571 {strides = array<i32>} : memref<32768xf32, #tpu.memory_space<vmem>>, vector<16xf32>,
        %parallel_loop3A_572 = arith.mulf %parallel_loop3A_497, %sub3A_56 : vector<16xf32>
        %parallel_loop3A_573 = arith.addf %get3A_25, %parallel_loop3A_572 : vector<16xf32>
        %parallel_loop3A_574 = arith.constant 128 : i32
        %parallel_loop3A_575 = arith.muli %parallel_loop3A_501, %parallel_loop3A_574 : i32
        %parallel_loop3A_576 = arith.constant 112 : i32
        %parallel_loop3A_577 = arith.addi %parallel_loop3A_575, %parallel_loop3A_576 : i32
        %parallel_loop3A_578 = arith.index_cast %parallel_loop3A_577 : i32 to index
        %parallel_loop3A_579 = tpu.vector_load %arg8[%parallel_loop3A_578] {strides = array<i32>} : memref<32768xf32, #tpu.memory_space<vmem>>, vector<16xf32>,
        %parallel_loop3A_580 = vector.shape_cast %parallel_loop3A_579 : vector<16xf32> to vector<16xf32>
        %parallel_loop3A_581 = vector.shape_cast %parallel_loop3A_573 : vector<16xf32> to vector<16xf32>
        tpu.vector_store %arg8[%parallel_loop3A_578], %parallel_loop3A_581 {strides = array<i32>} : memref<32768xf32, #tpu.memory_space<vmem>>, vector<16xf32>,
        %parallel_loop3A_582 = arith.constant 5 : i32
        %parallel_loop3A_583 = vector.broadcast %parallel_loop3A_582 : i32 to vector<16x1xi32>
        %parallel_loop3A_584 = vector.shape_cast %parallel_loop3A_583 : vector<16x1xi32> to vector<16xi32>
        %parallel_loop3A_585 = tpu.dynamic_gather %parallel_loop3A_141[%parallel_loop3A_584] in [0] : vector<16xf32>, vector<16xi32> -> vector<16xf32>
        %parallel_loop3A_586 = arith.constant 16 : i32
        %parallel_loop3A_587 = arith.muli %parallel_loop3A_134, %parallel_loop3A_586 : i32
        %parallel_loop3A_588 = arith.constant 5 : i32
        %parallel_loop3A_589 = arith.addi %parallel_loop3A_587, %parallel_loop3A_588 : i32
        %parallel_loop3A_590 = arith.mulf %parallel_loop3A_585, %sub3A : vector<16xf32>
        %parallel_loop3A_591 = arith.addf %get3A_4, %parallel_loop3A_590 : vector<16xf32>
        %parallel_loop3A_592 = arith.constant 128 : i32
        %parallel_loop3A_593 = arith.muli %parallel_loop3A_589, %parallel_loop3A_592 : i32
        %parallel_loop3A_594 = arith.constant 0 : i32
        %parallel_loop3A_595 = arith.addi %parallel_loop3A_593, %parallel_loop3A_594 : i32
        %parallel_loop3A_596 = arith.index_cast %parallel_loop3A_595 : i32 to index
        %parallel_loop3A_597 = tpu.vector_load %arg8[%parallel_loop3A_596] {strides = array<i32>} : memref<32768xf32, #tpu.memory_space<vmem>>, vector<16xf32>,
        %parallel_loop3A_598 = vector.shape_cast %parallel_loop3A_597 : vector<16xf32> to vector<16xf32>
        %parallel_loop3A_599 = vector.shape_cast %parallel_loop3A_591 : vector<16xf32> to vector<16xf32>
        tpu.vector_store %arg8[%parallel_loop3A_596], %parallel_loop3A_599 {strides = array<i32>} : memref<32768xf32, #tpu.memory_space<vmem>>, vector<16xf32>,
        %parallel_loop3A_600 = arith.mulf %parallel_loop3A_585, %sub3A_32 : vector<16xf32>
        %parallel_loop3A_601 = arith.addf %get3A_7, %parallel_loop3A_600 : vector<16xf32>
        %parallel_loop3A_602 = arith.constant 128 : i32
        %parallel_loop3A_603 = arith.muli %parallel_loop3A_589, %parallel_loop3A_602 : i32
        %parallel_loop3A_604 = arith.constant 16 : i32
        %parallel_loop3A_605 = arith.addi %parallel_loop3A_603, %parallel_loop3A_604 : i32
        %parallel_loop3A_606 = arith.index_cast %parallel_loop3A_605 : i32 to index
        %parallel_loop3A_607 = tpu.vector_load %arg8[%parallel_loop3A_606] {strides = array<i32>} : memref<32768xf32, #tpu.memory_space<vmem>>, vector<16xf32>,
        %parallel_loop3A_608 = vector.shape_cast %parallel_loop3A_607 : vector<16xf32> to vector<16xf32>
        %parallel_loop3A_609 = vector.shape_cast %parallel_loop3A_601 : vector<16xf32> to vector<16xf32>
        tpu.vector_store %arg8[%parallel_loop3A_606], %parallel_loop3A_609 {strides = array<i32>} : memref<32768xf32, #tpu.memory_space<vmem>>, vector<16xf32>,
        %parallel_loop3A_610 = arith.mulf %parallel_loop3A_585, %sub3A_36 : vector<16xf32>
        %parallel_loop3A_611 = arith.addf %get3A_10, %parallel_loop3A_610 : vector<16xf32>
        %parallel_loop3A_612 = arith.constant 128 : i32
        %parallel_loop3A_613 = arith.muli %parallel_loop3A_589, %parallel_loop3A_612 : i32
        %parallel_loop3A_614 = arith.constant 32 : i32
        %parallel_loop3A_615 = arith.addi %parallel_loop3A_613, %parallel_loop3A_614 : i32
        %parallel_loop3A_616 = arith.index_cast %parallel_loop3A_615 : i32 to index
        %parallel_loop3A_617 = tpu.vector_load %arg8[%parallel_loop3A_616] {strides = array<i32>} : memref<32768xf32, #tpu.memory_space<vmem>>, vector<16xf32>,
        %parallel_loop3A_618 = vector.shape_cast %parallel_loop3A_617 : vector<16xf32> to vector<16xf32>
        %parallel_loop3A_619 = vector.shape_cast %parallel_loop3A_611 : vector<16xf32> to vector<16xf32>
        tpu.vector_store %arg8[%parallel_loop3A_616], %parallel_loop3A_619 {strides = array<i32>} : memref<32768xf32, #tpu.memory_space<vmem>>, vector<16xf32>,
        %parallel_loop3A_620 = arith.mulf %parallel_loop3A_585, %sub3A_40 : vector<16xf32>
        %parallel_loop3A_621 = arith.addf %get3A_13, %parallel_loop3A_620 : vector<16xf32>
        %parallel_loop3A_622 = arith.constant 128 : i32
        %parallel_loop3A_623 = arith.muli %parallel_loop3A_589, %parallel_loop3A_622 : i32
        %parallel_loop3A_624 = arith.constant 48 : i32
        %parallel_loop3A_625 = arith.addi %parallel_loop3A_623, %parallel_loop3A_624 : i32
        %parallel_loop3A_626 = arith.index_cast %parallel_loop3A_625 : i32 to index
        %parallel_loop3A_627 = tpu.vector_load %arg8[%parallel_loop3A_626] {strides = array<i32>} : memref<32768xf32, #tpu.memory_space<vmem>>, vector<16xf32>,
        %parallel_loop3A_628 = vector.shape_cast %parallel_loop3A_627 : vector<16xf32> to vector<16xf32>
        %parallel_loop3A_629 = vector.shape_cast %parallel_loop3A_621 : vector<16xf32> to vector<16xf32>
        tpu.vector_store %arg8[%parallel_loop3A_626], %parallel_loop3A_629 {strides = array<i32>} : memref<32768xf32, #tpu.memory_space<vmem>>, vector<16xf32>,
        %parallel_loop3A_630 = arith.mulf %parallel_loop3A_585, %sub3A_44 : vector<16xf32>
        %parallel_loop3A_631 = arith.addf %get3A_16, %parallel_loop3A_630 : vector<16xf32>
        %parallel_loop3A_632 = arith.constant 128 : i32
        %parallel_loop3A_633 = arith.muli %parallel_loop3A_589, %parallel_loop3A_632 : i32
        %parallel_loop3A_634 = arith.constant 64 : i32
        %parallel_loop3A_635 = arith.addi %parallel_loop3A_633, %parallel_loop3A_634 : i32
        %parallel_loop3A_636 = arith.index_cast %parallel_loop3A_635 : i32 to index
        %parallel_loop3A_637 = tpu.vector_load %arg8[%parallel_loop3A_636] {strides = array<i32>} : memref<32768xf32, #tpu.memory_space<vmem>>, vector<16xf32>,
        %parallel_loop3A_638 = vector.shape_cast %parallel_loop3A_637 : vector<16xf32> to vector<16xf32>
        %parallel_loop3A_639 = vector.shape_cast %parallel_loop3A_631 : vector<16xf32> to vector<16xf32>
        tpu.vector_store %arg8[%parallel_loop3A_636], %parallel_loop3A_639 {strides = array<i32>} : memref<32768xf32, #tpu.memory_space<vmem>>, vector<16xf32>,
        %parallel_loop3A_640 = arith.mulf %parallel_loop3A_585, %sub3A_48 : vector<16xf32>
        %parallel_loop3A_641 = arith.addf %get3A_19, %parallel_loop3A_640 : vector<16xf32>
        %parallel_loop3A_642 = arith.constant 128 : i32
        %parallel_loop3A_643 = arith.muli %parallel_loop3A_589, %parallel_loop3A_642 : i32
        %parallel_loop3A_644 = arith.constant 80 : i32
        %parallel_loop3A_645 = arith.addi %parallel_loop3A_643, %parallel_loop3A_644 : i32
        %parallel_loop3A_646 = arith.index_cast %parallel_loop3A_645 : i32 to index
        %parallel_loop3A_647 = tpu.vector_load %arg8[%parallel_loop3A_646] {strides = array<i32>} : memref<32768xf32, #tpu.memory_space<vmem>>, vector<16xf32>,
        %parallel_loop3A_648 = vector.shape_cast %parallel_loop3A_647 : vector<16xf32> to vector<16xf32>
        %parallel_loop3A_649 = vector.shape_cast %parallel_loop3A_641 : vector<16xf32> to vector<16xf32>
        tpu.vector_store %arg8[%parallel_loop3A_646], %parallel_loop3A_649 {strides = array<i32>} : memref<32768xf32, #tpu.memory_space<vmem>>, vector<16xf32>,
        %parallel_loop3A_650 = arith.mulf %parallel_loop3A_585, %sub3A_52 : vector<16xf32>
        %parallel_loop3A_651 = arith.addf %get3A_22, %parallel_loop3A_650 : vector<16xf32>
        %parallel_loop3A_652 = arith.constant 128 : i32
        %parallel_loop3A_653 = arith.muli %parallel_loop3A_589, %parallel_loop3A_652 : i32
        %parallel_loop3A_654 = arith.constant 96 : i32
        %parallel_loop3A_655 = arith.addi %parallel_loop3A_653, %parallel_loop3A_654 : i32
        %parallel_loop3A_656 = arith.index_cast %parallel_loop3A_655 : i32 to index
        %parallel_loop3A_657 = tpu.vector_load %arg8[%parallel_loop3A_656] {strides = array<i32>} : memref<32768xf32, #tpu.memory_space<vmem>>, vector<16xf32>,
        %parallel_loop3A_658 = vector.shape_cast %parallel_loop3A_657 : vector<16xf32> to vector<16xf32>
        %parallel_loop3A_659 = vector.shape_cast %parallel_loop3A_651 : vector<16xf32> to vector<16xf32>
        tpu.vector_store %arg8[%parallel_loop3A_656], %parallel_loop3A_659 {strides = array<i32>} : memref<32768xf32, #tpu.memory_space<vmem>>, vector<16xf32>,
        %parallel_loop3A_660 = arith.mulf %parallel_loop3A_585, %sub3A_56 : vector<16xf32>
        %parallel_loop3A_661 = arith.addf %get3A_25, %parallel_loop3A_660 : vector<16xf32>
        %parallel_loop3A_662 = arith.constant 128 : i32
        %parallel_loop3A_663 = arith.muli %parallel_loop3A_589, %parallel_loop3A_662 : i32
        %parallel_loop3A_664 = arith.constant 112 : i32
        %parallel_loop3A_665 = arith.addi %parallel_loop3A_663, %parallel_loop3A_664 : i32
        %parallel_loop3A_666 = arith.index_cast %parallel_loop3A_665 : i32 to index
        %parallel_loop3A_667 = tpu.vector_load %arg8[%parallel_loop3A_666] {strides = array<i32>} : memref<32768xf32, #tpu.memory_space<vmem>>, vector<16xf32>,
        %parallel_loop3A_668 = vector.shape_cast %parallel_loop3A_667 : vector<16xf32> to vector<16xf32>
        %parallel_loop3A_669 = vector.shape_cast %parallel_loop3A_661 : vector<16xf32> to vector<16xf32>
        tpu.vector_store %arg8[%parallel_loop3A_666], %parallel_loop3A_669 {strides = array<i32>} : memref<32768xf32, #tpu.memory_space<vmem>>, vector<16xf32>,
        %parallel_loop3A_670 = arith.constant 6 : i32
        %parallel_loop3A_671 = vector.broadcast %parallel_loop3A_670 : i32 to vector<16x1xi32>
        %parallel_loop3A_672 = vector.shape_cast %parallel_loop3A_671 : vector<16x1xi32> to vector<16xi32>
        %parallel_loop3A_673 = tpu.dynamic_gather %parallel_loop3A_141[%parallel_loop3A_672] in [0] : vector<16xf32>, vector<16xi32> -> vector<16xf32>
        %parallel_loop3A_674 = arith.constant 16 : i32
        %parallel_loop3A_675 = arith.muli %parallel_loop3A_134, %parallel_loop3A_674 : i32
        %parallel_loop3A_676 = arith.constant 6 : i32
        %parallel_loop3A_677 = arith.addi %parallel_loop3A_675, %parallel_loop3A_676 : i32
        %parallel_loop3A_678 = arith.mulf %parallel_loop3A_673, %sub3A : vector<16xf32>
        %parallel_loop3A_679 = arith.addf %get3A_4, %parallel_loop3A_678 : vector<16xf32>
        %parallel_loop3A_680 = arith.constant 128 : i32
        %parallel_loop3A_681 = arith.muli %parallel_loop3A_677, %parallel_loop3A_680 : i32
        %parallel_loop3A_682 = arith.constant 0 : i32
        %parallel_loop3A_683 = arith.addi %parallel_loop3A_681, %parallel_loop3A_682 : i32
        %parallel_loop3A_684 = arith.index_cast %parallel_loop3A_683 : i32 to index
        %parallel_loop3A_685 = tpu.vector_load %arg8[%parallel_loop3A_684] {strides = array<i32>} : memref<32768xf32, #tpu.memory_space<vmem>>, vector<16xf32>,
        %parallel_loop3A_686 = vector.shape_cast %parallel_loop3A_685 : vector<16xf32> to vector<16xf32>
        %parallel_loop3A_687 = vector.shape_cast %parallel_loop3A_679 : vector<16xf32> to vector<16xf32>
        tpu.vector_store %arg8[%parallel_loop3A_684], %parallel_loop3A_687 {strides = array<i32>} : memref<32768xf32, #tpu.memory_space<vmem>>, vector<16xf32>,
        %parallel_loop3A_688 = arith.mulf %parallel_loop3A_673, %sub3A_32 : vector<16xf32>
        %parallel_loop3A_689 = arith.addf %get3A_7, %parallel_loop3A_688 : vector<16xf32>
        %parallel_loop3A_690 = arith.constant 128 : i32
        %parallel_loop3A_691 = arith.muli %parallel_loop3A_677, %parallel_loop3A_690 : i32
        %parallel_loop3A_692 = arith.constant 16 : i32
        %parallel_loop3A_693 = arith.addi %parallel_loop3A_691, %parallel_loop3A_692 : i32
        %parallel_loop3A_694 = arith.index_cast %parallel_loop3A_693 : i32 to index
        %parallel_loop3A_695 = tpu.vector_load %arg8[%parallel_loop3A_694] {strides = array<i32>} : memref<32768xf32, #tpu.memory_space<vmem>>, vector<16xf32>,
        %parallel_loop3A_696 = vector.shape_cast %parallel_loop3A_695 : vector<16xf32> to vector<16xf32>
        %parallel_loop3A_697 = vector.shape_cast %parallel_loop3A_689 : vector<16xf32> to vector<16xf32>
        tpu.vector_store %arg8[%parallel_loop3A_694], %parallel_loop3A_697 {strides = array<i32>} : memref<32768xf32, #tpu.memory_space<vmem>>, vector<16xf32>,
        %parallel_loop3A_698 = arith.mulf %parallel_loop3A_673, %sub3A_36 : vector<16xf32>
        %parallel_loop3A_699 = arith.addf %get3A_10, %parallel_loop3A_698 : vector<16xf32>
        %parallel_loop3A_700 = arith.constant 128 : i32
        %parallel_loop3A_701 = arith.muli %parallel_loop3A_677, %parallel_loop3A_700 : i32
        %parallel_loop3A_702 = arith.constant 32 : i32
        %parallel_loop3A_703 = arith.addi %parallel_loop3A_701, %parallel_loop3A_702 : i32
        %parallel_loop3A_704 = arith.index_cast %parallel_loop3A_703 : i32 to index
        %parallel_loop3A_705 = tpu.vector_load %arg8[%parallel_loop3A_704] {strides = array<i32>} : memref<32768xf32, #tpu.memory_space<vmem>>, vector<16xf32>,
        %parallel_loop3A_706 = vector.shape_cast %parallel_loop3A_705 : vector<16xf32> to vector<16xf32>
        %parallel_loop3A_707 = vector.shape_cast %parallel_loop3A_699 : vector<16xf32> to vector<16xf32>
        tpu.vector_store %arg8[%parallel_loop3A_704], %parallel_loop3A_707 {strides = array<i32>} : memref<32768xf32, #tpu.memory_space<vmem>>, vector<16xf32>,
        %parallel_loop3A_708 = arith.mulf %parallel_loop3A_673, %sub3A_40 : vector<16xf32>
        %parallel_loop3A_709 = arith.addf %get3A_13, %parallel_loop3A_708 : vector<16xf32>
        %parallel_loop3A_710 = arith.constant 128 : i32
        %parallel_loop3A_711 = arith.muli %parallel_loop3A_677, %parallel_loop3A_710 : i32
        %parallel_loop3A_712 = arith.constant 48 : i32
        %parallel_loop3A_713 = arith.addi %parallel_loop3A_711, %parallel_loop3A_712 : i32
        %parallel_loop3A_714 = arith.index_cast %parallel_loop3A_713 : i32 to index
        %parallel_loop3A_715 = tpu.vector_load %arg8[%parallel_loop3A_714] {strides = array<i32>} : memref<32768xf32, #tpu.memory_space<vmem>>, vector<16xf32>,
        %parallel_loop3A_716 = vector.shape_cast %parallel_loop3A_715 : vector<16xf32> to vector<16xf32>
        %parallel_loop3A_717 = vector.shape_cast %parallel_loop3A_709 : vector<16xf32> to vector<16xf32>
        tpu.vector_store %arg8[%parallel_loop3A_714], %parallel_loop3A_717 {strides = array<i32>} : memref<32768xf32, #tpu.memory_space<vmem>>, vector<16xf32>,
        %parallel_loop3A_718 = arith.mulf %parallel_loop3A_673, %sub3A_44 : vector<16xf32>
        %parallel_loop3A_719 = arith.addf %get3A_16, %parallel_loop3A_718 : vector<16xf32>
        %parallel_loop3A_720 = arith.constant 128 : i32
        %parallel_loop3A_721 = arith.muli %parallel_loop3A_677, %parallel_loop3A_720 : i32
        %parallel_loop3A_722 = arith.constant 64 : i32
        %parallel_loop3A_723 = arith.addi %parallel_loop3A_721, %parallel_loop3A_722 : i32
        %parallel_loop3A_724 = arith.index_cast %parallel_loop3A_723 : i32 to index
        %parallel_loop3A_725 = tpu.vector_load %arg8[%parallel_loop3A_724] {strides = array<i32>} : memref<32768xf32, #tpu.memory_space<vmem>>, vector<16xf32>,
        %parallel_loop3A_726 = vector.shape_cast %parallel_loop3A_725 : vector<16xf32> to vector<16xf32>
        %parallel_loop3A_727 = vector.shape_cast %parallel_loop3A_719 : vector<16xf32> to vector<16xf32>
        tpu.vector_store %arg8[%parallel_loop3A_724], %parallel_loop3A_727 {strides = array<i32>} : memref<32768xf32, #tpu.memory_space<vmem>>, vector<16xf32>,
        %parallel_loop3A_728 = arith.mulf %parallel_loop3A_673, %sub3A_48 : vector<16xf32>
        %parallel_loop3A_729 = arith.addf %get3A_19, %parallel_loop3A_728 : vector<16xf32>
        %parallel_loop3A_730 = arith.constant 128 : i32
        %parallel_loop3A_731 = arith.muli %parallel_loop3A_677, %parallel_loop3A_730 : i32
        %parallel_loop3A_732 = arith.constant 80 : i32
        %parallel_loop3A_733 = arith.addi %parallel_loop3A_731, %parallel_loop3A_732 : i32
        %parallel_loop3A_734 = arith.index_cast %parallel_loop3A_733 : i32 to index
        %parallel_loop3A_735 = tpu.vector_load %arg8[%parallel_loop3A_734] {strides = array<i32>} : memref<32768xf32, #tpu.memory_space<vmem>>, vector<16xf32>,
        %parallel_loop3A_736 = vector.shape_cast %parallel_loop3A_735 : vector<16xf32> to vector<16xf32>
        %parallel_loop3A_737 = vector.shape_cast %parallel_loop3A_729 : vector<16xf32> to vector<16xf32>
        tpu.vector_store %arg8[%parallel_loop3A_734], %parallel_loop3A_737 {strides = array<i32>} : memref<32768xf32, #tpu.memory_space<vmem>>, vector<16xf32>,
        %parallel_loop3A_738 = arith.mulf %parallel_loop3A_673, %sub3A_52 : vector<16xf32>
        %parallel_loop3A_739 = arith.addf %get3A_22, %parallel_loop3A_738 : vector<16xf32>
        %parallel_loop3A_740 = arith.constant 128 : i32
        %parallel_loop3A_741 = arith.muli %parallel_loop3A_677, %parallel_loop3A_740 : i32
        %parallel_loop3A_742 = arith.constant 96 : i32
        %parallel_loop3A_743 = arith.addi %parallel_loop3A_741, %parallel_loop3A_742 : i32
        %parallel_loop3A_744 = arith.index_cast %parallel_loop3A_743 : i32 to index
        %parallel_loop3A_745 = tpu.vector_load %arg8[%parallel_loop3A_744] {strides = array<i32>} : memref<32768xf32, #tpu.memory_space<vmem>>, vector<16xf32>,
        %parallel_loop3A_746 = vector.shape_cast %parallel_loop3A_745 : vector<16xf32> to vector<16xf32>
        %parallel_loop3A_747 = vector.shape_cast %parallel_loop3A_739 : vector<16xf32> to vector<16xf32>
        tpu.vector_store %arg8[%parallel_loop3A_744], %parallel_loop3A_747 {strides = array<i32>} : memref<32768xf32, #tpu.memory_space<vmem>>, vector<16xf32>,
        %parallel_loop3A_748 = arith.mulf %parallel_loop3A_673, %sub3A_56 : vector<16xf32>
        %parallel_loop3A_749 = arith.addf %get3A_25, %parallel_loop3A_748 : vector<16xf32>
        %parallel_loop3A_750 = arith.constant 128 : i32
        %parallel_loop3A_751 = arith.muli %parallel_loop3A_677, %parallel_loop3A_750 : i32
        %parallel_loop3A_752 = arith.constant 112 : i32
        %parallel_loop3A_753 = arith.addi %parallel_loop3A_751, %parallel_loop3A_752 : i32
        %parallel_loop3A_754 = arith.index_cast %parallel_loop3A_753 : i32 to index
        %parallel_loop3A_755 = tpu.vector_load %arg8[%parallel_loop3A_754] {strides = array<i32>} : memref<32768xf32, #tpu.memory_space<vmem>>, vector<16xf32>,
        %parallel_loop3A_756 = vector.shape_cast %parallel_loop3A_755 : vector<16xf32> to vector<16xf32>
        %parallel_loop3A_757 = vector.shape_cast %parallel_loop3A_749 : vector<16xf32> to vector<16xf32>
        tpu.vector_store %arg8[%parallel_loop3A_754], %parallel_loop3A_757 {strides = array<i32>} : memref<32768xf32, #tpu.memory_space<vmem>>, vector<16xf32>,
        %parallel_loop3A_758 = arith.constant 7 : i32
        %parallel_loop3A_759 = vector.broadcast %parallel_loop3A_758 : i32 to vector<16x1xi32>
        %parallel_loop3A_760 = vector.shape_cast %parallel_loop3A_759 : vector<16x1xi32> to vector<16xi32>
        %parallel_loop3A_761 = tpu.dynamic_gather %parallel_loop3A_141[%parallel_loop3A_760] in [0] : vector<16xf32>, vector<16xi32> -> vector<16xf32>
        %parallel_loop3A_762 = arith.constant 16 : i32
        %parallel_loop3A_763 = arith.muli %parallel_loop3A_134, %parallel_loop3A_762 : i32
        %parallel_loop3A_764 = arith.constant 7 : i32
        %parallel_loop3A_765 = arith.addi %parallel_loop3A_763, %parallel_loop3A_764 : i32
        %parallel_loop3A_766 = arith.mulf %parallel_loop3A_761, %sub3A : vector<16xf32>
        %parallel_loop3A_767 = arith.addf %get3A_4, %parallel_loop3A_766 : vector<16xf32>
        %parallel_loop3A_768 = arith.constant 128 : i32
        %parallel_loop3A_769 = arith.muli %parallel_loop3A_765, %parallel_loop3A_768 : i32
        %parallel_loop3A_770 = arith.constant 0 : i32
        %parallel_loop3A_771 = arith.addi %parallel_loop3A_769, %parallel_loop3A_770 : i32
        %parallel_loop3A_772 = arith.index_cast %parallel_loop3A_771 : i32 to index
        %parallel_loop3A_773 = tpu.vector_load %arg8[%parallel_loop3A_772] {strides = array<i32>} : memref<32768xf32, #tpu.memory_space<vmem>>, vector<16xf32>,
        %parallel_loop3A_774 = vector.shape_cast %parallel_loop3A_773 : vector<16xf32> to vector<16xf32>
        %parallel_loop3A_775 = vector.shape_cast %parallel_loop3A_767 : vector<16xf32> to vector<16xf32>
        tpu.vector_store %arg8[%parallel_loop3A_772], %parallel_loop3A_775 {strides = array<i32>} : memref<32768xf32, #tpu.memory_space<vmem>>, vector<16xf32>,
        %parallel_loop3A_776 = arith.mulf %parallel_loop3A_761, %sub3A_32 : vector<16xf32>
        %parallel_loop3A_777 = arith.addf %get3A_7, %parallel_loop3A_776 : vector<16xf32>
        %parallel_loop3A_778 = arith.constant 128 : i32
        %parallel_loop3A_779 = arith.muli %parallel_loop3A_765, %parallel_loop3A_778 : i32
        %parallel_loop3A_780 = arith.constant 16 : i32
        %parallel_loop3A_781 = arith.addi %parallel_loop3A_779, %parallel_loop3A_780 : i32
        %parallel_loop3A_782 = arith.index_cast %parallel_loop3A_781 : i32 to index
        %parallel_loop3A_783 = tpu.vector_load %arg8[%parallel_loop3A_782] {strides = array<i32>} : memref<32768xf32, #tpu.memory_space<vmem>>, vector<16xf32>,
        %parallel_loop3A_784 = vector.shape_cast %parallel_loop3A_783 : vector<16xf32> to vector<16xf32>
        %parallel_loop3A_785 = vector.shape_cast %parallel_loop3A_777 : vector<16xf32> to vector<16xf32>
        tpu.vector_store %arg8[%parallel_loop3A_782], %parallel_loop3A_785 {strides = array<i32>} : memref<32768xf32, #tpu.memory_space<vmem>>, vector<16xf32>,
        %parallel_loop3A_786 = arith.mulf %parallel_loop3A_761, %sub3A_36 : vector<16xf32>
        %parallel_loop3A_787 = arith.addf %get3A_10, %parallel_loop3A_786 : vector<16xf32>
        %parallel_loop3A_788 = arith.constant 128 : i32
        %parallel_loop3A_789 = arith.muli %parallel_loop3A_765, %parallel_loop3A_788 : i32
        %parallel_loop3A_790 = arith.constant 32 : i32
        %parallel_loop3A_791 = arith.addi %parallel_loop3A_789, %parallel_loop3A_790 : i32
        %parallel_loop3A_792 = arith.index_cast %parallel_loop3A_791 : i32 to index
        %parallel_loop3A_793 = tpu.vector_load %arg8[%parallel_loop3A_792] {strides = array<i32>} : memref<32768xf32, #tpu.memory_space<vmem>>, vector<16xf32>,
        %parallel_loop3A_794 = vector.shape_cast %parallel_loop3A_793 : vector<16xf32> to vector<16xf32>
        %parallel_loop3A_795 = vector.shape_cast %parallel_loop3A_787 : vector<16xf32> to vector<16xf32>
        tpu.vector_store %arg8[%parallel_loop3A_792], %parallel_loop3A_795 {strides = array<i32>} : memref<32768xf32, #tpu.memory_space<vmem>>, vector<16xf32>,
        %parallel_loop3A_796 = arith.mulf %parallel_loop3A_761, %sub3A_40 : vector<16xf32>
        %parallel_loop3A_797 = arith.addf %get3A_13, %parallel_loop3A_796 : vector<16xf32>
        %parallel_loop3A_798 = arith.constant 128 : i32
        %parallel_loop3A_799 = arith.muli %parallel_loop3A_765, %parallel_loop3A_798 : i32
        %parallel_loop3A_800 = arith.constant 48 : i32
        %parallel_loop3A_801 = arith.addi %parallel_loop3A_799, %parallel_loop3A_800 : i32
        %parallel_loop3A_802 = arith.index_cast %parallel_loop3A_801 : i32 to index
        %parallel_loop3A_803 = tpu.vector_load %arg8[%parallel_loop3A_802] {strides = array<i32>} : memref<32768xf32, #tpu.memory_space<vmem>>, vector<16xf32>,
        %parallel_loop3A_804 = vector.shape_cast %parallel_loop3A_803 : vector<16xf32> to vector<16xf32>
        %parallel_loop3A_805 = vector.shape_cast %parallel_loop3A_797 : vector<16xf32> to vector<16xf32>
        tpu.vector_store %arg8[%parallel_loop3A_802], %parallel_loop3A_805 {strides = array<i32>} : memref<32768xf32, #tpu.memory_space<vmem>>, vector<16xf32>,
        %parallel_loop3A_806 = arith.mulf %parallel_loop3A_761, %sub3A_44 : vector<16xf32>
        %parallel_loop3A_807 = arith.addf %get3A_16, %parallel_loop3A_806 : vector<16xf32>
        %parallel_loop3A_808 = arith.constant 128 : i32
        %parallel_loop3A_809 = arith.muli %parallel_loop3A_765, %parallel_loop3A_808 : i32
        %parallel_loop3A_810 = arith.constant 64 : i32
        %parallel_loop3A_811 = arith.addi %parallel_loop3A_809, %parallel_loop3A_810 : i32
        %parallel_loop3A_812 = arith.index_cast %parallel_loop3A_811 : i32 to index
        %parallel_loop3A_813 = tpu.vector_load %arg8[%parallel_loop3A_812] {strides = array<i32>} : memref<32768xf32, #tpu.memory_space<vmem>>, vector<16xf32>,
        %parallel_loop3A_814 = vector.shape_cast %parallel_loop3A_813 : vector<16xf32> to vector<16xf32>
        %parallel_loop3A_815 = vector.shape_cast %parallel_loop3A_807 : vector<16xf32> to vector<16xf32>
        tpu.vector_store %arg8[%parallel_loop3A_812], %parallel_loop3A_815 {strides = array<i32>} : memref<32768xf32, #tpu.memory_space<vmem>>, vector<16xf32>,
        %parallel_loop3A_816 = arith.mulf %parallel_loop3A_761, %sub3A_48 : vector<16xf32>
        %parallel_loop3A_817 = arith.addf %get3A_19, %parallel_loop3A_816 : vector<16xf32>
        %parallel_loop3A_818 = arith.constant 128 : i32
        %parallel_loop3A_819 = arith.muli %parallel_loop3A_765, %parallel_loop3A_818 : i32
        %parallel_loop3A_820 = arith.constant 80 : i32
        %parallel_loop3A_821 = arith.addi %parallel_loop3A_819, %parallel_loop3A_820 : i32
        %parallel_loop3A_822 = arith.index_cast %parallel_loop3A_821 : i32 to index
        %parallel_loop3A_823 = tpu.vector_load %arg8[%parallel_loop3A_822] {strides = array<i32>} : memref<32768xf32, #tpu.memory_space<vmem>>, vector<16xf32>,
        %parallel_loop3A_824 = vector.shape_cast %parallel_loop3A_823 : vector<16xf32> to vector<16xf32>
        %parallel_loop3A_825 = vector.shape_cast %parallel_loop3A_817 : vector<16xf32> to vector<16xf32>
        tpu.vector_store %arg8[%parallel_loop3A_822], %parallel_loop3A_825 {strides = array<i32>} : memref<32768xf32, #tpu.memory_space<vmem>>, vector<16xf32>,
        %parallel_loop3A_826 = arith.mulf %parallel_loop3A_761, %sub3A_52 : vector<16xf32>
        %parallel_loop3A_827 = arith.addf %get3A_22, %parallel_loop3A_826 : vector<16xf32>
        %parallel_loop3A_828 = arith.constant 128 : i32
        %parallel_loop3A_829 = arith.muli %parallel_loop3A_765, %parallel_loop3A_828 : i32
        %parallel_loop3A_830 = arith.constant 96 : i32
        %parallel_loop3A_831 = arith.addi %parallel_loop3A_829, %parallel_loop3A_830 : i32
        %parallel_loop3A_832 = arith.index_cast %parallel_loop3A_831 : i32 to index
        %parallel_loop3A_833 = tpu.vector_load %arg8[%parallel_loop3A_832] {strides = array<i32>} : memref<32768xf32, #tpu.memory_space<vmem>>, vector<16xf32>,
        %parallel_loop3A_834 = vector.shape_cast %parallel_loop3A_833 : vector<16xf32> to vector<16xf32>
        %parallel_loop3A_835 = vector.shape_cast %parallel_loop3A_827 : vector<16xf32> to vector<16xf32>
        tpu.vector_store %arg8[%parallel_loop3A_832], %parallel_loop3A_835 {strides = array<i32>} : memref<32768xf32, #tpu.memory_space<vmem>>, vector<16xf32>,
        %parallel_loop3A_836 = arith.mulf %parallel_loop3A_761, %sub3A_56 : vector<16xf32>
        %parallel_loop3A_837 = arith.addf %get3A_25, %parallel_loop3A_836 : vector<16xf32>
        %parallel_loop3A_838 = arith.constant 128 : i32
        %parallel_loop3A_839 = arith.muli %parallel_loop3A_765, %parallel_loop3A_838 : i32
        %parallel_loop3A_840 = arith.constant 112 : i32
        %parallel_loop3A_841 = arith.addi %parallel_loop3A_839, %parallel_loop3A_840 : i32
        %parallel_loop3A_842 = arith.index_cast %parallel_loop3A_841 : i32 to index
        %parallel_loop3A_843 = tpu.vector_load %arg8[%parallel_loop3A_842] {strides = array<i32>} : memref<32768xf32, #tpu.memory_space<vmem>>, vector<16xf32>,
        %parallel_loop3A_844 = vector.shape_cast %parallel_loop3A_843 : vector<16xf32> to vector<16xf32>
        %parallel_loop3A_845 = vector.shape_cast %parallel_loop3A_837 : vector<16xf32> to vector<16xf32>
        tpu.vector_store %arg8[%parallel_loop3A_842], %parallel_loop3A_845 {strides = array<i32>} : memref<32768xf32, #tpu.memory_space<vmem>>, vector<16xf32>,
        %parallel_loop3A_846 = arith.constant 8 : i32
        %parallel_loop3A_847 = vector.broadcast %parallel_loop3A_846 : i32 to vector<16x1xi32>
        %parallel_loop3A_848 = vector.shape_cast %parallel_loop3A_847 : vector<16x1xi32> to vector<16xi32>
        %parallel_loop3A_849 = tpu.dynamic_gather %parallel_loop3A_141[%parallel_loop3A_848] in [0] : vector<16xf32>, vector<16xi32> -> vector<16xf32>
        %parallel_loop3A_850 = arith.constant 16 : i32
        %parallel_loop3A_851 = arith.muli %parallel_loop3A_134, %parallel_loop3A_850 : i32
        %parallel_loop3A_852 = arith.constant 8 : i32
        %parallel_loop3A_853 = arith.addi %parallel_loop3A_851, %parallel_loop3A_852 : i32
        %parallel_loop3A_854 = arith.mulf %parallel_loop3A_849, %sub3A : vector<16xf32>
        %parallel_loop3A_855 = arith.addf %get3A_4, %parallel_loop3A_854 : vector<16xf32>
        %parallel_loop3A_856 = arith.constant 128 : i32
        %parallel_loop3A_857 = arith.muli %parallel_loop3A_853, %parallel_loop3A_856 : i32
        %parallel_loop3A_858 = arith.constant 0 : i32
        %parallel_loop3A_859 = arith.addi %parallel_loop3A_857, %parallel_loop3A_858 : i32
        %parallel_loop3A_860 = arith.index_cast %parallel_loop3A_859 : i32 to index
        %parallel_loop3A_861 = tpu.vector_load %arg8[%parallel_loop3A_860] {strides = array<i32>} : memref<32768xf32, #tpu.memory_space<vmem>>, vector<16xf32>,
        %parallel_loop3A_862 = vector.shape_cast %parallel_loop3A_861 : vector<16xf32> to vector<16xf32>
        %parallel_loop3A_863 = vector.shape_cast %parallel_loop3A_855 : vector<16xf32> to vector<16xf32>
        tpu.vector_store %arg8[%parallel_loop3A_860], %parallel_loop3A_863 {strides = array<i32>} : memref<32768xf32, #tpu.memory_space<vmem>>, vector<16xf32>,
        %parallel_loop3A_864 = arith.mulf %parallel_loop3A_849, %sub3A_32 : vector<16xf32>
        %parallel_loop3A_865 = arith.addf %get3A_7, %parallel_loop3A_864 : vector<16xf32>
        %parallel_loop3A_866 = arith.constant 128 : i32
        %parallel_loop3A_867 = arith.muli %parallel_loop3A_853, %parallel_loop3A_866 : i32
        %parallel_loop3A_868 = arith.constant 16 : i32
        %parallel_loop3A_869 = arith.addi %parallel_loop3A_867, %parallel_loop3A_868 : i32
        %parallel_loop3A_870 = arith.index_cast %parallel_loop3A_869 : i32 to index
        %parallel_loop3A_871 = tpu.vector_load %arg8[%parallel_loop3A_870] {strides = array<i32>} : memref<32768xf32, #tpu.memory_space<vmem>>, vector<16xf32>,
        %parallel_loop3A_872 = vector.shape_cast %parallel_loop3A_871 : vector<16xf32> to vector<16xf32>
        %parallel_loop3A_873 = vector.shape_cast %parallel_loop3A_865 : vector<16xf32> to vector<16xf32>
        tpu.vector_store %arg8[%parallel_loop3A_870], %parallel_loop3A_873 {strides = array<i32>} : memref<32768xf32, #tpu.memory_space<vmem>>, vector<16xf32>,
        %parallel_loop3A_874 = arith.mulf %parallel_loop3A_849, %sub3A_36 : vector<16xf32>
        %parallel_loop3A_875 = arith.addf %get3A_10, %parallel_loop3A_874 : vector<16xf32>
        %parallel_loop3A_876 = arith.constant 128 : i32
        %parallel_loop3A_877 = arith.muli %parallel_loop3A_853, %parallel_loop3A_876 : i32
        %parallel_loop3A_878 = arith.constant 32 : i32
        %parallel_loop3A_879 = arith.addi %parallel_loop3A_877, %parallel_loop3A_878 : i32
        %parallel_loop3A_880 = arith.index_cast %parallel_loop3A_879 : i32 to index
        %parallel_loop3A_881 = tpu.vector_load %arg8[%parallel_loop3A_880] {strides = array<i32>} : memref<32768xf32, #tpu.memory_space<vmem>>, vector<16xf32>,
        %parallel_loop3A_882 = vector.shape_cast %parallel_loop3A_881 : vector<16xf32> to vector<16xf32>
        %parallel_loop3A_883 = vector.shape_cast %parallel_loop3A_875 : vector<16xf32> to vector<16xf32>
        tpu.vector_store %arg8[%parallel_loop3A_880], %parallel_loop3A_883 {strides = array<i32>} : memref<32768xf32, #tpu.memory_space<vmem>>, vector<16xf32>,
        %parallel_loop3A_884 = arith.mulf %parallel_loop3A_849, %sub3A_40 : vector<16xf32>
        %parallel_loop3A_885 = arith.addf %get3A_13, %parallel_loop3A_884 : vector<16xf32>
        %parallel_loop3A_886 = arith.constant 128 : i32
        %parallel_loop3A_887 = arith.muli %parallel_loop3A_853, %parallel_loop3A_886 : i32
        %parallel_loop3A_888 = arith.constant 48 : i32
        %parallel_loop3A_889 = arith.addi %parallel_loop3A_887, %parallel_loop3A_888 : i32
        %parallel_loop3A_890 = arith.index_cast %parallel_loop3A_889 : i32 to index
        %parallel_loop3A_891 = tpu.vector_load %arg8[%parallel_loop3A_890] {strides = array<i32>} : memref<32768xf32, #tpu.memory_space<vmem>>, vector<16xf32>,
        %parallel_loop3A_892 = vector.shape_cast %parallel_loop3A_891 : vector<16xf32> to vector<16xf32>
        %parallel_loop3A_893 = vector.shape_cast %parallel_loop3A_885 : vector<16xf32> to vector<16xf32>
        tpu.vector_store %arg8[%parallel_loop3A_890], %parallel_loop3A_893 {strides = array<i32>} : memref<32768xf32, #tpu.memory_space<vmem>>, vector<16xf32>,
        %parallel_loop3A_894 = arith.mulf %parallel_loop3A_849, %sub3A_44 : vector<16xf32>
        %parallel_loop3A_895 = arith.addf %get3A_16, %parallel_loop3A_894 : vector<16xf32>
        %parallel_loop3A_896 = arith.constant 128 : i32
        %parallel_loop3A_897 = arith.muli %parallel_loop3A_853, %parallel_loop3A_896 : i32
        %parallel_loop3A_898 = arith.constant 64 : i32
        %parallel_loop3A_899 = arith.addi %parallel_loop3A_897, %parallel_loop3A_898 : i32
        %parallel_loop3A_900 = arith.index_cast %parallel_loop3A_899 : i32 to index
        %parallel_loop3A_901 = tpu.vector_load %arg8[%parallel_loop3A_900] {strides = array<i32>} : memref<32768xf32, #tpu.memory_space<vmem>>, vector<16xf32>,
        %parallel_loop3A_902 = vector.shape_cast %parallel_loop3A_901 : vector<16xf32> to vector<16xf32>
        %parallel_loop3A_903 = vector.shape_cast %parallel_loop3A_895 : vector<16xf32> to vector<16xf32>
        tpu.vector_store %arg8[%parallel_loop3A_900], %parallel_loop3A_903 {strides = array<i32>} : memref<32768xf32, #tpu.memory_space<vmem>>, vector<16xf32>,
        %parallel_loop3A_904 = arith.mulf %parallel_loop3A_849, %sub3A_48 : vector<16xf32>
        %parallel_loop3A_905 = arith.addf %get3A_19, %parallel_loop3A_904 : vector<16xf32>
        %parallel_loop3A_906 = arith.constant 128 : i32
        %parallel_loop3A_907 = arith.muli %parallel_loop3A_853, %parallel_loop3A_906 : i32
        %parallel_loop3A_908 = arith.constant 80 : i32
        %parallel_loop3A_909 = arith.addi %parallel_loop3A_907, %parallel_loop3A_908 : i32
        %parallel_loop3A_910 = arith.index_cast %parallel_loop3A_909 : i32 to index
        %parallel_loop3A_911 = tpu.vector_load %arg8[%parallel_loop3A_910] {strides = array<i32>} : memref<32768xf32, #tpu.memory_space<vmem>>, vector<16xf32>,
        %parallel_loop3A_912 = vector.shape_cast %parallel_loop3A_911 : vector<16xf32> to vector<16xf32>
        %parallel_loop3A_913 = vector.shape_cast %parallel_loop3A_905 : vector<16xf32> to vector<16xf32>
        tpu.vector_store %arg8[%parallel_loop3A_910], %parallel_loop3A_913 {strides = array<i32>} : memref<32768xf32, #tpu.memory_space<vmem>>, vector<16xf32>,
        %parallel_loop3A_914 = arith.mulf %parallel_loop3A_849, %sub3A_52 : vector<16xf32>
        %parallel_loop3A_915 = arith.addf %get3A_22, %parallel_loop3A_914 : vector<16xf32>
        %parallel_loop3A_916 = arith.constant 128 : i32
        %parallel_loop3A_917 = arith.muli %parallel_loop3A_853, %parallel_loop3A_916 : i32
        %parallel_loop3A_918 = arith.constant 96 : i32
        %parallel_loop3A_919 = arith.addi %parallel_loop3A_917, %parallel_loop3A_918 : i32
        %parallel_loop3A_920 = arith.index_cast %parallel_loop3A_919 : i32 to index
        %parallel_loop3A_921 = tpu.vector_load %arg8[%parallel_loop3A_920] {strides = array<i32>} : memref<32768xf32, #tpu.memory_space<vmem>>, vector<16xf32>,
        %parallel_loop3A_922 = vector.shape_cast %parallel_loop3A_921 : vector<16xf32> to vector<16xf32>
        %parallel_loop3A_923 = vector.shape_cast %parallel_loop3A_915 : vector<16xf32> to vector<16xf32>
        tpu.vector_store %arg8[%parallel_loop3A_920], %parallel_loop3A_923 {strides = array<i32>} : memref<32768xf32, #tpu.memory_space<vmem>>, vector<16xf32>,
        %parallel_loop3A_924 = arith.mulf %parallel_loop3A_849, %sub3A_56 : vector<16xf32>
        %parallel_loop3A_925 = arith.addf %get3A_25, %parallel_loop3A_924 : vector<16xf32>
        %parallel_loop3A_926 = arith.constant 128 : i32
        %parallel_loop3A_927 = arith.muli %parallel_loop3A_853, %parallel_loop3A_926 : i32
        %parallel_loop3A_928 = arith.constant 112 : i32
        %parallel_loop3A_929 = arith.addi %parallel_loop3A_927, %parallel_loop3A_928 : i32
        %parallel_loop3A_930 = arith.index_cast %parallel_loop3A_929 : i32 to index
        %parallel_loop3A_931 = tpu.vector_load %arg8[%parallel_loop3A_930] {strides = array<i32>} : memref<32768xf32, #tpu.memory_space<vmem>>, vector<16xf32>,
        %parallel_loop3A_932 = vector.shape_cast %parallel_loop3A_931 : vector<16xf32> to vector<16xf32>
        %parallel_loop3A_933 = vector.shape_cast %parallel_loop3A_925 : vector<16xf32> to vector<16xf32>
        tpu.vector_store %arg8[%parallel_loop3A_930], %parallel_loop3A_933 {strides = array<i32>} : memref<32768xf32, #tpu.memory_space<vmem>>, vector<16xf32>,
        %parallel_loop3A_934 = arith.constant 9 : i32
        %parallel_loop3A_935 = vector.broadcast %parallel_loop3A_934 : i32 to vector<16x1xi32>
        %parallel_loop3A_936 = vector.shape_cast %parallel_loop3A_935 : vector<16x1xi32> to vector<16xi32>
        %parallel_loop3A_937 = tpu.dynamic_gather %parallel_loop3A_141[%parallel_loop3A_936] in [0] : vector<16xf32>, vector<16xi32> -> vector<16xf32>
        %parallel_loop3A_938 = arith.constant 16 : i32
        %parallel_loop3A_939 = arith.muli %parallel_loop3A_134, %parallel_loop3A_938 : i32
        %parallel_loop3A_940 = arith.constant 9 : i32
        %parallel_loop3A_941 = arith.addi %parallel_loop3A_939, %parallel_loop3A_940 : i32
        %parallel_loop3A_942 = arith.mulf %parallel_loop3A_937, %sub3A : vector<16xf32>
        %parallel_loop3A_943 = arith.addf %get3A_4, %parallel_loop3A_942 : vector<16xf32>
        %parallel_loop3A_944 = arith.constant 128 : i32
        %parallel_loop3A_945 = arith.muli %parallel_loop3A_941, %parallel_loop3A_944 : i32
        %parallel_loop3A_946 = arith.constant 0 : i32
        %parallel_loop3A_947 = arith.addi %parallel_loop3A_945, %parallel_loop3A_946 : i32
        %parallel_loop3A_948 = arith.index_cast %parallel_loop3A_947 : i32 to index
        %parallel_loop3A_949 = tpu.vector_load %arg8[%parallel_loop3A_948] {strides = array<i32>} : memref<32768xf32, #tpu.memory_space<vmem>>, vector<16xf32>,
        %parallel_loop3A_950 = vector.shape_cast %parallel_loop3A_949 : vector<16xf32> to vector<16xf32>
        %parallel_loop3A_951 = vector.shape_cast %parallel_loop3A_943 : vector<16xf32> to vector<16xf32>
        tpu.vector_store %arg8[%parallel_loop3A_948], %parallel_loop3A_951 {strides = array<i32>} : memref<32768xf32, #tpu.memory_space<vmem>>, vector<16xf32>,
        %parallel_loop3A_952 = arith.mulf %parallel_loop3A_937, %sub3A_32 : vector<16xf32>
        %parallel_loop3A_953 = arith.addf %get3A_7, %parallel_loop3A_952 : vector<16xf32>
        %parallel_loop3A_954 = arith.constant 128 : i32
        %parallel_loop3A_955 = arith.muli %parallel_loop3A_941, %parallel_loop3A_954 : i32
        %parallel_loop3A_956 = arith.constant 16 : i32
        %parallel_loop3A_957 = arith.addi %parallel_loop3A_955, %parallel_loop3A_956 : i32
        %parallel_loop3A_958 = arith.index_cast %parallel_loop3A_957 : i32 to index
        %parallel_loop3A_959 = tpu.vector_load %arg8[%parallel_loop3A_958] {strides = array<i32>} : memref<32768xf32, #tpu.memory_space<vmem>>, vector<16xf32>,
        %parallel_loop3A_960 = vector.shape_cast %parallel_loop3A_959 : vector<16xf32> to vector<16xf32>
        %parallel_loop3A_961 = vector.shape_cast %parallel_loop3A_953 : vector<16xf32> to vector<16xf32>
        tpu.vector_store %arg8[%parallel_loop3A_958], %parallel_loop3A_961 {strides = array<i32>} : memref<32768xf32, #tpu.memory_space<vmem>>, vector<16xf32>,
        %parallel_loop3A_962 = arith.mulf %parallel_loop3A_937, %sub3A_36 : vector<16xf32>
        %parallel_loop3A_963 = arith.addf %get3A_10, %parallel_loop3A_962 : vector<16xf32>
        %parallel_loop3A_964 = arith.constant 128 : i32
        %parallel_loop3A_965 = arith.muli %parallel_loop3A_941, %parallel_loop3A_964 : i32
        %parallel_loop3A_966 = arith.constant 32 : i32
        %parallel_loop3A_967 = arith.addi %parallel_loop3A_965, %parallel_loop3A_966 : i32
        %parallel_loop3A_968 = arith.index_cast %parallel_loop3A_967 : i32 to index
        %parallel_loop3A_969 = tpu.vector_load %arg8[%parallel_loop3A_968] {strides = array<i32>} : memref<32768xf32, #tpu.memory_space<vmem>>, vector<16xf32>,
        %parallel_loop3A_970 = vector.shape_cast %parallel_loop3A_969 : vector<16xf32> to vector<16xf32>
        %parallel_loop3A_971 = vector.shape_cast %parallel_loop3A_963 : vector<16xf32> to vector<16xf32>
        tpu.vector_store %arg8[%parallel_loop3A_968], %parallel_loop3A_971 {strides = array<i32>} : memref<32768xf32, #tpu.memory_space<vmem>>, vector<16xf32>,
        %parallel_loop3A_972 = arith.mulf %parallel_loop3A_937, %sub3A_40 : vector<16xf32>
        %parallel_loop3A_973 = arith.addf %get3A_13, %parallel_loop3A_972 : vector<16xf32>
        %parallel_loop3A_974 = arith.constant 128 : i32
        %parallel_loop3A_975 = arith.muli %parallel_loop3A_941, %parallel_loop3A_974 : i32
        %parallel_loop3A_976 = arith.constant 48 : i32
        %parallel_loop3A_977 = arith.addi %parallel_loop3A_975, %parallel_loop3A_976 : i32
        %parallel_loop3A_978 = arith.index_cast %parallel_loop3A_977 : i32 to index
        %parallel_loop3A_979 = tpu.vector_load %arg8[%parallel_loop3A_978] {strides = array<i32>} : memref<32768xf32, #tpu.memory_space<vmem>>, vector<16xf32>,
        %parallel_loop3A_980 = vector.shape_cast %parallel_loop3A_979 : vector<16xf32> to vector<16xf32>
        %parallel_loop3A_981 = vector.shape_cast %parallel_loop3A_973 : vector<16xf32> to vector<16xf32>
        tpu.vector_store %arg8[%parallel_loop3A_978], %parallel_loop3A_981 {strides = array<i32>} : memref<32768xf32, #tpu.memory_space<vmem>>, vector<16xf32>,
        %parallel_loop3A_982 = arith.mulf %parallel_loop3A_937, %sub3A_44 : vector<16xf32>
        %parallel_loop3A_983 = arith.addf %get3A_16, %parallel_loop3A_982 : vector<16xf32>
        %parallel_loop3A_984 = arith.constant 128 : i32
        %parallel_loop3A_985 = arith.muli %parallel_loop3A_941, %parallel_loop3A_984 : i32
        %parallel_loop3A_986 = arith.constant 64 : i32
        %parallel_loop3A_987 = arith.addi %parallel_loop3A_985, %parallel_loop3A_986 : i32
        %parallel_loop3A_988 = arith.index_cast %parallel_loop3A_987 : i32 to index
        %parallel_loop3A_989 = tpu.vector_load %arg8[%parallel_loop3A_988] {strides = array<i32>} : memref<32768xf32, #tpu.memory_space<vmem>>, vector<16xf32>,
        %parallel_loop3A_990 = vector.shape_cast %parallel_loop3A_989 : vector<16xf32> to vector<16xf32>
        %parallel_loop3A_991 = vector.shape_cast %parallel_loop3A_983 : vector<16xf32> to vector<16xf32>
        tpu.vector_store %arg8[%parallel_loop3A_988], %parallel_loop3A_991 {strides = array<i32>} : memref<32768xf32, #tpu.memory_space<vmem>>, vector<16xf32>,
        %parallel_loop3A_992 = arith.mulf %parallel_loop3A_937, %sub3A_48 : vector<16xf32>
        %parallel_loop3A_993 = arith.addf %get3A_19, %parallel_loop3A_992 : vector<16xf32>
        %parallel_loop3A_994 = arith.constant 128 : i32
        %parallel_loop3A_995 = arith.muli %parallel_loop3A_941, %parallel_loop3A_994 : i32
        %parallel_loop3A_996 = arith.constant 80 : i32
        %parallel_loop3A_997 = arith.addi %parallel_loop3A_995, %parallel_loop3A_996 : i32
        %parallel_loop3A_998 = arith.index_cast %parallel_loop3A_997 : i32 to index
        %parallel_loop3A_999 = tpu.vector_load %arg8[%parallel_loop3A_998] {strides = array<i32>} : memref<32768xf32, #tpu.memory_space<vmem>>, vector<16xf32>,
        %parallel_loop3A_1000 = vector.shape_cast %parallel_loop3A_999 : vector<16xf32> to vector<16xf32>
        %parallel_loop3A_1001 = vector.shape_cast %parallel_loop3A_993 : vector<16xf32> to vector<16xf32>
        tpu.vector_store %arg8[%parallel_loop3A_998], %parallel_loop3A_1001 {strides = array<i32>} : memref<32768xf32, #tpu.memory_space<vmem>>, vector<16xf32>,
        %parallel_loop3A_1002 = arith.mulf %parallel_loop3A_937, %sub3A_52 : vector<16xf32>
        %parallel_loop3A_1003 = arith.addf %get3A_22, %parallel_loop3A_1002 : vector<16xf32>
        %parallel_loop3A_1004 = arith.constant 128 : i32
        %parallel_loop3A_1005 = arith.muli %parallel_loop3A_941, %parallel_loop3A_1004 : i32
        %parallel_loop3A_1006 = arith.constant 96 : i32
        %parallel_loop3A_1007 = arith.addi %parallel_loop3A_1005, %parallel_loop3A_1006 : i32
        %parallel_loop3A_1008 = arith.index_cast %parallel_loop3A_1007 : i32 to index
        %parallel_loop3A_1009 = tpu.vector_load %arg8[%parallel_loop3A_1008] {strides = array<i32>} : memref<32768xf32, #tpu.memory_space<vmem>>, vector<16xf32>,
        %parallel_loop3A_1010 = vector.shape_cast %parallel_loop3A_1009 : vector<16xf32> to vector<16xf32>
        %parallel_loop3A_1011 = vector.shape_cast %parallel_loop3A_1003 : vector<16xf32> to vector<16xf32>
        tpu.vector_store %arg8[%parallel_loop3A_1008], %parallel_loop3A_1011 {strides = array<i32>} : memref<32768xf32, #tpu.memory_space<vmem>>, vector<16xf32>,
        %parallel_loop3A_1012 = arith.mulf %parallel_loop3A_937, %sub3A_56 : vector<16xf32>
        %parallel_loop3A_1013 = arith.addf %get3A_25, %parallel_loop3A_1012 : vector<16xf32>
        %parallel_loop3A_1014 = arith.constant 128 : i32
        %parallel_loop3A_1015 = arith.muli %parallel_loop3A_941, %parallel_loop3A_1014 : i32
        %parallel_loop3A_1016 = arith.constant 112 : i32
        %parallel_loop3A_1017 = arith.addi %parallel_loop3A_1015, %parallel_loop3A_1016 : i32
        %parallel_loop3A_1018 = arith.index_cast %parallel_loop3A_1017 : i32 to index
        %parallel_loop3A_1019 = tpu.vector_load %arg8[%parallel_loop3A_1018] {strides = array<i32>} : memref<32768xf32, #tpu.memory_space<vmem>>, vector<16xf32>,
        %parallel_loop3A_1020 = vector.shape_cast %parallel_loop3A_1019 : vector<16xf32> to vector<16xf32>
        %parallel_loop3A_1021 = vector.shape_cast %parallel_loop3A_1013 : vector<16xf32> to vector<16xf32>
        tpu.vector_store %arg8[%parallel_loop3A_1018], %parallel_loop3A_1021 {strides = array<i32>} : memref<32768xf32, #tpu.memory_space<vmem>>, vector<16xf32>,
        %parallel_loop3A_1022 = arith.constant 10 : i32
        %parallel_loop3A_1023 = vector.broadcast %parallel_loop3A_1022 : i32 to vector<16x1xi32>
        %parallel_loop3A_1024 = vector.shape_cast %parallel_loop3A_1023 : vector<16x1xi32> to vector<16xi32>
        %parallel_loop3A_1025 = tpu.dynamic_gather %parallel_loop3A_141[%parallel_loop3A_1024] in [0] : vector<16xf32>, vector<16xi32> -> vector<16xf32>
        %parallel_loop3A_1026 = arith.constant 16 : i32
        %parallel_loop3A_1027 = arith.muli %parallel_loop3A_134, %parallel_loop3A_1026 : i32
        %parallel_loop3A_1028 = arith.constant 10 : i32
        %parallel_loop3A_1029 = arith.addi %parallel_loop3A_1027, %parallel_loop3A_1028 : i32
        %parallel_loop3A_1030 = arith.mulf %parallel_loop3A_1025, %sub3A : vector<16xf32>
        %parallel_loop3A_1031 = arith.addf %get3A_4, %parallel_loop3A_1030 : vector<16xf32>
        %parallel_loop3A_1032 = arith.constant 128 : i32
        %parallel_loop3A_1033 = arith.muli %parallel_loop3A_1029, %parallel_loop3A_1032 : i32
        %parallel_loop3A_1034 = arith.constant 0 : i32
        %parallel_loop3A_1035 = arith.addi %parallel_loop3A_1033, %parallel_loop3A_1034 : i32
        %parallel_loop3A_1036 = arith.index_cast %parallel_loop3A_1035 : i32 to index
        %parallel_loop3A_1037 = tpu.vector_load %arg8[%parallel_loop3A_1036] {strides = array<i32>} : memref<32768xf32, #tpu.memory_space<vmem>>, vector<16xf32>,
        %parallel_loop3A_1038 = vector.shape_cast %parallel_loop3A_1037 : vector<16xf32> to vector<16xf32>
        %parallel_loop3A_1039 = vector.shape_cast %parallel_loop3A_1031 : vector<16xf32> to vector<16xf32>
        tpu.vector_store %arg8[%parallel_loop3A_1036], %parallel_loop3A_1039 {strides = array<i32>} : memref<32768xf32, #tpu.memory_space<vmem>>, vector<16xf32>,
        %parallel_loop3A_1040 = arith.mulf %parallel_loop3A_1025, %sub3A_32 : vector<16xf32>
        %parallel_loop3A_1041 = arith.addf %get3A_7, %parallel_loop3A_1040 : vector<16xf32>
        %parallel_loop3A_1042 = arith.constant 128 : i32
        %parallel_loop3A_1043 = arith.muli %parallel_loop3A_1029, %parallel_loop3A_1042 : i32
        %parallel_loop3A_1044 = arith.constant 16 : i32
        %parallel_loop3A_1045 = arith.addi %parallel_loop3A_1043, %parallel_loop3A_1044 : i32
        %parallel_loop3A_1046 = arith.index_cast %parallel_loop3A_1045 : i32 to index
        %parallel_loop3A_1047 = tpu.vector_load %arg8[%parallel_loop3A_1046] {strides = array<i32>} : memref<32768xf32, #tpu.memory_space<vmem>>, vector<16xf32>,
        %parallel_loop3A_1048 = vector.shape_cast %parallel_loop3A_1047 : vector<16xf32> to vector<16xf32>
        %parallel_loop3A_1049 = vector.shape_cast %parallel_loop3A_1041 : vector<16xf32> to vector<16xf32>
        tpu.vector_store %arg8[%parallel_loop3A_1046], %parallel_loop3A_1049 {strides = array<i32>} : memref<32768xf32, #tpu.memory_space<vmem>>, vector<16xf32>,
        %parallel_loop3A_1050 = arith.mulf %parallel_loop3A_1025, %sub3A_36 : vector<16xf32>
        %parallel_loop3A_1051 = arith.addf %get3A_10, %parallel_loop3A_1050 : vector<16xf32>
        %parallel_loop3A_1052 = arith.constant 128 : i32
        %parallel_loop3A_1053 = arith.muli %parallel_loop3A_1029, %parallel_loop3A_1052 : i32
        %parallel_loop3A_1054 = arith.constant 32 : i32
        %parallel_loop3A_1055 = arith.addi %parallel_loop3A_1053, %parallel_loop3A_1054 : i32
        %parallel_loop3A_1056 = arith.index_cast %parallel_loop3A_1055 : i32 to index
        %parallel_loop3A_1057 = tpu.vector_load %arg8[%parallel_loop3A_1056] {strides = array<i32>} : memref<32768xf32, #tpu.memory_space<vmem>>, vector<16xf32>,
        %parallel_loop3A_1058 = vector.shape_cast %parallel_loop3A_1057 : vector<16xf32> to vector<16xf32>
        %parallel_loop3A_1059 = vector.shape_cast %parallel_loop3A_1051 : vector<16xf32> to vector<16xf32>
        tpu.vector_store %arg8[%parallel_loop3A_1056], %parallel_loop3A_1059 {strides = array<i32>} : memref<32768xf32, #tpu.memory_space<vmem>>, vector<16xf32>,
        %parallel_loop3A_1060 = arith.mulf %parallel_loop3A_1025, %sub3A_40 : vector<16xf32>
        %parallel_loop3A_1061 = arith.addf %get3A_13, %parallel_loop3A_1060 : vector<16xf32>
        %parallel_loop3A_1062 = arith.constant 128 : i32
        %parallel_loop3A_1063 = arith.muli %parallel_loop3A_1029, %parallel_loop3A_1062 : i32
        %parallel_loop3A_1064 = arith.constant 48 : i32
        %parallel_loop3A_1065 = arith.addi %parallel_loop3A_1063, %parallel_loop3A_1064 : i32
        %parallel_loop3A_1066 = arith.index_cast %parallel_loop3A_1065 : i32 to index
        %parallel_loop3A_1067 = tpu.vector_load %arg8[%parallel_loop3A_1066] {strides = array<i32>} : memref<32768xf32, #tpu.memory_space<vmem>>, vector<16xf32>,
        %parallel_loop3A_1068 = vector.shape_cast %parallel_loop3A_1067 : vector<16xf32> to vector<16xf32>
        %parallel_loop3A_1069 = vector.shape_cast %parallel_loop3A_1061 : vector<16xf32> to vector<16xf32>
        tpu.vector_store %arg8[%parallel_loop3A_1066], %parallel_loop3A_1069 {strides = array<i32>} : memref<32768xf32, #tpu.memory_space<vmem>>, vector<16xf32>,
        %parallel_loop3A_1070 = arith.mulf %parallel_loop3A_1025, %sub3A_44 : vector<16xf32>
        %parallel_loop3A_1071 = arith.addf %get3A_16, %parallel_loop3A_1070 : vector<16xf32>
        %parallel_loop3A_1072 = arith.constant 128 : i32
        %parallel_loop3A_1073 = arith.muli %parallel_loop3A_1029, %parallel_loop3A_1072 : i32
        %parallel_loop3A_1074 = arith.constant 64 : i32
        %parallel_loop3A_1075 = arith.addi %parallel_loop3A_1073, %parallel_loop3A_1074 : i32
        %parallel_loop3A_1076 = arith.index_cast %parallel_loop3A_1075 : i32 to index
        %parallel_loop3A_1077 = tpu.vector_load %arg8[%parallel_loop3A_1076] {strides = array<i32>} : memref<32768xf32, #tpu.memory_space<vmem>>, vector<16xf32>,
        %parallel_loop3A_1078 = vector.shape_cast %parallel_loop3A_1077 : vector<16xf32> to vector<16xf32>
        %parallel_loop3A_1079 = vector.shape_cast %parallel_loop3A_1071 : vector<16xf32> to vector<16xf32>
        tpu.vector_store %arg8[%parallel_loop3A_1076], %parallel_loop3A_1079 {strides = array<i32>} : memref<32768xf32, #tpu.memory_space<vmem>>, vector<16xf32>,
        %parallel_loop3A_1080 = arith.mulf %parallel_loop3A_1025, %sub3A_48 : vector<16xf32>
        %parallel_loop3A_1081 = arith.addf %get3A_19, %parallel_loop3A_1080 : vector<16xf32>
        %parallel_loop3A_1082 = arith.constant 128 : i32
        %parallel_loop3A_1083 = arith.muli %parallel_loop3A_1029, %parallel_loop3A_1082 : i32
        %parallel_loop3A_1084 = arith.constant 80 : i32
        %parallel_loop3A_1085 = arith.addi %parallel_loop3A_1083, %parallel_loop3A_1084 : i32
        %parallel_loop3A_1086 = arith.index_cast %parallel_loop3A_1085 : i32 to index
        %parallel_loop3A_1087 = tpu.vector_load %arg8[%parallel_loop3A_1086] {strides = array<i32>} : memref<32768xf32, #tpu.memory_space<vmem>>, vector<16xf32>,
        %parallel_loop3A_1088 = vector.shape_cast %parallel_loop3A_1087 : vector<16xf32> to vector<16xf32>
        %parallel_loop3A_1089 = vector.shape_cast %parallel_loop3A_1081 : vector<16xf32> to vector<16xf32>
        tpu.vector_store %arg8[%parallel_loop3A_1086], %parallel_loop3A_1089 {strides = array<i32>} : memref<32768xf32, #tpu.memory_space<vmem>>, vector<16xf32>,
        %parallel_loop3A_1090 = arith.mulf %parallel_loop3A_1025, %sub3A_52 : vector<16xf32>
        %parallel_loop3A_1091 = arith.addf %get3A_22, %parallel_loop3A_1090 : vector<16xf32>
        %parallel_loop3A_1092 = arith.constant 128 : i32
        %parallel_loop3A_1093 = arith.muli %parallel_loop3A_1029, %parallel_loop3A_1092 : i32
        %parallel_loop3A_1094 = arith.constant 96 : i32
        %parallel_loop3A_1095 = arith.addi %parallel_loop3A_1093, %parallel_loop3A_1094 : i32
        %parallel_loop3A_1096 = arith.index_cast %parallel_loop3A_1095 : i32 to index
        %parallel_loop3A_1097 = tpu.vector_load %arg8[%parallel_loop3A_1096] {strides = array<i32>} : memref<32768xf32, #tpu.memory_space<vmem>>, vector<16xf32>,
        %parallel_loop3A_1098 = vector.shape_cast %parallel_loop3A_1097 : vector<16xf32> to vector<16xf32>
        %parallel_loop3A_1099 = vector.shape_cast %parallel_loop3A_1091 : vector<16xf32> to vector<16xf32>
        tpu.vector_store %arg8[%parallel_loop3A_1096], %parallel_loop3A_1099 {strides = array<i32>} : memref<32768xf32, #tpu.memory_space<vmem>>, vector<16xf32>,
        %parallel_loop3A_1100 = arith.mulf %parallel_loop3A_1025, %sub3A_56 : vector<16xf32>
        %parallel_loop3A_1101 = arith.addf %get3A_25, %parallel_loop3A_1100 : vector<16xf32>
        %parallel_loop3A_1102 = arith.constant 128 : i32
        %parallel_loop3A_1103 = arith.muli %parallel_loop3A_1029, %parallel_loop3A_1102 : i32
        %parallel_loop3A_1104 = arith.constant 112 : i32
        %parallel_loop3A_1105 = arith.addi %parallel_loop3A_1103, %parallel_loop3A_1104 : i32
        %parallel_loop3A_1106 = arith.index_cast %parallel_loop3A_1105 : i32 to index
        %parallel_loop3A_1107 = tpu.vector_load %arg8[%parallel_loop3A_1106] {strides = array<i32>} : memref<32768xf32, #tpu.memory_space<vmem>>, vector<16xf32>,
        %parallel_loop3A_1108 = vector.shape_cast %parallel_loop3A_1107 : vector<16xf32> to vector<16xf32>
        %parallel_loop3A_1109 = vector.shape_cast %parallel_loop3A_1101 : vector<16xf32> to vector<16xf32>
        tpu.vector_store %arg8[%parallel_loop3A_1106], %parallel_loop3A_1109 {strides = array<i32>} : memref<32768xf32, #tpu.memory_space<vmem>>, vector<16xf32>,
        %parallel_loop3A_1110 = arith.constant 11 : i32
        %parallel_loop3A_1111 = vector.broadcast %parallel_loop3A_1110 : i32 to vector<16x1xi32>
        %parallel_loop3A_1112 = vector.shape_cast %parallel_loop3A_1111 : vector<16x1xi32> to vector<16xi32>
        %parallel_loop3A_1113 = tpu.dynamic_gather %parallel_loop3A_141[%parallel_loop3A_1112] in [0] : vector<16xf32>, vector<16xi32> -> vector<16xf32>
        %parallel_loop3A_1114 = arith.constant 16 : i32
        %parallel_loop3A_1115 = arith.muli %parallel_loop3A_134, %parallel_loop3A_1114 : i32
        %parallel_loop3A_1116 = arith.constant 11 : i32
        %parallel_loop3A_1117 = arith.addi %parallel_loop3A_1115, %parallel_loop3A_1116 : i32
        %parallel_loop3A_1118 = arith.mulf %parallel_loop3A_1113, %sub3A : vector<16xf32>
        %parallel_loop3A_1119 = arith.addf %get3A_4, %parallel_loop3A_1118 : vector<16xf32>
        %parallel_loop3A_1120 = arith.constant 128 : i32
        %parallel_loop3A_1121 = arith.muli %parallel_loop3A_1117, %parallel_loop3A_1120 : i32
        %parallel_loop3A_1122 = arith.constant 0 : i32
        %parallel_loop3A_1123 = arith.addi %parallel_loop3A_1121, %parallel_loop3A_1122 : i32
        %parallel_loop3A_1124 = arith.index_cast %parallel_loop3A_1123 : i32 to index
        %parallel_loop3A_1125 = tpu.vector_load %arg8[%parallel_loop3A_1124] {strides = array<i32>} : memref<32768xf32, #tpu.memory_space<vmem>>, vector<16xf32>,
        %parallel_loop3A_1126 = vector.shape_cast %parallel_loop3A_1125 : vector<16xf32> to vector<16xf32>
        %parallel_loop3A_1127 = vector.shape_cast %parallel_loop3A_1119 : vector<16xf32> to vector<16xf32>
        tpu.vector_store %arg8[%parallel_loop3A_1124], %parallel_loop3A_1127 {strides = array<i32>} : memref<32768xf32, #tpu.memory_space<vmem>>, vector<16xf32>,
        %parallel_loop3A_1128 = arith.mulf %parallel_loop3A_1113, %sub3A_32 : vector<16xf32>
        %parallel_loop3A_1129 = arith.addf %get3A_7, %parallel_loop3A_1128 : vector<16xf32>
        %parallel_loop3A_1130 = arith.constant 128 : i32
        %parallel_loop3A_1131 = arith.muli %parallel_loop3A_1117, %parallel_loop3A_1130 : i32
        %parallel_loop3A_1132 = arith.constant 16 : i32
        %parallel_loop3A_1133 = arith.addi %parallel_loop3A_1131, %parallel_loop3A_1132 : i32
        %parallel_loop3A_1134 = arith.index_cast %parallel_loop3A_1133 : i32 to index
        %parallel_loop3A_1135 = tpu.vector_load %arg8[%parallel_loop3A_1134] {strides = array<i32>} : memref<32768xf32, #tpu.memory_space<vmem>>, vector<16xf32>,
        %parallel_loop3A_1136 = vector.shape_cast %parallel_loop3A_1135 : vector<16xf32> to vector<16xf32>
        %parallel_loop3A_1137 = vector.shape_cast %parallel_loop3A_1129 : vector<16xf32> to vector<16xf32>
        tpu.vector_store %arg8[%parallel_loop3A_1134], %parallel_loop3A_1137 {strides = array<i32>} : memref<32768xf32, #tpu.memory_space<vmem>>, vector<16xf32>,
        %parallel_loop3A_1138 = arith.mulf %parallel_loop3A_1113, %sub3A_36 : vector<16xf32>
        %parallel_loop3A_1139 = arith.addf %get3A_10, %parallel_loop3A_1138 : vector<16xf32>
        %parallel_loop3A_1140 = arith.constant 128 : i32
        %parallel_loop3A_1141 = arith.muli %parallel_loop3A_1117, %parallel_loop3A_1140 : i32
        %parallel_loop3A_1142 = arith.constant 32 : i32
        %parallel_loop3A_1143 = arith.addi %parallel_loop3A_1141, %parallel_loop3A_1142 : i32
        %parallel_loop3A_1144 = arith.index_cast %parallel_loop3A_1143 : i32 to index
        %parallel_loop3A_1145 = tpu.vector_load %arg8[%parallel_loop3A_1144] {strides = array<i32>} : memref<32768xf32, #tpu.memory_space<vmem>>, vector<16xf32>,
        %parallel_loop3A_1146 = vector.shape_cast %parallel_loop3A_1145 : vector<16xf32> to vector<16xf32>
        %parallel_loop3A_1147 = vector.shape_cast %parallel_loop3A_1139 : vector<16xf32> to vector<16xf32>
        tpu.vector_store %arg8[%parallel_loop3A_1144], %parallel_loop3A_1147 {strides = array<i32>} : memref<32768xf32, #tpu.memory_space<vmem>>, vector<16xf32>,
        %parallel_loop3A_1148 = arith.mulf %parallel_loop3A_1113, %sub3A_40 : vector<16xf32>
        %parallel_loop3A_1149 = arith.addf %get3A_13, %parallel_loop3A_1148 : vector<16xf32>
        %parallel_loop3A_1150 = arith.constant 128 : i32
        %parallel_loop3A_1151 = arith.muli %parallel_loop3A_1117, %parallel_loop3A_1150 : i32
        %parallel_loop3A_1152 = arith.constant 48 : i32
        %parallel_loop3A_1153 = arith.addi %parallel_loop3A_1151, %parallel_loop3A_1152 : i32
        %parallel_loop3A_1154 = arith.index_cast %parallel_loop3A_1153 : i32 to index
        %parallel_loop3A_1155 = tpu.vector_load %arg8[%parallel_loop3A_1154] {strides = array<i32>} : memref<32768xf32, #tpu.memory_space<vmem>>, vector<16xf32>,
        %parallel_loop3A_1156 = vector.shape_cast %parallel_loop3A_1155 : vector<16xf32> to vector<16xf32>
        %parallel_loop3A_1157 = vector.shape_cast %parallel_loop3A_1149 : vector<16xf32> to vector<16xf32>
        tpu.vector_store %arg8[%parallel_loop3A_1154], %parallel_loop3A_1157 {strides = array<i32>} : memref<32768xf32, #tpu.memory_space<vmem>>, vector<16xf32>,
        %parallel_loop3A_1158 = arith.mulf %parallel_loop3A_1113, %sub3A_44 : vector<16xf32>
        %parallel_loop3A_1159 = arith.addf %get3A_16, %parallel_loop3A_1158 : vector<16xf32>
        %parallel_loop3A_1160 = arith.constant 128 : i32
        %parallel_loop3A_1161 = arith.muli %parallel_loop3A_1117, %parallel_loop3A_1160 : i32
        %parallel_loop3A_1162 = arith.constant 64 : i32
        %parallel_loop3A_1163 = arith.addi %parallel_loop3A_1161, %parallel_loop3A_1162 : i32
        %parallel_loop3A_1164 = arith.index_cast %parallel_loop3A_1163 : i32 to index
        %parallel_loop3A_1165 = tpu.vector_load %arg8[%parallel_loop3A_1164] {strides = array<i32>} : memref<32768xf32, #tpu.memory_space<vmem>>, vector<16xf32>,
        %parallel_loop3A_1166 = vector.shape_cast %parallel_loop3A_1165 : vector<16xf32> to vector<16xf32>
        %parallel_loop3A_1167 = vector.shape_cast %parallel_loop3A_1159 : vector<16xf32> to vector<16xf32>
        tpu.vector_store %arg8[%parallel_loop3A_1164], %parallel_loop3A_1167 {strides = array<i32>} : memref<32768xf32, #tpu.memory_space<vmem>>, vector<16xf32>,
        %parallel_loop3A_1168 = arith.mulf %parallel_loop3A_1113, %sub3A_48 : vector<16xf32>
        %parallel_loop3A_1169 = arith.addf %get3A_19, %parallel_loop3A_1168 : vector<16xf32>
        %parallel_loop3A_1170 = arith.constant 128 : i32
        %parallel_loop3A_1171 = arith.muli %parallel_loop3A_1117, %parallel_loop3A_1170 : i32
        %parallel_loop3A_1172 = arith.constant 80 : i32
        %parallel_loop3A_1173 = arith.addi %parallel_loop3A_1171, %parallel_loop3A_1172 : i32
        %parallel_loop3A_1174 = arith.index_cast %parallel_loop3A_1173 : i32 to index
        %parallel_loop3A_1175 = tpu.vector_load %arg8[%parallel_loop3A_1174] {strides = array<i32>} : memref<32768xf32, #tpu.memory_space<vmem>>, vector<16xf32>,
        %parallel_loop3A_1176 = vector.shape_cast %parallel_loop3A_1175 : vector<16xf32> to vector<16xf32>
        %parallel_loop3A_1177 = vector.shape_cast %parallel_loop3A_1169 : vector<16xf32> to vector<16xf32>
        tpu.vector_store %arg8[%parallel_loop3A_1174], %parallel_loop3A_1177 {strides = array<i32>} : memref<32768xf32, #tpu.memory_space<vmem>>, vector<16xf32>,
        %parallel_loop3A_1178 = arith.mulf %parallel_loop3A_1113, %sub3A_52 : vector<16xf32>
        %parallel_loop3A_1179 = arith.addf %get3A_22, %parallel_loop3A_1178 : vector<16xf32>
        %parallel_loop3A_1180 = arith.constant 128 : i32
        %parallel_loop3A_1181 = arith.muli %parallel_loop3A_1117, %parallel_loop3A_1180 : i32
        %parallel_loop3A_1182 = arith.constant 96 : i32
        %parallel_loop3A_1183 = arith.addi %parallel_loop3A_1181, %parallel_loop3A_1182 : i32
        %parallel_loop3A_1184 = arith.index_cast %parallel_loop3A_1183 : i32 to index
        %parallel_loop3A_1185 = tpu.vector_load %arg8[%parallel_loop3A_1184] {strides = array<i32>} : memref<32768xf32, #tpu.memory_space<vmem>>, vector<16xf32>,
        %parallel_loop3A_1186 = vector.shape_cast %parallel_loop3A_1185 : vector<16xf32> to vector<16xf32>
        %parallel_loop3A_1187 = vector.shape_cast %parallel_loop3A_1179 : vector<16xf32> to vector<16xf32>
        tpu.vector_store %arg8[%parallel_loop3A_1184], %parallel_loop3A_1187 {strides = array<i32>} : memref<32768xf32, #tpu.memory_space<vmem>>, vector<16xf32>,
        %parallel_loop3A_1188 = arith.mulf %parallel_loop3A_1113, %sub3A_56 : vector<16xf32>
        %parallel_loop3A_1189 = arith.addf %get3A_25, %parallel_loop3A_1188 : vector<16xf32>
        %parallel_loop3A_1190 = arith.constant 128 : i32
        %parallel_loop3A_1191 = arith.muli %parallel_loop3A_1117, %parallel_loop3A_1190 : i32
        %parallel_loop3A_1192 = arith.constant 112 : i32
        %parallel_loop3A_1193 = arith.addi %parallel_loop3A_1191, %parallel_loop3A_1192 : i32
        %parallel_loop3A_1194 = arith.index_cast %parallel_loop3A_1193 : i32 to index
        %parallel_loop3A_1195 = tpu.vector_load %arg8[%parallel_loop3A_1194] {strides = array<i32>} : memref<32768xf32, #tpu.memory_space<vmem>>, vector<16xf32>,
        %parallel_loop3A_1196 = vector.shape_cast %parallel_loop3A_1195 : vector<16xf32> to vector<16xf32>
        %parallel_loop3A_1197 = vector.shape_cast %parallel_loop3A_1189 : vector<16xf32> to vector<16xf32>
        tpu.vector_store %arg8[%parallel_loop3A_1194], %parallel_loop3A_1197 {strides = array<i32>} : memref<32768xf32, #tpu.memory_space<vmem>>, vector<16xf32>,
        %parallel_loop3A_1198 = arith.constant 12 : i32
        %parallel_loop3A_1199 = vector.broadcast %parallel_loop3A_1198 : i32 to vector<16x1xi32>
        %parallel_loop3A_1200 = vector.shape_cast %parallel_loop3A_1199 : vector<16x1xi32> to vector<16xi32>
        %parallel_loop3A_1201 = tpu.dynamic_gather %parallel_loop3A_141[%parallel_loop3A_1200] in [0] : vector<16xf32>, vector<16xi32> -> vector<16xf32>
        %parallel_loop3A_1202 = arith.constant 16 : i32
        %parallel_loop3A_1203 = arith.muli %parallel_loop3A_134, %parallel_loop3A_1202 : i32
        %parallel_loop3A_1204 = arith.constant 12 : i32
        %parallel_loop3A_1205 = arith.addi %parallel_loop3A_1203, %parallel_loop3A_1204 : i32
        %parallel_loop3A_1206 = arith.mulf %parallel_loop3A_1201, %sub3A : vector<16xf32>
        %parallel_loop3A_1207 = arith.addf %get3A_4, %parallel_loop3A_1206 : vector<16xf32>
        %parallel_loop3A_1208 = arith.constant 128 : i32
        %parallel_loop3A_1209 = arith.muli %parallel_loop3A_1205, %parallel_loop3A_1208 : i32
        %parallel_loop3A_1210 = arith.constant 0 : i32
        %parallel_loop3A_1211 = arith.addi %parallel_loop3A_1209, %parallel_loop3A_1210 : i32
        %parallel_loop3A_1212 = arith.index_cast %parallel_loop3A_1211 : i32 to index
        %parallel_loop3A_1213 = tpu.vector_load %arg8[%parallel_loop3A_1212] {strides = array<i32>} : memref<32768xf32, #tpu.memory_space<vmem>>, vector<16xf32>,
        %parallel_loop3A_1214 = vector.shape_cast %parallel_loop3A_1213 : vector<16xf32> to vector<16xf32>
        %parallel_loop3A_1215 = vector.shape_cast %parallel_loop3A_1207 : vector<16xf32> to vector<16xf32>
        tpu.vector_store %arg8[%parallel_loop3A_1212], %parallel_loop3A_1215 {strides = array<i32>} : memref<32768xf32, #tpu.memory_space<vmem>>, vector<16xf32>,
        %parallel_loop3A_1216 = arith.mulf %parallel_loop3A_1201, %sub3A_32 : vector<16xf32>
        %parallel_loop3A_1217 = arith.addf %get3A_7, %parallel_loop3A_1216 : vector<16xf32>
        %parallel_loop3A_1218 = arith.constant 128 : i32
        %parallel_loop3A_1219 = arith.muli %parallel_loop3A_1205, %parallel_loop3A_1218 : i32
        %parallel_loop3A_1220 = arith.constant 16 : i32
        %parallel_loop3A_1221 = arith.addi %parallel_loop3A_1219, %parallel_loop3A_1220 : i32
        %parallel_loop3A_1222 = arith.index_cast %parallel_loop3A_1221 : i32 to index
        %parallel_loop3A_1223 = tpu.vector_load %arg8[%parallel_loop3A_1222] {strides = array<i32>} : memref<32768xf32, #tpu.memory_space<vmem>>, vector<16xf32>,
        %parallel_loop3A_1224 = vector.shape_cast %parallel_loop3A_1223 : vector<16xf32> to vector<16xf32>
        %parallel_loop3A_1225 = vector.shape_cast %parallel_loop3A_1217 : vector<16xf32> to vector<16xf32>
        tpu.vector_store %arg8[%parallel_loop3A_1222], %parallel_loop3A_1225 {strides = array<i32>} : memref<32768xf32, #tpu.memory_space<vmem>>, vector<16xf32>,
        %parallel_loop3A_1226 = arith.mulf %parallel_loop3A_1201, %sub3A_36 : vector<16xf32>
        %parallel_loop3A_1227 = arith.addf %get3A_10, %parallel_loop3A_1226 : vector<16xf32>
        %parallel_loop3A_1228 = arith.constant 128 : i32
        %parallel_loop3A_1229 = arith.muli %parallel_loop3A_1205, %parallel_loop3A_1228 : i32
        %parallel_loop3A_1230 = arith.constant 32 : i32
        %parallel_loop3A_1231 = arith.addi %parallel_loop3A_1229, %parallel_loop3A_1230 : i32
        %parallel_loop3A_1232 = arith.index_cast %parallel_loop3A_1231 : i32 to index
        %parallel_loop3A_1233 = tpu.vector_load %arg8[%parallel_loop3A_1232] {strides = array<i32>} : memref<32768xf32, #tpu.memory_space<vmem>>, vector<16xf32>,
        %parallel_loop3A_1234 = vector.shape_cast %parallel_loop3A_1233 : vector<16xf32> to vector<16xf32>
        %parallel_loop3A_1235 = vector.shape_cast %parallel_loop3A_1227 : vector<16xf32> to vector<16xf32>
        tpu.vector_store %arg8[%parallel_loop3A_1232], %parallel_loop3A_1235 {strides = array<i32>} : memref<32768xf32, #tpu.memory_space<vmem>>, vector<16xf32>,
        %parallel_loop3A_1236 = arith.mulf %parallel_loop3A_1201, %sub3A_40 : vector<16xf32>
        %parallel_loop3A_1237 = arith.addf %get3A_13, %parallel_loop3A_1236 : vector<16xf32>
        %parallel_loop3A_1238 = arith.constant 128 : i32
        %parallel_loop3A_1239 = arith.muli %parallel_loop3A_1205, %parallel_loop3A_1238 : i32
        %parallel_loop3A_1240 = arith.constant 48 : i32
        %parallel_loop3A_1241 = arith.addi %parallel_loop3A_1239, %parallel_loop3A_1240 : i32
        %parallel_loop3A_1242 = arith.index_cast %parallel_loop3A_1241 : i32 to index
        %parallel_loop3A_1243 = tpu.vector_load %arg8[%parallel_loop3A_1242] {strides = array<i32>} : memref<32768xf32, #tpu.memory_space<vmem>>, vector<16xf32>,
        %parallel_loop3A_1244 = vector.shape_cast %parallel_loop3A_1243 : vector<16xf32> to vector<16xf32>
        %parallel_loop3A_1245 = vector.shape_cast %parallel_loop3A_1237 : vector<16xf32> to vector<16xf32>
        tpu.vector_store %arg8[%parallel_loop3A_1242], %parallel_loop3A_1245 {strides = array<i32>} : memref<32768xf32, #tpu.memory_space<vmem>>, vector<16xf32>,
        %parallel_loop3A_1246 = arith.mulf %parallel_loop3A_1201, %sub3A_44 : vector<16xf32>
        %parallel_loop3A_1247 = arith.addf %get3A_16, %parallel_loop3A_1246 : vector<16xf32>
        %parallel_loop3A_1248 = arith.constant 128 : i32
        %parallel_loop3A_1249 = arith.muli %parallel_loop3A_1205, %parallel_loop3A_1248 : i32
        %parallel_loop3A_1250 = arith.constant 64 : i32
        %parallel_loop3A_1251 = arith.addi %parallel_loop3A_1249, %parallel_loop3A_1250 : i32
        %parallel_loop3A_1252 = arith.index_cast %parallel_loop3A_1251 : i32 to index
        %parallel_loop3A_1253 = tpu.vector_load %arg8[%parallel_loop3A_1252] {strides = array<i32>} : memref<32768xf32, #tpu.memory_space<vmem>>, vector<16xf32>,
        %parallel_loop3A_1254 = vector.shape_cast %parallel_loop3A_1253 : vector<16xf32> to vector<16xf32>
        %parallel_loop3A_1255 = vector.shape_cast %parallel_loop3A_1247 : vector<16xf32> to vector<16xf32>
        tpu.vector_store %arg8[%parallel_loop3A_1252], %parallel_loop3A_1255 {strides = array<i32>} : memref<32768xf32, #tpu.memory_space<vmem>>, vector<16xf32>,
        %parallel_loop3A_1256 = arith.mulf %parallel_loop3A_1201, %sub3A_48 : vector<16xf32>
        %parallel_loop3A_1257 = arith.addf %get3A_19, %parallel_loop3A_1256 : vector<16xf32>
        %parallel_loop3A_1258 = arith.constant 128 : i32
        %parallel_loop3A_1259 = arith.muli %parallel_loop3A_1205, %parallel_loop3A_1258 : i32
        %parallel_loop3A_1260 = arith.constant 80 : i32
        %parallel_loop3A_1261 = arith.addi %parallel_loop3A_1259, %parallel_loop3A_1260 : i32
        %parallel_loop3A_1262 = arith.index_cast %parallel_loop3A_1261 : i32 to index
        %parallel_loop3A_1263 = tpu.vector_load %arg8[%parallel_loop3A_1262] {strides = array<i32>} : memref<32768xf32, #tpu.memory_space<vmem>>, vector<16xf32>,
        %parallel_loop3A_1264 = vector.shape_cast %parallel_loop3A_1263 : vector<16xf32> to vector<16xf32>
        %parallel_loop3A_1265 = vector.shape_cast %parallel_loop3A_1257 : vector<16xf32> to vector<16xf32>
        tpu.vector_store %arg8[%parallel_loop3A_1262], %parallel_loop3A_1265 {strides = array<i32>} : memref<32768xf32, #tpu.memory_space<vmem>>, vector<16xf32>,
        %parallel_loop3A_1266 = arith.mulf %parallel_loop3A_1201, %sub3A_52 : vector<16xf32>
        %parallel_loop3A_1267 = arith.addf %get3A_22, %parallel_loop3A_1266 : vector<16xf32>
        %parallel_loop3A_1268 = arith.constant 128 : i32
        %parallel_loop3A_1269 = arith.muli %parallel_loop3A_1205, %parallel_loop3A_1268 : i32
        %parallel_loop3A_1270 = arith.constant 96 : i32
        %parallel_loop3A_1271 = arith.addi %parallel_loop3A_1269, %parallel_loop3A_1270 : i32
        %parallel_loop3A_1272 = arith.index_cast %parallel_loop3A_1271 : i32 to index
        %parallel_loop3A_1273 = tpu.vector_load %arg8[%parallel_loop3A_1272] {strides = array<i32>} : memref<32768xf32, #tpu.memory_space<vmem>>, vector<16xf32>,
        %parallel_loop3A_1274 = vector.shape_cast %parallel_loop3A_1273 : vector<16xf32> to vector<16xf32>
        %parallel_loop3A_1275 = vector.shape_cast %parallel_loop3A_1267 : vector<16xf32> to vector<16xf32>
        tpu.vector_store %arg8[%parallel_loop3A_1272], %parallel_loop3A_1275 {strides = array<i32>} : memref<32768xf32, #tpu.memory_space<vmem>>, vector<16xf32>,
        %parallel_loop3A_1276 = arith.mulf %parallel_loop3A_1201, %sub3A_56 : vector<16xf32>
        %parallel_loop3A_1277 = arith.addf %get3A_25, %parallel_loop3A_1276 : vector<16xf32>
        %parallel_loop3A_1278 = arith.constant 128 : i32
        %parallel_loop3A_1279 = arith.muli %parallel_loop3A_1205, %parallel_loop3A_1278 : i32
        %parallel_loop3A_1280 = arith.constant 112 : i32
        %parallel_loop3A_1281 = arith.addi %parallel_loop3A_1279, %parallel_loop3A_1280 : i32
        %parallel_loop3A_1282 = arith.index_cast %parallel_loop3A_1281 : i32 to index
        %parallel_loop3A_1283 = tpu.vector_load %arg8[%parallel_loop3A_1282] {strides = array<i32>} : memref<32768xf32, #tpu.memory_space<vmem>>, vector<16xf32>,
        %parallel_loop3A_1284 = vector.shape_cast %parallel_loop3A_1283 : vector<16xf32> to vector<16xf32>
        %parallel_loop3A_1285 = vector.shape_cast %parallel_loop3A_1277 : vector<16xf32> to vector<16xf32>
        tpu.vector_store %arg8[%parallel_loop3A_1282], %parallel_loop3A_1285 {strides = array<i32>} : memref<32768xf32, #tpu.memory_space<vmem>>, vector<16xf32>,
        %parallel_loop3A_1286 = arith.constant 13 : i32
        %parallel_loop3A_1287 = vector.broadcast %parallel_loop3A_1286 : i32 to vector<16x1xi32>
        %parallel_loop3A_1288 = vector.shape_cast %parallel_loop3A_1287 : vector<16x1xi32> to vector<16xi32>
        %parallel_loop3A_1289 = tpu.dynamic_gather %parallel_loop3A_141[%parallel_loop3A_1288] in [0] : vector<16xf32>, vector<16xi32> -> vector<16xf32>
        %parallel_loop3A_1290 = arith.constant 16 : i32
        %parallel_loop3A_1291 = arith.muli %parallel_loop3A_134, %parallel_loop3A_1290 : i32
        %parallel_loop3A_1292 = arith.constant 13 : i32
        %parallel_loop3A_1293 = arith.addi %parallel_loop3A_1291, %parallel_loop3A_1292 : i32
        %parallel_loop3A_1294 = arith.mulf %parallel_loop3A_1289, %sub3A : vector<16xf32>
        %parallel_loop3A_1295 = arith.addf %get3A_4, %parallel_loop3A_1294 : vector<16xf32>
        %parallel_loop3A_1296 = arith.constant 128 : i32
        %parallel_loop3A_1297 = arith.muli %parallel_loop3A_1293, %parallel_loop3A_1296 : i32
        %parallel_loop3A_1298 = arith.constant 0 : i32
        %parallel_loop3A_1299 = arith.addi %parallel_loop3A_1297, %parallel_loop3A_1298 : i32
        %parallel_loop3A_1300 = arith.index_cast %parallel_loop3A_1299 : i32 to index
        %parallel_loop3A_1301 = tpu.vector_load %arg8[%parallel_loop3A_1300] {strides = array<i32>} : memref<32768xf32, #tpu.memory_space<vmem>>, vector<16xf32>,
        %parallel_loop3A_1302 = vector.shape_cast %parallel_loop3A_1301 : vector<16xf32> to vector<16xf32>
        %parallel_loop3A_1303 = vector.shape_cast %parallel_loop3A_1295 : vector<16xf32> to vector<16xf32>
        tpu.vector_store %arg8[%parallel_loop3A_1300], %parallel_loop3A_1303 {strides = array<i32>} : memref<32768xf32, #tpu.memory_space<vmem>>, vector<16xf32>,
        %parallel_loop3A_1304 = arith.mulf %parallel_loop3A_1289, %sub3A_32 : vector<16xf32>
        %parallel_loop3A_1305 = arith.addf %get3A_7, %parallel_loop3A_1304 : vector<16xf32>
        %parallel_loop3A_1306 = arith.constant 128 : i32
        %parallel_loop3A_1307 = arith.muli %parallel_loop3A_1293, %parallel_loop3A_1306 : i32
        %parallel_loop3A_1308 = arith.constant 16 : i32
        %parallel_loop3A_1309 = arith.addi %parallel_loop3A_1307, %parallel_loop3A_1308 : i32
        %parallel_loop3A_1310 = arith.index_cast %parallel_loop3A_1309 : i32 to index
        %parallel_loop3A_1311 = tpu.vector_load %arg8[%parallel_loop3A_1310] {strides = array<i32>} : memref<32768xf32, #tpu.memory_space<vmem>>, vector<16xf32>,
        %parallel_loop3A_1312 = vector.shape_cast %parallel_loop3A_1311 : vector<16xf32> to vector<16xf32>
        %parallel_loop3A_1313 = vector.shape_cast %parallel_loop3A_1305 : vector<16xf32> to vector<16xf32>
        tpu.vector_store %arg8[%parallel_loop3A_1310], %parallel_loop3A_1313 {strides = array<i32>} : memref<32768xf32, #tpu.memory_space<vmem>>, vector<16xf32>,
        %parallel_loop3A_1314 = arith.mulf %parallel_loop3A_1289, %sub3A_36 : vector<16xf32>
        %parallel_loop3A_1315 = arith.addf %get3A_10, %parallel_loop3A_1314 : vector<16xf32>
        %parallel_loop3A_1316 = arith.constant 128 : i32
        %parallel_loop3A_1317 = arith.muli %parallel_loop3A_1293, %parallel_loop3A_1316 : i32
        %parallel_loop3A_1318 = arith.constant 32 : i32
        %parallel_loop3A_1319 = arith.addi %parallel_loop3A_1317, %parallel_loop3A_1318 : i32
        %parallel_loop3A_1320 = arith.index_cast %parallel_loop3A_1319 : i32 to index
        %parallel_loop3A_1321 = tpu.vector_load %arg8[%parallel_loop3A_1320] {strides = array<i32>} : memref<32768xf32, #tpu.memory_space<vmem>>, vector<16xf32>,
        %parallel_loop3A_1322 = vector.shape_cast %parallel_loop3A_1321 : vector<16xf32> to vector<16xf32>
        %parallel_loop3A_1323 = vector.shape_cast %parallel_loop3A_1315 : vector<16xf32> to vector<16xf32>
        tpu.vector_store %arg8[%parallel_loop3A_1320], %parallel_loop3A_1323 {strides = array<i32>} : memref<32768xf32, #tpu.memory_space<vmem>>, vector<16xf32>,
        %parallel_loop3A_1324 = arith.mulf %parallel_loop3A_1289, %sub3A_40 : vector<16xf32>
        %parallel_loop3A_1325 = arith.addf %get3A_13, %parallel_loop3A_1324 : vector<16xf32>
        %parallel_loop3A_1326 = arith.constant 128 : i32
        %parallel_loop3A_1327 = arith.muli %parallel_loop3A_1293, %parallel_loop3A_1326 : i32
        %parallel_loop3A_1328 = arith.constant 48 : i32
        %parallel_loop3A_1329 = arith.addi %parallel_loop3A_1327, %parallel_loop3A_1328 : i32
        %parallel_loop3A_1330 = arith.index_cast %parallel_loop3A_1329 : i32 to index
        %parallel_loop3A_1331 = tpu.vector_load %arg8[%parallel_loop3A_1330] {strides = array<i32>} : memref<32768xf32, #tpu.memory_space<vmem>>, vector<16xf32>,
        %parallel_loop3A_1332 = vector.shape_cast %parallel_loop3A_1331 : vector<16xf32> to vector<16xf32>
        %parallel_loop3A_1333 = vector.shape_cast %parallel_loop3A_1325 : vector<16xf32> to vector<16xf32>
        tpu.vector_store %arg8[%parallel_loop3A_1330], %parallel_loop3A_1333 {strides = array<i32>} : memref<32768xf32, #tpu.memory_space<vmem>>, vector<16xf32>,
        %parallel_loop3A_1334 = arith.mulf %parallel_loop3A_1289, %sub3A_44 : vector<16xf32>
        %parallel_loop3A_1335 = arith.addf %get3A_16, %parallel_loop3A_1334 : vector<16xf32>
        %parallel_loop3A_1336 = arith.constant 128 : i32
        %parallel_loop3A_1337 = arith.muli %parallel_loop3A_1293, %parallel_loop3A_1336 : i32
        %parallel_loop3A_1338 = arith.constant 64 : i32
        %parallel_loop3A_1339 = arith.addi %parallel_loop3A_1337, %parallel_loop3A_1338 : i32
        %parallel_loop3A_1340 = arith.index_cast %parallel_loop3A_1339 : i32 to index
        %parallel_loop3A_1341 = tpu.vector_load %arg8[%parallel_loop3A_1340] {strides = array<i32>} : memref<32768xf32, #tpu.memory_space<vmem>>, vector<16xf32>,
        %parallel_loop3A_1342 = vector.shape_cast %parallel_loop3A_1341 : vector<16xf32> to vector<16xf32>
        %parallel_loop3A_1343 = vector.shape_cast %parallel_loop3A_1335 : vector<16xf32> to vector<16xf32>
        tpu.vector_store %arg8[%parallel_loop3A_1340], %parallel_loop3A_1343 {strides = array<i32>} : memref<32768xf32, #tpu.memory_space<vmem>>, vector<16xf32>,
        %parallel_loop3A_1344 = arith.mulf %parallel_loop3A_1289, %sub3A_48 : vector<16xf32>
        %parallel_loop3A_1345 = arith.addf %get3A_19, %parallel_loop3A_1344 : vector<16xf32>
        %parallel_loop3A_1346 = arith.constant 128 : i32
        %parallel_loop3A_1347 = arith.muli %parallel_loop3A_1293, %parallel_loop3A_1346 : i32
        %parallel_loop3A_1348 = arith.constant 80 : i32
        %parallel_loop3A_1349 = arith.addi %parallel_loop3A_1347, %parallel_loop3A_1348 : i32
        %parallel_loop3A_1350 = arith.index_cast %parallel_loop3A_1349 : i32 to index
        %parallel_loop3A_1351 = tpu.vector_load %arg8[%parallel_loop3A_1350] {strides = array<i32>} : memref<32768xf32, #tpu.memory_space<vmem>>, vector<16xf32>,
        %parallel_loop3A_1352 = vector.shape_cast %parallel_loop3A_1351 : vector<16xf32> to vector<16xf32>
        %parallel_loop3A_1353 = vector.shape_cast %parallel_loop3A_1345 : vector<16xf32> to vector<16xf32>
        tpu.vector_store %arg8[%parallel_loop3A_1350], %parallel_loop3A_1353 {strides = array<i32>} : memref<32768xf32, #tpu.memory_space<vmem>>, vector<16xf32>,
        %parallel_loop3A_1354 = arith.mulf %parallel_loop3A_1289, %sub3A_52 : vector<16xf32>
        %parallel_loop3A_1355 = arith.addf %get3A_22, %parallel_loop3A_1354 : vector<16xf32>
        %parallel_loop3A_1356 = arith.constant 128 : i32
        %parallel_loop3A_1357 = arith.muli %parallel_loop3A_1293, %parallel_loop3A_1356 : i32
        %parallel_loop3A_1358 = arith.constant 96 : i32
        %parallel_loop3A_1359 = arith.addi %parallel_loop3A_1357, %parallel_loop3A_1358 : i32
        %parallel_loop3A_1360 = arith.index_cast %parallel_loop3A_1359 : i32 to index
        %parallel_loop3A_1361 = tpu.vector_load %arg8[%parallel_loop3A_1360] {strides = array<i32>} : memref<32768xf32, #tpu.memory_space<vmem>>, vector<16xf32>,
        %parallel_loop3A_1362 = vector.shape_cast %parallel_loop3A_1361 : vector<16xf32> to vector<16xf32>
        %parallel_loop3A_1363 = vector.shape_cast %parallel_loop3A_1355 : vector<16xf32> to vector<16xf32>
        tpu.vector_store %arg8[%parallel_loop3A_1360], %parallel_loop3A_1363 {strides = array<i32>} : memref<32768xf32, #tpu.memory_space<vmem>>, vector<16xf32>,
        %parallel_loop3A_1364 = arith.mulf %parallel_loop3A_1289, %sub3A_56 : vector<16xf32>
        %parallel_loop3A_1365 = arith.addf %get3A_25, %parallel_loop3A_1364 : vector<16xf32>
        %parallel_loop3A_1366 = arith.constant 128 : i32
        %parallel_loop3A_1367 = arith.muli %parallel_loop3A_1293, %parallel_loop3A_1366 : i32
        %parallel_loop3A_1368 = arith.constant 112 : i32
        %parallel_loop3A_1369 = arith.addi %parallel_loop3A_1367, %parallel_loop3A_1368 : i32
        %parallel_loop3A_1370 = arith.index_cast %parallel_loop3A_1369 : i32 to index
        %parallel_loop3A_1371 = tpu.vector_load %arg8[%parallel_loop3A_1370] {strides = array<i32>} : memref<32768xf32, #tpu.memory_space<vmem>>, vector<16xf32>,
        %parallel_loop3A_1372 = vector.shape_cast %parallel_loop3A_1371 : vector<16xf32> to vector<16xf32>
        %parallel_loop3A_1373 = vector.shape_cast %parallel_loop3A_1365 : vector<16xf32> to vector<16xf32>
        tpu.vector_store %arg8[%parallel_loop3A_1370], %parallel_loop3A_1373 {strides = array<i32>} : memref<32768xf32, #tpu.memory_space<vmem>>, vector<16xf32>,
        %parallel_loop3A_1374 = arith.constant 14 : i32
        %parallel_loop3A_1375 = vector.broadcast %parallel_loop3A_1374 : i32 to vector<16x1xi32>
        %parallel_loop3A_1376 = vector.shape_cast %parallel_loop3A_1375 : vector<16x1xi32> to vector<16xi32>
        %parallel_loop3A_1377 = tpu.dynamic_gather %parallel_loop3A_141[%parallel_loop3A_1376] in [0] : vector<16xf32>, vector<16xi32> -> vector<16xf32>
        %parallel_loop3A_1378 = arith.constant 16 : i32
        %parallel_loop3A_1379 = arith.muli %parallel_loop3A_134, %parallel_loop3A_1378 : i32
        %parallel_loop3A_1380 = arith.constant 14 : i32
        %parallel_loop3A_1381 = arith.addi %parallel_loop3A_1379, %parallel_loop3A_1380 : i32
        %parallel_loop3A_1382 = arith.mulf %parallel_loop3A_1377, %sub3A : vector<16xf32>
        %parallel_loop3A_1383 = arith.addf %get3A_4, %parallel_loop3A_1382 : vector<16xf32>
        %parallel_loop3A_1384 = arith.constant 128 : i32
        %parallel_loop3A_1385 = arith.muli %parallel_loop3A_1381, %parallel_loop3A_1384 : i32
        %parallel_loop3A_1386 = arith.constant 0 : i32
        %parallel_loop3A_1387 = arith.addi %parallel_loop3A_1385, %parallel_loop3A_1386 : i32
        %parallel_loop3A_1388 = arith.index_cast %parallel_loop3A_1387 : i32 to index
        %parallel_loop3A_1389 = tpu.vector_load %arg8[%parallel_loop3A_1388] {strides = array<i32>} : memref<32768xf32, #tpu.memory_space<vmem>>, vector<16xf32>,
        %parallel_loop3A_1390 = vector.shape_cast %parallel_loop3A_1389 : vector<16xf32> to vector<16xf32>
        %parallel_loop3A_1391 = vector.shape_cast %parallel_loop3A_1383 : vector<16xf32> to vector<16xf32>
        tpu.vector_store %arg8[%parallel_loop3A_1388], %parallel_loop3A_1391 {strides = array<i32>} : memref<32768xf32, #tpu.memory_space<vmem>>, vector<16xf32>,
        %parallel_loop3A_1392 = arith.mulf %parallel_loop3A_1377, %sub3A_32 : vector<16xf32>
        %parallel_loop3A_1393 = arith.addf %get3A_7, %parallel_loop3A_1392 : vector<16xf32>
        %parallel_loop3A_1394 = arith.constant 128 : i32
        %parallel_loop3A_1395 = arith.muli %parallel_loop3A_1381, %parallel_loop3A_1394 : i32
        %parallel_loop3A_1396 = arith.constant 16 : i32
        %parallel_loop3A_1397 = arith.addi %parallel_loop3A_1395, %parallel_loop3A_1396 : i32
        %parallel_loop3A_1398 = arith.index_cast %parallel_loop3A_1397 : i32 to index
        %parallel_loop3A_1399 = tpu.vector_load %arg8[%parallel_loop3A_1398] {strides = array<i32>} : memref<32768xf32, #tpu.memory_space<vmem>>, vector<16xf32>,
        %parallel_loop3A_1400 = vector.shape_cast %parallel_loop3A_1399 : vector<16xf32> to vector<16xf32>
        %parallel_loop3A_1401 = vector.shape_cast %parallel_loop3A_1393 : vector<16xf32> to vector<16xf32>
        tpu.vector_store %arg8[%parallel_loop3A_1398], %parallel_loop3A_1401 {strides = array<i32>} : memref<32768xf32, #tpu.memory_space<vmem>>, vector<16xf32>,
        %parallel_loop3A_1402 = arith.mulf %parallel_loop3A_1377, %sub3A_36 : vector<16xf32>
        %parallel_loop3A_1403 = arith.addf %get3A_10, %parallel_loop3A_1402 : vector<16xf32>
        %parallel_loop3A_1404 = arith.constant 128 : i32
        %parallel_loop3A_1405 = arith.muli %parallel_loop3A_1381, %parallel_loop3A_1404 : i32
        %parallel_loop3A_1406 = arith.constant 32 : i32
        %parallel_loop3A_1407 = arith.addi %parallel_loop3A_1405, %parallel_loop3A_1406 : i32
        %parallel_loop3A_1408 = arith.index_cast %parallel_loop3A_1407 : i32 to index
        %parallel_loop3A_1409 = tpu.vector_load %arg8[%parallel_loop3A_1408] {strides = array<i32>} : memref<32768xf32, #tpu.memory_space<vmem>>, vector<16xf32>,
        %parallel_loop3A_1410 = vector.shape_cast %parallel_loop3A_1409 : vector<16xf32> to vector<16xf32>
        %parallel_loop3A_1411 = vector.shape_cast %parallel_loop3A_1403 : vector<16xf32> to vector<16xf32>
        tpu.vector_store %arg8[%parallel_loop3A_1408], %parallel_loop3A_1411 {strides = array<i32>} : memref<32768xf32, #tpu.memory_space<vmem>>, vector<16xf32>,
        %parallel_loop3A_1412 = arith.mulf %parallel_loop3A_1377, %sub3A_40 : vector<16xf32>
        %parallel_loop3A_1413 = arith.addf %get3A_13, %parallel_loop3A_1412 : vector<16xf32>
        %parallel_loop3A_1414 = arith.constant 128 : i32
        %parallel_loop3A_1415 = arith.muli %parallel_loop3A_1381, %parallel_loop3A_1414 : i32
        %parallel_loop3A_1416 = arith.constant 48 : i32
        %parallel_loop3A_1417 = arith.addi %parallel_loop3A_1415, %parallel_loop3A_1416 : i32
        %parallel_loop3A_1418 = arith.index_cast %parallel_loop3A_1417 : i32 to index
        %parallel_loop3A_1419 = tpu.vector_load %arg8[%parallel_loop3A_1418] {strides = array<i32>} : memref<32768xf32, #tpu.memory_space<vmem>>, vector<16xf32>,
        %parallel_loop3A_1420 = vector.shape_cast %parallel_loop3A_1419 : vector<16xf32> to vector<16xf32>
        %parallel_loop3A_1421 = vector.shape_cast %parallel_loop3A_1413 : vector<16xf32> to vector<16xf32>
        tpu.vector_store %arg8[%parallel_loop3A_1418], %parallel_loop3A_1421 {strides = array<i32>} : memref<32768xf32, #tpu.memory_space<vmem>>, vector<16xf32>,
        %parallel_loop3A_1422 = arith.mulf %parallel_loop3A_1377, %sub3A_44 : vector<16xf32>
        %parallel_loop3A_1423 = arith.addf %get3A_16, %parallel_loop3A_1422 : vector<16xf32>
        %parallel_loop3A_1424 = arith.constant 128 : i32
        %parallel_loop3A_1425 = arith.muli %parallel_loop3A_1381, %parallel_loop3A_1424 : i32
        %parallel_loop3A_1426 = arith.constant 64 : i32
        %parallel_loop3A_1427 = arith.addi %parallel_loop3A_1425, %parallel_loop3A_1426 : i32
        %parallel_loop3A_1428 = arith.index_cast %parallel_loop3A_1427 : i32 to index
        %parallel_loop3A_1429 = tpu.vector_load %arg8[%parallel_loop3A_1428] {strides = array<i32>} : memref<32768xf32, #tpu.memory_space<vmem>>, vector<16xf32>,
        %parallel_loop3A_1430 = vector.shape_cast %parallel_loop3A_1429 : vector<16xf32> to vector<16xf32>
        %parallel_loop3A_1431 = vector.shape_cast %parallel_loop3A_1423 : vector<16xf32> to vector<16xf32>
        tpu.vector_store %arg8[%parallel_loop3A_1428], %parallel_loop3A_1431 {strides = array<i32>} : memref<32768xf32, #tpu.memory_space<vmem>>, vector<16xf32>,
        %parallel_loop3A_1432 = arith.mulf %parallel_loop3A_1377, %sub3A_48 : vector<16xf32>
        %parallel_loop3A_1433 = arith.addf %get3A_19, %parallel_loop3A_1432 : vector<16xf32>
        %parallel_loop3A_1434 = arith.constant 128 : i32
        %parallel_loop3A_1435 = arith.muli %parallel_loop3A_1381, %parallel_loop3A_1434 : i32
        %parallel_loop3A_1436 = arith.constant 80 : i32
        %parallel_loop3A_1437 = arith.addi %parallel_loop3A_1435, %parallel_loop3A_1436 : i32
        %parallel_loop3A_1438 = arith.index_cast %parallel_loop3A_1437 : i32 to index
        %parallel_loop3A_1439 = tpu.vector_load %arg8[%parallel_loop3A_1438] {strides = array<i32>} : memref<32768xf32, #tpu.memory_space<vmem>>, vector<16xf32>,
        %parallel_loop3A_1440 = vector.shape_cast %parallel_loop3A_1439 : vector<16xf32> to vector<16xf32>
        %parallel_loop3A_1441 = vector.shape_cast %parallel_loop3A_1433 : vector<16xf32> to vector<16xf32>
        tpu.vector_store %arg8[%parallel_loop3A_1438], %parallel_loop3A_1441 {strides = array<i32>} : memref<32768xf32, #tpu.memory_space<vmem>>, vector<16xf32>,
        %parallel_loop3A_1442 = arith.mulf %parallel_loop3A_1377, %sub3A_52 : vector<16xf32>
        %parallel_loop3A_1443 = arith.addf %get3A_22, %parallel_loop3A_1442 : vector<16xf32>
        %parallel_loop3A_1444 = arith.constant 128 : i32
        %parallel_loop3A_1445 = arith.muli %parallel_loop3A_1381, %parallel_loop3A_1444 : i32
        %parallel_loop3A_1446 = arith.constant 96 : i32
        %parallel_loop3A_1447 = arith.addi %parallel_loop3A_1445, %parallel_loop3A_1446 : i32
        %parallel_loop3A_1448 = arith.index_cast %parallel_loop3A_1447 : i32 to index
        %parallel_loop3A_1449 = tpu.vector_load %arg8[%parallel_loop3A_1448] {strides = array<i32>} : memref<32768xf32, #tpu.memory_space<vmem>>, vector<16xf32>,
        %parallel_loop3A_1450 = vector.shape_cast %parallel_loop3A_1449 : vector<16xf32> to vector<16xf32>
        %parallel_loop3A_1451 = vector.shape_cast %parallel_loop3A_1443 : vector<16xf32> to vector<16xf32>
        tpu.vector_store %arg8[%parallel_loop3A_1448], %parallel_loop3A_1451 {strides = array<i32>} : memref<32768xf32, #tpu.memory_space<vmem>>, vector<16xf32>,
        %parallel_loop3A_1452 = arith.mulf %parallel_loop3A_1377, %sub3A_56 : vector<16xf32>
        %parallel_loop3A_1453 = arith.addf %get3A_25, %parallel_loop3A_1452 : vector<16xf32>
        %parallel_loop3A_1454 = arith.constant 128 : i32
        %parallel_loop3A_1455 = arith.muli %parallel_loop3A_1381, %parallel_loop3A_1454 : i32
        %parallel_loop3A_1456 = arith.constant 112 : i32
        %parallel_loop3A_1457 = arith.addi %parallel_loop3A_1455, %parallel_loop3A_1456 : i32
        %parallel_loop3A_1458 = arith.index_cast %parallel_loop3A_1457 : i32 to index
        %parallel_loop3A_1459 = tpu.vector_load %arg8[%parallel_loop3A_1458] {strides = array<i32>} : memref<32768xf32, #tpu.memory_space<vmem>>, vector<16xf32>,
        %parallel_loop3A_1460 = vector.shape_cast %parallel_loop3A_1459 : vector<16xf32> to vector<16xf32>
        %parallel_loop3A_1461 = vector.shape_cast %parallel_loop3A_1453 : vector<16xf32> to vector<16xf32>
        tpu.vector_store %arg8[%parallel_loop3A_1458], %parallel_loop3A_1461 {strides = array<i32>} : memref<32768xf32, #tpu.memory_space<vmem>>, vector<16xf32>,
        %parallel_loop3A_1462 = arith.constant 15 : i32
        %parallel_loop3A_1463 = vector.broadcast %parallel_loop3A_1462 : i32 to vector<16x1xi32>
        %parallel_loop3A_1464 = vector.shape_cast %parallel_loop3A_1463 : vector<16x1xi32> to vector<16xi32>
        %parallel_loop3A_1465 = tpu.dynamic_gather %parallel_loop3A_141[%parallel_loop3A_1464] in [0] : vector<16xf32>, vector<16xi32> -> vector<16xf32>
        %parallel_loop3A_1466 = arith.constant 16 : i32
        %parallel_loop3A_1467 = arith.muli %parallel_loop3A_134, %parallel_loop3A_1466 : i32
        %parallel_loop3A_1468 = arith.constant 15 : i32
        %parallel_loop3A_1469 = arith.addi %parallel_loop3A_1467, %parallel_loop3A_1468 : i32
        %parallel_loop3A_1470 = arith.mulf %parallel_loop3A_1465, %sub3A : vector<16xf32>
        %parallel_loop3A_1471 = arith.addf %get3A_4, %parallel_loop3A_1470 : vector<16xf32>
        %parallel_loop3A_1472 = arith.constant 128 : i32
        %parallel_loop3A_1473 = arith.muli %parallel_loop3A_1469, %parallel_loop3A_1472 : i32
        %parallel_loop3A_1474 = arith.constant 0 : i32
        %parallel_loop3A_1475 = arith.addi %parallel_loop3A_1473, %parallel_loop3A_1474 : i32
        %parallel_loop3A_1476 = arith.index_cast %parallel_loop3A_1475 : i32 to index
        %parallel_loop3A_1477 = tpu.vector_load %arg8[%parallel_loop3A_1476] {strides = array<i32>} : memref<32768xf32, #tpu.memory_space<vmem>>, vector<16xf32>,
        %parallel_loop3A_1478 = vector.shape_cast %parallel_loop3A_1477 : vector<16xf32> to vector<16xf32>
        %parallel_loop3A_1479 = vector.shape_cast %parallel_loop3A_1471 : vector<16xf32> to vector<16xf32>
        tpu.vector_store %arg8[%parallel_loop3A_1476], %parallel_loop3A_1479 {strides = array<i32>} : memref<32768xf32, #tpu.memory_space<vmem>>, vector<16xf32>,
        %parallel_loop3A_1480 = arith.mulf %parallel_loop3A_1465, %sub3A_32 : vector<16xf32>
        %parallel_loop3A_1481 = arith.addf %get3A_7, %parallel_loop3A_1480 : vector<16xf32>
        %parallel_loop3A_1482 = arith.constant 128 : i32
        %parallel_loop3A_1483 = arith.muli %parallel_loop3A_1469, %parallel_loop3A_1482 : i32
        %parallel_loop3A_1484 = arith.constant 16 : i32
        %parallel_loop3A_1485 = arith.addi %parallel_loop3A_1483, %parallel_loop3A_1484 : i32
        %parallel_loop3A_1486 = arith.index_cast %parallel_loop3A_1485 : i32 to index
        %parallel_loop3A_1487 = tpu.vector_load %arg8[%parallel_loop3A_1486] {strides = array<i32>} : memref<32768xf32, #tpu.memory_space<vmem>>, vector<16xf32>,
        %parallel_loop3A_1488 = vector.shape_cast %parallel_loop3A_1487 : vector<16xf32> to vector<16xf32>
        %parallel_loop3A_1489 = vector.shape_cast %parallel_loop3A_1481 : vector<16xf32> to vector<16xf32>
        tpu.vector_store %arg8[%parallel_loop3A_1486], %parallel_loop3A_1489 {strides = array<i32>} : memref<32768xf32, #tpu.memory_space<vmem>>, vector<16xf32>,
        %parallel_loop3A_1490 = arith.mulf %parallel_loop3A_1465, %sub3A_36 : vector<16xf32>
        %parallel_loop3A_1491 = arith.addf %get3A_10, %parallel_loop3A_1490 : vector<16xf32>
        %parallel_loop3A_1492 = arith.constant 128 : i32
        %parallel_loop3A_1493 = arith.muli %parallel_loop3A_1469, %parallel_loop3A_1492 : i32
        %parallel_loop3A_1494 = arith.constant 32 : i32
        %parallel_loop3A_1495 = arith.addi %parallel_loop3A_1493, %parallel_loop3A_1494 : i32
        %parallel_loop3A_1496 = arith.index_cast %parallel_loop3A_1495 : i32 to index
        %parallel_loop3A_1497 = tpu.vector_load %arg8[%parallel_loop3A_1496] {strides = array<i32>} : memref<32768xf32, #tpu.memory_space<vmem>>, vector<16xf32>,
        %parallel_loop3A_1498 = vector.shape_cast %parallel_loop3A_1497 : vector<16xf32> to vector<16xf32>
        %parallel_loop3A_1499 = vector.shape_cast %parallel_loop3A_1491 : vector<16xf32> to vector<16xf32>
        tpu.vector_store %arg8[%parallel_loop3A_1496], %parallel_loop3A_1499 {strides = array<i32>} : memref<32768xf32, #tpu.memory_space<vmem>>, vector<16xf32>,
        %parallel_loop3A_1500 = arith.mulf %parallel_loop3A_1465, %sub3A_40 : vector<16xf32>
        %parallel_loop3A_1501 = arith.addf %get3A_13, %parallel_loop3A_1500 : vector<16xf32>
        %parallel_loop3A_1502 = arith.constant 128 : i32
        %parallel_loop3A_1503 = arith.muli %parallel_loop3A_1469, %parallel_loop3A_1502 : i32
        %parallel_loop3A_1504 = arith.constant 48 : i32
        %parallel_loop3A_1505 = arith.addi %parallel_loop3A_1503, %parallel_loop3A_1504 : i32
        %parallel_loop3A_1506 = arith.index_cast %parallel_loop3A_1505 : i32 to index
        %parallel_loop3A_1507 = tpu.vector_load %arg8[%parallel_loop3A_1506] {strides = array<i32>} : memref<32768xf32, #tpu.memory_space<vmem>>, vector<16xf32>,
        %parallel_loop3A_1508 = vector.shape_cast %parallel_loop3A_1507 : vector<16xf32> to vector<16xf32>
        %parallel_loop3A_1509 = vector.shape_cast %parallel_loop3A_1501 : vector<16xf32> to vector<16xf32>
        tpu.vector_store %arg8[%parallel_loop3A_1506], %parallel_loop3A_1509 {strides = array<i32>} : memref<32768xf32, #tpu.memory_space<vmem>>, vector<16xf32>,
        %parallel_loop3A_1510 = arith.mulf %parallel_loop3A_1465, %sub3A_44 : vector<16xf32>
        %parallel_loop3A_1511 = arith.addf %get3A_16, %parallel_loop3A_1510 : vector<16xf32>
        %parallel_loop3A_1512 = arith.constant 128 : i32
        %parallel_loop3A_1513 = arith.muli %parallel_loop3A_1469, %parallel_loop3A_1512 : i32
        %parallel_loop3A_1514 = arith.constant 64 : i32
        %parallel_loop3A_1515 = arith.addi %parallel_loop3A_1513, %parallel_loop3A_1514 : i32
        %parallel_loop3A_1516 = arith.index_cast %parallel_loop3A_1515 : i32 to index
        %parallel_loop3A_1517 = tpu.vector_load %arg8[%parallel_loop3A_1516] {strides = array<i32>} : memref<32768xf32, #tpu.memory_space<vmem>>, vector<16xf32>,
        %parallel_loop3A_1518 = vector.shape_cast %parallel_loop3A_1517 : vector<16xf32> to vector<16xf32>
        %parallel_loop3A_1519 = vector.shape_cast %parallel_loop3A_1511 : vector<16xf32> to vector<16xf32>
        tpu.vector_store %arg8[%parallel_loop3A_1516], %parallel_loop3A_1519 {strides = array<i32>} : memref<32768xf32, #tpu.memory_space<vmem>>, vector<16xf32>,
        %parallel_loop3A_1520 = arith.mulf %parallel_loop3A_1465, %sub3A_48 : vector<16xf32>
        %parallel_loop3A_1521 = arith.addf %get3A_19, %parallel_loop3A_1520 : vector<16xf32>
        %parallel_loop3A_1522 = arith.constant 128 : i32
        %parallel_loop3A_1523 = arith.muli %parallel_loop3A_1469, %parallel_loop3A_1522 : i32
        %parallel_loop3A_1524 = arith.constant 80 : i32
        %parallel_loop3A_1525 = arith.addi %parallel_loop3A_1523, %parallel_loop3A_1524 : i32
        %parallel_loop3A_1526 = arith.index_cast %parallel_loop3A_1525 : i32 to index
        %parallel_loop3A_1527 = tpu.vector_load %arg8[%parallel_loop3A_1526] {strides = array<i32>} : memref<32768xf32, #tpu.memory_space<vmem>>, vector<16xf32>,
        %parallel_loop3A_1528 = vector.shape_cast %parallel_loop3A_1527 : vector<16xf32> to vector<16xf32>
        %parallel_loop3A_1529 = vector.shape_cast %parallel_loop3A_1521 : vector<16xf32> to vector<16xf32>
        tpu.vector_store %arg8[%parallel_loop3A_1526], %parallel_loop3A_1529 {strides = array<i32>} : memref<32768xf32, #tpu.memory_space<vmem>>, vector<16xf32>,
        %parallel_loop3A_1530 = arith.mulf %parallel_loop3A_1465, %sub3A_52 : vector<16xf32>
        %parallel_loop3A_1531 = arith.addf %get3A_22, %parallel_loop3A_1530 : vector<16xf32>
        %parallel_loop3A_1532 = arith.constant 128 : i32
        %parallel_loop3A_1533 = arith.muli %parallel_loop3A_1469, %parallel_loop3A_1532 : i32
        %parallel_loop3A_1534 = arith.constant 96 : i32
        %parallel_loop3A_1535 = arith.addi %parallel_loop3A_1533, %parallel_loop3A_1534 : i32
        %parallel_loop3A_1536 = arith.index_cast %parallel_loop3A_1535 : i32 to index
        %parallel_loop3A_1537 = tpu.vector_load %arg8[%parallel_loop3A_1536] {strides = array<i32>} : memref<32768xf32, #tpu.memory_space<vmem>>, vector<16xf32>,
        %parallel_loop3A_1538 = vector.shape_cast %parallel_loop3A_1537 : vector<16xf32> to vector<16xf32>
        %parallel_loop3A_1539 = vector.shape_cast %parallel_loop3A_1531 : vector<16xf32> to vector<16xf32>
        tpu.vector_store %arg8[%parallel_loop3A_1536], %parallel_loop3A_1539 {strides = array<i32>} : memref<32768xf32, #tpu.memory_space<vmem>>, vector<16xf32>,
        %parallel_loop3A_1540 = arith.mulf %parallel_loop3A_1465, %sub3A_56 : vector<16xf32>
        %parallel_loop3A_1541 = arith.addf %get3A_25, %parallel_loop3A_1540 : vector<16xf32>
        %parallel_loop3A_1542 = arith.constant 128 : i32
        %parallel_loop3A_1543 = arith.muli %parallel_loop3A_1469, %parallel_loop3A_1542 : i32
        %parallel_loop3A_1544 = arith.constant 112 : i32
        %parallel_loop3A_1545 = arith.addi %parallel_loop3A_1543, %parallel_loop3A_1544 : i32
        %parallel_loop3A_1546 = arith.index_cast %parallel_loop3A_1545 : i32 to index
        %parallel_loop3A_1547 = tpu.vector_load %arg8[%parallel_loop3A_1546] {strides = array<i32>} : memref<32768xf32, #tpu.memory_space<vmem>>, vector<16xf32>,
        %parallel_loop3A_1548 = vector.shape_cast %parallel_loop3A_1547 : vector<16xf32> to vector<16xf32>
        %parallel_loop3A_1549 = vector.shape_cast %parallel_loop3A_1541 : vector<16xf32> to vector<16xf32>
        tpu.vector_store %arg8[%parallel_loop3A_1546], %parallel_loop3A_1549 {strides = array<i32>} : memref<32768xf32, #tpu.memory_space<vmem>>, vector<16xf32>,
      } {sc.loop_unroll_factor = 2 : i64, sc.parallel_access}
      %mul3A_127 = arith.constant 128 : i32
      %mul3A_128 = arith.muli %add3A_114, %mul3A_127 : i32
      %dma_start3A_129 = arith.constant 1 : i32
      %dma_start3A_130 = tpu.memref_slice %arg4[%mul3A_128] : memref<419430400xf32, #tpu.memory_space<hbm>> -> memref<32768xf32, #tpu.memory_space<hbm>>
      %dma_start3A_131 = tpu.memref_slice %arg9[%dma_start3A_129] : memref<2x!tpu.dma_semaphore, #tpu.memory_space<semaphore_mem>> -> memref<1x!tpu.dma_semaphore, #tpu.memory_space<semaphore_mem>>
      %dma_start3A_132 = tpu.memref_squeeze %dma_start3A_131 : memref<1x!tpu.dma_semaphore, #tpu.memory_space<semaphore_mem>> -> memref<!tpu.dma_semaphore, #tpu.memory_space<semaphore_mem>>
      %dma_start3A_133 = tpu.memref_slice %arg4[%mul3A_128] : memref<419430400xf32, #tpu.memory_space<hbm>> -> memref<32768xf32, #tpu.memory_space<hbm>>
      tpu.enqueue_dma source(%arg8 : memref<32768xf32, #tpu.memory_space<vmem>>) target(%dma_start3A_133 : memref<32768xf32, #tpu.memory_space<hbm>>) target_semaphore(%dma_start3A_132 : memref<!tpu.dma_semaphore, #tpu.memory_space<semaphore_mem>>)
    }
    %scan3A_61 = arith.constant 200 : i32
    %add3A_62 = arith.constant 102400 : i32
    %add3A_63 = arith.addi %mul3A_2, %add3A_62 : i32
    %sub3A_64 = arith.constant 512 : i32
    %sub3A_65 = arith.subi %add3A_63, %sub3A_64 : i32
    %mul3A_66 = arith.constant 128 : i32
    %mul3A_67 = arith.muli %sub3A_65, %mul3A_66 : i32
    %dma_wait3A = arith.constant 0 : i32
    %dma_wait3A_68 = tpu.memref_slice %arg4[%mul3A_67] : memref<419430400xf32, #tpu.memory_space<hbm>> -> memref<32768xf32, #tpu.memory_space<hbm>>
    %dma_wait3A_69 = tpu.memref_slice %arg9[%dma_wait3A] : memref<2x!tpu.dma_semaphore, #tpu.memory_space<semaphore_mem>> -> memref<1x!tpu.dma_semaphore, #tpu.memory_space<semaphore_mem>>
    %dma_wait3A_70 = tpu.memref_squeeze %dma_wait3A_69 : memref<1x!tpu.dma_semaphore, #tpu.memory_space<semaphore_mem>> -> memref<!tpu.dma_semaphore, #tpu.memory_space<semaphore_mem>>
    %dma_wait3A_71 = tpu.memref_slice %arg4[%mul3A_67] : memref<419430400xf32, #tpu.memory_space<hbm>> -> memref<32768xf32, #tpu.memory_space<hbm>>
    tpu.wait_dma2 semaphore(%dma_wait3A_70 : memref<!tpu.dma_semaphore, #tpu.memory_space<semaphore_mem>>) src(%arg7 : memref<32768xf32, #tpu.memory_space<vmem>>) dst(%dma_wait3A_71 : memref<32768xf32, #tpu.memory_space<hbm>>)
    %sub3A_72 = arith.constant 256 : i32
    %sub3A_73 = arith.subi %add3A_63, %sub3A_72 : i32
    %mul3A_74 = arith.constant 128 : i32
    %mul3A_75 = arith.muli %sub3A_73, %mul3A_74 : i32
    %dma_wait3A_76 = arith.constant 1 : i32
    %dma_wait3A_77 = tpu.memref_slice %arg4[%mul3A_75] : memref<419430400xf32, #tpu.memory_space<hbm>> -> memref<32768xf32, #tpu.memory_space<hbm>>
    %dma_wait3A_78 = tpu.memref_slice %arg9[%dma_wait3A_76] : memref<2x!tpu.dma_semaphore, #tpu.memory_space<semaphore_mem>> -> memref<1x!tpu.dma_semaphore, #tpu.memory_space<semaphore_mem>>
    %dma_wait3A_79 = tpu.memref_squeeze %dma_wait3A_78 : memref<1x!tpu.dma_semaphore, #tpu.memory_space<semaphore_mem>> -> memref<!tpu.dma_semaphore, #tpu.memory_space<semaphore_mem>>
    %dma_wait3A_80 = tpu.memref_slice %arg4[%mul3A_75] : memref<419430400xf32, #tpu.memory_space<hbm>> -> memref<32768xf32, #tpu.memory_space<hbm>>
    tpu.wait_dma2 semaphore(%dma_wait3A_79 : memref<!tpu.dma_semaphore, #tpu.memory_space<semaphore_mem>>) src(%arg8 : memref<32768xf32, #tpu.memory_space<vmem>>) dst(%dma_wait3A_80 : memref<32768xf32, #tpu.memory_space<hbm>>)
    return
  }
}

</mosaic_0001>

<sc_bundles>
// kernel: kernel.3.cloned.1.call-start
scs
__scs_entry_jumppad:
0x0: {  	(pc) =	sbr.rel $0x88, $3  }
0x1: {  	(tag) =	ssettag $0x0;
	lr =	simm.s32 $0x1  }
0x2: {  	[smem:$0x3F9F] =	sst lr;
	_ =	strace $0xD0000000  }
0x3: {  	_ = 	snop  }
0x4: {  	_ = 	snop  }
0x5: {  	_ = 	snop  }
0x6: {  	_ = 	snop  }
0x7: {  	_ = 	snop  }
__scs_overlays_trampoline_lowered:
0x8: {  	[smem:$0x3FAE] =	sst s0  }
0x9: {  	[smem:$0x3FAF] =	sst s1  }
0xa: {  	[smem:$0x3FB0] =	sst s2  }
0xb: {  	[smem:$0x3FB1] =	sst s3  }
0xc: {  	[smem:$0x3FB2] =	sst s4  }
0xd: {  	[smem:$0x3FB3] =	sst s5  }
0xe: {  	[smem:$0x3FB4] =	sst s6  }
0xf: {  	[smem:$0x3FB5] =	sst s7  }
0x10: {  	[smem:$0x3FB6] =	sst s8  }
0x11: {  	[smem:$0x3FB7] =	sst s9;
	s0 =	simm.s32 @!p0 $0x0  }
0x12: {  	s1 =	sld [smem:$0x3F9D];
	s0 =	simm.s32 @p0 $0x1  }
0x13: {  	[smem:$0x3FB8] =	sst s0;
	s0 =	simm.s32 @!p1 $0x0  }
0x14: {  	s2 =	sld [smem:$0x3F9C];
	s0 =	simm.s32 @p1 $0x1  }
0x15: {  	[smem:$0x3FB9] =	sst s0;
	s0 =	simm.s32 @!p2 $0x0  }
0x16: {  	s3 =	sld [smem:$0x3FDB];
	s0 =	simm.s32 @p2 $0x1  }
0x17: {  	s4 =	simm.s32 $0x1BF5;
	[smem:$0x3FBB] =	sst s0  }
0x18: {  	s0 =	sld [smem:$0x3F9E];
	_ =	swait.ge [sflag:s4], $0x0  }
0x19: {  	s7 =	sld [smem:$0x3F9F]  }
0x1a: {  	s8 =	sadd.s32 $0xFFFFE003, lr  }
0x1b: {  	s9 =	sadd.s32 $0xFFFFFEF7, lr;
	s5 =	simm.s32 $0xFFFFFFFF;
	p2 =	slt.u32 s8, $0xFFFFF086  }
0x1c: {  	p1 =	slt.u32 s9, $0xF7A;
	s5 =	simm.s32 @!p2 $0x0  }
0x1d: {  	s5 =	simm.s32 @p1 $0x1;
	p0 =	seq.s32 s7, s2  }
0x1e: {  	s7 =	smul.u32 @!p0 $0xF7A, s2;
	p2 =	seq.s32 @!p0 s5, $0x0  }
0x1f: {  	s9 =	smul.u32 $0xF7A, s1;
	s8 =	simm.s32 @!p0 $0x1BF5;
	p2 =	por !p2, p0  }
0x20: {  	[sflag:s8] =	ssyncset.s32 @!p0 $0xFFFFF086;
	s6 =	sadd.s32 @!p0 s3, s7;
	s7 =	simm.s32 @!p0 $0x108  }
0x21: {  	s3 =	sadd.s32 s3, s9;
	s6 =	sadd.s32 @!p0 $0x88, s6;
	s7 =	simm.s32 @p2 $0x1082  }
0x22: {  	[simem:s7], [sflag:s8] =	dma.local @!p0 [hbm:s6], $0xF7A  }
0x23: {  	s9 =	sor.u32 $0xD0000000, s2;
	s6 =	simm.s32 $0x108;
	_ =	swait.ge @!p0 [sflag:s8], $0x0  }
0x24: {  	s3 =	sadd.s32 $0x88, s3;
	s6 =	simm.s32 @!p1 $0x1082;
	[sflag:s4] =	ssyncset.s32 $0xFFFFF086  }
0x25: {  	[simem:s6], [sflag:s4] =	dma.local [hbm:s3], $0xF7A  }
0x26: {  	[smem:$0x3F9F] =	sst s1;
	(tag) =	ssettag s2;
	_ =	strace s9  }
0x27: {  	s1 =	sld [smem:$0x3FAF]  }
0x28: {  	s2 =	sld [smem:$0x3FB0]  }
0x29: {  	s4 =	sld [smem:$0x3FB2]  }
0x2a: {  	p0 =	seq.s32 s5, $0x0;
	s5 =	sld [smem:$0x3FB3]  }
0x2b: {  	s6 =	sld [smem:$0x3FB4]  }
0x2c: {  	s7 =	sld [smem:$0x3FB5]  }
0x2d: {  	s3 =	simm.s32 $0x108;
	s8 =	sld [smem:$0x3FB6]  }
0x2e: {  	s3 =	simm.s32 @!p0 $0x1082;
	s9 =	sld [smem:$0x3FB7]  }
0x2f: {  	lr =	sadd.s32 s0, s3;
	s0 =	sld [smem:$0x3FAE]  }
0x30: {  	s3 =	sld [smem:$0x3FB1]  }
0x31: {  	[smem:$0x3FBA] =	sst s10  }
0x32: {  	s10 =	sld [smem:$0x3FB8];
	_ =	sdelay $0x3  }
0x33: {  	p0 =	seq.s32 s10, $0x1;
	s10 =	sld [smem:$0x3FBA];
	_ =	sdelay $0x3  }
0x34: {  	[smem:$0x3FBA] =	sst s10  }
0x35: {  	s10 =	sld [smem:$0x3FB9];
	_ =	sdelay $0x3  }
0x36: {  	p1 =	seq.s32 s10, $0x1;
	s10 =	sld [smem:$0x3FBA];
	_ =	sdelay $0x3  }
0x37: {  	[smem:$0x3FBA] =	sst s10  }
0x38: {  	s10 =	sld [smem:$0x3FBB]  }
0x39: {  	_ = 	snop;
	(pc) =	sbr.ind lr, $3  }
0x3a: {  	_ = 	snop  }
0x3b: {  	_ = 	snop  }
0x3c: {  	p2 =	seq.s32 s10, $0x1;
	s10 =	sld [smem:$0x3FBA]  }
0x3d: {  	_ =	shalt  }
0x3e: {  	_ =	shalt  }
0x3f: {  	_ =	shalt  }
0x40: {  	_ =	shalt  }
0x41: {  	_ =	shalt  }
0x42: {  	_ =	shalt  }
0x43: {  	_ =	shalt  }
0x44: {  	_ =	shalt  }
0x45: {  	_ =	shalt  }
0x46: {  	_ =	shalt  }
0x47: {  	_ =	shalt  }
0x48: {  	_ =	shalt  }
0x49: {  	_ =	shalt  }
0x4a: {  	_ =	shalt  }
0x4b: {  	_ =	shalt  }
0x4c: {  	_ =	shalt  }
0x4d: {  	_ =	shalt  }
0x4e: {  	_ =	shalt  }
0x4f: {  	_ =	shalt  }
0x50: {  	_ =	shalt  }
0x51: {  	_ =	shalt  }
0x52: {  	_ =	shalt  }
0x53: {  	_ =	shalt  }
0x54: {  	_ =	shalt  }
0x55: {  	_ =	shalt  }
0x56: {  	_ =	shalt  }
0x57: {  	_ =	shalt  }
0x58: {  	_ =	shalt  }
0x59: {  	_ =	shalt  }
0x5a: {  	_ =	shalt  }
0x5b: {  	_ =	shalt  }
0x5c: {  	_ =	shalt  }
0x5d: {  	_ =	shalt  }
0x5e: {  	_ =	shalt  }
0x5f: {  	_ =	shalt  }
0x60: {  	_ =	shalt  }
0x61: {  	_ =	shalt  }
0x62: {  	_ =	shalt  }
0x63: {  	_ =	shalt  }
0x64: {  	_ =	shalt  }
0x65: {  	_ =	shalt  }
0x66: {  	_ =	shalt  }
0x67: {  	_ =	shalt  }
0x68: {  	_ =	shalt  }
0x69: {  	_ =	shalt  }
0x6a: {  	_ =	shalt  }
0x6b: {  	_ =	shalt  }
0x6c: {  	_ =	shalt  }
0x6d: {  	_ =	shalt  }
0x6e: {  	_ =	shalt  }
0x6f: {  	_ =	shalt  }
0x70: {  	_ =	shalt  }
0x71: {  	_ =	shalt  }
0x72: {  	_ =	shalt  }
0x73: {  	_ =	shalt  }
0x74: {  	_ =	shalt  }
0x75: {  	_ =	shalt  }
0x76: {  	_ =	shalt  }
0x77: {  	_ =	shalt  }
0x78: {  	_ =	shalt  }
0x79: {  	_ =	shalt  }
0x7a: {  	_ =	shalt  }
0x7b: {  	_ =	shalt  }
0x7c: {  	_ =	shalt  }
0x7d: {  	_ =	shalt  }
0x7e: {  	_ =	shalt  }
0x7f: {  	_ =	shalt  }
0x80: {  	_ =	shalt  }
0x81: {  	_ =	shalt  }
0x82: {  	_ =	shalt  }
0x83: {  	_ =	shalt  }
0x84: {  	_ =	shalt  }
0x85: {  	_ =	shalt  }
0x86: {  	_ =	shalt  }
0x87: {  	_ =	shalt  }
.Lfunc_end0:
.L_simem_size_0:
called_computation_lowered:
.L_overlay_start_0:
0x88: {  	s2 =	sld [smem:$0x3FD9]  }
0x89: {  	s3 =	sld [smem:$0x3FFE];
	_ =	sdelay $0x1  }
0x8a: {  	s1 =	srdreg.scid  }
0x8b: {  	s0 =	sand.u32 $0x1, s1  }
0x8c: {  	s17 =	sshll.u32 s0, $0xA;
	s2 =	sadd.s32 s3, s2  }
0x8d: {  	s2 =	sadd.s32 s2, s17  }
0x8e: {  	[smem:$0x3FC6] =	sst s2  }
0x8f: {  	_ = 	snop  }
0x90: {  	s2 =	sld [smem:$0x3FC8]  }
0x91: {  	s18 =	sld [smem:$0x3FD0];
	(tm) =	ssettm $0x1  }
0x92: {  	s4 =	sld [smem:$0x3FFB];
	_ =	sdelay $0x3  }
0x93: {  	_ =	strace s4  }
0x94: {  	s4 =	sld [smem:$0x3FFC];
	_ =	sdelay $0x3  }
0x95: {  	_ =	strace s4  }
0x96: {  	s4 =	sld [smem:$0x3FFD];
	_ =	sdelay $0x3  }
0x97: {  	_ =	strace s4  }
0x98: {  	_ =	strace $0x8FFFFFFF  }
0x99: {  	s19 =	sld [smem:$0x3FDB];
	_ =	sdelay $0x1  }
0x9a: {  	s5 =	simm.s32 $_scs_section_size  }
0x9b: {  	s6 =	simm.s32 $_size__tile_overlayer_lowered;
	s7 =	simm.s32 $_tile_overlayer_lowered  }
0x9c: {  	s22 =	simm.s32 $0x1BFF;
	s21 =	sshll.u32 s7, $0x1;
	s4 =	sadd.s32 s5, s19  }
0x9d: {  	s8 =	simm.s32 $0x0;
	s20 =	sshll.u32 s6, $0x1;
	s6 =	sadd.s32 s21, s4  }
0x9e: {  	[timem:s8], [sflag:s22] =	dma.local [hbm:s6], s20  }
0x9f: {  	_ =	swait.ge [sflag:s22], s20  }
0xa0: {  	s5 =	ssub.s32 $0x0, s20;
	[sflag:s22] =	ssyncset.done $0x0  }
0xa1: {  	[sflag:s22] =	ssyncadd.s32 s5;
	_ =	sdelay $0x1  }
0xa2: {  	s23 =	simm.s32 $0x1B8B  }
0xa3: {  	_ =	swait.ge [sflag:s23], $0x1  }
0xa4: {  	[sflag:s23] =	ssyncset.done $0x0  }
0xa5: {  	s25 =	simm.s32 $0x1B8E;
	s24 =	sld [smem:$0x3FFE];
	[sflag:s23] =	ssyncadd.s32 $0xFFFFFFFF  }
0xa6: {  	s26 =	simm.s32 $execute0_lowered;
	[smem:$0x3FD2] =	sst s25  }
0xa7: {  	s6 =	sshll.u32 s26, $0x1;
	_ =	strace $0x80000046;
	[dreg:$0x1] =	wrdreg $0xFFFFFFFF  }
0xa8: {  	s28 =	simm.s32 $_size_execute0_lowered;
	s4 =	sadd.s32 s4, s6;
	[dreg:$0x0] =	wrdreg $0x0  }
0xa9: {  	s6 =	sshll.u32 s28, $0x1;
	[dreg:$0x2] =	wrdreg s4  }
0xaa: {  	[dreg:$0x3] =	wrdreg s6  }
0xab: {  	[dreg:$0x4] =	wrdreg $0xC0  }
0xac: {  	_ =	task [dreg:s8], $0x5FFFF  }
0xad: {  	[dreg:$0x1] =	wrdreg $0xFFFFFFFF  }
0xae: {  	[dreg:$0x0] =	wrdreg $0x60  }
0xaf: {  	[dreg:$0x2] =	wrdreg s2  }
0xb0: {  	[dreg:$0x3] =	wrdreg s24  }
0xb1: {  	[dreg:$0x4] =	wrdreg s18  }
0xb2: {  	[dreg:$0x5] =	wrdreg $0x9  }
0xb3: {  	_ =	task.clear_ibuf [dreg:s8], $0x6FFFF;
	_ =	strace $0x90000046  }
0xb4: {  	s29 =	simm.s32 $0x9;
	_ =	strace $0x80000048  }
0xb5: {  	_ =	swait.ge [sflag:s29], $0x1  }
0xb6: {  	[sflag:s29] =	ssyncadd.s32 $0xFFFFFFFF  }
0xb7: {  	_ =	strace $0x90000048  }
0xb8: {  	_ =	sfence  }
0xb9: {  	s30 =	sld [smem:$0x0];
	_ =	sdelay $0x2  }
0xba: {  	s31 =	sshll.u32 s1, $0xD;
	s1 =	sshrl.u32 s1, $0x2  }
0xbb: {  	s3 =	sand.u32 $0x4000, s31;
	s1 =	sadd.s32 s1, s30  }
0xbc: {  	s0 =	sor.u32 s3, s0;
	s1 =	sshll.u32 s1, $0x11  }
0xbd: {  	s0 =	sor.u32 s1, s0  }
0xbe: {  	s0 =	sadd.s32 $0x8F2B, s0  }
0xbf: {  	[sflag:s0] =	ssyncadd.remote.s32 $0x1  }
0xc0: {  	_ =	sfence.sel $0xFFFF  }
0xc1: {  	[dreg:$0x0] =	wrdreg $0xFFFFFFFF;
	(pc) =	sbr.abs _section_cstart, $3  }
0xc2: {  	[dreg:$0x1] =	wrdreg $0xFFFFFFFF  }
0xc3: {  	_ =	task.clear_ibuf [dreg:s8], $0x2FFFF;
	_ =	strace $0x9FFFFFFF  }
0xc4: {  	(tm) =	ssettm $0x7FFFFFFF  }
0xc5: {  	_ =	shalt  }
tec
execute0_lowered:
.L_overlay_start_1:
0x0: {  	(tag) =	ssettag $0x1  }
0x1: {  	s1 =	rddreg [dreg:$0x0]  }
0x2: {  	s6 =	rddreg [dreg:$0x1]  }
0x3: {  	s3 =	rddreg [dreg:$0x2];
	s4 =	srdreg.scid  }
0x4: {  	s0 =	rddreg [dreg:$0x3];
	s2 =	stileid.u32;
	s10 =	simm.s32 $0x1100  }
0x5: {  	v0 =	vimm.s32 $0x0;
	s11 =	simm.s32 $0x9100;
	s12 =	simm.s32 $0x1;
	s13 =	simm.s32 $0x2  }
0x6: {  	v1 =	vimm.s32 $0x1;
	v2 =	vimm.s32 $0x2;
	v3 =	vimm.s32 $0x3;
	s14 =	simm.s32 $0x0;
	s5 =	sand.u32 $0x1, s4;
	s4 =	simm.s32 $0x0  }
0x7: {  	v4 =	vimm.s32 $0x4;
	v5 =	vimm.s32 $0x5;
	v6 =	vimm.s32 $0x6;
	s8 =	sshll.u32 s2, $0x1;
	s6 =	sadd.s32 $0x400, s6;
	s7 =	ssub.s32 $0x2, s5  }
0x8: {  	v7 =	vimm.s32 $0x7;
	v8 =	vimm.s32 $0x8;
	v9 =	vimm.s32 $0x9;
	[smem:$0x7FF] =	sst s4;
	s8 =	sor.u32 s5, s8;
	s9 =	sshrl.u32 s7, $0x1  }
0x9: {  	v10 =	vimm.s32 $0xA;
	v11 =	vimm.s32 $0xB;
	v12 =	vimm.s32 $0xC;
	_ =	strace $0x80000047;
	s5 =	smul.u32 $0x19000, s8;
	s9 =	ssub.s32 s7, s9  }
0xa: {  	v13 =	vimm.s32 $0xD;
	v14 =	vimm.s32 $0xE;
	v15 =	vimm.s32 $0xF;
	s7 =	smul.u32 $0xC80000, s8;
	s8 =	smax.u32 s9, $0x1;
	s9 =	simm.s32 $0x3  }
.LBB2_1:
0xb: {  	[tilespmem:s4], [sflag:$0x3] =	stream.linear.gather [hbm4b:s1+s4], $0x100, $0x38;
	[tilespmem:$0x11100] =	vst v63  }
0xc: {  	_ =	swait.ge [sflag:s9], $0x100  }
0xd: {  	[sflag:s9] =	ssyncset.done $0x0  }
0xe: {  	[sflag:s9] =	ssyncadd.s32 $0xFFFFFF00  }
0xf: {  	v16 =	vld [tilespmem:$0x0]  }
0x10: {  	v17 =	vld [tilespmem:$0x10]  }
0x11: {  	v18 =	vld [tilespmem:$0x20]  }
0x12: {  	v19 =	vld [tilespmem:$0x30]  }
0x13: {  	v20 =	vld [tilespmem:$0x40]  }
0x14: {  	v21 =	vld [tilespmem:$0x50]  }
0x15: {  	v22 =	vld [tilespmem:$0x60]  }
0x16: {  	v23 =	vld [tilespmem:$0x70]  }
0x17: {  	v24 =	vld [tilespmem:$0x80]  }
0x18: {  	v25 =	vld [tilespmem:$0x90]  }
0x19: {  	v26 =	vld [tilespmem:$0xA0]  }
0x1a: {  	v27 =	vld [tilespmem:$0xB0]  }
0x1b: {  	v28 =	vld [tilespmem:$0xC0]  }
0x1c: {  	v29 =	vld [tilespmem:$0xD0]  }
0x1d: {  	v30 =	vld [tilespmem:$0xE0]  }
0x1e: {  	v31 =	vld [tilespmem:$0xF0];
	_ =	sdelay $0x1  }
0x1f: {  	v24 =	vsub.f32 v24, v16;
	v25 =	vsub.f32 v25, v17  }
0x20: {  	v26 =	vsub.f32 v26, v18;
	v27 =	vsub.f32 v27, v19  }
0x21: {  	v28 =	vsub.f32 v28, v20;
	v29 =	vsub.f32 v29, v21  }
0x22: {  	s15 =	simm.s32 $0x0;
	v30 =	vsub.f32 v30, v22;
	v31 =	vsub.f32 v31, v23  }
.LBB2_2:
0x23: {  	s16 =	sand.u32 $0x7, s15  }
0x24: {  	p0 =	sne.s32 s16, $0x0;
	s16 =	sshll.u32 s15, $0x9  }
0x25: {  	s17 =	sadd.s32 @!p0 s5, s16  }
0x26: {  	s19 =	simm.s32 @!p0 $0x100;
	p1 =	seq.s32 @!p0 s15, $0x0;
	s17 =	sshrl.u32 @!p0 s17, $0x3  }
0x27: {  	p1 =	por p0, !p1;
	s18 =	sadd.s32 @!p0 s6, s17;
	s17 =	simm.s32 @!p0 $0x0  }
0x28: {  	[tilespmem:s19], [sflag:$0x3] =	stream.linear.gather @!p0 [hbm4b:s18+s17], $0x1000, $0x38;
	[tilespmem:$0x11100] =	vst v63  }
.Ltmp0:
0x29: {  	_ = 	snop;
	(pc) =	sbr.rel @!p1 .LBB2_3-.Ltmp0, $4  }
0x2a: {  	s18 =	simm.s32 @!p0 $0x3  }
0x2b: {  	_ =	swait.ge @!p0 [sflag:s18], $0x1000  }
0x2c: {  	[sflag:s18] =	ssyncset.done @!p0 $0x0  }
0x2d: {  	[sflag:s18] =	ssyncadd.s32 @!p0 $0xFFFFF000  }
.Ltmp1:
0x2e: {  	(pc) =	sbr.rel .LBB2_5-.Ltmp1, $4  }
0x2f: {  	_ = 	snop  }
0x30: {  	_ =	swait.ge [sflag:s12], $0x8000  }
0x31: {  	[sflag:s12] =	ssyncset.done $0x0  }
0x32: {  	p0 =	por $0x0, $0x0;
	s17 =	smov.u32 s16;
	[sflag:s12] =	ssyncadd.s32 $0xFFFF8000  }
.LBB2_3:
0x33: {  	p0 =	por @!p0 $0x1, $0x1  }
.LBB2_5:
0x34: {  	s16 =	sshll.u32 s15, $0x1;
	s18 =	simm.s32 $0x0;
	s17 =	sand.u32 $0xE80, s17  }
.LBB2_6:
0x35: {  	s19 =	sshll.u32 s18, $0x4  }
0x36: {  	s19 =	sand.u32 $0xEE0, s19  }
0x37: {  	s19 =	sor.u32 s17, s19  }
0x38: {  	v32 =	vld [tilespmem:s19+$0x100];
	_ =	sdelay $0x4  }
0x39: {  	v32 =	vcvt.s32.f32 v32;
	_ =	sdelay $0x1  }
0x3a: {  	v33 =	vperm.xlane v32, v0;
	_ =	sdelay $0x1  }
0x3b: {  	v34 =	vmul.f32 v33, v24  }
0x3c: {  	v35 =	vmul.f32 v33, v25  }
0x3d: {  	s30 =	sshll.u32 s18, $0xB;
	v36 =	vmul.f32 v33, v26;
	v34 =	vadd.f32 v34, v16  }
0x3e: {  	s19 =	sand.u32 $0x3FFFF800, s30;
	v37 =	vmul.f32 v33, v27;
	v35 =	vadd.f32 v35, v17  }
0x3f: {  	v61 =	vmul.f32 v33, v28;
	v60 =	vadd.f32 v36, v18;
	[tilespmem:s19+$0x1100] =	vst v34  }
0x40: {  	v63 =	vmul.f32 v33, v29;
	v62 =	vadd.f32 v37, v19;
	[tilespmem:s19+$0x1110] =	vst v35  }
0x41: {  	v38 =	vperm.xlane v32, v1;
	v41 =	vmul.f32 v33, v30;
	v40 =	vadd.f32 v61, v20;
	[tilespmem:s19+$0x1120] =	vst v60  }
0x42: {  	v33 =	vmul.f32 v33, v31;
	v42 =	vadd.f32 v63, v21;
	[tilespmem:s19+$0x1130] =	vst v62  }
0x43: {  	v44 =	vmul.f32 v38, v24;
	v43 =	vadd.f32 v41, v22;
	[tilespmem:s19+$0x1140] =	vst v40  }
0x44: {  	v45 =	vmul.f32 v38, v25;
	v33 =	vadd.f32 v33, v23;
	[tilespmem:s19+$0x1150] =	vst v42  }
0x45: {  	v47 =	vmul.f32 v38, v26;
	v46 =	vadd.f32 v44, v16;
	[tilespmem:s19+$0x1160] =	vst v43  }
0x46: {  	v49 =	vmul.f32 v38, v27;
	v48 =	vadd.f32 v45, v17;
	[tilespmem:s19+$0x1170] =	vst v33  }
0x47: {  	v51 =	vmul.f32 v38, v28;
	v50 =	vadd.f32 v47, v18;
	[tilespmem:s19+$0x1180] =	vst v46  }
0x48: {  	v53 =	vmul.f32 v38, v29;
	v52 =	vadd.f32 v49, v19;
	[tilespmem:s19+$0x1190] =	vst v48  }
0x49: {  	v56 =	vperm.xlane v32, v2;
	v55 =	vmul.f32 v38, v30;
	v54 =	vadd.f32 v51, v20;
	[tilespmem:s19+$0x11A0] =	vst v50  }
0x4a: {  	v58 =	vmul.f32 v38, v31;
	v57 =	vadd.f32 v53, v21;
	[tilespmem:s19+$0x11B0] =	vst v52  }
0x4b: {  	v59 =	vadd.f32 v55, v22;
	v44 =	vmul.f32 v56, v28;
	[tilespmem:s19+$0x11C0] =	vst v54  }
0x4c: {  	v61 =	vadd.f32 v58, v23;
	v51 =	vmul.f32 v56, v31;
	[tilespmem:s19+$0x11D0] =	vst v57  }
0x4d: {  	v60 =	vmul.f32 v56, v24;
	[tilespmem:s19+$0x11E0] =	vst v59;
	v47 =	vadd.f32 v44, v20  }
0x4e: {  	v62 =	vmul.f32 v56, v25;
	[tilespmem:s19+$0x11F0] =	vst v61;
	v54 =	vadd.f32 v51, v23  }
0x4f: {  	v40 =	vmul.f32 v56, v26;
	v63 =	vadd.f32 v60, v16;
	[tilespmem:s19+$0x1240] =	vst v47  }
0x50: {  	v42 =	vmul.f32 v56, v27;
	v41 =	vadd.f32 v62, v17;
	[tilespmem:s19+$0x1270] =	vst v54  }
0x51: {  	v49 =	vperm.xlane v32, v3;
	v46 =	vmul.f32 v56, v29;
	v43 =	vadd.f32 v40, v18;
	[tilespmem:s19+$0x1200] =	vst v63  }
0x52: {  	v48 =	vmul.f32 v56, v30;
	v45 =	vadd.f32 v42, v19;
	[tilespmem:s19+$0x1210] =	vst v41  }
0x53: {  	v53 =	vmul.f32 v49, v24;
	v50 =	vadd.f32 v46, v21;
	[tilespmem:s19+$0x1220] =	vst v43  }
0x54: {  	v55 =	vmul.f32 v49, v25;
	v52 =	vadd.f32 v48, v22;
	[tilespmem:s19+$0x1230] =	vst v45  }
0x55: {  	v57 =	vmul.f32 v49, v26;
	v56 =	vadd.f32 v53, v16;
	[tilespmem:s19+$0x1250] =	vst v50  }
0x56: {  	v59 =	vmul.f32 v49, v27;
	v58 =	vadd.f32 v55, v17;
	[tilespmem:s19+$0x1260] =	vst v52  }
0x57: {  	v61 =	vmul.f32 v49, v28;
	v60 =	vadd.f32 v57, v18;
	[tilespmem:s19+$0x1280] =	vst v56  }
0x58: {  	v44 =	vmul.f32 v49, v31;
	v62 =	vadd.f32 v59, v19;
	[tilespmem:s19+$0x1290] =	vst v58  }
0x59: {  	v40 =	vadd.f32 v61, v20;
	v42 =	vperm.xlane v32, v4;
	v63 =	vmul.f32 v49, v29;
	[tilespmem:s19+$0x12A0] =	vst v60  }
0x5a: {  	v47 =	vadd.f32 v44, v23;
	v41 =	vmul.f32 v49, v30;
	[tilespmem:s19+$0x12B0] =	vst v62  }
0x5b: {  	[tilespmem:s19+$0x12C0] =	vst v40;
	v46 =	vmul.f32 v42, v24;
	v43 =	vadd.f32 v63, v21  }
0x5c: {  	v48 =	vmul.f32 v42, v25;
	[tilespmem:s19+$0x12F0] =	vst v47;
	v45 =	vadd.f32 v41, v22  }
0x5d: {  	v50 =	vmul.f32 v42, v26;
	v49 =	vadd.f32 v46, v16;
	[tilespmem:s19+$0x12D0] =	vst v43  }
0x5e: {  	v52 =	vmul.f32 v42, v27;
	v51 =	vadd.f32 v48, v17;
	[tilespmem:s19+$0x12E0] =	vst v45  }
0x5f: {  	v54 =	vmul.f32 v42, v28;
	v53 =	vadd.f32 v50, v18;
	[tilespmem:s19+$0x1300] =	vst v49  }
0x60: {  	v56 =	vmul.f32 v42, v29;
	v55 =	vadd.f32 v52, v19;
	[tilespmem:s19+$0x1310] =	vst v51  }
0x61: {  	v59 =	vperm.xlane v32, v5;
	v58 =	vmul.f32 v42, v30;
	v57 =	vadd.f32 v54, v20;
	[tilespmem:s19+$0x1320] =	vst v53  }
0x62: {  	v61 =	vmul.f32 v42, v31;
	v60 =	vadd.f32 v56, v21;
	[tilespmem:s19+$0x1330] =	vst v55  }
0x63: {  	v47 =	vmul.f32 v59, v28;
	v62 =	vadd.f32 v58, v22;
	[tilespmem:s19+$0x1340] =	vst v57  }
0x64: {  	v63 =	vmul.f32 v59, v24;
	v40 =	vadd.f32 v61, v23;
	[tilespmem:s19+$0x1350] =	vst v60  }
0x65: {  	v41 =	vmul.f32 v59, v25;
	v50 =	vadd.f32 v47, v20;
	[tilespmem:s19+$0x1360] =	vst v62  }
0x66: {  	v54 =	vmul.f32 v59, v31;
	v42 =	vadd.f32 v63, v16;
	[tilespmem:s19+$0x1370] =	vst v40  }
0x67: {  	v43 =	vmul.f32 v59, v26;
	v44 =	vadd.f32 v41, v17;
	[tilespmem:s19+$0x13C0] =	vst v50  }
0x68: {  	v45 =	vmul.f32 v59, v27;
	v57 =	vadd.f32 v54, v23;
	[tilespmem:s19+$0x1380] =	vst v42  }
0x69: {  	v52 =	vperm.xlane v32, v6;
	v49 =	vmul.f32 v59, v29;
	v46 =	vadd.f32 v43, v18;
	[tilespmem:s19+$0x1390] =	vst v44  }
0x6a: {  	v51 =	vmul.f32 v59, v30;
	v48 =	vadd.f32 v45, v19;
	[tilespmem:s19+$0x13F0] =	vst v57  }
0x6b: {  	v56 =	vmul.f32 v52, v24;
	v53 =	vadd.f32 v49, v21;
	[tilespmem:s19+$0x13A0] =	vst v46  }
0x6c: {  	v58 =	vmul.f32 v52, v25;
	v55 =	vadd.f32 v51, v22;
	[tilespmem:s19+$0x13B0] =	vst v48  }
0x6d: {  	v60 =	vmul.f32 v52, v26;
	v59 =	vadd.f32 v56, v16;
	[tilespmem:s19+$0x13D0] =	vst v53  }
0x6e: {  	v62 =	vmul.f32 v52, v27;
	v61 =	vadd.f32 v58, v17;
	[tilespmem:s19+$0x13E0] =	vst v55  }
0x6f: {  	v40 =	vmul.f32 v52, v28;
	v63 =	vadd.f32 v60, v18;
	[tilespmem:s19+$0x1400] =	vst v59  }
0x70: {  	v47 =	vmul.f32 v52, v31;
	v41 =	vadd.f32 v62, v19;
	[tilespmem:s19+$0x1410] =	vst v61  }
0x71: {  	v42 =	vmul.f32 v52, v29;
	v43 =	vadd.f32 v40, v20;
	v45 =	vperm.xlane v32, v7;
	[tilespmem:s19+$0x1420] =	vst v63  }
0x72: {  	v44 =	vmul.f32 v52, v30;
	v50 =	vadd.f32 v47, v23;
	[tilespmem:s19+$0x1430] =	vst v41  }
0x73: {  	v46 =	vadd.f32 v42, v21;
	[tilespmem:s19+$0x1440] =	vst v43;
	v49 =	vmul.f32 v45, v24  }
0x74: {  	v48 =	vadd.f32 v44, v22;
	v51 =	vmul.f32 v45, v25;
	[tilespmem:s19+$0x1470] =	vst v50  }
0x75: {  	v53 =	vmul.f32 v45, v26;
	[tilespmem:s19+$0x1450] =	vst v46;
	v52 =	vadd.f32 v49, v16  }
0x76: {  	v55 =	vmul.f32 v45, v27;
	[tilespmem:s19+$0x1460] =	vst v48;
	v54 =	vadd.f32 v51, v17  }
0x77: {  	v57 =	vmul.f32 v45, v28;
	v56 =	vadd.f32 v53, v18;
	[tilespmem:s19+$0x1480] =	vst v52  }
0x78: {  	v59 =	vmul.f32 v45, v29;
	v58 =	vadd.f32 v55, v19;
	[tilespmem:s19+$0x1490] =	vst v54  }
0x79: {  	v62 =	vperm.xlane v32, v8;
	v61 =	vmul.f32 v45, v30;
	v60 =	vadd.f32 v57, v20;
	[tilespmem:s19+$0x14A0] =	vst v56  }
0x7a: {  	v40 =	vmul.f32 v45, v31;
	v63 =	vadd.f32 v59, v21;
	[tilespmem:s19+$0x14B0] =	vst v58  }
0x7b: {  	v42 =	vmul.f32 v62, v24;
	v41 =	vadd.f32 v61, v22;
	[tilespmem:s19+$0x14C0] =	vst v60  }
0x7c: {  	v44 =	vmul.f32 v62, v25;
	v43 =	vadd.f32 v40, v23;
	[tilespmem:s19+$0x14D0] =	vst v63  }
0x7d: {  	v50 =	vmul.f32 v62, v28;
	v45 =	vadd.f32 v42, v16;
	[tilespmem:s19+$0x14E0] =	vst v41  }
0x7e: {  	v46 =	vmul.f32 v62, v26;
	v47 =	vadd.f32 v44, v17;
	[tilespmem:s19+$0x14F0] =	vst v43  }
0x7f: {  	v48 =	vmul.f32 v62, v27;
	v53 =	vadd.f32 v50, v20;
	[tilespmem:s19+$0x1500] =	vst v45  }
0x80: {  	v57 =	vmul.f32 v62, v31;
	v49 =	vadd.f32 v46, v18;
	[tilespmem:s19+$0x1510] =	vst v47  }
0x81: {  	v55 =	vperm.xlane v32, v9;
	v51 =	vadd.f32 v48, v19;
	v52 =	vmul.f32 v62, v29;
	[tilespmem:s19+$0x1540] =	vst v53  }
0x82: {  	v54 =	vmul.f32 v62, v30;
	v60 =	vadd.f32 v57, v23;
	[tilespmem:s19+$0x1520] =	vst v49  }
0x83: {  	v59 =	vmul.f32 v55, v24;
	[tilespmem:s19+$0x1530] =	vst v51;
	v56 =	vadd.f32 v52, v21  }
0x84: {  	v61 =	vmul.f32 v55, v25;
	v58 =	vadd.f32 v54, v22;
	[tilespmem:s19+$0x1570] =	vst v60  }
0x85: {  	v63 =	vmul.f32 v55, v26;
	v62 =	vadd.f32 v59, v16;
	[tilespmem:s19+$0x1550] =	vst v56  }
0x86: {  	v41 =	vmul.f32 v55, v27;
	v40 =	vadd.f32 v61, v17;
	[tilespmem:s19+$0x1560] =	vst v58  }
0x87: {  	v43 =	vmul.f32 v55, v28;
	v42 =	vadd.f32 v63, v18;
	[tilespmem:s19+$0x1580] =	vst v62  }
0x88: {  	v45 =	vmul.f32 v55, v29;
	v44 =	vadd.f32 v41, v19;
	[tilespmem:s19+$0x1590] =	vst v40  }
0x89: {  	v47 =	vmul.f32 v55, v30;
	v48 =	vperm.xlane v32, v10;
	v46 =	vadd.f32 v43, v20;
	[tilespmem:s19+$0x15A0] =	vst v42  }
0x8a: {  	v50 =	vmul.f32 v55, v31;
	v49 =	vadd.f32 v45, v21;
	[tilespmem:s19+$0x15B0] =	vst v44  }
0x8b: {  	v51 =	vadd.f32 v47, v22;
	v52 =	vmul.f32 v48, v24;
	[tilespmem:s19+$0x15C0] =	vst v46  }
0x8c: {  	v53 =	vadd.f32 v50, v23;
	v54 =	vmul.f32 v48, v25;
	[tilespmem:s19+$0x15D0] =	vst v49  }
0x8d: {  	v60 =	vmul.f32 v48, v28;
	[tilespmem:s19+$0x15E0] =	vst v51;
	v55 =	vadd.f32 v52, v16  }
0x8e: {  	v43 =	vmul.f32 v48, v31;
	[tilespmem:s19+$0x15F0] =	vst v53;
	v57 =	vadd.f32 v54, v17  }
0x8f: {  	v56 =	vmul.f32 v48, v26;
	v63 =	vadd.f32 v60, v20;
	[tilespmem:s19+$0x1600] =	vst v55  }
0x90: {  	v58 =	vmul.f32 v48, v27;
	v46 =	vadd.f32 v43, v23;
	[tilespmem:s19+$0x1610] =	vst v57  }
0x91: {  	v41 =	vperm.xlane v32, v11;
	v62 =	vmul.f32 v48, v29;
	v59 =	vadd.f32 v56, v18;
	[tilespmem:s19+$0x1640] =	vst v63  }
0x92: {  	v40 =	vmul.f32 v48, v30;
	v61 =	vadd.f32 v58, v19;
	[tilespmem:s19+$0x1670] =	vst v46  }
0x93: {  	v45 =	vmul.f32 v41, v24;
	v42 =	vadd.f32 v62, v21;
	[tilespmem:s19+$0x1620] =	vst v59  }
0x94: {  	v47 =	vmul.f32 v41, v25;
	v44 =	vadd.f32 v40, v22;
	[tilespmem:s19+$0x1630] =	vst v61  }
0x95: {  	v49 =	vmul.f32 v41, v26;
	v48 =	vadd.f32 v45, v16;
	[tilespmem:s19+$0x1650] =	vst v42  }
0x96: {  	v51 =	vmul.f32 v41, v27;
	v50 =	vadd.f32 v47, v17;
	[tilespmem:s19+$0x1660] =	vst v44  }
0x97: {  	v53 =	vmul.f32 v41, v28;
	v52 =	vadd.f32 v49, v18;
	[tilespmem:s19+$0x1680] =	vst v48  }
0x98: {  	v60 =	vmul.f32 v41, v31;
	v54 =	vadd.f32 v51, v19;
	[tilespmem:s19+$0x1690] =	vst v50  }
0x99: {  	v55 =	vmul.f32 v41, v29;
	v56 =	vadd.f32 v53, v20;
	v58 =	vperm.xlane v32, v12;
	[tilespmem:s19+$0x16A0] =	vst v52  }
0x9a: {  	v57 =	vmul.f32 v41, v30;
	v63 =	vadd.f32 v60, v23;
	[tilespmem:s19+$0x16B0] =	vst v54  }
0x9b: {  	v59 =	vadd.f32 v55, v21;
	[tilespmem:s19+$0x16C0] =	vst v56;
	v62 =	vmul.f32 v58, v24  }
0x9c: {  	v61 =	vadd.f32 v57, v22;
	v40 =	vmul.f32 v58, v25;
	[tilespmem:s19+$0x16F0] =	vst v63  }
0x9d: {  	v42 =	vmul.f32 v58, v26;
	[tilespmem:s19+$0x16D0] =	vst v59;
	v41 =	vadd.f32 v62, v16  }
0x9e: {  	v44 =	vmul.f32 v58, v27;
	[tilespmem:s19+$0x16E0] =	vst v61;
	v43 =	vadd.f32 v40, v17  }
0x9f: {  	v46 =	vmul.f32 v58, v28;
	v45 =	vadd.f32 v42, v18;
	[tilespmem:s19+$0x1700] =	vst v41  }
0xa0: {  	v48 =	vmul.f32 v58, v29;
	v47 =	vadd.f32 v44, v19;
	[tilespmem:s19+$0x1710] =	vst v43  }
0xa1: {  	v51 =	vperm.xlane v32, v13;
	v50 =	vmul.f32 v58, v30;
	v49 =	vadd.f32 v46, v20;
	[tilespmem:s19+$0x1720] =	vst v45  }
0xa2: {  	v53 =	vmul.f32 v58, v31;
	v52 =	vadd.f32 v48, v21;
	[tilespmem:s19+$0x1730] =	vst v47  }
0xa3: {  	v55 =	vmul.f32 v51, v24;
	v54 =	vadd.f32 v50, v22;
	[tilespmem:s19+$0x1740] =	vst v49  }
0xa4: {  	v57 =	vmul.f32 v51, v25;
	v56 =	vadd.f32 v53, v23;
	[tilespmem:s19+$0x1750] =	vst v52  }
0xa5: {  	v63 =	vmul.f32 v51, v28;
	v58 =	vadd.f32 v55, v16;
	[tilespmem:s19+$0x1760] =	vst v54  }
0xa6: {  	v59 =	vmul.f32 v51, v26;
	v60 =	vadd.f32 v57, v17;
	[tilespmem:s19+$0x1770] =	vst v56  }
0xa7: {  	v61 =	vmul.f32 v51, v27;
	v42 =	vadd.f32 v63, v20;
	[tilespmem:s19+$0x1780] =	vst v58  }
0xa8: {  	v46 =	vmul.f32 v51, v31;
	v62 =	vadd.f32 v59, v18;
	[tilespmem:s19+$0x1790] =	vst v60  }
0xa9: {  	v44 =	vperm.xlane v32, v14;
	v40 =	vadd.f32 v61, v19;
	v41 =	vmul.f32 v51, v29;
	[tilespmem:s19+$0x17C0] =	vst v42  }
0xaa: {  	v43 =	vmul.f32 v51, v30;
	v49 =	vadd.f32 v46, v23;
	[tilespmem:s19+$0x17A0] =	vst v62  }
0xab: {  	v48 =	vmul.f32 v44, v24;
	[tilespmem:s19+$0x17B0] =	vst v40;
	v45 =	vadd.f32 v41, v21  }
0xac: {  	v50 =	vmul.f32 v44, v25;
	v47 =	vadd.f32 v43, v22;
	[tilespmem:s19+$0x17F0] =	vst v49  }
0xad: {  	v52 =	vmul.f32 v44, v26;
	v51 =	vadd.f32 v48, v16;
	[tilespmem:s19+$0x17D0] =	vst v45  }
0xae: {  	s20 =	sor.u32 $0x1, s18;
	v54 =	vmul.f32 v44, v27;
	v53 =	vadd.f32 v50, v17;
	[tilespmem:s19+$0x17E0] =	vst v47  }
0xaf: {  	s21 =	sshll.u32 s20, $0x4;
	v56 =	vmul.f32 v44, v28;
	v55 =	vadd.f32 v52, v18;
	[tilespmem:s19+$0x1800] =	vst v51  }
0xb0: {  	s21 =	sand.u32 $0xEF0, s21;
	v58 =	vmul.f32 v44, v29;
	v57 =	vadd.f32 v54, v19;
	[tilespmem:s19+$0x1810] =	vst v53  }
0xb1: {  	s21 =	sor.u32 s17, s21;
	v60 =	vmul.f32 v44, v30;
	v61 =	vperm.xlane v32, v15;
	v59 =	vadd.f32 v56, v20;
	[tilespmem:s19+$0x1820] =	vst v55  }
0xb2: {  	v62 =	vld [tilespmem:s21+$0x100];
	v63 =	vadd.f32 v58, v21;
	v40 =	vmul.f32 v44, v31;
	[tilespmem:s19+$0x1830] =	vst v57  }
0xb3: {  	v41 =	vadd.f32 v60, v22;
	v42 =	vmul.f32 v61, v24;
	[tilespmem:s19+$0x1840] =	vst v59  }
0xb4: {  	v44 =	vmul.f32 v61, v25;
	[tilespmem:s19+$0x1850] =	vst v63;
	v43 =	vadd.f32 v40, v23  }
0xb5: {  	v46 =	vmul.f32 v61, v26;
	[tilespmem:s19+$0x1860] =	vst v41;
	v45 =	vadd.f32 v42, v16  }
0xb6: {  	v48 =	vmul.f32 v61, v27;
	v47 =	vadd.f32 v44, v17;
	[tilespmem:s19+$0x1870] =	vst v43  }
0xb7: {  	v50 =	vmul.f32 v61, v28;
	v49 =	vadd.f32 v46, v18;
	[tilespmem:s19+$0x1880] =	vst v45;
	v32 =	vcvt.s32.f32 v62  }
0xb8: {  	v52 =	vmul.f32 v61, v29;
	v51 =	vadd.f32 v48, v19;
	[tilespmem:s19+$0x1890] =	vst v47  }
0xb9: {  	v54 =	vmul.f32 v61, v30;
	v53 =	vadd.f32 v50, v20;
	[tilespmem:s19+$0x18A0] =	vst v49;
	v55 =	vperm.xlane v32, v0  }
0xba: {  	v56 =	vadd.f32 v52, v21;
	v57 =	vmul.f32 v61, v31;
	[tilespmem:s19+$0x18B0] =	vst v51  }
0xbb: {  	v58 =	vadd.f32 v54, v22;
	[tilespmem:s19+$0x18C0] =	vst v53;
	v59 =	vmul.f32 v55, v24  }
0xbc: {  	[tilespmem:s19+$0x18D0] =	vst v56;
	v60 =	vadd.f32 v57, v23;
	v61 =	vmul.f32 v55, v25  }
0xbd: {  	s20 =	sshll.u32 s20, $0xB;
	[tilespmem:s19+$0x18E0] =	vst v58;
	v63 =	vmul.f32 v55, v26;
	v62 =	vadd.f32 v59, v16  }
0xbe: {  	s31 =	sand.u32 $0x3FFFF800, s20;
	[tilespmem:s19+$0x18F0] =	vst v60;
	v41 =	vmul.f32 v55, v27;
	v40 =	vadd.f32 v61, v17  }
0xbf: {  	v43 =	vmul.f32 v55, v28;
	v42 =	vadd.f32 v63, v18;
	[tilespmem:s31+$0x1100] =	vst v62  }
0xc0: {  	v45 =	vmul.f32 v55, v29;
	v44 =	vadd.f32 v41, v19;
	[tilespmem:s31+$0x1110] =	vst v40  }
0xc1: {  	v48 =	vperm.xlane v32, v1;
	v47 =	vmul.f32 v55, v30;
	v46 =	vadd.f32 v43, v20;
	[tilespmem:s31+$0x1120] =	vst v42  }
0xc2: {  	v50 =	vmul.f32 v55, v31;
	v49 =	vadd.f32 v45, v21;
	[tilespmem:s31+$0x1130] =	vst v44  }
0xc3: {  	v52 =	vmul.f32 v48, v24;
	v51 =	vadd.f32 v47, v22;
	[tilespmem:s31+$0x1140] =	vst v46  }
0xc4: {  	v54 =	vmul.f32 v48, v25;
	v53 =	vadd.f32 v50, v23;
	[tilespmem:s31+$0x1150] =	vst v49  }
0xc5: {  	v56 =	vmul.f32 v48, v26;
	v55 =	vadd.f32 v52, v16;
	[tilespmem:s31+$0x1160] =	vst v51  }
0xc6: {  	v58 =	vmul.f32 v48, v27;
	v57 =	vadd.f32 v54, v17;
	[tilespmem:s31+$0x1170] =	vst v53  }
0xc7: {  	v60 =	vmul.f32 v48, v28;
	v59 =	vadd.f32 v56, v18;
	[tilespmem:s31+$0x1180] =	vst v55  }
0xc8: {  	v61 =	vadd.f32 v58, v19;
	v43 =	vmul.f32 v48, v31;
	[tilespmem:s31+$0x1190] =	vst v57  }
0xc9: {  	v63 =	vadd.f32 v60, v20;
	v41 =	vperm.xlane v32, v2;
	v62 =	vmul.f32 v48, v29;
	[tilespmem:s31+$0x11A0] =	vst v59  }
0xca: {  	v40 =	vmul.f32 v48, v30;
	[tilespmem:s31+$0x11B0] =	vst v61;
	v46 =	vadd.f32 v43, v23  }
0xcb: {  	[tilespmem:s31+$0x11C0] =	vst v63;
	v45 =	vmul.f32 v41, v24;
	v42 =	vadd.f32 v62, v21  }
0xcc: {  	v47 =	vmul.f32 v41, v25;
	v44 =	vadd.f32 v40, v22;
	[tilespmem:s31+$0x11F0] =	vst v46  }
0xcd: {  	v49 =	vmul.f32 v41, v26;
	v48 =	vadd.f32 v45, v16;
	[tilespmem:s31+$0x11D0] =	vst v42  }
0xce: {  	v51 =	vmul.f32 v41, v27;
	v50 =	vadd.f32 v47, v17;
	[tilespmem:s31+$0x11E0] =	vst v44  }
0xcf: {  	v53 =	vmul.f32 v41, v28;
	v52 =	vadd.f32 v49, v18;
	[tilespmem:s31+$0x1200] =	vst v48  }
0xd0: {  	v55 =	vmul.f32 v41, v29;
	v54 =	vadd.f32 v51, v19;
	[tilespmem:s31+$0x1210] =	vst v50  }
0xd1: {  	v58 =	vperm.xlane v32, v3;
	v57 =	vmul.f32 v41, v30;
	v56 =	vadd.f32 v53, v20;
	[tilespmem:s31+$0x1220] =	vst v52  }
0xd2: {  	v60 =	vmul.f32 v41, v31;
	v59 =	vadd.f32 v55, v21;
	[tilespmem:s31+$0x1230] =	vst v54  }
0xd3: {  	v61 =	vadd.f32 v57, v22;
	v62 =	vmul.f32 v58, v24;
	[tilespmem:s31+$0x1240] =	vst v56  }
0xd4: {  	v63 =	vadd.f32 v60, v23;
	v40 =	vmul.f32 v58, v25;
	[tilespmem:s31+$0x1250] =	vst v59  }
0xd5: {  	v46 =	vmul.f32 v58, v28;
	[tilespmem:s31+$0x1260] =	vst v61;
	v41 =	vadd.f32 v62, v16  }
0xd6: {  	v53 =	vmul.f32 v58, v31;
	[tilespmem:s31+$0x1270] =	vst v63;
	v43 =	vadd.f32 v40, v17  }
0xd7: {  	v42 =	vmul.f32 v58, v26;
	v49 =	vadd.f32 v46, v20;
	[tilespmem:s31+$0x1280] =	vst v41  }
0xd8: {  	v44 =	vmul.f32 v58, v27;
	v56 =	vadd.f32 v53, v23;
	[tilespmem:s31+$0x1290] =	vst v43  }
0xd9: {  	v51 =	vperm.xlane v32, v4;
	v48 =	vmul.f32 v58, v29;
	v45 =	vadd.f32 v42, v18;
	[tilespmem:s31+$0x12C0] =	vst v49  }
0xda: {  	v50 =	vmul.f32 v58, v30;
	v47 =	vadd.f32 v44, v19;
	[tilespmem:s31+$0x12F0] =	vst v56  }
0xdb: {  	v55 =	vmul.f32 v51, v24;
	v52 =	vadd.f32 v48, v21;
	[tilespmem:s31+$0x12A0] =	vst v45  }
0xdc: {  	v57 =	vmul.f32 v51, v25;
	v54 =	vadd.f32 v50, v22;
	[tilespmem:s31+$0x12B0] =	vst v47  }
0xdd: {  	v59 =	vmul.f32 v51, v26;
	v58 =	vadd.f32 v55, v16;
	[tilespmem:s31+$0x12D0] =	vst v52  }
0xde: {  	v61 =	vmul.f32 v51, v27;
	v60 =	vadd.f32 v57, v17;
	[tilespmem:s31+$0x12E0] =	vst v54  }
0xdf: {  	v63 =	vmul.f32 v51, v28;
	v62 =	vadd.f32 v59, v18;
	[tilespmem:s31+$0x1300] =	vst v58  }
0xe0: {  	v46 =	vmul.f32 v51, v31;
	v40 =	vadd.f32 v61, v19;
	[tilespmem:s31+$0x1310] =	vst v60  }
0xe1: {  	v41 =	vmul.f32 v51, v29;
	v42 =	vadd.f32 v63, v20;
	v44 =	vperm.xlane v32, v5;
	[tilespmem:s31+$0x1320] =	vst v62  }
0xe2: {  	v43 =	vmul.f32 v51, v30;
	v49 =	vadd.f32 v46, v23;
	[tilespmem:s31+$0x1330] =	vst v40  }
0xe3: {  	v45 =	vadd.f32 v41, v21;
	[tilespmem:s31+$0x1340] =	vst v42;
	v48 =	vmul.f32 v44, v24  }
0xe4: {  	v47 =	vadd.f32 v43, v22;
	v50 =	vmul.f32 v44, v25;
	[tilespmem:s31+$0x1370] =	vst v49  }
0xe5: {  	v52 =	vmul.f32 v44, v26;
	[tilespmem:s31+$0x1350] =	vst v45;
	v51 =	vadd.f32 v48, v16  }
0xe6: {  	v54 =	vmul.f32 v44, v27;
	[tilespmem:s31+$0x1360] =	vst v47;
	v53 =	vadd.f32 v50, v17  }
0xe7: {  	v56 =	vmul.f32 v44, v28;
	v55 =	vadd.f32 v52, v18;
	[tilespmem:s31+$0x1380] =	vst v51  }
0xe8: {  	v58 =	vmul.f32 v44, v29;
	v57 =	vadd.f32 v54, v19;
	[tilespmem:s31+$0x1390] =	vst v53  }
0xe9: {  	v61 =	vperm.xlane v32, v6;
	v60 =	vmul.f32 v44, v30;
	v59 =	vadd.f32 v56, v20;
	[tilespmem:s31+$0x13A0] =	vst v55  }
0xea: {  	v63 =	vmul.f32 v44, v31;
	v62 =	vadd.f32 v58, v21;
	[tilespmem:s31+$0x13B0] =	vst v57  }
0xeb: {  	v41 =	vmul.f32 v61, v24;
	v40 =	vadd.f32 v60, v22;
	[tilespmem:s31+$0x13C0] =	vst v59  }
0xec: {  	v43 =	vmul.f32 v61, v25;
	v42 =	vadd.f32 v63, v23;
	[tilespmem:s31+$0x13D0] =	vst v62  }
0xed: {  	v49 =	vmul.f32 v61, v28;
	v44 =	vadd.f32 v41, v16;
	[tilespmem:s31+$0x13E0] =	vst v40  }
0xee: {  	v45 =	vmul.f32 v61, v26;
	v46 =	vadd.f32 v43, v17;
	[tilespmem:s31+$0x13F0] =	vst v42  }
0xef: {  	v47 =	vmul.f32 v61, v27;
	v52 =	vadd.f32 v49, v20;
	[tilespmem:s31+$0x1400] =	vst v44  }
0xf0: {  	v56 =	vmul.f32 v61, v31;
	v48 =	vadd.f32 v45, v18;
	[tilespmem:s31+$0x1410] =	vst v46  }
0xf1: {  	v54 =	vperm.xlane v32, v7;
	v50 =	vadd.f32 v47, v19;
	v51 =	vmul.f32 v61, v29;
	[tilespmem:s31+$0x1440] =	vst v52  }
0xf2: {  	v53 =	vmul.f32 v61, v30;
	v59 =	vadd.f32 v56, v23;
	[tilespmem:s31+$0x1420] =	vst v48  }
0xf3: {  	v58 =	vmul.f32 v54, v24;
	[tilespmem:s31+$0x1430] =	vst v50;
	v55 =	vadd.f32 v51, v21  }
0xf4: {  	v60 =	vmul.f32 v54, v25;
	v57 =	vadd.f32 v53, v22;
	[tilespmem:s31+$0x1470] =	vst v59  }
0xf5: {  	v62 =	vmul.f32 v54, v26;
	v61 =	vadd.f32 v58, v16;
	[tilespmem:s31+$0x1450] =	vst v55  }
0xf6: {  	v40 =	vmul.f32 v54, v27;
	v63 =	vadd.f32 v60, v17;
	[tilespmem:s31+$0x1460] =	vst v57  }
0xf7: {  	v42 =	vmul.f32 v54, v28;
	v41 =	vadd.f32 v62, v18;
	[tilespmem:s31+$0x1480] =	vst v61  }
0xf8: {  	v44 =	vmul.f32 v54, v29;
	v43 =	vadd.f32 v40, v19;
	[tilespmem:s31+$0x1490] =	vst v63  }
0xf9: {  	v46 =	vmul.f32 v54, v30;
	v47 =	vperm.xlane v32, v8;
	v45 =	vadd.f32 v42, v20;
	[tilespmem:s31+$0x14A0] =	vst v41  }
0xfa: {  	v49 =	vmul.f32 v54, v31;
	v48 =	vadd.f32 v44, v21;
	[tilespmem:s31+$0x14B0] =	vst v43  }
0xfb: {  	v50 =	vadd.f32 v46, v22;
	v51 =	vmul.f32 v47, v24;
	[tilespmem:s31+$0x14C0] =	vst v45  }
0xfc: {  	v52 =	vadd.f32 v49, v23;
	v53 =	vmul.f32 v47, v25;
	[tilespmem:s31+$0x14D0] =	vst v48  }
0xfd: {  	v59 =	vmul.f32 v47, v28;
	[tilespmem:s31+$0x14E0] =	vst v50;
	v54 =	vadd.f32 v51, v16  }
0xfe: {  	v42 =	vmul.f32 v47, v31;
	[tilespmem:s31+$0x14F0] =	vst v52;
	v56 =	vadd.f32 v53, v17  }
0xff: {  	v55 =	vmul.f32 v47, v26;
	v62 =	vadd.f32 v59, v20;
	[tilespmem:s31+$0x1500] =	vst v54  }
0x100: {  	v57 =	vmul.f32 v47, v27;
	v45 =	vadd.f32 v42, v23;
	[tilespmem:s31+$0x1510] =	vst v56  }
0x101: {  	v40 =	vperm.xlane v32, v9;
	v61 =	vmul.f32 v47, v29;
	v58 =	vadd.f32 v55, v18;
	[tilespmem:s31+$0x1540] =	vst v62  }
0x102: {  	v63 =	vmul.f32 v47, v30;
	v60 =	vadd.f32 v57, v19;
	[tilespmem:s31+$0x1570] =	vst v45  }
0x103: {  	v44 =	vmul.f32 v40, v24;
	v41 =	vadd.f32 v61, v21;
	[tilespmem:s31+$0x1520] =	vst v58  }
0x104: {  	v46 =	vmul.f32 v40, v25;
	v43 =	vadd.f32 v63, v22;
	[tilespmem:s31+$0x1530] =	vst v60  }
0x105: {  	v48 =	vmul.f32 v40, v26;
	v47 =	vadd.f32 v44, v16;
	[tilespmem:s31+$0x1550] =	vst v41  }
0x106: {  	v50 =	vmul.f32 v40, v27;
	v49 =	vadd.f32 v46, v17;
	[tilespmem:s31+$0x1560] =	vst v43  }
0x107: {  	v52 =	vmul.f32 v40, v28;
	v51 =	vadd.f32 v48, v18;
	[tilespmem:s31+$0x1580] =	vst v47  }
0x108: {  	v59 =	vmul.f32 v40, v31;
	v53 =	vadd.f32 v50, v19;
	[tilespmem:s31+$0x1590] =	vst v49  }
0x109: {  	v54 =	vmul.f32 v40, v29;
	v55 =	vadd.f32 v52, v20;
	v57 =	vperm.xlane v32, v10;
	[tilespmem:s31+$0x15A0] =	vst v51  }
0x10a: {  	v56 =	vmul.f32 v40, v30;
	v62 =	vadd.f32 v59, v23;
	[tilespmem:s31+$0x15B0] =	vst v53  }
0x10b: {  	v58 =	vadd.f32 v54, v21;
	[tilespmem:s31+$0x15C0] =	vst v55;
	v61 =	vmul.f32 v57, v24  }
0x10c: {  	v60 =	vadd.f32 v56, v22;
	v63 =	vmul.f32 v57, v25;
	[tilespmem:s31+$0x15F0] =	vst v62  }
0x10d: {  	v41 =	vmul.f32 v57, v26;
	[tilespmem:s31+$0x15D0] =	vst v58;
	v40 =	vadd.f32 v61, v16  }
0x10e: {  	v43 =	vmul.f32 v57, v27;
	[tilespmem:s31+$0x15E0] =	vst v60;
	v42 =	vadd.f32 v63, v17  }
0x10f: {  	v45 =	vmul.f32 v57, v28;
	v44 =	vadd.f32 v41, v18;
	[tilespmem:s31+$0x1600] =	vst v40  }
0x110: {  	v47 =	vmul.f32 v57, v29;
	v46 =	vadd.f32 v43, v19;
	[tilespmem:s31+$0x1610] =	vst v42  }
0x111: {  	v50 =	vperm.xlane v32, v11;
	v49 =	vmul.f32 v57, v30;
	v48 =	vadd.f32 v45, v20;
	[tilespmem:s31+$0x1620] =	vst v44  }
0x112: {  	v52 =	vmul.f32 v57, v31;
	v51 =	vadd.f32 v47, v21;
	[tilespmem:s31+$0x1630] =	vst v46  }
0x113: {  	v54 =	vmul.f32 v50, v24;
	v53 =	vadd.f32 v49, v22;
	[tilespmem:s31+$0x1640] =	vst v48  }
0x114: {  	v56 =	vmul.f32 v50, v25;
	v55 =	vadd.f32 v52, v23;
	[tilespmem:s31+$0x1650] =	vst v51  }
0x115: {  	v62 =	vmul.f32 v50, v28;
	v57 =	vadd.f32 v54, v16;
	[tilespmem:s31+$0x1660] =	vst v53  }
0x116: {  	v58 =	vmul.f32 v50, v26;
	v59 =	vadd.f32 v56, v17;
	[tilespmem:s31+$0x1670] =	vst v55  }
0x117: {  	v60 =	vmul.f32 v50, v27;
	v41 =	vadd.f32 v62, v20;
	[tilespmem:s31+$0x1680] =	vst v57  }
0x118: {  	v45 =	vmul.f32 v50, v31;
	v61 =	vadd.f32 v58, v18;
	[tilespmem:s31+$0x1690] =	vst v59  }
0x119: {  	v43 =	vperm.xlane v32, v12;
	v63 =	vadd.f32 v60, v19;
	v40 =	vmul.f32 v50, v29;
	[tilespmem:s31+$0x16C0] =	vst v41  }
0x11a: {  	v42 =	vmul.f32 v50, v30;
	v48 =	vadd.f32 v45, v23;
	[tilespmem:s31+$0x16A0] =	vst v61  }
0x11b: {  	v47 =	vmul.f32 v43, v24;
	[tilespmem:s31+$0x16B0] =	vst v63;
	v44 =	vadd.f32 v40, v21  }
0x11c: {  	v49 =	vmul.f32 v43, v25;
	v46 =	vadd.f32 v42, v22;
	[tilespmem:s31+$0x16F0] =	vst v48  }
0x11d: {  	v51 =	vmul.f32 v43, v26;
	v50 =	vadd.f32 v47, v16;
	[tilespmem:s31+$0x16D0] =	vst v44  }
0x11e: {  	v53 =	vmul.f32 v43, v27;
	v52 =	vadd.f32 v49, v17;
	[tilespmem:s31+$0x16E0] =	vst v46  }
0x11f: {  	v55 =	vmul.f32 v43, v28;
	v54 =	vadd.f32 v51, v18;
	[tilespmem:s31+$0x1700] =	vst v50  }
0x120: {  	v57 =	vmul.f32 v43, v29;
	v56 =	vadd.f32 v53, v19;
	[tilespmem:s31+$0x1710] =	vst v52  }
0x121: {  	v59 =	vmul.f32 v43, v30;
	v60 =	vperm.xlane v32, v13;
	v58 =	vadd.f32 v55, v20;
	[tilespmem:s31+$0x1720] =	vst v54  }
0x122: {  	v62 =	vmul.f32 v43, v31;
	v61 =	vadd.f32 v57, v21;
	[tilespmem:s31+$0x1730] =	vst v56  }
0x123: {  	v63 =	vadd.f32 v59, v22;
	v40 =	vmul.f32 v60, v24;
	[tilespmem:s31+$0x1740] =	vst v58  }
0x124: {  	v41 =	vadd.f32 v62, v23;
	v42 =	vmul.f32 v60, v25;
	[tilespmem:s31+$0x1750] =	vst v61  }
0x125: {  	v48 =	vmul.f32 v60, v28;
	[tilespmem:s31+$0x1760] =	vst v63;
	v43 =	vadd.f32 v40, v16  }
0x126: {  	v55 =	vmul.f32 v60, v31;
	[tilespmem:s31+$0x1770] =	vst v41;
	v45 =	vadd.f32 v42, v17  }
0x127: {  	v44 =	vmul.f32 v60, v26;
	v51 =	vadd.f32 v48, v20;
	[tilespmem:s31+$0x1780] =	vst v43  }
0x128: {  	v46 =	vmul.f32 v60, v27;
	v58 =	vadd.f32 v55, v23;
	[tilespmem:s31+$0x1790] =	vst v45  }
0x129: {  	v53 =	vperm.xlane v32, v14;
	v50 =	vmul.f32 v60, v29;
	v47 =	vadd.f32 v44, v18;
	[tilespmem:s31+$0x17C0] =	vst v51  }
0x12a: {  	v52 =	vmul.f32 v60, v30;
	v49 =	vadd.f32 v46, v19;
	[tilespmem:s31+$0x17F0] =	vst v58  }
0x12b: {  	v57 =	vmul.f32 v53, v24;
	v54 =	vadd.f32 v50, v21;
	[tilespmem:s31+$0x17A0] =	vst v47  }
0x12c: {  	v59 =	vmul.f32 v53, v25;
	v56 =	vadd.f32 v52, v22;
	[tilespmem:s31+$0x17B0] =	vst v49  }
0x12d: {  	v61 =	vmul.f32 v53, v26;
	v60 =	vadd.f32 v57, v16;
	[tilespmem:s31+$0x17D0] =	vst v54  }
0x12e: {  	v32 =	vperm.xlane v32, v15;
	v63 =	vmul.f32 v53, v27;
	v62 =	vadd.f32 v59, v17;
	[tilespmem:s31+$0x17E0] =	vst v56  }
0x12f: {  	v41 =	vmul.f32 v53, v28;
	v40 =	vadd.f32 v61, v18;
	[tilespmem:s31+$0x1800] =	vst v60  }
0x130: {  	v55 =	vmul.f32 v32, v27;
	v42 =	vadd.f32 v63, v19;
	[tilespmem:s31+$0x1810] =	vst v62  }
0x131: {  	v43 =	vmul.f32 v53, v29;
	v44 =	vadd.f32 v41, v20;
	[tilespmem:s31+$0x1820] =	vst v40  }
0x132: {  	v45 =	vmul.f32 v53, v30;
	v58 =	vadd.f32 v55, v19;
	[tilespmem:s31+$0x1830] =	vst v42  }
0x133: {  	v51 =	vmul.f32 v32, v25;
	v46 =	vadd.f32 v43, v21;
	[tilespmem:s31+$0x1840] =	vst v44  }
0x134: {  	v57 =	vmul.f32 v32, v28;
	v48 =	vadd.f32 v45, v22;
	[tilespmem:s31+$0x18B0] =	vst v58  }
0x135: {  	v59 =	vmul.f32 v32, v29;
	v54 =	vadd.f32 v51, v17;
	[tilespmem:s31+$0x1850] =	vst v46  }
0x136: {  	v61 =	vmul.f32 v32, v30;
	v60 =	vadd.f32 v57, v20;
	[tilespmem:s31+$0x1860] =	vst v48  }
0x137: {  	v47 =	vmul.f32 v53, v31;
	v62 =	vadd.f32 v59, v21;
	[tilespmem:s31+$0x1890] =	vst v54  }
0x138: {  	v49 =	vmul.f32 v32, v24;
	v63 =	vadd.f32 v61, v22;
	[tilespmem:s31+$0x18C0] =	vst v60  }
0x139: {  	p1 =	slt.u32 s18, $0xE;
	v53 =	vmul.f32 v32, v26;
	v50 =	vadd.f32 v47, v23;
	[tilespmem:s31+$0x18D0] =	vst v62  }
.Ltmp2:
0x13a: {  	v32 =	vmul.f32 v32, v31;
	v52 =	vadd.f32 v49, v16;
	[tilespmem:s31+$0x18E0] =	vst v63;
	(pc) =	sbr.rel @p1 .LBB2_6-.Ltmp2, $4  }
0x13b: {  	v56 =	vadd.f32 v53, v18;
	[tilespmem:s31+$0x1870] =	vst v50  }
0x13c: {  	v32 =	vadd.f32 v32, v23;
	[tilespmem:s31+$0x1880] =	vst v52  }
0x13d: {  	[tilespmem:s31+$0x18A0] =	vst v56  }
0x13e: {  	s18 =	sadd.s32 $0x2, s18;
	[tilespmem:s31+$0x18F0] =	vst v32  }
0x13f: {  	s17 =	sshll.u32 s15, $0x10  }
0x140: {  	s17 =	sadd.s32 s7, s17  }
0x141: {  	s17 =	sshrl.u32 s17, $0x3  }
0x142: {  	s17 =	sadd.s32 s3, s17  }
0x143: {  	[hbm4b:s17+s4] =	stream.linear.scatter [tilespmem:s10], [sflag:$0x1], $0x8000, $0x38;
	[tilespmem:$0x11100] =	vst v63  }
0x144: {  	s17 =	simm.s32 @!p0 $0x2  }
0x145: {  	s16 =	sor.u32 $0x1, s16;
	_ =	swait.ge @!p0 [sflag:s17], $0x8000  }
0x146: {  	s19 =	sshll.u32 s16, $0x8;
	[sflag:s17] =	ssyncset.done @!p0 $0x0  }
0x147: {  	s18 =	simm.s32 $0x0;
	[sflag:s17] =	ssyncadd.s32 @!p0 $0xFFFF8000;
	s17 =	sand.u32 $0xF80, s19  }
.LBB2_8:
0x148: {  	s19 =	sshll.u32 s18, $0x4  }
0x149: {  	s19 =	sand.u32 $0xFE0, s19  }
0x14a: {  	s19 =	sor.u32 s17, s19  }
0x14b: {  	v32 =	vld [tilespmem:s19+$0x100];
	_ =	sdelay $0x4  }
0x14c: {  	v32 =	vcvt.s32.f32 v32;
	_ =	sdelay $0x1  }
0x14d: {  	v33 =	vperm.xlane v32, v0;
	_ =	sdelay $0x1  }
0x14e: {  	v34 =	vmul.f32 v33, v24  }
0x14f: {  	v35 =	vmul.f32 v33, v25  }
0x150: {  	s30 =	sshll.u32 s18, $0xB;
	v36 =	vmul.f32 v33, v26;
	v34 =	vadd.f32 v34, v16  }
0x151: {  	s19 =	sand.u32 $0x3FFFF800, s30;
	v37 =	vmul.f32 v33, v27;
	v35 =	vadd.f32 v35, v17  }
0x152: {  	v61 =	vmul.f32 v33, v28;
	v60 =	vadd.f32 v36, v18;
	[tilespmem:s19+$0x9100] =	vst v34  }
0x153: {  	v63 =	vmul.f32 v33, v29;
	v62 =	vadd.f32 v37, v19;
	[tilespmem:s19+$0x9110] =	vst v35  }
0x154: {  	v38 =	vperm.xlane v32, v1;
	v41 =	vmul.f32 v33, v30;
	v40 =	vadd.f32 v61, v20;
	[tilespmem:s19+$0x9120] =	vst v60  }
0x155: {  	v33 =	vmul.f32 v33, v31;
	v42 =	vadd.f32 v63, v21;
	[tilespmem:s19+$0x9130] =	vst v62  }
0x156: {  	v44 =	vmul.f32 v38, v24;
	v43 =	vadd.f32 v41, v22;
	[tilespmem:s19+$0x9140] =	vst v40  }
0x157: {  	v45 =	vmul.f32 v38, v25;
	v33 =	vadd.f32 v33, v23;
	[tilespmem:s19+$0x9150] =	vst v42  }
0x158: {  	v47 =	vmul.f32 v38, v26;
	v46 =	vadd.f32 v44, v16;
	[tilespmem:s19+$0x9160] =	vst v43  }
0x159: {  	v49 =	vmul.f32 v38, v27;
	v48 =	vadd.f32 v45, v17;
	[tilespmem:s19+$0x9170] =	vst v33  }
0x15a: {  	v51 =	vmul.f32 v38, v28;
	v50 =	vadd.f32 v47, v18;
	[tilespmem:s19+$0x9180] =	vst v46  }
0x15b: {  	v53 =	vmul.f32 v38, v29;
	v52 =	vadd.f32 v49, v19;
	[tilespmem:s19+$0x9190] =	vst v48  }
0x15c: {  	v56 =	vperm.xlane v32, v2;
	v55 =	vmul.f32 v38, v30;
	v54 =	vadd.f32 v51, v20;
	[tilespmem:s19+$0x91A0] =	vst v50  }
0x15d: {  	v58 =	vmul.f32 v38, v31;
	v57 =	vadd.f32 v53, v21;
	[tilespmem:s19+$0x91B0] =	vst v52  }
0x15e: {  	v59 =	vadd.f32 v55, v22;
	v44 =	vmul.f32 v56, v28;
	[tilespmem:s19+$0x91C0] =	vst v54  }
0x15f: {  	v61 =	vadd.f32 v58, v23;
	v51 =	vmul.f32 v56, v31;
	[tilespmem:s19+$0x91D0] =	vst v57  }
0x160: {  	v60 =	vmul.f32 v56, v24;
	[tilespmem:s19+$0x91E0] =	vst v59;
	v47 =	vadd.f32 v44, v20  }
0x161: {  	v62 =	vmul.f32 v56, v25;
	[tilespmem:s19+$0x91F0] =	vst v61;
	v54 =	vadd.f32 v51, v23  }
0x162: {  	v40 =	vmul.f32 v56, v26;
	v63 =	vadd.f32 v60, v16;
	[tilespmem:s19+$0x9240] =	vst v47  }
0x163: {  	v42 =	vmul.f32 v56, v27;
	v41 =	vadd.f32 v62, v17;
	[tilespmem:s19+$0x9270] =	vst v54  }
0x164: {  	v49 =	vperm.xlane v32, v3;
	v46 =	vmul.f32 v56, v29;
	v43 =	vadd.f32 v40, v18;
	[tilespmem:s19+$0x9200] =	vst v63  }
0x165: {  	v48 =	vmul.f32 v56, v30;
	v45 =	vadd.f32 v42, v19;
	[tilespmem:s19+$0x9210] =	vst v41  }
0x166: {  	v53 =	vmul.f32 v49, v24;
	v50 =	vadd.f32 v46, v21;
	[tilespmem:s19+$0x9220] =	vst v43  }
0x167: {  	v55 =	vmul.f32 v49, v25;
	v52 =	vadd.f32 v48, v22;
	[tilespmem:s19+$0x9230] =	vst v45  }
0x168: {  	v57 =	vmul.f32 v49, v26;
	v56 =	vadd.f32 v53, v16;
	[tilespmem:s19+$0x9250] =	vst v50  }
0x169: {  	v59 =	vmul.f32 v49, v27;
	v58 =	vadd.f32 v55, v17;
	[tilespmem:s19+$0x9260] =	vst v52  }
0x16a: {  	v61 =	vmul.f32 v49, v28;
	v60 =	vadd.f32 v57, v18;
	[tilespmem:s19+$0x9280] =	vst v56  }
0x16b: {  	v44 =	vmul.f32 v49, v31;
	v62 =	vadd.f32 v59, v19;
	[tilespmem:s19+$0x9290] =	vst v58  }
0x16c: {  	v40 =	vadd.f32 v61, v20;
	v42 =	vperm.xlane v32, v4;
	v63 =	vmul.f32 v49, v29;
	[tilespmem:s19+$0x92A0] =	vst v60  }
0x16d: {  	v47 =	vadd.f32 v44, v23;
	v41 =	vmul.f32 v49, v30;
	[tilespmem:s19+$0x92B0] =	vst v62  }
0x16e: {  	[tilespmem:s19+$0x92C0] =	vst v40;
	v46 =	vmul.f32 v42, v24;
	v43 =	vadd.f32 v63, v21  }
0x16f: {  	v48 =	vmul.f32 v42, v25;
	[tilespmem:s19+$0x92F0] =	vst v47;
	v45 =	vadd.f32 v41, v22  }
0x170: {  	v50 =	vmul.f32 v42, v26;
	v49 =	vadd.f32 v46, v16;
	[tilespmem:s19+$0x92D0] =	vst v43  }
0x171: {  	v52 =	vmul.f32 v42, v27;
	v51 =	vadd.f32 v48, v17;
	[tilespmem:s19+$0x92E0] =	vst v45  }
0x172: {  	v54 =	vmul.f32 v42, v28;
	v53 =	vadd.f32 v50, v18;
	[tilespmem:s19+$0x9300] =	vst v49  }
0x173: {  	v56 =	vmul.f32 v42, v29;
	v55 =	vadd.f32 v52, v19;
	[tilespmem:s19+$0x9310] =	vst v51  }
0x174: {  	v59 =	vperm.xlane v32, v5;
	v58 =	vmul.f32 v42, v30;
	v57 =	vadd.f32 v54, v20;
	[tilespmem:s19+$0x9320] =	vst v53  }
0x175: {  	v61 =	vmul.f32 v42, v31;
	v60 =	vadd.f32 v56, v21;
	[tilespmem:s19+$0x9330] =	vst v55  }
0x176: {  	v47 =	vmul.f32 v59, v28;
	v62 =	vadd.f32 v58, v22;
	[tilespmem:s19+$0x9340] =	vst v57  }
0x177: {  	v63 =	vmul.f32 v59, v24;
	v40 =	vadd.f32 v61, v23;
	[tilespmem:s19+$0x9350] =	vst v60  }
0x178: {  	v41 =	vmul.f32 v59, v25;
	v50 =	vadd.f32 v47, v20;
	[tilespmem:s19+$0x9360] =	vst v62  }
0x179: {  	v54 =	vmul.f32 v59, v31;
	v42 =	vadd.f32 v63, v16;
	[tilespmem:s19+$0x9370] =	vst v40  }
0x17a: {  	v43 =	vmul.f32 v59, v26;
	v44 =	vadd.f32 v41, v17;
	[tilespmem:s19+$0x93C0] =	vst v50  }
0x17b: {  	v45 =	vmul.f32 v59, v27;
	v57 =	vadd.f32 v54, v23;
	[tilespmem:s19+$0x9380] =	vst v42  }
0x17c: {  	v52 =	vperm.xlane v32, v6;
	v49 =	vmul.f32 v59, v29;
	v46 =	vadd.f32 v43, v18;
	[tilespmem:s19+$0x9390] =	vst v44  }
0x17d: {  	v51 =	vmul.f32 v59, v30;
	v48 =	vadd.f32 v45, v19;
	[tilespmem:s19+$0x93F0] =	vst v57  }
0x17e: {  	v56 =	vmul.f32 v52, v24;
	v53 =	vadd.f32 v49, v21;
	[tilespmem:s19+$0x93A0] =	vst v46  }
0x17f: {  	v58 =	vmul.f32 v52, v25;
	v55 =	vadd.f32 v51, v22;
	[tilespmem:s19+$0x93B0] =	vst v48  }
0x180: {  	v60 =	vmul.f32 v52, v26;
	v59 =	vadd.f32 v56, v16;
	[tilespmem:s19+$0x93D0] =	vst v53  }
0x181: {  	v62 =	vmul.f32 v52, v27;
	v61 =	vadd.f32 v58, v17;
	[tilespmem:s19+$0x93E0] =	vst v55  }
0x182: {  	v40 =	vmul.f32 v52, v28;
	v63 =	vadd.f32 v60, v18;
	[tilespmem:s19+$0x9400] =	vst v59  }
0x183: {  	v47 =	vmul.f32 v52, v31;
	v41 =	vadd.f32 v62, v19;
	[tilespmem:s19+$0x9410] =	vst v61  }
0x184: {  	v42 =	vmul.f32 v52, v29;
	v43 =	vadd.f32 v40, v20;
	v45 =	vperm.xlane v32, v7;
	[tilespmem:s19+$0x9420] =	vst v63  }
0x185: {  	v44 =	vmul.f32 v52, v30;
	v50 =	vadd.f32 v47, v23;
	[tilespmem:s19+$0x9430] =	vst v41  }
0x186: {  	v46 =	vadd.f32 v42, v21;
	[tilespmem:s19+$0x9440] =	vst v43;
	v49 =	vmul.f32 v45, v24  }
0x187: {  	v48 =	vadd.f32 v44, v22;
	v51 =	vmul.f32 v45, v25;
	[tilespmem:s19+$0x9470] =	vst v50  }
0x188: {  	v53 =	vmul.f32 v45, v26;
	[tilespmem:s19+$0x9450] =	vst v46;
	v52 =	vadd.f32 v49, v16  }
0x189: {  	v55 =	vmul.f32 v45, v27;
	[tilespmem:s19+$0x9460] =	vst v48;
	v54 =	vadd.f32 v51, v17  }
0x18a: {  	v57 =	vmul.f32 v45, v28;
	v56 =	vadd.f32 v53, v18;
	[tilespmem:s19+$0x9480] =	vst v52  }
0x18b: {  	v59 =	vmul.f32 v45, v29;
	v58 =	vadd.f32 v55, v19;
	[tilespmem:s19+$0x9490] =	vst v54  }
0x18c: {  	v62 =	vperm.xlane v32, v8;
	v61 =	vmul.f32 v45, v30;
	v60 =	vadd.f32 v57, v20;
	[tilespmem:s19+$0x94A0] =	vst v56  }
0x18d: {  	v40 =	vmul.f32 v45, v31;
	v63 =	vadd.f32 v59, v21;
	[tilespmem:s19+$0x94B0] =	vst v58  }
0x18e: {  	v42 =	vmul.f32 v62, v24;
	v41 =	vadd.f32 v61, v22;
	[tilespmem:s19+$0x94C0] =	vst v60  }
0x18f: {  	v44 =	vmul.f32 v62, v25;
	v43 =	vadd.f32 v40, v23;
	[tilespmem:s19+$0x94D0] =	vst v63  }
0x190: {  	v50 =	vmul.f32 v62, v28;
	v45 =	vadd.f32 v42, v16;
	[tilespmem:s19+$0x94E0] =	vst v41  }
0x191: {  	v46 =	vmul.f32 v62, v26;
	v47 =	vadd.f32 v44, v17;
	[tilespmem:s19+$0x94F0] =	vst v43  }
0x192: {  	v48 =	vmul.f32 v62, v27;
	v53 =	vadd.f32 v50, v20;
	[tilespmem:s19+$0x9500] =	vst v45  }
0x193: {  	v57 =	vmul.f32 v62, v31;
	v49 =	vadd.f32 v46, v18;
	[tilespmem:s19+$0x9510] =	vst v47  }
0x194: {  	v55 =	vperm.xlane v32, v9;
	v51 =	vadd.f32 v48, v19;
	v52 =	vmul.f32 v62, v29;
	[tilespmem:s19+$0x9540] =	vst v53  }
0x195: {  	v54 =	vmul.f32 v62, v30;
	v60 =	vadd.f32 v57, v23;
	[tilespmem:s19+$0x9520] =	vst v49  }
0x196: {  	v59 =	vmul.f32 v55, v24;
	[tilespmem:s19+$0x9530] =	vst v51;
	v56 =	vadd.f32 v52, v21  }
0x197: {  	v61 =	vmul.f32 v55, v25;
	v58 =	vadd.f32 v54, v22;
	[tilespmem:s19+$0x9570] =	vst v60  }
0x198: {  	v63 =	vmul.f32 v55, v26;
	v62 =	vadd.f32 v59, v16;
	[tilespmem:s19+$0x9550] =	vst v56  }
0x199: {  	v41 =	vmul.f32 v55, v27;
	v40 =	vadd.f32 v61, v17;
	[tilespmem:s19+$0x9560] =	vst v58  }
0x19a: {  	v43 =	vmul.f32 v55, v28;
	v42 =	vadd.f32 v63, v18;
	[tilespmem:s19+$0x9580] =	vst v62  }
0x19b: {  	v45 =	vmul.f32 v55, v29;
	v44 =	vadd.f32 v41, v19;
	[tilespmem:s19+$0x9590] =	vst v40  }
0x19c: {  	v47 =	vmul.f32 v55, v30;
	v48 =	vperm.xlane v32, v10;
	v46 =	vadd.f32 v43, v20;
	[tilespmem:s19+$0x95A0] =	vst v42  }
0x19d: {  	v50 =	vmul.f32 v55, v31;
	v49 =	vadd.f32 v45, v21;
	[tilespmem:s19+$0x95B0] =	vst v44  }
0x19e: {  	v51 =	vadd.f32 v47, v22;
	v52 =	vmul.f32 v48, v24;
	[tilespmem:s19+$0x95C0] =	vst v46  }
0x19f: {  	v53 =	vadd.f32 v50, v23;
	v54 =	vmul.f32 v48, v25;
	[tilespmem:s19+$0x95D0] =	vst v49  }
0x1a0: {  	v60 =	vmul.f32 v48, v28;
	[tilespmem:s19+$0x95E0] =	vst v51;
	v55 =	vadd.f32 v52, v16  }
0x1a1: {  	v43 =	vmul.f32 v48, v31;
	[tilespmem:s19+$0x95F0] =	vst v53;
	v57 =	vadd.f32 v54, v17  }
0x1a2: {  	v56 =	vmul.f32 v48, v26;
	v63 =	vadd.f32 v60, v20;
	[tilespmem:s19+$0x9600] =	vst v55  }
0x1a3: {  	v58 =	vmul.f32 v48, v27;
	v46 =	vadd.f32 v43, v23;
	[tilespmem:s19+$0x9610] =	vst v57  }
0x1a4: {  	v41 =	vperm.xlane v32, v11;
	v62 =	vmul.f32 v48, v29;
	v59 =	vadd.f32 v56, v18;
	[tilespmem:s19+$0x9640] =	vst v63  }
0x1a5: {  	v40 =	vmul.f32 v48, v30;
	v61 =	vadd.f32 v58, v19;
	[tilespmem:s19+$0x9670] =	vst v46  }
0x1a6: {  	v45 =	vmul.f32 v41, v24;
	v42 =	vadd.f32 v62, v21;
	[tilespmem:s19+$0x9620] =	vst v59  }
0x1a7: {  	v47 =	vmul.f32 v41, v25;
	v44 =	vadd.f32 v40, v22;
	[tilespmem:s19+$0x9630] =	vst v61  }
0x1a8: {  	v49 =	vmul.f32 v41, v26;
	v48 =	vadd.f32 v45, v16;
	[tilespmem:s19+$0x9650] =	vst v42  }
0x1a9: {  	v51 =	vmul.f32 v41, v27;
	v50 =	vadd.f32 v47, v17;
	[tilespmem:s19+$0x9660] =	vst v44  }
0x1aa: {  	v53 =	vmul.f32 v41, v28;
	v52 =	vadd.f32 v49, v18;
	[tilespmem:s19+$0x9680] =	vst v48  }
0x1ab: {  	v60 =	vmul.f32 v41, v31;
	v54 =	vadd.f32 v51, v19;
	[tilespmem:s19+$0x9690] =	vst v50  }
0x1ac: {  	v55 =	vmul.f32 v41, v29;
	v56 =	vadd.f32 v53, v20;
	v58 =	vperm.xlane v32, v12;
	[tilespmem:s19+$0x96A0] =	vst v52  }
0x1ad: {  	v57 =	vmul.f32 v41, v30;
	v63 =	vadd.f32 v60, v23;
	[tilespmem:s19+$0x96B0] =	vst v54  }
0x1ae: {  	v59 =	vadd.f32 v55, v21;
	[tilespmem:s19+$0x96C0] =	vst v56;
	v62 =	vmul.f32 v58, v24  }
0x1af: {  	v61 =	vadd.f32 v57, v22;
	v40 =	vmul.f32 v58, v25;
	[tilespmem:s19+$0x96F0] =	vst v63  }
0x1b0: {  	v42 =	vmul.f32 v58, v26;
	[tilespmem:s19+$0x96D0] =	vst v59;
	v41 =	vadd.f32 v62, v16  }
0x1b1: {  	v44 =	vmul.f32 v58, v27;
	[tilespmem:s19+$0x96E0] =	vst v61;
	v43 =	vadd.f32 v40, v17  }
0x1b2: {  	v46 =	vmul.f32 v58, v28;
	v45 =	vadd.f32 v42, v18;
	[tilespmem:s19+$0x9700] =	vst v41  }
0x1b3: {  	v48 =	vmul.f32 v58, v29;
	v47 =	vadd.f32 v44, v19;
	[tilespmem:s19+$0x9710] =	vst v43  }
0x1b4: {  	v51 =	vperm.xlane v32, v13;
	v50 =	vmul.f32 v58, v30;
	v49 =	vadd.f32 v46, v20;
	[tilespmem:s19+$0x9720] =	vst v45  }
0x1b5: {  	v53 =	vmul.f32 v58, v31;
	v52 =	vadd.f32 v48, v21;
	[tilespmem:s19+$0x9730] =	vst v47  }
0x1b6: {  	v55 =	vmul.f32 v51, v24;
	v54 =	vadd.f32 v50, v22;
	[tilespmem:s19+$0x9740] =	vst v49  }
0x1b7: {  	v57 =	vmul.f32 v51, v25;
	v56 =	vadd.f32 v53, v23;
	[tilespmem:s19+$0x9750] =	vst v52  }
0x1b8: {  	v63 =	vmul.f32 v51, v28;
	v58 =	vadd.f32 v55, v16;
	[tilespmem:s19+$0x9760] =	vst v54  }
0x1b9: {  	v59 =	vmul.f32 v51, v26;
	v60 =	vadd.f32 v57, v17;
	[tilespmem:s19+$0x9770] =	vst v56  }
0x1ba: {  	v61 =	vmul.f32 v51, v27;
	v42 =	vadd.f32 v63, v20;
	[tilespmem:s19+$0x9780] =	vst v58  }
0x1bb: {  	v46 =	vmul.f32 v51, v31;
	v62 =	vadd.f32 v59, v18;
	[tilespmem:s19+$0x9790] =	vst v60  }
0x1bc: {  	v44 =	vperm.xlane v32, v14;
	v40 =	vadd.f32 v61, v19;
	v41 =	vmul.f32 v51, v29;
	[tilespmem:s19+$0x97C0] =	vst v42  }
0x1bd: {  	v43 =	vmul.f32 v51, v30;
	v49 =	vadd.f32 v46, v23;
	[tilespmem:s19+$0x97A0] =	vst v62  }
0x1be: {  	v48 =	vmul.f32 v44, v24;
	[tilespmem:s19+$0x97B0] =	vst v40;
	v45 =	vadd.f32 v41, v21  }
0x1bf: {  	v50 =	vmul.f32 v44, v25;
	v47 =	vadd.f32 v43, v22;
	[tilespmem:s19+$0x97F0] =	vst v49  }
0x1c0: {  	v52 =	vmul.f32 v44, v26;
	v51 =	vadd.f32 v48, v16;
	[tilespmem:s19+$0x97D0] =	vst v45  }
0x1c1: {  	s20 =	sor.u32 $0x1, s18;
	v54 =	vmul.f32 v44, v27;
	v53 =	vadd.f32 v50, v17;
	[tilespmem:s19+$0x97E0] =	vst v47  }
0x1c2: {  	s21 =	sshll.u32 s20, $0x4;
	v56 =	vmul.f32 v44, v28;
	v55 =	vadd.f32 v52, v18;
	[tilespmem:s19+$0x9800] =	vst v51  }
0x1c3: {  	s21 =	sand.u32 $0xFF0, s21;
	v58 =	vmul.f32 v44, v29;
	v57 =	vadd.f32 v54, v19;
	[tilespmem:s19+$0x9810] =	vst v53  }
0x1c4: {  	s21 =	sor.u32 s17, s21;
	v60 =	vmul.f32 v44, v30;
	v61 =	vperm.xlane v32, v15;
	v59 =	vadd.f32 v56, v20;
	[tilespmem:s19+$0x9820] =	vst v55  }
0x1c5: {  	v62 =	vld [tilespmem:s21+$0x100];
	v63 =	vadd.f32 v58, v21;
	v40 =	vmul.f32 v44, v31;
	[tilespmem:s19+$0x9830] =	vst v57  }
0x1c6: {  	v41 =	vadd.f32 v60, v22;
	v42 =	vmul.f32 v61, v24;
	[tilespmem:s19+$0x9840] =	vst v59  }
0x1c7: {  	v44 =	vmul.f32 v61, v25;
	[tilespmem:s19+$0x9850] =	vst v63;
	v43 =	vadd.f32 v40, v23  }
0x1c8: {  	v46 =	vmul.f32 v61, v26;
	[tilespmem:s19+$0x9860] =	vst v41;
	v45 =	vadd.f32 v42, v16  }
0x1c9: {  	v48 =	vmul.f32 v61, v27;
	v47 =	vadd.f32 v44, v17;
	[tilespmem:s19+$0x9870] =	vst v43  }
0x1ca: {  	v50 =	vmul.f32 v61, v28;
	v49 =	vadd.f32 v46, v18;
	[tilespmem:s19+$0x9880] =	vst v45;
	v32 =	vcvt.s32.f32 v62  }
0x1cb: {  	v52 =	vmul.f32 v61, v29;
	v51 =	vadd.f32 v48, v19;
	[tilespmem:s19+$0x9890] =	vst v47  }
0x1cc: {  	v54 =	vmul.f32 v61, v30;
	v53 =	vadd.f32 v50, v20;
	[tilespmem:s19+$0x98A0] =	vst v49;
	v55 =	vperm.xlane v32, v0  }
0x1cd: {  	v56 =	vadd.f32 v52, v21;
	v57 =	vmul.f32 v61, v31;
	[tilespmem:s19+$0x98B0] =	vst v51  }
0x1ce: {  	v58 =	vadd.f32 v54, v22;
	[tilespmem:s19+$0x98C0] =	vst v53;
	v59 =	vmul.f32 v55, v24  }
0x1cf: {  	[tilespmem:s19+$0x98D0] =	vst v56;
	v60 =	vadd.f32 v57, v23;
	v61 =	vmul.f32 v55, v25  }
0x1d0: {  	s20 =	sshll.u32 s20, $0xB;
	[tilespmem:s19+$0x98E0] =	vst v58;
	v63 =	vmul.f32 v55, v26;
	v62 =	vadd.f32 v59, v16  }
0x1d1: {  	s31 =	sand.u32 $0x3FFFF800, s20;
	[tilespmem:s19+$0x98F0] =	vst v60;
	v41 =	vmul.f32 v55, v27;
	v40 =	vadd.f32 v61, v17  }
0x1d2: {  	v43 =	vmul.f32 v55, v28;
	v42 =	vadd.f32 v63, v18;
	[tilespmem:s31+$0x9100] =	vst v62  }
0x1d3: {  	v45 =	vmul.f32 v55, v29;
	v44 =	vadd.f32 v41, v19;
	[tilespmem:s31+$0x9110] =	vst v40  }
0x1d4: {  	v48 =	vperm.xlane v32, v1;
	v47 =	vmul.f32 v55, v30;
	v46 =	vadd.f32 v43, v20;
	[tilespmem:s31+$0x9120] =	vst v42  }
0x1d5: {  	v50 =	vmul.f32 v55, v31;
	v49 =	vadd.f32 v45, v21;
	[tilespmem:s31+$0x9130] =	vst v44  }
0x1d6: {  	v52 =	vmul.f32 v48, v24;
	v51 =	vadd.f32 v47, v22;
	[tilespmem:s31+$0x9140] =	vst v46  }
0x1d7: {  	v54 =	vmul.f32 v48, v25;
	v53 =	vadd.f32 v50, v23;
	[tilespmem:s31+$0x9150] =	vst v49  }
0x1d8: {  	v56 =	vmul.f32 v48, v26;
	v55 =	vadd.f32 v52, v16;
	[tilespmem:s31+$0x9160] =	vst v51  }
0x1d9: {  	v58 =	vmul.f32 v48, v27;
	v57 =	vadd.f32 v54, v17;
	[tilespmem:s31+$0x9170] =	vst v53  }
0x1da: {  	v60 =	vmul.f32 v48, v28;
	v59 =	vadd.f32 v56, v18;
	[tilespmem:s31+$0x9180] =	vst v55  }
0x1db: {  	v61 =	vadd.f32 v58, v19;
	v43 =	vmul.f32 v48, v31;
	[tilespmem:s31+$0x9190] =	vst v57  }
0x1dc: {  	v63 =	vadd.f32 v60, v20;
	v41 =	vperm.xlane v32, v2;
	v62 =	vmul.f32 v48, v29;
	[tilespmem:s31+$0x91A0] =	vst v59  }
0x1dd: {  	v40 =	vmul.f32 v48, v30;
	[tilespmem:s31+$0x91B0] =	vst v61;
	v46 =	vadd.f32 v43, v23  }
0x1de: {  	[tilespmem:s31+$0x91C0] =	vst v63;
	v45 =	vmul.f32 v41, v24;
	v42 =	vadd.f32 v62, v21  }
0x1df: {  	v47 =	vmul.f32 v41, v25;
	v44 =	vadd.f32 v40, v22;
	[tilespmem:s31+$0x91F0] =	vst v46  }
0x1e0: {  	v49 =	vmul.f32 v41, v26;
	v48 =	vadd.f32 v45, v16;
	[tilespmem:s31+$0x91D0] =	vst v42  }
0x1e1: {  	v51 =	vmul.f32 v41, v27;
	v50 =	vadd.f32 v47, v17;
	[tilespmem:s31+$0x91E0] =	vst v44  }
0x1e2: {  	v53 =	vmul.f32 v41, v28;
	v52 =	vadd.f32 v49, v18;
	[tilespmem:s31+$0x9200] =	vst v48  }
0x1e3: {  	v55 =	vmul.f32 v41, v29;
	v54 =	vadd.f32 v51, v19;
	[tilespmem:s31+$0x9210] =	vst v50  }
0x1e4: {  	v58 =	vperm.xlane v32, v3;
	v57 =	vmul.f32 v41, v30;
	v56 =	vadd.f32 v53, v20;
	[tilespmem:s31+$0x9220] =	vst v52  }
0x1e5: {  	v60 =	vmul.f32 v41, v31;
	v59 =	vadd.f32 v55, v21;
	[tilespmem:s31+$0x9230] =	vst v54  }
0x1e6: {  	v61 =	vadd.f32 v57, v22;
	v62 =	vmul.f32 v58, v24;
	[tilespmem:s31+$0x9240] =	vst v56  }
0x1e7: {  	v63 =	vadd.f32 v60, v23;
	v40 =	vmul.f32 v58, v25;
	[tilespmem:s31+$0x9250] =	vst v59  }
0x1e8: {  	v46 =	vmul.f32 v58, v28;
	[tilespmem:s31+$0x9260] =	vst v61;
	v41 =	vadd.f32 v62, v16  }
0x1e9: {  	v53 =	vmul.f32 v58, v31;
	[tilespmem:s31+$0x9270] =	vst v63;
	v43 =	vadd.f32 v40, v17  }
0x1ea: {  	v42 =	vmul.f32 v58, v26;
	v49 =	vadd.f32 v46, v20;
	[tilespmem:s31+$0x9280] =	vst v41  }
0x1eb: {  	v44 =	vmul.f32 v58, v27;
	v56 =	vadd.f32 v53, v23;
	[tilespmem:s31+$0x9290] =	vst v43  }
0x1ec: {  	v51 =	vperm.xlane v32, v4;
	v48 =	vmul.f32 v58, v29;
	v45 =	vadd.f32 v42, v18;
	[tilespmem:s31+$0x92C0] =	vst v49  }
0x1ed: {  	v50 =	vmul.f32 v58, v30;
	v47 =	vadd.f32 v44, v19;
	[tilespmem:s31+$0x92F0] =	vst v56  }
0x1ee: {  	v55 =	vmul.f32 v51, v24;
	v52 =	vadd.f32 v48, v21;
	[tilespmem:s31+$0x92A0] =	vst v45  }
0x1ef: {  	v57 =	vmul.f32 v51, v25;
	v54 =	vadd.f32 v50, v22;
	[tilespmem:s31+$0x92B0] =	vst v47  }
0x1f0: {  	v59 =	vmul.f32 v51, v26;
	v58 =	vadd.f32 v55, v16;
	[tilespmem:s31+$0x92D0] =	vst v52  }
0x1f1: {  	v61 =	vmul.f32 v51, v27;
	v60 =	vadd.f32 v57, v17;
	[tilespmem:s31+$0x92E0] =	vst v54  }
0x1f2: {  	v63 =	vmul.f32 v51, v28;
	v62 =	vadd.f32 v59, v18;
	[tilespmem:s31+$0x9300] =	vst v58  }
0x1f3: {  	v46 =	vmul.f32 v51, v31;
	v40 =	vadd.f32 v61, v19;
	[tilespmem:s31+$0x9310] =	vst v60  }
0x1f4: {  	v41 =	vmul.f32 v51, v29;
	v42 =	vadd.f32 v63, v20;
	v44 =	vperm.xlane v32, v5;
	[tilespmem:s31+$0x9320] =	vst v62  }
0x1f5: {  	v43 =	vmul.f32 v51, v30;
	v49 =	vadd.f32 v46, v23;
	[tilespmem:s31+$0x9330] =	vst v40  }
0x1f6: {  	v45 =	vadd.f32 v41, v21;
	[tilespmem:s31+$0x9340] =	vst v42;
	v48 =	vmul.f32 v44, v24  }
0x1f7: {  	v47 =	vadd.f32 v43, v22;
	v50 =	vmul.f32 v44, v25;
	[tilespmem:s31+$0x9370] =	vst v49  }
0x1f8: {  	v52 =	vmul.f32 v44, v26;
	[tilespmem:s31+$0x9350] =	vst v45;
	v51 =	vadd.f32 v48, v16  }
0x1f9: {  	v54 =	vmul.f32 v44, v27;
	[tilespmem:s31+$0x9360] =	vst v47;
	v53 =	vadd.f32 v50, v17  }
0x1fa: {  	v56 =	vmul.f32 v44, v28;
	v55 =	vadd.f32 v52, v18;
	[tilespmem:s31+$0x9380] =	vst v51  }
0x1fb: {  	v58 =	vmul.f32 v44, v29;
	v57 =	vadd.f32 v54, v19;
	[tilespmem:s31+$0x9390] =	vst v53  }
0x1fc: {  	v61 =	vperm.xlane v32, v6;
	v60 =	vmul.f32 v44, v30;
	v59 =	vadd.f32 v56, v20;
	[tilespmem:s31+$0x93A0] =	vst v55  }
0x1fd: {  	v63 =	vmul.f32 v44, v31;
	v62 =	vadd.f32 v58, v21;
	[tilespmem:s31+$0x93B0] =	vst v57  }
0x1fe: {  	v41 =	vmul.f32 v61, v24;
	v40 =	vadd.f32 v60, v22;
	[tilespmem:s31+$0x93C0] =	vst v59  }
0x1ff: {  	v43 =	vmul.f32 v61, v25;
	v42 =	vadd.f32 v63, v23;
	[tilespmem:s31+$0x93D0] =	vst v62  }
0x200: {  	v49 =	vmul.f32 v61, v28;
	v44 =	vadd.f32 v41, v16;
	[tilespmem:s31+$0x93E0] =	vst v40  }
0x201: {  	v45 =	vmul.f32 v61, v26;
	v46 =	vadd.f32 v43, v17;
	[tilespmem:s31+$0x93F0] =	vst v42  }
0x202: {  	v47 =	vmul.f32 v61, v27;
	v52 =	vadd.f32 v49, v20;
	[tilespmem:s31+$0x9400] =	vst v44  }
0x203: {  	v56 =	vmul.f32 v61, v31;
	v48 =	vadd.f32 v45, v18;
	[tilespmem:s31+$0x9410] =	vst v46  }
0x204: {  	v54 =	vperm.xlane v32, v7;
	v50 =	vadd.f32 v47, v19;
	v51 =	vmul.f32 v61, v29;
	[tilespmem:s31+$0x9440] =	vst v52  }
0x205: {  	v53 =	vmul.f32 v61, v30;
	v59 =	vadd.f32 v56, v23;
	[tilespmem:s31+$0x9420] =	vst v48  }
0x206: {  	v58 =	vmul.f32 v54, v24;
	[tilespmem:s31+$0x9430] =	vst v50;
	v55 =	vadd.f32 v51, v21  }
0x207: {  	v60 =	vmul.f32 v54, v25;
	v57 =	vadd.f32 v53, v22;
	[tilespmem:s31+$0x9470] =	vst v59  }
0x208: {  	v62 =	vmul.f32 v54, v26;
	v61 =	vadd.f32 v58, v16;
	[tilespmem:s31+$0x9450] =	vst v55  }
0x209: {  	v40 =	vmul.f32 v54, v27;
	v63 =	vadd.f32 v60, v17;
	[tilespmem:s31+$0x9460] =	vst v57  }
0x20a: {  	v42 =	vmul.f32 v54, v28;
	v41 =	vadd.f32 v62, v18;
	[tilespmem:s31+$0x9480] =	vst v61  }
0x20b: {  	v44 =	vmul.f32 v54, v29;
	v43 =	vadd.f32 v40, v19;
	[tilespmem:s31+$0x9490] =	vst v63  }
0x20c: {  	v46 =	vmul.f32 v54, v30;
	v47 =	vperm.xlane v32, v8;
	v45 =	vadd.f32 v42, v20;
	[tilespmem:s31+$0x94A0] =	vst v41  }
0x20d: {  	v49 =	vmul.f32 v54, v31;
	v48 =	vadd.f32 v44, v21;
	[tilespmem:s31+$0x94B0] =	vst v43  }
0x20e: {  	v50 =	vadd.f32 v46, v22;
	v51 =	vmul.f32 v47, v24;
	[tilespmem:s31+$0x94C0] =	vst v45  }
0x20f: {  	v52 =	vadd.f32 v49, v23;
	v53 =	vmul.f32 v47, v25;
	[tilespmem:s31+$0x94D0] =	vst v48  }
0x210: {  	v59 =	vmul.f32 v47, v28;
	[tilespmem:s31+$0x94E0] =	vst v50;
	v54 =	vadd.f32 v51, v16  }
0x211: {  	v42 =	vmul.f32 v47, v31;
	[tilespmem:s31+$0x94F0] =	vst v52;
	v56 =	vadd.f32 v53, v17  }
0x212: {  	v55 =	vmul.f32 v47, v26;
	v62 =	vadd.f32 v59, v20;
	[tilespmem:s31+$0x9500] =	vst v54  }
0x213: {  	v57 =	vmul.f32 v47, v27;
	v45 =	vadd.f32 v42, v23;
	[tilespmem:s31+$0x9510] =	vst v56  }
0x214: {  	v40 =	vperm.xlane v32, v9;
	v61 =	vmul.f32 v47, v29;
	v58 =	vadd.f32 v55, v18;
	[tilespmem:s31+$0x9540] =	vst v62  }
0x215: {  	v63 =	vmul.f32 v47, v30;
	v60 =	vadd.f32 v57, v19;
	[tilespmem:s31+$0x9570] =	vst v45  }
0x216: {  	v44 =	vmul.f32 v40, v24;
	v41 =	vadd.f32 v61, v21;
	[tilespmem:s31+$0x9520] =	vst v58  }
0x217: {  	v46 =	vmul.f32 v40, v25;
	v43 =	vadd.f32 v63, v22;
	[tilespmem:s31+$0x9530] =	vst v60  }
0x218: {  	v48 =	vmul.f32 v40, v26;
	v47 =	vadd.f32 v44, v16;
	[tilespmem:s31+$0x9550] =	vst v41  }
0x219: {  	v50 =	vmul.f32 v40, v27;
	v49 =	vadd.f32 v46, v17;
	[tilespmem:s31+$0x9560] =	vst v43  }
0x21a: {  	v52 =	vmul.f32 v40, v28;
	v51 =	vadd.f32 v48, v18;
	[tilespmem:s31+$0x9580] =	vst v47  }
0x21b: {  	v59 =	vmul.f32 v40, v31;
	v53 =	vadd.f32 v50, v19;
	[tilespmem:s31+$0x9590] =	vst v49  }
0x21c: {  	v54 =	vmul.f32 v40, v29;
	v55 =	vadd.f32 v52, v20;
	v57 =	vperm.xlane v32, v10;
	[tilespmem:s31+$0x95A0] =	vst v51  }
0x21d: {  	v56 =	vmul.f32 v40, v30;
	v62 =	vadd.f32 v59, v23;
	[tilespmem:s31+$0x95B0] =	vst v53  }
0x21e: {  	v58 =	vadd.f32 v54, v21;
	[tilespmem:s31+$0x95C0] =	vst v55;
	v61 =	vmul.f32 v57, v24  }
0x21f: {  	v60 =	vadd.f32 v56, v22;
	v63 =	vmul.f32 v57, v25;
	[tilespmem:s31+$0x95F0] =	vst v62  }
0x220: {  	v41 =	vmul.f32 v57, v26;
	[tilespmem:s31+$0x95D0] =	vst v58;
	v40 =	vadd.f32 v61, v16  }
0x221: {  	v43 =	vmul.f32 v57, v27;
	[tilespmem:s31+$0x95E0] =	vst v60;
	v42 =	vadd.f32 v63, v17  }
0x222: {  	v45 =	vmul.f32 v57, v28;
	v44 =	vadd.f32 v41, v18;
	[tilespmem:s31+$0x9600] =	vst v40  }
0x223: {  	v47 =	vmul.f32 v57, v29;
	v46 =	vadd.f32 v43, v19;
	[tilespmem:s31+$0x9610] =	vst v42  }
0x224: {  	v50 =	vperm.xlane v32, v11;
	v49 =	vmul.f32 v57, v30;
	v48 =	vadd.f32 v45, v20;
	[tilespmem:s31+$0x9620] =	vst v44  }
0x225: {  	v52 =	vmul.f32 v57, v31;
	v51 =	vadd.f32 v47, v21;
	[tilespmem:s31+$0x9630] =	vst v46  }
0x226: {  	v54 =	vmul.f32 v50, v24;
	v53 =	vadd.f32 v49, v22;
	[tilespmem:s31+$0x9640] =	vst v48  }
0x227: {  	v56 =	vmul.f32 v50, v25;
	v55 =	vadd.f32 v52, v23;
	[tilespmem:s31+$0x9650] =	vst v51  }
0x228: {  	v62 =	vmul.f32 v50, v28;
	v57 =	vadd.f32 v54, v16;
	[tilespmem:s31+$0x9660] =	vst v53  }
0x229: {  	v58 =	vmul.f32 v50, v26;
	v59 =	vadd.f32 v56, v17;
	[tilespmem:s31+$0x9670] =	vst v55  }
0x22a: {  	v60 =	vmul.f32 v50, v27;
	v41 =	vadd.f32 v62, v20;
	[tilespmem:s31+$0x9680] =	vst v57  }
0x22b: {  	v45 =	vmul.f32 v50, v31;
	v61 =	vadd.f32 v58, v18;
	[tilespmem:s31+$0x9690] =	vst v59  }
0x22c: {  	v43 =	vperm.xlane v32, v12;
	v63 =	vadd.f32 v60, v19;
	v40 =	vmul.f32 v50, v29;
	[tilespmem:s31+$0x96C0] =	vst v41  }
0x22d: {  	v42 =	vmul.f32 v50, v30;
	v48 =	vadd.f32 v45, v23;
	[tilespmem:s31+$0x96A0] =	vst v61  }
0x22e: {  	v47 =	vmul.f32 v43, v24;
	[tilespmem:s31+$0x96B0] =	vst v63;
	v44 =	vadd.f32 v40, v21  }
0x22f: {  	v49 =	vmul.f32 v43, v25;
	v46 =	vadd.f32 v42, v22;
	[tilespmem:s31+$0x96F0] =	vst v48  }
0x230: {  	v51 =	vmul.f32 v43, v26;
	v50 =	vadd.f32 v47, v16;
	[tilespmem:s31+$0x96D0] =	vst v44  }
0x231: {  	v53 =	vmul.f32 v43, v27;
	v52 =	vadd.f32 v49, v17;
	[tilespmem:s31+$0x96E0] =	vst v46  }
0x232: {  	v55 =	vmul.f32 v43, v28;
	v54 =	vadd.f32 v51, v18;
	[tilespmem:s31+$0x9700] =	vst v50  }
0x233: {  	v57 =	vmul.f32 v43, v29;
	v56 =	vadd.f32 v53, v19;
	[tilespmem:s31+$0x9710] =	vst v52  }
0x234: {  	v59 =	vmul.f32 v43, v30;
	v60 =	vperm.xlane v32, v13;
	v58 =	vadd.f32 v55, v20;
	[tilespmem:s31+$0x9720] =	vst v54  }
0x235: {  	v62 =	vmul.f32 v43, v31;
	v61 =	vadd.f32 v57, v21;
	[tilespmem:s31+$0x9730] =	vst v56  }
0x236: {  	v63 =	vadd.f32 v59, v22;
	v40 =	vmul.f32 v60, v24;
	[tilespmem:s31+$0x9740] =	vst v58  }
0x237: {  	v41 =	vadd.f32 v62, v23;
	v42 =	vmul.f32 v60, v25;
	[tilespmem:s31+$0x9750] =	vst v61  }
0x238: {  	v48 =	vmul.f32 v60, v28;
	[tilespmem:s31+$0x9760] =	vst v63;
	v43 =	vadd.f32 v40, v16  }
0x239: {  	v55 =	vmul.f32 v60, v31;
	[tilespmem:s31+$0x9770] =	vst v41;
	v45 =	vadd.f32 v42, v17  }
0x23a: {  	v44 =	vmul.f32 v60, v26;
	v51 =	vadd.f32 v48, v20;
	[tilespmem:s31+$0x9780] =	vst v43  }
0x23b: {  	v46 =	vmul.f32 v60, v27;
	v58 =	vadd.f32 v55, v23;
	[tilespmem:s31+$0x9790] =	vst v45  }
0x23c: {  	v53 =	vperm.xlane v32, v14;
	v50 =	vmul.f32 v60, v29;
	v47 =	vadd.f32 v44, v18;
	[tilespmem:s31+$0x97C0] =	vst v51  }
0x23d: {  	v52 =	vmul.f32 v60, v30;
	v49 =	vadd.f32 v46, v19;
	[tilespmem:s31+$0x97F0] =	vst v58  }
0x23e: {  	v57 =	vmul.f32 v53, v24;
	v54 =	vadd.f32 v50, v21;
	[tilespmem:s31+$0x97A0] =	vst v47  }
0x23f: {  	v59 =	vmul.f32 v53, v25;
	v56 =	vadd.f32 v52, v22;
	[tilespmem:s31+$0x97B0] =	vst v49  }
0x240: {  	v61 =	vmul.f32 v53, v26;
	v60 =	vadd.f32 v57, v16;
	[tilespmem:s31+$0x97D0] =	vst v54  }
0x241: {  	v32 =	vperm.xlane v32, v15;
	v63 =	vmul.f32 v53, v27;
	v62 =	vadd.f32 v59, v17;
	[tilespmem:s31+$0x97E0] =	vst v56  }
0x242: {  	v41 =	vmul.f32 v53, v28;
	v40 =	vadd.f32 v61, v18;
	[tilespmem:s31+$0x9800] =	vst v60  }
0x243: {  	v55 =	vmul.f32 v32, v27;
	v42 =	vadd.f32 v63, v19;
	[tilespmem:s31+$0x9810] =	vst v62  }
0x244: {  	v43 =	vmul.f32 v53, v29;
	v44 =	vadd.f32 v41, v20;
	[tilespmem:s31+$0x9820] =	vst v40  }
0x245: {  	v45 =	vmul.f32 v53, v30;
	v58 =	vadd.f32 v55, v19;
	[tilespmem:s31+$0x9830] =	vst v42  }
0x246: {  	v51 =	vmul.f32 v32, v25;
	v46 =	vadd.f32 v43, v21;
	[tilespmem:s31+$0x9840] =	vst v44  }
0x247: {  	v57 =	vmul.f32 v32, v28;
	v48 =	vadd.f32 v45, v22;
	[tilespmem:s31+$0x98B0] =	vst v58  }
0x248: {  	v59 =	vmul.f32 v32, v29;
	v54 =	vadd.f32 v51, v17;
	[tilespmem:s31+$0x9850] =	vst v46  }
0x249: {  	v61 =	vmul.f32 v32, v30;
	v60 =	vadd.f32 v57, v20;
	[tilespmem:s31+$0x9860] =	vst v48  }
0x24a: {  	v47 =	vmul.f32 v53, v31;
	v62 =	vadd.f32 v59, v21;
	[tilespmem:s31+$0x9890] =	vst v54  }
0x24b: {  	v49 =	vmul.f32 v32, v24;
	v63 =	vadd.f32 v61, v22;
	[tilespmem:s31+$0x98C0] =	vst v60  }
0x24c: {  	p0 =	slt.u32 s18, $0xE;
	v53 =	vmul.f32 v32, v26;
	v50 =	vadd.f32 v47, v23;
	[tilespmem:s31+$0x98D0] =	vst v62  }
.Ltmp3:
0x24d: {  	v32 =	vmul.f32 v32, v31;
	v52 =	vadd.f32 v49, v16;
	[tilespmem:s31+$0x98E0] =	vst v63;
	(pc) =	sbr.rel @p0 .LBB2_8-.Ltmp3, $4  }
0x24e: {  	v56 =	vadd.f32 v53, v18;
	[tilespmem:s31+$0x9870] =	vst v50  }
0x24f: {  	v32 =	vadd.f32 v32, v23;
	[tilespmem:s31+$0x9880] =	vst v52  }
0x250: {  	[tilespmem:s31+$0x98A0] =	vst v56  }
0x251: {  	s18 =	sadd.s32 $0x2, s18;
	[tilespmem:s31+$0x98F0] =	vst v32  }
0x252: {  	s15 =	sadd.s32 $0x1, s15  }
0x253: {  	p0 =	sne.s32 s15, $0xC8  }
.Ltmp4:
0x254: {  	s16 =	sshll.u32 s16, $0xF;
	(pc) =	sbr.rel @p0 .LBB2_2-.Ltmp4, $4  }
0x255: {  	s16 =	sadd.s32 s7, s16  }
0x256: {  	s16 =	sshrl.u32 s16, $0x3  }
0x257: {  	s16 =	sadd.s32 s3, s16  }
0x258: {  	[hbm4b:s16+s4] =	stream.linear.scatter [tilespmem:s11], [sflag:$0x2], $0x8000, $0x38;
	[tilespmem:$0x11100] =	vst v63  }
0x259: {  	s14 =	sadd.s32 $0x1, s14  }
0x25a: {  	_ =	swait.ge [sflag:s12], $0x8000;
	p0 =	sne.s32 s14, s8  }
.Ltmp5:
0x25b: {  	[sflag:s12] =	ssyncset.done $0x0;
	(pc) =	sbr.rel @p0 .LBB2_1-.Ltmp5, $4  }
0x25c: {  	[sflag:s12] =	ssyncadd.s32 $0xFFFF8000  }
0x25d: {  	_ =	swait.ge [sflag:s13], $0x8000  }
0x25e: {  	[sflag:s13] =	ssyncset.done $0x0  }
0x25f: {  	[sflag:s13] =	ssyncadd.s32 $0xFFFF8000  }
0x260: {  	_ =	sfence.sel $0x180000  }
0x261: {  	[bflag:$0x0] =	sbarrier.arrive $0xFFFF  }
0x262: {  	p0 =	sne.s32 s2, $0x0;
	_ =	strace $0x90000047  }
0x263: {  	s0 =	sadd.s32 @!p0 $0x100000, s0;
	[bflag:$0x2] =	sbarrier.arrive $0xFFFF  }
0x264: {  	[sflag:s0] =	ssyncadd.tile.s32 @!p0 $0x1;
	_ =	shalt  }
.Lfunc_end2:
_tile_overlayer_lowered:
.L_overlay_start_2:
0x265: {  	(tag) =	ssettag $0x2  }
0x266: {  	s0 =	rddreg [dreg:$0x0];
	s2 =	stileid.u32  }
0x267: {  	s1 =	rddreg [dreg:$0x1];
	p0 =	sne.s32 s2, $0x0  }
0x268: {  	s3 =	rddreg [dreg:$0x2];
	[bflag:$0x3] =	sbarrier.arrive $0xFFFF;
	s2 =	simm.s32 @!p0 $0x1C03  }
0x269: {  	[timem:s3], [sflag:s2] =	dma.local @!p0 [hbm:s0], s1  }
0x26a: {  	s0 =	simm.s32 @!p0 $0x3  }
0x26b: {  	_ =	swait.ge @!p0 [sflag:s0], s1  }
0x26c: {  	s1 =	ssub.s32 @!p0 $0x0, s1;
	[sflag:s0] =	ssyncset.done @!p0 $0x0  }
0x26d: {  	[sflag:s0] =	ssyncadd.s32 @!p0 s1  }
0x26e: {  	[bflag:$0x3] =	sbarrier.arrive $0xFFFF  }
0x26f: {  	_ =	shalt  }

</sc_bundles>
